<compile_context>
chip_gen: v7x
topology: tpu7x:2x2x1
jax: 0.10.2.dev20260603
libtpu: 0.0.44.dev20260713+nightly
codegen_flags: <defaults>
</compile_context>

<pallas_src>
import functools

import jax
import jax.numpy as jnp
from jax import lax
from jax.experimental import pallas as pl
from jax.experimental.pallas import tpu as pltpu
from jax.experimental.pallas import tpu_sc as plsc

B, N, C, H, W = 4, 6, 64, 64, 176
NX, NY, NZ = 200, 200, 4
V = NX * NY * NZ
HW = H * W
NHW = N * HW

NUM_CORES = 2
NUM_SUBCORES = 16
NW = NUM_CORES * NUM_SUBCORES
ROWS_PER_W = (B * V) // NW
VB = 400
NYB = VB // NZ
NCHUNK = ROWS_PER_W // VB
LANES = 16
ROW = NY * NZ
_SUBS = [(0, 128), (128, 128), (256, 128), (384, 16)]


def _sc_fused(feat_t, cam_idx, u_idx, v_idx):
  mesh = plsc.VectorSubcoreMesh(core_axis_name="c", subcore_axis_name="s")

  @functools.partial(
      pl.kernel,
      mesh=mesh,
      compiler_params=pltpu.CompilerParams(
          use_tc_tiling_on_sc=False, needs_layout_passes=False,
          disable_bounds_checks=True),
      out_type=jax.ShapeDtypeStruct((B, C, NX, NZ * NY), jnp.float32),
      scratch_types=[
          pltpu.VMEM((2, VB), jnp.int32),
          pltpu.VMEM((2, VB), jnp.int32),
          pltpu.VMEM((2, VB), jnp.int32),
          pltpu.VMEM((2, VB), jnp.int32),
          pltpu.VMEM((2, VB, C), jnp.float32),
          pltpu.VMEM((C, NZ * NY), jnp.float32),
          pltpu.SemaphoreType.DMA((2,)),
          pltpu.SemaphoreType.DMA((2,)),
      ],
  )
  def k(feat_hbm, cam_hbm, u_hbm, v_hbm, out_hbm, cam_v, u_v, v_v, idx_v,
        rows_v, t_v, lsems, gsems):
    wid = lax.axis_index("s") * NUM_CORES + lax.axis_index("c")
    row0 = wid * ROWS_PER_W
    b = row0 // V
    vox0 = row0 - b * V
    nx0 = vox0 // ROW
    base = b * NHW
    iota = lax.iota(jnp.int32, LANES)
    zero16 = iota * 0
    lane_ny = lax.rem(iota, 4)
    lane_nz = lax.div(iota, 4)
    perms = [lax.rem(iota + d, LANES) for d in range(LANES)]
    permsrc = [p + lane_ny * (NZ * C) + lane_nz * C for p in perms]
    permdst = [p * ROW + lane_nz * NY + lane_ny for p in perms]

    def fire_luts(ci, slot):
      v0 = vox0 + ci * VB
      pltpu.async_copy(cam_hbm.at[pl.ds(v0, VB)], cam_v.at[slot],
                       lsems.at[slot])
      pltpu.async_copy(u_hbm.at[pl.ds(v0, VB)], u_v.at[slot],
                       lsems.at[slot])
      pltpu.async_copy(v_hbm.at[pl.ds(v0, VB)], v_v.at[slot],
                       lsems.at[slot])

    def wait_luts(ci, slot):
      v0 = vox0 + ci * VB
      for ref, dst in ((cam_hbm, cam_v), (u_hbm, u_v), (v_hbm, v_v)):
        pltpu.make_async_copy(ref.at[pl.ds(v0, VB)], dst.at[slot],
                              lsems.at[slot]).wait()

    def fire_gathers(ci, slot):
      def compute_idx(i, _):
        s = pl.ds(i * LANES, LANES)
        idx_v[slot, s] = (cam_v[slot, s] * HW + v_v[slot, s] * W
                          + u_v[slot, s] + base)
        return 0

      lax.fori_loop(0, VB // LANES, compute_idx, 0)
      for off, ln in _SUBS:
        pltpu.async_copy(
            feat_hbm.at[idx_v.at[slot, pl.ds(off, ln)]],
            rows_v.at[slot, pl.ds(off, ln)], gsems.at[slot])

    def drain_gathers(slot):
      for off, ln in _SUBS:
        pltpu.make_async_copy(
            feat_hbm.at[idx_v.at[slot, pl.ds(off, ln)]],
            rows_v.at[slot, pl.ds(off, ln)], gsems.at[slot]).wait()

    def transpose(ci, slot):
      q = lax.rem(ci, 2)
      rows2d = rows_v.at[slot]
      dq = q * NYB

      def transpose_j(j2, _):
        soff = j2 * (4 * NZ * C)
        doff = j2 * 4 + dq
        for d in range(LANES):
          a_d = permsrc[d] + soff
          b_d = permdst[d] + doff
          for kk in range(C // LANES):
            src = a_d + kk * LANES
            dst = b_d + kk * (LANES * ROW)
            vals = plsc.load_gather(rows2d, [zero16, src])
            plsc.store_scatter(t_v, [zero16, dst], vals)
        return 0

      lax.fori_loop(0, NYB // 4, transpose_j, 0)

    fire_luts(0, 0)
    wait_luts(0, 0)
    fire_gathers(0, 0)
    fire_luts(1, 1)

    def step(ci, _):
      slot = lax.rem(ci, 2)
      nxt = 1 - slot

      @pl.when(ci + 1 < NCHUNK)
      def _():
        wait_luts(ci + 1, nxt)
        fire_gathers(ci + 1, nxt)

      @pl.when(ci + 2 < NCHUNK)
      def _():
        fire_luts(ci + 2, slot)

      drain_gathers(slot)
      transpose(ci, slot)

      @pl.when(lax.rem(ci, 2) == 1)
      def _():
        nx = nx0 + ci // 2
        pltpu.sync_copy(t_v, out_hbm.at[b, :, nx])

      return 0

    lax.fori_loop(0, NCHUNK, step, 0)

  return k(feat_t, cam_idx, u_idx, v_idx)


def kernel(features, cam_idx, u_idx, v_idx):
  feat_t = jnp.transpose(features, (0, 1, 3, 4, 2)).reshape(B * NHW, C)
  out = _sc_fused(feat_t, cam_idx, u_idx, v_idx)
  out = out.reshape(B, C, NX, NZ, NY)
  return jnp.transpose(out, (0, 1, 2, 4, 3))

# --- scband reference (transcript-rebuilt; emitter-appended) ---
"""Pipeline reference for scband-fast-ray-transformation-18133351923980 (READ-ONLY COPY).

The authoritative reference and input builder live on the scoring server;
editing this copy changes nothing except your own understanding.
"""

import jax, jax.numpy as jnp
import numpy as np

B, N, C, H, W = 4, 6, 64, 64, 176
NX, NY, NZ = 200, 200, 4
V = NX * NY * NZ


def setup_inputs(seed: int = 0) -> dict:
    key = jax.random.key(seed)
    k1, k2, k3, k4 = jax.random.split(key, 4)
    features = jax.random.normal(k1, (B, N, C, H, W), dtype=jnp.float32)
    # LUT columns (precomputed by compute_lut in the original; constants at inference).
    cam_idx = jax.random.randint(k2, (V,), 0, N, dtype=jnp.int32)
    u_idx = jax.random.randint(k3, (V,), 0, W, dtype=jnp.int32)
    v_idx = jax.random.randint(k4, (V,), 0, H, dtype=jnp.int32)
    return {"features": features, "cam_idx": cam_idx, "u_idx": u_idx, "v_idx": v_idx}


def reference(features, cam_idx, u_idx, v_idx):
    # Faithful translation of FastRayTransformation.forward for a single scale.
    # LUT lookup: voxel -> (cam, v, u) -> flattened source index into (N*H*W).
    b, n, c, h, w = features.shape
    flat_indices = cam_idx * (h * w) + v_idx * w + u_idx
    # (B, N, C, H, W) -> (B, N*H*W, C)
    feat_flat = jnp.transpose(features, (0, 1, 3, 4, 2)).reshape(b, n * h * w, c)
    # Vectorized table lookup (gather) over all voxels.
    selected = jnp.take(feat_flat, flat_indices, axis=1)
    # Voxels with cam == -1 are invalid and stay zero (scatter-overwrite semantics).
    valid_mask = cam_idx >= 0
    out_voxels = jnp.where(valid_mask[None, :, None], selected, 0.0)
    # (B, V, C) -> (B, C, NX, NY, NZ)
    out_voxels = out_voxels.reshape(b, NX, NY, NZ, c)
    out_voxels = jnp.transpose(out_voxels, (0, 4, 1, 2, 3))
    return out_voxels

if __name__ == "__main__":
    import jax
    _d = setup_inputs()
    print(jax.jit(kernel)(*tuple(_d.values())))

</pallas_src>

<mosaic_0001>
#map = affine_map<(d0, d1) -> (0, 0)>
#map1 = affine_map<(d0, d1) -> (0)>
#map2 = affine_map<(d0, d1) -> (0, 0, 0, 0)>
module attributes {stable_mosaic.version = 14 : i64} {
  func.func @k(%arg0: i32, %arg1: i32, %arg2: memref<270336x64xf32, #tpu.memory_space<hbm>>, %arg3: memref<160000xi32, #tpu.memory_space<hbm>>, %arg4: memref<160000xi32, #tpu.memory_space<hbm>>, %arg5: memref<160000xi32, #tpu.memory_space<hbm>>, %arg6: memref<4x64x200x800xf32, #tpu.memory_space<hbm>>, %arg7: memref<2x400xi32, #tpu.memory_space<vmem>>, %arg8: memref<2x400xi32, #tpu.memory_space<vmem>>, %arg9: memref<2x400xi32, #tpu.memory_space<vmem>>, %arg10: memref<2x400xi32, #tpu.memory_space<vmem>>, %arg11: memref<2x400x64xf32, #tpu.memory_space<vmem>>, %arg12: memref<64x800xf32, #tpu.memory_space<vmem>>, %arg13: memref<2x!tpu.dma_semaphore, #tpu.memory_space<semaphore_mem>>, %arg14: memref<2x!tpu.dma_semaphore, #tpu.memory_space<semaphore_mem>>) attributes {dimension_semantics = [#tpu.dimension_semantics<core_parallel>, #tpu.dimension_semantics<subcore_parallel>], iteration_bounds = array<i64: 2, 16>, scalar_prefetch = 0 : i64, scratch_operands = 8 : i64, tpu.core_type = #tpu.core_type<sc_vector_subcore>, window_params = [{transform_indices = #map}, {transform_indices = #map1}, {transform_indices = #map1}, {transform_indices = #map1}, {transform_indices = #map2}]} {
    %mul3A = arith.constant 2 : i32
    %mul3A_0 = arith.muli %arg1, %mul3A : i32
    %add3A = arith.addi %mul3A_0, %arg0 : i32
    %mul3A_1 = arith.constant 20000 : i32
    %mul3A_2 = arith.muli %add3A, %mul3A_1 : i32
    %jit3A = arith.constant 160000 : i32
    %div3A = arith.divsi %mul3A_2, %jit3A : i32
    %sign3A = arith.constant 0 : i32
    %sign3A_3 = arith.cmpi sgt, %mul3A_2, %sign3A : i32
    %sign3A_4 = arith.extui %sign3A_3 : i1 to i32
    %sign3A_5 = arith.constant 0 : i32
    %sign3A_6 = arith.cmpi slt, %mul3A_2, %sign3A_5 : i32
    %sign3A_7 = arith.extui %sign3A_6 : i1 to i32
    %sign3A_8 = arith.subi %sign3A_4, %sign3A_7 : i32
    %sign3A_9 = arith.constant 0 : i32
    %sign3A_10 = arith.cmpi sgt, %jit3A, %sign3A_9 : i32
    %sign3A_11 = arith.extui %sign3A_10 : i1 to i32
    %sign3A_12 = arith.constant 0 : i32
    %sign3A_13 = arith.cmpi slt, %jit3A, %sign3A_12 : i32
    %sign3A_14 = arith.extui %sign3A_13 : i1 to i32
    %sign3A_15 = arith.subi %sign3A_11, %sign3A_14 : i32
    %ne3A = arith.cmpi ne, %sign3A_8, %sign3A_15 : i32
    %rem3A = arith.remsi %mul3A_2, %jit3A : i32
    %ne3A_16 = arith.constant 0 : i32
    %ne3A_17 = arith.cmpi ne, %rem3A, %ne3A_16 : i32
    %and3A = arith.andi %ne3A, %ne3A_17 : i1
    %sub3A = arith.constant 1 : i32
    %sub3A_18 = arith.subi %div3A, %sub3A : i32
    %select_n3A = arith.select %and3A, %sub3A_18, %div3A : i32
    %mul3A_19 = arith.constant 160000 : i32
    %mul3A_20 = arith.muli %select_n3A, %mul3A_19 : i32
    %sub3A_21 = arith.subi %mul3A_2, %mul3A_20 : i32
    %jit3A_22 = arith.constant 800 : i32
    %div3A_23 = arith.divsi %sub3A_21, %jit3A_22 : i32
    %sign3A_24 = arith.constant 0 : i32
    %sign3A_25 = arith.cmpi sgt, %sub3A_21, %sign3A_24 : i32
    %sign3A_26 = arith.extui %sign3A_25 : i1 to i32
    %sign3A_27 = arith.constant 0 : i32
    %sign3A_28 = arith.cmpi slt, %sub3A_21, %sign3A_27 : i32
    %sign3A_29 = arith.extui %sign3A_28 : i1 to i32
    %sign3A_30 = arith.subi %sign3A_26, %sign3A_29 : i32
    %sign3A_31 = arith.constant 0 : i32
    %sign3A_32 = arith.cmpi sgt, %jit3A_22, %sign3A_31 : i32
    %sign3A_33 = arith.extui %sign3A_32 : i1 to i32
    %sign3A_34 = arith.constant 0 : i32
    %sign3A_35 = arith.cmpi slt, %jit3A_22, %sign3A_34 : i32
    %sign3A_36 = arith.extui %sign3A_35 : i1 to i32
    %sign3A_37 = arith.subi %sign3A_33, %sign3A_36 : i32
    %ne3A_38 = arith.cmpi ne, %sign3A_30, %sign3A_37 : i32
    %rem3A_39 = arith.remsi %sub3A_21, %jit3A_22 : i32
    %ne3A_40 = arith.constant 0 : i32
    %ne3A_41 = arith.cmpi ne, %rem3A_39, %ne3A_40 : i32
    %and3A_42 = arith.andi %ne3A_38, %ne3A_41 : i1
    %sub3A_43 = arith.constant 1 : i32
    %sub3A_44 = arith.subi %div3A_23, %sub3A_43 : i32
    %select_n3A_45 = arith.select %and3A_42, %sub3A_44, %div3A_23 : i32
    %mul3A_46 = arith.constant 67584 : i32
    %mul3A_47 = arith.muli %select_n3A, %mul3A_46 : i32
    %iota3A = tpu.iota {dimensions = array<i32: 0>} : vector<16xi32>
    %mul3A_48 = arith.constant 0 : i32
    %mul3A_49 = vector.broadcast %mul3A_48 : i32 to vector<16xi32>
    %mul3A_50 = arith.muli %iota3A, %mul3A_49 : vector<16xi32>
    %rem3A_51 = arith.constant 4 : i32
    %rem3A_52 = vector.broadcast %rem3A_51 : i32 to vector<16xi32>
    %rem3A_53 = arith.remsi %iota3A, %rem3A_52 : vector<16xi32>
    %div3A_54 = arith.constant 4 : i32
    %div3A_55 = vector.broadcast %div3A_54 : i32 to vector<16xi32>
    %div3A_56 = arith.divsi %iota3A, %div3A_55 : vector<16xi32>
    %add3A_57 = arith.constant 0 : i32
    %add3A_58 = vector.broadcast %add3A_57 : i32 to vector<16xi32>
    %add3A_59 = arith.addi %iota3A, %add3A_58 : vector<16xi32>
    %rem3A_60 = arith.constant 16 : i32
    %rem3A_61 = vector.broadcast %rem3A_60 : i32 to vector<16xi32>
    %rem3A_62 = arith.remsi %add3A_59, %rem3A_61 : vector<16xi32>
    %add3A_63 = arith.constant 1 : i32
    %add3A_64 = vector.broadcast %add3A_63 : i32 to vector<16xi32>
    %add3A_65 = arith.addi %iota3A, %add3A_64 : vector<16xi32>
    %rem3A_66 = arith.constant 16 : i32
    %rem3A_67 = vector.broadcast %rem3A_66 : i32 to vector<16xi32>
    %rem3A_68 = arith.remsi %add3A_65, %rem3A_67 : vector<16xi32>
    %add3A_69 = arith.constant 2 : i32
    %add3A_70 = vector.broadcast %add3A_69 : i32 to vector<16xi32>
    %add3A_71 = arith.addi %iota3A, %add3A_70 : vector<16xi32>
    %rem3A_72 = arith.constant 16 : i32
    %rem3A_73 = vector.broadcast %rem3A_72 : i32 to vector<16xi32>
    %rem3A_74 = arith.remsi %add3A_71, %rem3A_73 : vector<16xi32>
    %add3A_75 = arith.constant 3 : i32
    %add3A_76 = vector.broadcast %add3A_75 : i32 to vector<16xi32>
    %add3A_77 = arith.addi %iota3A, %add3A_76 : vector<16xi32>
    %rem3A_78 = arith.constant 16 : i32
    %rem3A_79 = vector.broadcast %rem3A_78 : i32 to vector<16xi32>
    %rem3A_80 = arith.remsi %add3A_77, %rem3A_79 : vector<16xi32>
    %add3A_81 = arith.constant 4 : i32
    %add3A_82 = vector.broadcast %add3A_81 : i32 to vector<16xi32>
    %add3A_83 = arith.addi %iota3A, %add3A_82 : vector<16xi32>
    %rem3A_84 = arith.constant 16 : i32
    %rem3A_85 = vector.broadcast %rem3A_84 : i32 to vector<16xi32>
    %rem3A_86 = arith.remsi %add3A_83, %rem3A_85 : vector<16xi32>
    %add3A_87 = arith.constant 5 : i32
    %add3A_88 = vector.broadcast %add3A_87 : i32 to vector<16xi32>
    %add3A_89 = arith.addi %iota3A, %add3A_88 : vector<16xi32>
    %rem3A_90 = arith.constant 16 : i32
    %rem3A_91 = vector.broadcast %rem3A_90 : i32 to vector<16xi32>
    %rem3A_92 = arith.remsi %add3A_89, %rem3A_91 : vector<16xi32>
    %add3A_93 = arith.constant 6 : i32
    %add3A_94 = vector.broadcast %add3A_93 : i32 to vector<16xi32>
    %add3A_95 = arith.addi %iota3A, %add3A_94 : vector<16xi32>
    %rem3A_96 = arith.constant 16 : i32
    %rem3A_97 = vector.broadcast %rem3A_96 : i32 to vector<16xi32>
    %rem3A_98 = arith.remsi %add3A_95, %rem3A_97 : vector<16xi32>
    %add3A_99 = arith.constant 7 : i32
    %add3A_100 = vector.broadcast %add3A_99 : i32 to vector<16xi32>
    %add3A_101 = arith.addi %iota3A, %add3A_100 : vector<16xi32>
    %rem3A_102 = arith.constant 16 : i32
    %rem3A_103 = vector.broadcast %rem3A_102 : i32 to vector<16xi32>
    %rem3A_104 = arith.remsi %add3A_101, %rem3A_103 : vector<16xi32>
    %add3A_105 = arith.constant 8 : i32
    %add3A_106 = vector.broadcast %add3A_105 : i32 to vector<16xi32>
    %add3A_107 = arith.addi %iota3A, %add3A_106 : vector<16xi32>
    %rem3A_108 = arith.constant 16 : i32
    %rem3A_109 = vector.broadcast %rem3A_108 : i32 to vector<16xi32>
    %rem3A_110 = arith.remsi %add3A_107, %rem3A_109 : vector<16xi32>
    %add3A_111 = arith.constant 9 : i32
    %add3A_112 = vector.broadcast %add3A_111 : i32 to vector<16xi32>
    %add3A_113 = arith.addi %iota3A, %add3A_112 : vector<16xi32>
    %rem3A_114 = arith.constant 16 : i32
    %rem3A_115 = vector.broadcast %rem3A_114 : i32 to vector<16xi32>
    %rem3A_116 = arith.remsi %add3A_113, %rem3A_115 : vector<16xi32>
    %add3A_117 = arith.constant 10 : i32
    %add3A_118 = vector.broadcast %add3A_117 : i32 to vector<16xi32>
    %add3A_119 = arith.addi %iota3A, %add3A_118 : vector<16xi32>
    %rem3A_120 = arith.constant 16 : i32
    %rem3A_121 = vector.broadcast %rem3A_120 : i32 to vector<16xi32>
    %rem3A_122 = arith.remsi %add3A_119, %rem3A_121 : vector<16xi32>
    %add3A_123 = arith.constant 11 : i32
    %add3A_124 = vector.broadcast %add3A_123 : i32 to vector<16xi32>
    %add3A_125 = arith.addi %iota3A, %add3A_124 : vector<16xi32>
    %rem3A_126 = arith.constant 16 : i32
    %rem3A_127 = vector.broadcast %rem3A_126 : i32 to vector<16xi32>
    %rem3A_128 = arith.remsi %add3A_125, %rem3A_127 : vector<16xi32>
    %add3A_129 = arith.constant 12 : i32
    %add3A_130 = vector.broadcast %add3A_129 : i32 to vector<16xi32>
    %add3A_131 = arith.addi %iota3A, %add3A_130 : vector<16xi32>
    %rem3A_132 = arith.constant 16 : i32
    %rem3A_133 = vector.broadcast %rem3A_132 : i32 to vector<16xi32>
    %rem3A_134 = arith.remsi %add3A_131, %rem3A_133 : vector<16xi32>
    %add3A_135 = arith.constant 13 : i32
    %add3A_136 = vector.broadcast %add3A_135 : i32 to vector<16xi32>
    %add3A_137 = arith.addi %iota3A, %add3A_136 : vector<16xi32>
    %rem3A_138 = arith.constant 16 : i32
    %rem3A_139 = vector.broadcast %rem3A_138 : i32 to vector<16xi32>
    %rem3A_140 = arith.remsi %add3A_137, %rem3A_139 : vector<16xi32>
    %add3A_141 = arith.constant 14 : i32
    %add3A_142 = vector.broadcast %add3A_141 : i32 to vector<16xi32>
    %add3A_143 = arith.addi %iota3A, %add3A_142 : vector<16xi32>
    %rem3A_144 = arith.constant 16 : i32
    %rem3A_145 = vector.broadcast %rem3A_144 : i32 to vector<16xi32>
    %rem3A_146 = arith.remsi %add3A_143, %rem3A_145 : vector<16xi32>
    %add3A_147 = arith.constant 15 : i32
    %add3A_148 = vector.broadcast %add3A_147 : i32 to vector<16xi32>
    %add3A_149 = arith.addi %iota3A, %add3A_148 : vector<16xi32>
    %rem3A_150 = arith.constant 16 : i32
    %rem3A_151 = vector.broadcast %rem3A_150 : i32 to vector<16xi32>
    %rem3A_152 = arith.remsi %add3A_149, %rem3A_151 : vector<16xi32>
    %mul3A_153 = arith.constant 256 : i32
    %mul3A_154 = vector.broadcast %mul3A_153 : i32 to vector<16xi32>
    %mul3A_155 = arith.muli %rem3A_53, %mul3A_154 : vector<16xi32>
    %add3A_156 = arith.addi %rem3A_62, %mul3A_155 : vector<16xi32>
    %mul3A_157 = arith.constant 64 : i32
    %mul3A_158 = vector.broadcast %mul3A_157 : i32 to vector<16xi32>
    %mul3A_159 = arith.muli %div3A_56, %mul3A_158 : vector<16xi32>
    %add3A_160 = arith.addi %add3A_156, %mul3A_159 : vector<16xi32>
    %mul3A_161 = arith.constant 256 : i32
    %mul3A_162 = vector.broadcast %mul3A_161 : i32 to vector<16xi32>
    %mul3A_163 = arith.muli %rem3A_53, %mul3A_162 : vector<16xi32>
    %add3A_164 = arith.addi %rem3A_68, %mul3A_163 : vector<16xi32>
    %mul3A_165 = arith.constant 64 : i32
    %mul3A_166 = vector.broadcast %mul3A_165 : i32 to vector<16xi32>
    %mul3A_167 = arith.muli %div3A_56, %mul3A_166 : vector<16xi32>
    %add3A_168 = arith.addi %add3A_164, %mul3A_167 : vector<16xi32>
    %mul3A_169 = arith.constant 256 : i32
    %mul3A_170 = vector.broadcast %mul3A_169 : i32 to vector<16xi32>
    %mul3A_171 = arith.muli %rem3A_53, %mul3A_170 : vector<16xi32>
    %add3A_172 = arith.addi %rem3A_74, %mul3A_171 : vector<16xi32>
    %mul3A_173 = arith.constant 64 : i32
    %mul3A_174 = vector.broadcast %mul3A_173 : i32 to vector<16xi32>
    %mul3A_175 = arith.muli %div3A_56, %mul3A_174 : vector<16xi32>
    %add3A_176 = arith.addi %add3A_172, %mul3A_175 : vector<16xi32>
    %mul3A_177 = arith.constant 256 : i32
    %mul3A_178 = vector.broadcast %mul3A_177 : i32 to vector<16xi32>
    %mul3A_179 = arith.muli %rem3A_53, %mul3A_178 : vector<16xi32>
    %add3A_180 = arith.addi %rem3A_80, %mul3A_179 : vector<16xi32>
    %mul3A_181 = arith.constant 64 : i32
    %mul3A_182 = vector.broadcast %mul3A_181 : i32 to vector<16xi32>
    %mul3A_183 = arith.muli %div3A_56, %mul3A_182 : vector<16xi32>
    %add3A_184 = arith.addi %add3A_180, %mul3A_183 : vector<16xi32>
    %mul3A_185 = arith.constant 256 : i32
    %mul3A_186 = vector.broadcast %mul3A_185 : i32 to vector<16xi32>
    %mul3A_187 = arith.muli %rem3A_53, %mul3A_186 : vector<16xi32>
    %add3A_188 = arith.addi %rem3A_86, %mul3A_187 : vector<16xi32>
    %mul3A_189 = arith.constant 64 : i32
    %mul3A_190 = vector.broadcast %mul3A_189 : i32 to vector<16xi32>
    %mul3A_191 = arith.muli %div3A_56, %mul3A_190 : vector<16xi32>
    %add3A_192 = arith.addi %add3A_188, %mul3A_191 : vector<16xi32>
    %mul3A_193 = arith.constant 256 : i32
    %mul3A_194 = vector.broadcast %mul3A_193 : i32 to vector<16xi32>
    %mul3A_195 = arith.muli %rem3A_53, %mul3A_194 : vector<16xi32>
    %add3A_196 = arith.addi %rem3A_92, %mul3A_195 : vector<16xi32>
    %mul3A_197 = arith.constant 64 : i32
    %mul3A_198 = vector.broadcast %mul3A_197 : i32 to vector<16xi32>
    %mul3A_199 = arith.muli %div3A_56, %mul3A_198 : vector<16xi32>
    %add3A_200 = arith.addi %add3A_196, %mul3A_199 : vector<16xi32>
    %mul3A_201 = arith.constant 256 : i32
    %mul3A_202 = vector.broadcast %mul3A_201 : i32 to vector<16xi32>
    %mul3A_203 = arith.muli %rem3A_53, %mul3A_202 : vector<16xi32>
    %add3A_204 = arith.addi %rem3A_98, %mul3A_203 : vector<16xi32>
    %mul3A_205 = arith.constant 64 : i32
    %mul3A_206 = vector.broadcast %mul3A_205 : i32 to vector<16xi32>
    %mul3A_207 = arith.muli %div3A_56, %mul3A_206 : vector<16xi32>
    %add3A_208 = arith.addi %add3A_204, %mul3A_207 : vector<16xi32>
    %mul3A_209 = arith.constant 256 : i32
    %mul3A_210 = vector.broadcast %mul3A_209 : i32 to vector<16xi32>
    %mul3A_211 = arith.muli %rem3A_53, %mul3A_210 : vector<16xi32>
    %add3A_212 = arith.addi %rem3A_104, %mul3A_211 : vector<16xi32>
    %mul3A_213 = arith.constant 64 : i32
    %mul3A_214 = vector.broadcast %mul3A_213 : i32 to vector<16xi32>
    %mul3A_215 = arith.muli %div3A_56, %mul3A_214 : vector<16xi32>
    %add3A_216 = arith.addi %add3A_212, %mul3A_215 : vector<16xi32>
    %mul3A_217 = arith.constant 256 : i32
    %mul3A_218 = vector.broadcast %mul3A_217 : i32 to vector<16xi32>
    %mul3A_219 = arith.muli %rem3A_53, %mul3A_218 : vector<16xi32>
    %add3A_220 = arith.addi %rem3A_110, %mul3A_219 : vector<16xi32>
    %mul3A_221 = arith.constant 64 : i32
    %mul3A_222 = vector.broadcast %mul3A_221 : i32 to vector<16xi32>
    %mul3A_223 = arith.muli %div3A_56, %mul3A_222 : vector<16xi32>
    %add3A_224 = arith.addi %add3A_220, %mul3A_223 : vector<16xi32>
    %mul3A_225 = arith.constant 256 : i32
    %mul3A_226 = vector.broadcast %mul3A_225 : i32 to vector<16xi32>
    %mul3A_227 = arith.muli %rem3A_53, %mul3A_226 : vector<16xi32>
    %add3A_228 = arith.addi %rem3A_116, %mul3A_227 : vector<16xi32>
    %mul3A_229 = arith.constant 64 : i32
    %mul3A_230 = vector.broadcast %mul3A_229 : i32 to vector<16xi32>
    %mul3A_231 = arith.muli %div3A_56, %mul3A_230 : vector<16xi32>
    %add3A_232 = arith.addi %add3A_228, %mul3A_231 : vector<16xi32>
    %mul3A_233 = arith.constant 256 : i32
    %mul3A_234 = vector.broadcast %mul3A_233 : i32 to vector<16xi32>
    %mul3A_235 = arith.muli %rem3A_53, %mul3A_234 : vector<16xi32>
    %add3A_236 = arith.addi %rem3A_122, %mul3A_235 : vector<16xi32>
    %mul3A_237 = arith.constant 64 : i32
    %mul3A_238 = vector.broadcast %mul3A_237 : i32 to vector<16xi32>
    %mul3A_239 = arith.muli %div3A_56, %mul3A_238 : vector<16xi32>
    %add3A_240 = arith.addi %add3A_236, %mul3A_239 : vector<16xi32>
    %mul3A_241 = arith.constant 256 : i32
    %mul3A_242 = vector.broadcast %mul3A_241 : i32 to vector<16xi32>
    %mul3A_243 = arith.muli %rem3A_53, %mul3A_242 : vector<16xi32>
    %add3A_244 = arith.addi %rem3A_128, %mul3A_243 : vector<16xi32>
    %mul3A_245 = arith.constant 64 : i32
    %mul3A_246 = vector.broadcast %mul3A_245 : i32 to vector<16xi32>
    %mul3A_247 = arith.muli %div3A_56, %mul3A_246 : vector<16xi32>
    %add3A_248 = arith.addi %add3A_244, %mul3A_247 : vector<16xi32>
    %mul3A_249 = arith.constant 256 : i32
    %mul3A_250 = vector.broadcast %mul3A_249 : i32 to vector<16xi32>
    %mul3A_251 = arith.muli %rem3A_53, %mul3A_250 : vector<16xi32>
    %add3A_252 = arith.addi %rem3A_134, %mul3A_251 : vector<16xi32>
    %mul3A_253 = arith.constant 64 : i32
    %mul3A_254 = vector.broadcast %mul3A_253 : i32 to vector<16xi32>
    %mul3A_255 = arith.muli %div3A_56, %mul3A_254 : vector<16xi32>
    %add3A_256 = arith.addi %add3A_252, %mul3A_255 : vector<16xi32>
    %mul3A_257 = arith.constant 256 : i32
    %mul3A_258 = vector.broadcast %mul3A_257 : i32 to vector<16xi32>
    %mul3A_259 = arith.muli %rem3A_53, %mul3A_258 : vector<16xi32>
    %add3A_260 = arith.addi %rem3A_140, %mul3A_259 : vector<16xi32>
    %mul3A_261 = arith.constant 64 : i32
    %mul3A_262 = vector.broadcast %mul3A_261 : i32 to vector<16xi32>
    %mul3A_263 = arith.muli %div3A_56, %mul3A_262 : vector<16xi32>
    %add3A_264 = arith.addi %add3A_260, %mul3A_263 : vector<16xi32>
    %mul3A_265 = arith.constant 256 : i32
    %mul3A_266 = vector.broadcast %mul3A_265 : i32 to vector<16xi32>
    %mul3A_267 = arith.muli %rem3A_53, %mul3A_266 : vector<16xi32>
    %add3A_268 = arith.addi %rem3A_146, %mul3A_267 : vector<16xi32>
    %mul3A_269 = arith.constant 64 : i32
    %mul3A_270 = vector.broadcast %mul3A_269 : i32 to vector<16xi32>
    %mul3A_271 = arith.muli %div3A_56, %mul3A_270 : vector<16xi32>
    %add3A_272 = arith.addi %add3A_268, %mul3A_271 : vector<16xi32>
    %mul3A_273 = arith.constant 256 : i32
    %mul3A_274 = vector.broadcast %mul3A_273 : i32 to vector<16xi32>
    %mul3A_275 = arith.muli %rem3A_53, %mul3A_274 : vector<16xi32>
    %add3A_276 = arith.addi %rem3A_152, %mul3A_275 : vector<16xi32>
    %mul3A_277 = arith.constant 64 : i32
    %mul3A_278 = vector.broadcast %mul3A_277 : i32 to vector<16xi32>
    %mul3A_279 = arith.muli %div3A_56, %mul3A_278 : vector<16xi32>
    %add3A_280 = arith.addi %add3A_276, %mul3A_279 : vector<16xi32>
    %mul3A_281 = arith.constant 800 : i32
    %mul3A_282 = vector.broadcast %mul3A_281 : i32 to vector<16xi32>
    %mul3A_283 = arith.muli %rem3A_62, %mul3A_282 : vector<16xi32>
    %mul3A_284 = arith.constant 200 : i32
    %mul3A_285 = vector.broadcast %mul3A_284 : i32 to vector<16xi32>
    %mul3A_286 = arith.muli %div3A_56, %mul3A_285 : vector<16xi32>
    %add3A_287 = arith.addi %mul3A_283, %mul3A_286 : vector<16xi32>
    %add3A_288 = arith.addi %add3A_287, %rem3A_53 : vector<16xi32>
    %mul3A_289 = arith.constant 800 : i32
    %mul3A_290 = vector.broadcast %mul3A_289 : i32 to vector<16xi32>
    %mul3A_291 = arith.muli %rem3A_68, %mul3A_290 : vector<16xi32>
    %mul3A_292 = arith.constant 200 : i32
    %mul3A_293 = vector.broadcast %mul3A_292 : i32 to vector<16xi32>
    %mul3A_294 = arith.muli %div3A_56, %mul3A_293 : vector<16xi32>
    %add3A_295 = arith.addi %mul3A_291, %mul3A_294 : vector<16xi32>
    %add3A_296 = arith.addi %add3A_295, %rem3A_53 : vector<16xi32>
    %mul3A_297 = arith.constant 800 : i32
    %mul3A_298 = vector.broadcast %mul3A_297 : i32 to vector<16xi32>
    %mul3A_299 = arith.muli %rem3A_74, %mul3A_298 : vector<16xi32>
    %mul3A_300 = arith.constant 200 : i32
    %mul3A_301 = vector.broadcast %mul3A_300 : i32 to vector<16xi32>
    %mul3A_302 = arith.muli %div3A_56, %mul3A_301 : vector<16xi32>
    %add3A_303 = arith.addi %mul3A_299, %mul3A_302 : vector<16xi32>
    %add3A_304 = arith.addi %add3A_303, %rem3A_53 : vector<16xi32>
    %mul3A_305 = arith.constant 800 : i32
    %mul3A_306 = vector.broadcast %mul3A_305 : i32 to vector<16xi32>
    %mul3A_307 = arith.muli %rem3A_80, %mul3A_306 : vector<16xi32>
    %mul3A_308 = arith.constant 200 : i32
    %mul3A_309 = vector.broadcast %mul3A_308 : i32 to vector<16xi32>
    %mul3A_310 = arith.muli %div3A_56, %mul3A_309 : vector<16xi32>
    %add3A_311 = arith.addi %mul3A_307, %mul3A_310 : vector<16xi32>
    %add3A_312 = arith.addi %add3A_311, %rem3A_53 : vector<16xi32>
    %mul3A_313 = arith.constant 800 : i32
    %mul3A_314 = vector.broadcast %mul3A_313 : i32 to vector<16xi32>
    %mul3A_315 = arith.muli %rem3A_86, %mul3A_314 : vector<16xi32>
    %mul3A_316 = arith.constant 200 : i32
    %mul3A_317 = vector.broadcast %mul3A_316 : i32 to vector<16xi32>
    %mul3A_318 = arith.muli %div3A_56, %mul3A_317 : vector<16xi32>
    %add3A_319 = arith.addi %mul3A_315, %mul3A_318 : vector<16xi32>
    %add3A_320 = arith.addi %add3A_319, %rem3A_53 : vector<16xi32>
    %mul3A_321 = arith.constant 800 : i32
    %mul3A_322 = vector.broadcast %mul3A_321 : i32 to vector<16xi32>
    %mul3A_323 = arith.muli %rem3A_92, %mul3A_322 : vector<16xi32>
    %mul3A_324 = arith.constant 200 : i32
    %mul3A_325 = vector.broadcast %mul3A_324 : i32 to vector<16xi32>
    %mul3A_326 = arith.muli %div3A_56, %mul3A_325 : vector<16xi32>
    %add3A_327 = arith.addi %mul3A_323, %mul3A_326 : vector<16xi32>
    %add3A_328 = arith.addi %add3A_327, %rem3A_53 : vector<16xi32>
    %mul3A_329 = arith.constant 800 : i32
    %mul3A_330 = vector.broadcast %mul3A_329 : i32 to vector<16xi32>
    %mul3A_331 = arith.muli %rem3A_98, %mul3A_330 : vector<16xi32>
    %mul3A_332 = arith.constant 200 : i32
    %mul3A_333 = vector.broadcast %mul3A_332 : i32 to vector<16xi32>
    %mul3A_334 = arith.muli %div3A_56, %mul3A_333 : vector<16xi32>
    %add3A_335 = arith.addi %mul3A_331, %mul3A_334 : vector<16xi32>
    %add3A_336 = arith.addi %add3A_335, %rem3A_53 : vector<16xi32>
    %mul3A_337 = arith.constant 800 : i32
    %mul3A_338 = vector.broadcast %mul3A_337 : i32 to vector<16xi32>
    %mul3A_339 = arith.muli %rem3A_104, %mul3A_338 : vector<16xi32>
    %mul3A_340 = arith.constant 200 : i32
    %mul3A_341 = vector.broadcast %mul3A_340 : i32 to vector<16xi32>
    %mul3A_342 = arith.muli %div3A_56, %mul3A_341 : vector<16xi32>
    %add3A_343 = arith.addi %mul3A_339, %mul3A_342 : vector<16xi32>
    %add3A_344 = arith.addi %add3A_343, %rem3A_53 : vector<16xi32>
    %mul3A_345 = arith.constant 800 : i32
    %mul3A_346 = vector.broadcast %mul3A_345 : i32 to vector<16xi32>
    %mul3A_347 = arith.muli %rem3A_110, %mul3A_346 : vector<16xi32>
    %mul3A_348 = arith.constant 200 : i32
    %mul3A_349 = vector.broadcast %mul3A_348 : i32 to vector<16xi32>
    %mul3A_350 = arith.muli %div3A_56, %mul3A_349 : vector<16xi32>
    %add3A_351 = arith.addi %mul3A_347, %mul3A_350 : vector<16xi32>
    %add3A_352 = arith.addi %add3A_351, %rem3A_53 : vector<16xi32>
    %mul3A_353 = arith.constant 800 : i32
    %mul3A_354 = vector.broadcast %mul3A_353 : i32 to vector<16xi32>
    %mul3A_355 = arith.muli %rem3A_116, %mul3A_354 : vector<16xi32>
    %mul3A_356 = arith.constant 200 : i32
    %mul3A_357 = vector.broadcast %mul3A_356 : i32 to vector<16xi32>
    %mul3A_358 = arith.muli %div3A_56, %mul3A_357 : vector<16xi32>
    %add3A_359 = arith.addi %mul3A_355, %mul3A_358 : vector<16xi32>
    %add3A_360 = arith.addi %add3A_359, %rem3A_53 : vector<16xi32>
    %mul3A_361 = arith.constant 800 : i32
    %mul3A_362 = vector.broadcast %mul3A_361 : i32 to vector<16xi32>
    %mul3A_363 = arith.muli %rem3A_122, %mul3A_362 : vector<16xi32>
    %mul3A_364 = arith.constant 200 : i32
    %mul3A_365 = vector.broadcast %mul3A_364 : i32 to vector<16xi32>
    %mul3A_366 = arith.muli %div3A_56, %mul3A_365 : vector<16xi32>
    %add3A_367 = arith.addi %mul3A_363, %mul3A_366 : vector<16xi32>
    %add3A_368 = arith.addi %add3A_367, %rem3A_53 : vector<16xi32>
    %mul3A_369 = arith.constant 800 : i32
    %mul3A_370 = vector.broadcast %mul3A_369 : i32 to vector<16xi32>
    %mul3A_371 = arith.muli %rem3A_128, %mul3A_370 : vector<16xi32>
    %mul3A_372 = arith.constant 200 : i32
    %mul3A_373 = vector.broadcast %mul3A_372 : i32 to vector<16xi32>
    %mul3A_374 = arith.muli %div3A_56, %mul3A_373 : vector<16xi32>
    %add3A_375 = arith.addi %mul3A_371, %mul3A_374 : vector<16xi32>
    %add3A_376 = arith.addi %add3A_375, %rem3A_53 : vector<16xi32>
    %mul3A_377 = arith.constant 800 : i32
    %mul3A_378 = vector.broadcast %mul3A_377 : i32 to vector<16xi32>
    %mul3A_379 = arith.muli %rem3A_134, %mul3A_378 : vector<16xi32>
    %mul3A_380 = arith.constant 200 : i32
    %mul3A_381 = vector.broadcast %mul3A_380 : i32 to vector<16xi32>
    %mul3A_382 = arith.muli %div3A_56, %mul3A_381 : vector<16xi32>
    %add3A_383 = arith.addi %mul3A_379, %mul3A_382 : vector<16xi32>
    %add3A_384 = arith.addi %add3A_383, %rem3A_53 : vector<16xi32>
    %mul3A_385 = arith.constant 800 : i32
    %mul3A_386 = vector.broadcast %mul3A_385 : i32 to vector<16xi32>
    %mul3A_387 = arith.muli %rem3A_140, %mul3A_386 : vector<16xi32>
    %mul3A_388 = arith.constant 200 : i32
    %mul3A_389 = vector.broadcast %mul3A_388 : i32 to vector<16xi32>
    %mul3A_390 = arith.muli %div3A_56, %mul3A_389 : vector<16xi32>
    %add3A_391 = arith.addi %mul3A_387, %mul3A_390 : vector<16xi32>
    %add3A_392 = arith.addi %add3A_391, %rem3A_53 : vector<16xi32>
    %mul3A_393 = arith.constant 800 : i32
    %mul3A_394 = vector.broadcast %mul3A_393 : i32 to vector<16xi32>
    %mul3A_395 = arith.muli %rem3A_146, %mul3A_394 : vector<16xi32>
    %mul3A_396 = arith.constant 200 : i32
    %mul3A_397 = vector.broadcast %mul3A_396 : i32 to vector<16xi32>
    %mul3A_398 = arith.muli %div3A_56, %mul3A_397 : vector<16xi32>
    %add3A_399 = arith.addi %mul3A_395, %mul3A_398 : vector<16xi32>
    %add3A_400 = arith.addi %add3A_399, %rem3A_53 : vector<16xi32>
    %mul3A_401 = arith.constant 800 : i32
    %mul3A_402 = vector.broadcast %mul3A_401 : i32 to vector<16xi32>
    %mul3A_403 = arith.muli %rem3A_152, %mul3A_402 : vector<16xi32>
    %mul3A_404 = arith.constant 200 : i32
    %mul3A_405 = vector.broadcast %mul3A_404 : i32 to vector<16xi32>
    %mul3A_406 = arith.muli %div3A_56, %mul3A_405 : vector<16xi32>
    %add3A_407 = arith.addi %mul3A_403, %mul3A_406 : vector<16xi32>
    %add3A_408 = arith.addi %add3A_407, %rem3A_53 : vector<16xi32>
    %add3A_409 = arith.constant 0 : i32
    %add3A_410 = arith.addi %sub3A_21, %add3A_409 : i32
    %dma_start3A = arith.constant 0 : i32
    %dma_start3A_411 = arith.constant 0 : i32
    %dma_start3A_412 = arith.constant 0 : i32
    %dma_start3A_413 = tpu.memref_slice %arg7[%dma_start3A, %dma_start3A_412] : memref<2x400xi32, #tpu.memory_space<vmem>> -> memref<1x400xi32, #tpu.memory_space<vmem>>
    %dma_start3A_414 = tpu.memref_squeeze %dma_start3A_413 : memref<1x400xi32, #tpu.memory_space<vmem>> -> memref<400xi32, #tpu.memory_space<vmem>>
    %dma_start3A_415 = tpu.memref_slice %arg3[%add3A_410] : memref<160000xi32, #tpu.memory_space<hbm>> -> memref<400xi32, #tpu.memory_space<hbm>>
    %dma_start3A_416 = tpu.memref_slice %arg13[%dma_start3A_411] : memref<2x!tpu.dma_semaphore, #tpu.memory_space<semaphore_mem>> -> memref<1x!tpu.dma_semaphore, #tpu.memory_space<semaphore_mem>>
    %dma_start3A_417 = tpu.memref_squeeze %dma_start3A_416 : memref<1x!tpu.dma_semaphore, #tpu.memory_space<semaphore_mem>> -> memref<!tpu.dma_semaphore, #tpu.memory_space<semaphore_mem>>
    %dma_start3A_418 = arith.constant 0 : i32
    %dma_start3A_419 = tpu.memref_slice %arg7[%dma_start3A, %dma_start3A_418] : memref<2x400xi32, #tpu.memory_space<vmem>> -> memref<1x400xi32, #tpu.memory_space<vmem>>
    %dma_start3A_420 = tpu.memref_squeeze %dma_start3A_419 : memref<1x400xi32, #tpu.memory_space<vmem>> -> memref<400xi32, #tpu.memory_space<vmem>>
    %dma_start3A_421 = tpu.memref_slice %arg3[%add3A_410] : memref<160000xi32, #tpu.memory_space<hbm>> -> memref<400xi32, #tpu.memory_space<hbm>>
    tpu.enqueue_dma source(%dma_start3A_421 : memref<400xi32, #tpu.memory_space<hbm>>) target(%dma_start3A_420 : memref<400xi32, #tpu.memory_space<vmem>>) target_semaphore(%dma_start3A_417 : memref<!tpu.dma_semaphore, #tpu.memory_space<semaphore_mem>>)
    %dma_start3A_422 = arith.constant 0 : i32
    %dma_start3A_423 = arith.constant 0 : i32
    %dma_start3A_424 = arith.constant 0 : i32
    %dma_start3A_425 = tpu.memref_slice %arg8[%dma_start3A_422, %dma_start3A_424] : memref<2x400xi32, #tpu.memory_space<vmem>> -> memref<1x400xi32, #tpu.memory_space<vmem>>
    %dma_start3A_426 = tpu.memref_squeeze %dma_start3A_425 : memref<1x400xi32, #tpu.memory_space<vmem>> -> memref<400xi32, #tpu.memory_space<vmem>>
    %dma_start3A_427 = tpu.memref_slice %arg4[%add3A_410] : memref<160000xi32, #tpu.memory_space<hbm>> -> memref<400xi32, #tpu.memory_space<hbm>>
    %dma_start3A_428 = tpu.memref_slice %arg13[%dma_start3A_423] : memref<2x!tpu.dma_semaphore, #tpu.memory_space<semaphore_mem>> -> memref<1x!tpu.dma_semaphore, #tpu.memory_space<semaphore_mem>>
    %dma_start3A_429 = tpu.memref_squeeze %dma_start3A_428 : memref<1x!tpu.dma_semaphore, #tpu.memory_space<semaphore_mem>> -> memref<!tpu.dma_semaphore, #tpu.memory_space<semaphore_mem>>
    %dma_start3A_430 = arith.constant 0 : i32
    %dma_start3A_431 = tpu.memref_slice %arg8[%dma_start3A_422, %dma_start3A_430] : memref<2x400xi32, #tpu.memory_space<vmem>> -> memref<1x400xi32, #tpu.memory_space<vmem>>
    %dma_start3A_432 = tpu.memref_squeeze %dma_start3A_431 : memref<1x400xi32, #tpu.memory_space<vmem>> -> memref<400xi32, #tpu.memory_space<vmem>>
    %dma_start3A_433 = tpu.memref_slice %arg4[%add3A_410] : memref<160000xi32, #tpu.memory_space<hbm>> -> memref<400xi32, #tpu.memory_space<hbm>>
    tpu.enqueue_dma source(%dma_start3A_433 : memref<400xi32, #tpu.memory_space<hbm>>) target(%dma_start3A_432 : memref<400xi32, #tpu.memory_space<vmem>>) target_semaphore(%dma_start3A_429 : memref<!tpu.dma_semaphore, #tpu.memory_space<semaphore_mem>>)
    %dma_start3A_434 = arith.constant 0 : i32
    %dma_start3A_435 = arith.constant 0 : i32
    %dma_start3A_436 = arith.constant 0 : i32
    %dma_start3A_437 = tpu.memref_slice %arg9[%dma_start3A_434, %dma_start3A_436] : memref<2x400xi32, #tpu.memory_space<vmem>> -> memref<1x400xi32, #tpu.memory_space<vmem>>
    %dma_start3A_438 = tpu.memref_squeeze %dma_start3A_437 : memref<1x400xi32, #tpu.memory_space<vmem>> -> memref<400xi32, #tpu.memory_space<vmem>>
    %dma_start3A_439 = tpu.memref_slice %arg5[%add3A_410] : memref<160000xi32, #tpu.memory_space<hbm>> -> memref<400xi32, #tpu.memory_space<hbm>>
    %dma_start3A_440 = tpu.memref_slice %arg13[%dma_start3A_435] : memref<2x!tpu.dma_semaphore, #tpu.memory_space<semaphore_mem>> -> memref<1x!tpu.dma_semaphore, #tpu.memory_space<semaphore_mem>>
    %dma_start3A_441 = tpu.memref_squeeze %dma_start3A_440 : memref<1x!tpu.dma_semaphore, #tpu.memory_space<semaphore_mem>> -> memref<!tpu.dma_semaphore, #tpu.memory_space<semaphore_mem>>
    %dma_start3A_442 = arith.constant 0 : i32
    %dma_start3A_443 = tpu.memref_slice %arg9[%dma_start3A_434, %dma_start3A_442] : memref<2x400xi32, #tpu.memory_space<vmem>> -> memref<1x400xi32, #tpu.memory_space<vmem>>
    %dma_start3A_444 = tpu.memref_squeeze %dma_start3A_443 : memref<1x400xi32, #tpu.memory_space<vmem>> -> memref<400xi32, #tpu.memory_space<vmem>>
    %dma_start3A_445 = tpu.memref_slice %arg5[%add3A_410] : memref<160000xi32, #tpu.memory_space<hbm>> -> memref<400xi32, #tpu.memory_space<hbm>>
    tpu.enqueue_dma source(%dma_start3A_445 : memref<400xi32, #tpu.memory_space<hbm>>) target(%dma_start3A_444 : memref<400xi32, #tpu.memory_space<vmem>>) target_semaphore(%dma_start3A_441 : memref<!tpu.dma_semaphore, #tpu.memory_space<semaphore_mem>>)
    %add3A_446 = arith.constant 0 : i32
    %add3A_447 = arith.addi %sub3A_21, %add3A_446 : i32
    %dma_wait3A = arith.constant 0 : i32
    %dma_wait3A_448 = arith.constant 0 : i32
    %dma_wait3A_449 = arith.constant 0 : i32
    %dma_wait3A_450 = tpu.memref_slice %arg7[%dma_wait3A, %dma_wait3A_449] : memref<2x400xi32, #tpu.memory_space<vmem>> -> memref<1x400xi32, #tpu.memory_space<vmem>>
    %dma_wait3A_451 = tpu.memref_squeeze %dma_wait3A_450 : memref<1x400xi32, #tpu.memory_space<vmem>> -> memref<400xi32, #tpu.memory_space<vmem>>
    %dma_wait3A_452 = tpu.memref_slice %arg3[%add3A_447] : memref<160000xi32, #tpu.memory_space<hbm>> -> memref<400xi32, #tpu.memory_space<hbm>>
    %dma_wait3A_453 = tpu.memref_slice %arg13[%dma_wait3A_448] : memref<2x!tpu.dma_semaphore, #tpu.memory_space<semaphore_mem>> -> memref<1x!tpu.dma_semaphore, #tpu.memory_space<semaphore_mem>>
    %dma_wait3A_454 = tpu.memref_squeeze %dma_wait3A_453 : memref<1x!tpu.dma_semaphore, #tpu.memory_space<semaphore_mem>> -> memref<!tpu.dma_semaphore, #tpu.memory_space<semaphore_mem>>
    %dma_wait3A_455 = arith.constant 0 : i32
    %dma_wait3A_456 = tpu.memref_slice %arg7[%dma_wait3A, %dma_wait3A_455] : memref<2x400xi32, #tpu.memory_space<vmem>> -> memref<1x400xi32, #tpu.memory_space<vmem>>
    %dma_wait3A_457 = tpu.memref_squeeze %dma_wait3A_456 : memref<1x400xi32, #tpu.memory_space<vmem>> -> memref<400xi32, #tpu.memory_space<vmem>>
    %dma_wait3A_458 = tpu.memref_slice %arg3[%add3A_447] : memref<160000xi32, #tpu.memory_space<hbm>> -> memref<400xi32, #tpu.memory_space<hbm>>
    tpu.wait_dma2 semaphore(%dma_wait3A_454 : memref<!tpu.dma_semaphore, #tpu.memory_space<semaphore_mem>>) src(%dma_wait3A_458 : memref<400xi32, #tpu.memory_space<hbm>>) dst(%dma_wait3A_457 : memref<400xi32, #tpu.memory_space<vmem>>)
    %dma_wait3A_459 = arith.constant 0 : i32
    %dma_wait3A_460 = arith.constant 0 : i32
    %dma_wait3A_461 = arith.constant 0 : i32
    %dma_wait3A_462 = tpu.memref_slice %arg8[%dma_wait3A_459, %dma_wait3A_461] : memref<2x400xi32, #tpu.memory_space<vmem>> -> memref<1x400xi32, #tpu.memory_space<vmem>>
    %dma_wait3A_463 = tpu.memref_squeeze %dma_wait3A_462 : memref<1x400xi32, #tpu.memory_space<vmem>> -> memref<400xi32, #tpu.memory_space<vmem>>
    %dma_wait3A_464 = tpu.memref_slice %arg4[%add3A_447] : memref<160000xi32, #tpu.memory_space<hbm>> -> memref<400xi32, #tpu.memory_space<hbm>>
    %dma_wait3A_465 = tpu.memref_slice %arg13[%dma_wait3A_460] : memref<2x!tpu.dma_semaphore, #tpu.memory_space<semaphore_mem>> -> memref<1x!tpu.dma_semaphore, #tpu.memory_space<semaphore_mem>>
    %dma_wait3A_466 = tpu.memref_squeeze %dma_wait3A_465 : memref<1x!tpu.dma_semaphore, #tpu.memory_space<semaphore_mem>> -> memref<!tpu.dma_semaphore, #tpu.memory_space<semaphore_mem>>
    %dma_wait3A_467 = arith.constant 0 : i32
    %dma_wait3A_468 = tpu.memref_slice %arg8[%dma_wait3A_459, %dma_wait3A_467] : memref<2x400xi32, #tpu.memory_space<vmem>> -> memref<1x400xi32, #tpu.memory_space<vmem>>
    %dma_wait3A_469 = tpu.memref_squeeze %dma_wait3A_468 : memref<1x400xi32, #tpu.memory_space<vmem>> -> memref<400xi32, #tpu.memory_space<vmem>>
    %dma_wait3A_470 = tpu.memref_slice %arg4[%add3A_447] : memref<160000xi32, #tpu.memory_space<hbm>> -> memref<400xi32, #tpu.memory_space<hbm>>
    tpu.wait_dma2 semaphore(%dma_wait3A_466 : memref<!tpu.dma_semaphore, #tpu.memory_space<semaphore_mem>>) src(%dma_wait3A_470 : memref<400xi32, #tpu.memory_space<hbm>>) dst(%dma_wait3A_469 : memref<400xi32, #tpu.memory_space<vmem>>)
    %dma_wait3A_471 = arith.constant 0 : i32
    %dma_wait3A_472 = arith.constant 0 : i32
    %dma_wait3A_473 = arith.constant 0 : i32
    %dma_wait3A_474 = tpu.memref_slice %arg9[%dma_wait3A_471, %dma_wait3A_473] : memref<2x400xi32, #tpu.memory_space<vmem>> -> memref<1x400xi32, #tpu.memory_space<vmem>>
    %dma_wait3A_475 = tpu.memref_squeeze %dma_wait3A_474 : memref<1x400xi32, #tpu.memory_space<vmem>> -> memref<400xi32, #tpu.memory_space<vmem>>
    %dma_wait3A_476 = tpu.memref_slice %arg5[%add3A_447] : memref<160000xi32, #tpu.memory_space<hbm>> -> memref<400xi32, #tpu.memory_space<hbm>>
    %dma_wait3A_477 = tpu.memref_slice %arg13[%dma_wait3A_472] : memref<2x!tpu.dma_semaphore, #tpu.memory_space<semaphore_mem>> -> memref<1x!tpu.dma_semaphore, #tpu.memory_space<semaphore_mem>>
    %dma_wait3A_478 = tpu.memref_squeeze %dma_wait3A_477 : memref<1x!tpu.dma_semaphore, #tpu.memory_space<semaphore_mem>> -> memref<!tpu.dma_semaphore, #tpu.memory_space<semaphore_mem>>
    %dma_wait3A_479 = arith.constant 0 : i32
    %dma_wait3A_480 = tpu.memref_slice %arg9[%dma_wait3A_471, %dma_wait3A_479] : memref<2x400xi32, #tpu.memory_space<vmem>> -> memref<1x400xi32, #tpu.memory_space<vmem>>
    %dma_wait3A_481 = tpu.memref_squeeze %dma_wait3A_480 : memref<1x400xi32, #tpu.memory_space<vmem>> -> memref<400xi32, #tpu.memory_space<vmem>>
    %dma_wait3A_482 = tpu.memref_slice %arg5[%add3A_447] : memref<160000xi32, #tpu.memory_space<hbm>> -> memref<400xi32, #tpu.memory_space<hbm>>
    tpu.wait_dma2 semaphore(%dma_wait3A_478 : memref<!tpu.dma_semaphore, #tpu.memory_space<semaphore_mem>>) src(%dma_wait3A_482 : memref<400xi32, #tpu.memory_space<hbm>>) dst(%dma_wait3A_481 : memref<400xi32, #tpu.memory_space<vmem>>)
    %scan3A = arith.constant 0 : i32
    %scan3A_483 = arith.constant 0 : i32
    %scan3A_484 = arith.constant 25 : i32
    %scan3A_485 = arith.addi %scan3A_483, %scan3A_484 : i32
    %scan3A_486 = arith.constant 1 : i32
    %scan3A_487 = scf.for %scan3A_594 = %scan3A_483 to %scan3A_485 step %scan3A_486 iter_args(%scan3A_595 = %scan3A) -> (i32)  : i32 {
      %mul3A_596 = arith.constant 16 : i32
      %mul3A_597 = arith.muli %scan3A_594, %mul3A_596 : i32
      %get3A = arith.constant 0 : i32
      %get3A_598 = arith.index_cast %get3A : i32 to index
      %get3A_599 = arith.index_cast %mul3A_597 : i32 to index
      %get3A_600 = tpu.vector_load %arg7[%get3A_598, %get3A_599] {strides = array<i32>} : memref<2x400xi32, #tpu.memory_space<vmem>>, vector<16xi32>,
      %mul3A_601 = arith.constant 11264 : i32
      %mul3A_602 = vector.broadcast %mul3A_601 : i32 to vector<16xi32>
      %mul3A_603 = arith.muli %get3A_600, %mul3A_602 : vector<16xi32>
      %get3A_604 = arith.constant 0 : i32
      %get3A_605 = arith.index_cast %get3A_604 : i32 to index
      %get3A_606 = arith.index_cast %mul3A_597 : i32 to index
      %get3A_607 = tpu.vector_load %arg9[%get3A_605, %get3A_606] {strides = array<i32>} : memref<2x400xi32, #tpu.memory_space<vmem>>, vector<16xi32>,
      %mul3A_608 = arith.constant 176 : i32
      %mul3A_609 = vector.broadcast %mul3A_608 : i32 to vector<16xi32>
      %mul3A_610 = arith.muli %get3A_607, %mul3A_609 : vector<16xi32>
      %add3A_611 = arith.addi %mul3A_603, %mul3A_610 : vector<16xi32>
      %get3A_612 = arith.constant 0 : i32
      %get3A_613 = arith.index_cast %get3A_612 : i32 to index
      %get3A_614 = arith.index_cast %mul3A_597 : i32 to index
      %get3A_615 = tpu.vector_load %arg8[%get3A_613, %get3A_614] {strides = array<i32>} : memref<2x400xi32, #tpu.memory_space<vmem>>, vector<16xi32>,
      %add3A_616 = arith.addi %add3A_611, %get3A_615 : vector<16xi32>
      %add3A_617 = vector.broadcast %mul3A_47 : i32 to vector<16xi32>
      %add3A_618 = arith.addi %add3A_616, %add3A_617 : vector<16xi32>
      %swap3A = arith.constant 0 : i32
      %swap3A_619 = arith.index_cast %swap3A : i32 to index
      %swap3A_620 = arith.index_cast %mul3A_597 : i32 to index
      %swap3A_621 = tpu.vector_load %arg10[%swap3A_619, %swap3A_620] {strides = array<i32>} : memref<2x400xi32, #tpu.memory_space<vmem>>, vector<16xi32>,
      tpu.vector_store %arg10[%swap3A_619, %swap3A_620], %add3A_618 {strides = array<i32>} : memref<2x400xi32, #tpu.memory_space<vmem>>, vector<16xi32>,
      %scan3A_622 = arith.constant 0 : i32
      scf.yield %scan3A_622 : i32
    }
    %scan3A_488 = arith.constant 25 : i32
    %dma_start3A_489 = arith.constant 0 : i32
    %dma_start3A_490 = arith.constant 0 : i32
    %dma_start3A_491 = arith.constant 0 : i32
    %dma_start3A_492 = arith.constant 0 : i32
    %dma_start3A_493 = arith.constant 0 : i32
    %dma_start3A_494 = tpu.memref_slice %arg11[%dma_start3A_490, %dma_start3A_492, %dma_start3A_493] : memref<2x400x64xf32, #tpu.memory_space<vmem>> -> memref<1x128x64xf32, #tpu.memory_space<vmem>>
    %dma_start3A_495 = tpu.memref_squeeze %dma_start3A_494 : memref<1x128x64xf32, #tpu.memory_space<vmem>> -> memref<128x64xf32, #tpu.memory_space<vmem>>
    %dma_start3A_496 = arith.constant 0 : i32
    %dma_start3A_497 = tpu.memref_slice %arg10[%dma_start3A_489, %dma_start3A_496] : memref<2x400xi32, #tpu.memory_space<vmem>> -> memref<1x128xi32, #tpu.memory_space<vmem>>
    %dma_start3A_498 = tpu.memref_squeeze %dma_start3A_497 : memref<1x128xi32, #tpu.memory_space<vmem>> -> memref<128xi32, #tpu.memory_space<vmem>>
    %dma_start3A_499 = arith.constant 0 : i32
    %dma_start3A_500 = arith.constant 0 : i32
    %dma_start3A_501 = tpu.memref_slice %arg2[%dma_start3A_499, %dma_start3A_500] : memref<270336x64xf32, #tpu.memory_space<hbm>> -> memref<270336x64xf32, #tpu.memory_space<hbm>>
    %dma_start3A_502 = tpu.memref_slice %arg14[%dma_start3A_491] : memref<2x!tpu.dma_semaphore, #tpu.memory_space<semaphore_mem>> -> memref<1x!tpu.dma_semaphore, #tpu.memory_space<semaphore_mem>>
    %dma_start3A_503 = tpu.memref_squeeze %dma_start3A_502 : memref<1x!tpu.dma_semaphore, #tpu.memory_space<semaphore_mem>> -> memref<!tpu.dma_semaphore, #tpu.memory_space<semaphore_mem>>
    tpu.enqueue_indirect_dma source(%dma_start3A_501 : memref<270336x64xf32, #tpu.memory_space<hbm>>) target(%dma_start3A_495 : memref<128x64xf32, #tpu.memory_space<vmem>>) offsets(%dma_start3A_498 : memref<128xi32, #tpu.memory_space<vmem>>) semaphore(%dma_start3A_503 : memref<!tpu.dma_semaphore, #tpu.memory_space<semaphore_mem>>)
    %dma_start3A_504 = arith.constant 0 : i32
    %dma_start3A_505 = arith.constant 0 : i32
    %dma_start3A_506 = arith.constant 0 : i32
    %dma_start3A_507 = arith.constant 128 : i32
    %dma_start3A_508 = arith.constant 0 : i32
    %dma_start3A_509 = tpu.memref_slice %arg11[%dma_start3A_505, %dma_start3A_507, %dma_start3A_508] : memref<2x400x64xf32, #tpu.memory_space<vmem>> -> memref<1x128x64xf32, #tpu.memory_space<vmem>>
    %dma_start3A_510 = tpu.memref_squeeze %dma_start3A_509 : memref<1x128x64xf32, #tpu.memory_space<vmem>> -> memref<128x64xf32, #tpu.memory_space<vmem>>
    %dma_start3A_511 = arith.constant 128 : i32
    %dma_start3A_512 = tpu.memref_slice %arg10[%dma_start3A_504, %dma_start3A_511] : memref<2x400xi32, #tpu.memory_space<vmem>> -> memref<1x128xi32, #tpu.memory_space<vmem>>
    %dma_start3A_513 = tpu.memref_squeeze %dma_start3A_512 : memref<1x128xi32, #tpu.memory_space<vmem>> -> memref<128xi32, #tpu.memory_space<vmem>>
    %dma_start3A_514 = arith.constant 0 : i32
    %dma_start3A_515 = arith.constant 0 : i32
    %dma_start3A_516 = tpu.memref_slice %arg2[%dma_start3A_514, %dma_start3A_515] : memref<270336x64xf32, #tpu.memory_space<hbm>> -> memref<270336x64xf32, #tpu.memory_space<hbm>>
    %dma_start3A_517 = tpu.memref_slice %arg14[%dma_start3A_506] : memref<2x!tpu.dma_semaphore, #tpu.memory_space<semaphore_mem>> -> memref<1x!tpu.dma_semaphore, #tpu.memory_space<semaphore_mem>>
    %dma_start3A_518 = tpu.memref_squeeze %dma_start3A_517 : memref<1x!tpu.dma_semaphore, #tpu.memory_space<semaphore_mem>> -> memref<!tpu.dma_semaphore, #tpu.memory_space<semaphore_mem>>
    tpu.enqueue_indirect_dma source(%dma_start3A_516 : memref<270336x64xf32, #tpu.memory_space<hbm>>) target(%dma_start3A_510 : memref<128x64xf32, #tpu.memory_space<vmem>>) offsets(%dma_start3A_513 : memref<128xi32, #tpu.memory_space<vmem>>) semaphore(%dma_start3A_518 : memref<!tpu.dma_semaphore, #tpu.memory_space<semaphore_mem>>)
    %dma_start3A_519 = arith.constant 0 : i32
    %dma_start3A_520 = arith.constant 0 : i32
    %dma_start3A_521 = arith.constant 0 : i32
    %dma_start3A_522 = arith.constant 256 : i32
    %dma_start3A_523 = arith.constant 0 : i32
    %dma_start3A_524 = tpu.memref_slice %arg11[%dma_start3A_520, %dma_start3A_522, %dma_start3A_523] : memref<2x400x64xf32, #tpu.memory_space<vmem>> -> memref<1x128x64xf32, #tpu.memory_space<vmem>>
    %dma_start3A_525 = tpu.memref_squeeze %dma_start3A_524 : memref<1x128x64xf32, #tpu.memory_space<vmem>> -> memref<128x64xf32, #tpu.memory_space<vmem>>
    %dma_start3A_526 = arith.constant 256 : i32
    %dma_start3A_527 = tpu.memref_slice %arg10[%dma_start3A_519, %dma_start3A_526] : memref<2x400xi32, #tpu.memory_space<vmem>> -> memref<1x128xi32, #tpu.memory_space<vmem>>
    %dma_start3A_528 = tpu.memref_squeeze %dma_start3A_527 : memref<1x128xi32, #tpu.memory_space<vmem>> -> memref<128xi32, #tpu.memory_space<vmem>>
    %dma_start3A_529 = arith.constant 0 : i32
    %dma_start3A_530 = arith.constant 0 : i32
    %dma_start3A_531 = tpu.memref_slice %arg2[%dma_start3A_529, %dma_start3A_530] : memref<270336x64xf32, #tpu.memory_space<hbm>> -> memref<270336x64xf32, #tpu.memory_space<hbm>>
    %dma_start3A_532 = tpu.memref_slice %arg14[%dma_start3A_521] : memref<2x!tpu.dma_semaphore, #tpu.memory_space<semaphore_mem>> -> memref<1x!tpu.dma_semaphore, #tpu.memory_space<semaphore_mem>>
    %dma_start3A_533 = tpu.memref_squeeze %dma_start3A_532 : memref<1x!tpu.dma_semaphore, #tpu.memory_space<semaphore_mem>> -> memref<!tpu.dma_semaphore, #tpu.memory_space<semaphore_mem>>
    tpu.enqueue_indirect_dma source(%dma_start3A_531 : memref<270336x64xf32, #tpu.memory_space<hbm>>) target(%dma_start3A_525 : memref<128x64xf32, #tpu.memory_space<vmem>>) offsets(%dma_start3A_528 : memref<128xi32, #tpu.memory_space<vmem>>) semaphore(%dma_start3A_533 : memref<!tpu.dma_semaphore, #tpu.memory_space<semaphore_mem>>)
    %dma_start3A_534 = arith.constant 0 : i32
    %dma_start3A_535 = arith.constant 0 : i32
    %dma_start3A_536 = arith.constant 0 : i32
    %dma_start3A_537 = arith.constant 384 : i32
    %dma_start3A_538 = arith.constant 0 : i32
    %dma_start3A_539 = tpu.memref_slice %arg11[%dma_start3A_535, %dma_start3A_537, %dma_start3A_538] : memref<2x400x64xf32, #tpu.memory_space<vmem>> -> memref<1x16x64xf32, #tpu.memory_space<vmem>>
    %dma_start3A_540 = tpu.memref_squeeze %dma_start3A_539 : memref<1x16x64xf32, #tpu.memory_space<vmem>> -> memref<16x64xf32, #tpu.memory_space<vmem>>
    %dma_start3A_541 = arith.constant 384 : i32
    %dma_start3A_542 = tpu.memref_slice %arg10[%dma_start3A_534, %dma_start3A_541] : memref<2x400xi32, #tpu.memory_space<vmem>> -> memref<1x16xi32, #tpu.memory_space<vmem>>
    %dma_start3A_543 = tpu.memref_squeeze %dma_start3A_542 : memref<1x16xi32, #tpu.memory_space<vmem>> -> memref<16xi32, #tpu.memory_space<vmem>>
    %dma_start3A_544 = arith.constant 0 : i32
    %dma_start3A_545 = arith.constant 0 : i32
    %dma_start3A_546 = tpu.memref_slice %arg2[%dma_start3A_544, %dma_start3A_545] : memref<270336x64xf32, #tpu.memory_space<hbm>> -> memref<270336x64xf32, #tpu.memory_space<hbm>>
    %dma_start3A_547 = tpu.memref_slice %arg14[%dma_start3A_536] : memref<2x!tpu.dma_semaphore, #tpu.memory_space<semaphore_mem>> -> memref<1x!tpu.dma_semaphore, #tpu.memory_space<semaphore_mem>>
    %dma_start3A_548 = tpu.memref_squeeze %dma_start3A_547 : memref<1x!tpu.dma_semaphore, #tpu.memory_space<semaphore_mem>> -> memref<!tpu.dma_semaphore, #tpu.memory_space<semaphore_mem>>
    tpu.enqueue_indirect_dma source(%dma_start3A_546 : memref<270336x64xf32, #tpu.memory_space<hbm>>) target(%dma_start3A_540 : memref<16x64xf32, #tpu.memory_space<vmem>>) offsets(%dma_start3A_543 : memref<16xi32, #tpu.memory_space<vmem>>) semaphore(%dma_start3A_548 : memref<!tpu.dma_semaphore, #tpu.memory_space<semaphore_mem>>)
    %add3A_549 = arith.constant 400 : i32
    %add3A_550 = arith.addi %sub3A_21, %add3A_549 : i32
    %dma_start3A_551 = arith.constant 1 : i32
    %dma_start3A_552 = arith.constant 1 : i32
    %dma_start3A_553 = arith.constant 0 : i32
    %dma_start3A_554 = tpu.memref_slice %arg7[%dma_start3A_551, %dma_start3A_553] : memref<2x400xi32, #tpu.memory_space<vmem>> -> memref<1x400xi32, #tpu.memory_space<vmem>>
    %dma_start3A_555 = tpu.memref_squeeze %dma_start3A_554 : memref<1x400xi32, #tpu.memory_space<vmem>> -> memref<400xi32, #tpu.memory_space<vmem>>
    %dma_start3A_556 = tpu.memref_slice %arg3[%add3A_550] : memref<160000xi32, #tpu.memory_space<hbm>> -> memref<400xi32, #tpu.memory_space<hbm>>
    %dma_start3A_557 = tpu.memref_slice %arg13[%dma_start3A_552] : memref<2x!tpu.dma_semaphore, #tpu.memory_space<semaphore_mem>> -> memref<1x!tpu.dma_semaphore, #tpu.memory_space<semaphore_mem>>
    %dma_start3A_558 = tpu.memref_squeeze %dma_start3A_557 : memref<1x!tpu.dma_semaphore, #tpu.memory_space<semaphore_mem>> -> memref<!tpu.dma_semaphore, #tpu.memory_space<semaphore_mem>>
    %dma_start3A_559 = arith.constant 0 : i32
    %dma_start3A_560 = tpu.memref_slice %arg7[%dma_start3A_551, %dma_start3A_559] : memref<2x400xi32, #tpu.memory_space<vmem>> -> memref<1x400xi32, #tpu.memory_space<vmem>>
    %dma_start3A_561 = tpu.memref_squeeze %dma_start3A_560 : memref<1x400xi32, #tpu.memory_space<vmem>> -> memref<400xi32, #tpu.memory_space<vmem>>
    %dma_start3A_562 = tpu.memref_slice %arg3[%add3A_550] : memref<160000xi32, #tpu.memory_space<hbm>> -> memref<400xi32, #tpu.memory_space<hbm>>
    tpu.enqueue_dma source(%dma_start3A_562 : memref<400xi32, #tpu.memory_space<hbm>>) target(%dma_start3A_561 : memref<400xi32, #tpu.memory_space<vmem>>) target_semaphore(%dma_start3A_558 : memref<!tpu.dma_semaphore, #tpu.memory_space<semaphore_mem>>)
    %dma_start3A_563 = arith.constant 1 : i32
    %dma_start3A_564 = arith.constant 1 : i32
    %dma_start3A_565 = arith.constant 0 : i32
    %dma_start3A_566 = tpu.memref_slice %arg8[%dma_start3A_563, %dma_start3A_565] : memref<2x400xi32, #tpu.memory_space<vmem>> -> memref<1x400xi32, #tpu.memory_space<vmem>>
    %dma_start3A_567 = tpu.memref_squeeze %dma_start3A_566 : memref<1x400xi32, #tpu.memory_space<vmem>> -> memref<400xi32, #tpu.memory_space<vmem>>
    %dma_start3A_568 = tpu.memref_slice %arg4[%add3A_550] : memref<160000xi32, #tpu.memory_space<hbm>> -> memref<400xi32, #tpu.memory_space<hbm>>
    %dma_start3A_569 = tpu.memref_slice %arg13[%dma_start3A_564] : memref<2x!tpu.dma_semaphore, #tpu.memory_space<semaphore_mem>> -> memref<1x!tpu.dma_semaphore, #tpu.memory_space<semaphore_mem>>
    %dma_start3A_570 = tpu.memref_squeeze %dma_start3A_569 : memref<1x!tpu.dma_semaphore, #tpu.memory_space<semaphore_mem>> -> memref<!tpu.dma_semaphore, #tpu.memory_space<semaphore_mem>>
    %dma_start3A_571 = arith.constant 0 : i32
    %dma_start3A_572 = tpu.memref_slice %arg8[%dma_start3A_563, %dma_start3A_571] : memref<2x400xi32, #tpu.memory_space<vmem>> -> memref<1x400xi32, #tpu.memory_space<vmem>>
    %dma_start3A_573 = tpu.memref_squeeze %dma_start3A_572 : memref<1x400xi32, #tpu.memory_space<vmem>> -> memref<400xi32, #tpu.memory_space<vmem>>
    %dma_start3A_574 = tpu.memref_slice %arg4[%add3A_550] : memref<160000xi32, #tpu.memory_space<hbm>> -> memref<400xi32, #tpu.memory_space<hbm>>
    tpu.enqueue_dma source(%dma_start3A_574 : memref<400xi32, #tpu.memory_space<hbm>>) target(%dma_start3A_573 : memref<400xi32, #tpu.memory_space<vmem>>) target_semaphore(%dma_start3A_570 : memref<!tpu.dma_semaphore, #tpu.memory_space<semaphore_mem>>)
    %dma_start3A_575 = arith.constant 1 : i32
    %dma_start3A_576 = arith.constant 1 : i32
    %dma_start3A_577 = arith.constant 0 : i32
    %dma_start3A_578 = tpu.memref_slice %arg9[%dma_start3A_575, %dma_start3A_577] : memref<2x400xi32, #tpu.memory_space<vmem>> -> memref<1x400xi32, #tpu.memory_space<vmem>>
    %dma_start3A_579 = tpu.memref_squeeze %dma_start3A_578 : memref<1x400xi32, #tpu.memory_space<vmem>> -> memref<400xi32, #tpu.memory_space<vmem>>
    %dma_start3A_580 = tpu.memref_slice %arg5[%add3A_550] : memref<160000xi32, #tpu.memory_space<hbm>> -> memref<400xi32, #tpu.memory_space<hbm>>
    %dma_start3A_581 = tpu.memref_slice %arg13[%dma_start3A_576] : memref<2x!tpu.dma_semaphore, #tpu.memory_space<semaphore_mem>> -> memref<1x!tpu.dma_semaphore, #tpu.memory_space<semaphore_mem>>
    %dma_start3A_582 = tpu.memref_squeeze %dma_start3A_581 : memref<1x!tpu.dma_semaphore, #tpu.memory_space<semaphore_mem>> -> memref<!tpu.dma_semaphore, #tpu.memory_space<semaphore_mem>>
    %dma_start3A_583 = arith.constant 0 : i32
    %dma_start3A_584 = tpu.memref_slice %arg9[%dma_start3A_575, %dma_start3A_583] : memref<2x400xi32, #tpu.memory_space<vmem>> -> memref<1x400xi32, #tpu.memory_space<vmem>>
    %dma_start3A_585 = tpu.memref_squeeze %dma_start3A_584 : memref<1x400xi32, #tpu.memory_space<vmem>> -> memref<400xi32, #tpu.memory_space<vmem>>
    %dma_start3A_586 = tpu.memref_slice %arg5[%add3A_550] : memref<160000xi32, #tpu.memory_space<hbm>> -> memref<400xi32, #tpu.memory_space<hbm>>
    tpu.enqueue_dma source(%dma_start3A_586 : memref<400xi32, #tpu.memory_space<hbm>>) target(%dma_start3A_585 : memref<400xi32, #tpu.memory_space<vmem>>) target_semaphore(%dma_start3A_582 : memref<!tpu.dma_semaphore, #tpu.memory_space<semaphore_mem>>)
    %scan3A_587 = arith.constant 0 : i32
    %scan3A_588 = arith.constant 0 : i32
    %scan3A_589 = arith.constant 50 : i32
    %scan3A_590 = arith.addi %scan3A_588, %scan3A_589 : i32
    %scan3A_591 = arith.constant 1 : i32
    %scan3A_592 = scf.for %scan3A_594 = %scan3A_588 to %scan3A_590 step %scan3A_591 iter_args(%scan3A_595 = %scan3A_587) -> (i32)  : i32 {
      %rem3A_596 = arith.constant 2 : i32
      %rem3A_597 = arith.remsi %scan3A_594, %rem3A_596 : i32
      %sub3A_598 = arith.constant 1 : i32
      %sub3A_599 = arith.subi %sub3A_598, %rem3A_597 : i32
      %add3A_600 = arith.constant 1 : i32
      %add3A_601 = arith.addi %scan3A_594, %add3A_600 : i32
      %lt3A = arith.constant 50 : i32
      %lt3A_602 = arith.cmpi slt, %add3A_601, %lt3A : i32
      %convert_element_type3A = arith.extui %lt3A_602 : i1 to i32
      %cond3A = arith.constant 0 : i32
      %cond3A_603 = arith.cmpi ne, %convert_element_type3A, %cond3A : i32
      scf.if %cond3A_603 {
        %add3A_677 = arith.constant 1 : i32
        %add3A_678 = arith.addi %scan3A_594, %add3A_677 : i32
        %mul3A_679 = arith.constant 400 : i32
        %mul3A_680 = arith.muli %add3A_678, %mul3A_679 : i32
        %add3A_681 = arith.addi %sub3A_21, %mul3A_680 : i32
        %dma_wait3A_682 = arith.constant 0 : i32
        %dma_wait3A_683 = tpu.memref_slice %arg7[%sub3A_599, %dma_wait3A_682] : memref<2x400xi32, #tpu.memory_space<vmem>> -> memref<1x400xi32, #tpu.memory_space<vmem>>
        %dma_wait3A_684 = tpu.memref_squeeze %dma_wait3A_683 : memref<1x400xi32, #tpu.memory_space<vmem>> -> memref<400xi32, #tpu.memory_space<vmem>>
        %dma_wait3A_685 = tpu.memref_slice %arg3[%add3A_681] : memref<160000xi32, #tpu.memory_space<hbm>> -> memref<400xi32, #tpu.memory_space<hbm>>
        %dma_wait3A_686 = tpu.memref_slice %arg13[%sub3A_599] : memref<2x!tpu.dma_semaphore, #tpu.memory_space<semaphore_mem>> -> memref<1x!tpu.dma_semaphore, #tpu.memory_space<semaphore_mem>>
        %dma_wait3A_687 = tpu.memref_squeeze %dma_wait3A_686 : memref<1x!tpu.dma_semaphore, #tpu.memory_space<semaphore_mem>> -> memref<!tpu.dma_semaphore, #tpu.memory_space<semaphore_mem>>
        %dma_wait3A_688 = arith.constant 0 : i32
        %dma_wait3A_689 = tpu.memref_slice %arg7[%sub3A_599, %dma_wait3A_688] : memref<2x400xi32, #tpu.memory_space<vmem>> -> memref<1x400xi32, #tpu.memory_space<vmem>>
        %dma_wait3A_690 = tpu.memref_squeeze %dma_wait3A_689 : memref<1x400xi32, #tpu.memory_space<vmem>> -> memref<400xi32, #tpu.memory_space<vmem>>
        %dma_wait3A_691 = tpu.memref_slice %arg3[%add3A_681] : memref<160000xi32, #tpu.memory_space<hbm>> -> memref<400xi32, #tpu.memory_space<hbm>>
        tpu.wait_dma2 semaphore(%dma_wait3A_687 : memref<!tpu.dma_semaphore, #tpu.memory_space<semaphore_mem>>) src(%dma_wait3A_691 : memref<400xi32, #tpu.memory_space<hbm>>) dst(%dma_wait3A_690 : memref<400xi32, #tpu.memory_space<vmem>>)
        %dma_wait3A_692 = arith.constant 0 : i32
        %dma_wait3A_693 = tpu.memref_slice %arg8[%sub3A_599, %dma_wait3A_692] : memref<2x400xi32, #tpu.memory_space<vmem>> -> memref<1x400xi32, #tpu.memory_space<vmem>>
        %dma_wait3A_694 = tpu.memref_squeeze %dma_wait3A_693 : memref<1x400xi32, #tpu.memory_space<vmem>> -> memref<400xi32, #tpu.memory_space<vmem>>
        %dma_wait3A_695 = tpu.memref_slice %arg4[%add3A_681] : memref<160000xi32, #tpu.memory_space<hbm>> -> memref<400xi32, #tpu.memory_space<hbm>>
        %dma_wait3A_696 = tpu.memref_slice %arg13[%sub3A_599] : memref<2x!tpu.dma_semaphore, #tpu.memory_space<semaphore_mem>> -> memref<1x!tpu.dma_semaphore, #tpu.memory_space<semaphore_mem>>
        %dma_wait3A_697 = tpu.memref_squeeze %dma_wait3A_696 : memref<1x!tpu.dma_semaphore, #tpu.memory_space<semaphore_mem>> -> memref<!tpu.dma_semaphore, #tpu.memory_space<semaphore_mem>>
        %dma_wait3A_698 = arith.constant 0 : i32
        %dma_wait3A_699 = tpu.memref_slice %arg8[%sub3A_599, %dma_wait3A_698] : memref<2x400xi32, #tpu.memory_space<vmem>> -> memref<1x400xi32, #tpu.memory_space<vmem>>
        %dma_wait3A_700 = tpu.memref_squeeze %dma_wait3A_699 : memref<1x400xi32, #tpu.memory_space<vmem>> -> memref<400xi32, #tpu.memory_space<vmem>>
        %dma_wait3A_701 = tpu.memref_slice %arg4[%add3A_681] : memref<160000xi32, #tpu.memory_space<hbm>> -> memref<400xi32, #tpu.memory_space<hbm>>
        tpu.wait_dma2 semaphore(%dma_wait3A_697 : memref<!tpu.dma_semaphore, #tpu.memory_space<semaphore_mem>>) src(%dma_wait3A_701 : memref<400xi32, #tpu.memory_space<hbm>>) dst(%dma_wait3A_700 : memref<400xi32, #tpu.memory_space<vmem>>)
        %dma_wait3A_702 = arith.constant 0 : i32
        %dma_wait3A_703 = tpu.memref_slice %arg9[%sub3A_599, %dma_wait3A_702] : memref<2x400xi32, #tpu.memory_space<vmem>> -> memref<1x400xi32, #tpu.memory_space<vmem>>
        %dma_wait3A_704 = tpu.memref_squeeze %dma_wait3A_703 : memref<1x400xi32, #tpu.memory_space<vmem>> -> memref<400xi32, #tpu.memory_space<vmem>>
        %dma_wait3A_705 = tpu.memref_slice %arg5[%add3A_681] : memref<160000xi32, #tpu.memory_space<hbm>> -> memref<400xi32, #tpu.memory_space<hbm>>
        %dma_wait3A_706 = tpu.memref_slice %arg13[%sub3A_599] : memref<2x!tpu.dma_semaphore, #tpu.memory_space<semaphore_mem>> -> memref<1x!tpu.dma_semaphore, #tpu.memory_space<semaphore_mem>>
        %dma_wait3A_707 = tpu.memref_squeeze %dma_wait3A_706 : memref<1x!tpu.dma_semaphore, #tpu.memory_space<semaphore_mem>> -> memref<!tpu.dma_semaphore, #tpu.memory_space<semaphore_mem>>
        %dma_wait3A_708 = arith.constant 0 : i32
        %dma_wait3A_709 = tpu.memref_slice %arg9[%sub3A_599, %dma_wait3A_708] : memref<2x400xi32, #tpu.memory_space<vmem>> -> memref<1x400xi32, #tpu.memory_space<vmem>>
        %dma_wait3A_710 = tpu.memref_squeeze %dma_wait3A_709 : memref<1x400xi32, #tpu.memory_space<vmem>> -> memref<400xi32, #tpu.memory_space<vmem>>
        %dma_wait3A_711 = tpu.memref_slice %arg5[%add3A_681] : memref<160000xi32, #tpu.memory_space<hbm>> -> memref<400xi32, #tpu.memory_space<hbm>>
        tpu.wait_dma2 semaphore(%dma_wait3A_707 : memref<!tpu.dma_semaphore, #tpu.memory_space<semaphore_mem>>) src(%dma_wait3A_711 : memref<400xi32, #tpu.memory_space<hbm>>) dst(%dma_wait3A_710 : memref<400xi32, #tpu.memory_space<vmem>>)
        %add3A_712 = arith.constant 1 : i32
        %add3A_713 = arith.addi %scan3A_594, %add3A_712 : i32
        %scan3A_714 = arith.constant 0 : i32
        %scan3A_715 = arith.constant 0 : i32
        %scan3A_716 = arith.constant 25 : i32
        %scan3A_717 = arith.addi %scan3A_715, %scan3A_716 : i32
        %scan3A_718 = arith.constant 1 : i32
        %scan3A_719 = scf.for %scan3A_769 = %scan3A_715 to %scan3A_717 step %scan3A_718 iter_args(%scan3A_770 = %scan3A_714) -> (i32)  : i32 {
          %mul3A_771 = arith.constant 16 : i32
          %mul3A_772 = arith.muli %scan3A_769, %mul3A_771 : i32
          %get3A = arith.index_cast %sub3A_599 : i32 to index
          %get3A_773 = arith.index_cast %mul3A_772 : i32 to index
          %get3A_774 = tpu.vector_load %arg7[%get3A, %get3A_773] {strides = array<i32>} : memref<2x400xi32, #tpu.memory_space<vmem>>, vector<16xi32>,
          %mul3A_775 = arith.constant 11264 : i32
          %mul3A_776 = vector.broadcast %mul3A_775 : i32 to vector<16xi32>
          %mul3A_777 = arith.muli %get3A_774, %mul3A_776 : vector<16xi32>
          %get3A_778 = arith.index_cast %sub3A_599 : i32 to index
          %get3A_779 = arith.index_cast %mul3A_772 : i32 to index
          %get3A_780 = tpu.vector_load %arg9[%get3A_778, %get3A_779] {strides = array<i32>} : memref<2x400xi32, #tpu.memory_space<vmem>>, vector<16xi32>,
          %mul3A_781 = arith.constant 176 : i32
          %mul3A_782 = vector.broadcast %mul3A_781 : i32 to vector<16xi32>
          %mul3A_783 = arith.muli %get3A_780, %mul3A_782 : vector<16xi32>
          %add3A_784 = arith.addi %mul3A_777, %mul3A_783 : vector<16xi32>
          %get3A_785 = arith.index_cast %sub3A_599 : i32 to index
          %get3A_786 = arith.index_cast %mul3A_772 : i32 to index
          %get3A_787 = tpu.vector_load %arg8[%get3A_785, %get3A_786] {strides = array<i32>} : memref<2x400xi32, #tpu.memory_space<vmem>>, vector<16xi32>,
          %add3A_788 = arith.addi %add3A_784, %get3A_787 : vector<16xi32>
          %add3A_789 = vector.broadcast %mul3A_47 : i32 to vector<16xi32>
          %add3A_790 = arith.addi %add3A_788, %add3A_789 : vector<16xi32>
          %swap3A = arith.index_cast %sub3A_599 : i32 to index
          %swap3A_791 = arith.index_cast %mul3A_772 : i32 to index
          %swap3A_792 = tpu.vector_load %arg10[%swap3A, %swap3A_791] {strides = array<i32>} : memref<2x400xi32, #tpu.memory_space<vmem>>, vector<16xi32>,
          tpu.vector_store %arg10[%swap3A, %swap3A_791], %add3A_790 {strides = array<i32>} : memref<2x400xi32, #tpu.memory_space<vmem>>, vector<16xi32>,
          %scan3A_793 = arith.constant 0 : i32
          scf.yield %scan3A_793 : i32
        }
        %scan3A_720 = arith.constant 25 : i32
        %dma_start3A_721 = arith.constant 0 : i32
        %dma_start3A_722 = arith.constant 0 : i32
        %dma_start3A_723 = tpu.memref_slice %arg11[%sub3A_599, %dma_start3A_721, %dma_start3A_722] : memref<2x400x64xf32, #tpu.memory_space<vmem>> -> memref<1x128x64xf32, #tpu.memory_space<vmem>>
        %dma_start3A_724 = tpu.memref_squeeze %dma_start3A_723 : memref<1x128x64xf32, #tpu.memory_space<vmem>> -> memref<128x64xf32, #tpu.memory_space<vmem>>
        %dma_start3A_725 = arith.constant 0 : i32
        %dma_start3A_726 = tpu.memref_slice %arg10[%sub3A_599, %dma_start3A_725] : memref<2x400xi32, #tpu.memory_space<vmem>> -> memref<1x128xi32, #tpu.memory_space<vmem>>
        %dma_start3A_727 = tpu.memref_squeeze %dma_start3A_726 : memref<1x128xi32, #tpu.memory_space<vmem>> -> memref<128xi32, #tpu.memory_space<vmem>>
        %dma_start3A_728 = arith.constant 0 : i32
        %dma_start3A_729 = arith.constant 0 : i32
        %dma_start3A_730 = tpu.memref_slice %arg2[%dma_start3A_728, %dma_start3A_729] : memref<270336x64xf32, #tpu.memory_space<hbm>> -> memref<270336x64xf32, #tpu.memory_space<hbm>>
        %dma_start3A_731 = tpu.memref_slice %arg14[%sub3A_599] : memref<2x!tpu.dma_semaphore, #tpu.memory_space<semaphore_mem>> -> memref<1x!tpu.dma_semaphore, #tpu.memory_space<semaphore_mem>>
        %dma_start3A_732 = tpu.memref_squeeze %dma_start3A_731 : memref<1x!tpu.dma_semaphore, #tpu.memory_space<semaphore_mem>> -> memref<!tpu.dma_semaphore, #tpu.memory_space<semaphore_mem>>
        tpu.enqueue_indirect_dma source(%dma_start3A_730 : memref<270336x64xf32, #tpu.memory_space<hbm>>) target(%dma_start3A_724 : memref<128x64xf32, #tpu.memory_space<vmem>>) offsets(%dma_start3A_727 : memref<128xi32, #tpu.memory_space<vmem>>) semaphore(%dma_start3A_732 : memref<!tpu.dma_semaphore, #tpu.memory_space<semaphore_mem>>)
        %dma_start3A_733 = arith.constant 128 : i32
        %dma_start3A_734 = arith.constant 0 : i32
        %dma_start3A_735 = tpu.memref_slice %arg11[%sub3A_599, %dma_start3A_733, %dma_start3A_734] : memref<2x400x64xf32, #tpu.memory_space<vmem>> -> memref<1x128x64xf32, #tpu.memory_space<vmem>>
        %dma_start3A_736 = tpu.memref_squeeze %dma_start3A_735 : memref<1x128x64xf32, #tpu.memory_space<vmem>> -> memref<128x64xf32, #tpu.memory_space<vmem>>
        %dma_start3A_737 = arith.constant 128 : i32
        %dma_start3A_738 = tpu.memref_slice %arg10[%sub3A_599, %dma_start3A_737] : memref<2x400xi32, #tpu.memory_space<vmem>> -> memref<1x128xi32, #tpu.memory_space<vmem>>
        %dma_start3A_739 = tpu.memref_squeeze %dma_start3A_738 : memref<1x128xi32, #tpu.memory_space<vmem>> -> memref<128xi32, #tpu.memory_space<vmem>>
        %dma_start3A_740 = arith.constant 0 : i32
        %dma_start3A_741 = arith.constant 0 : i32
        %dma_start3A_742 = tpu.memref_slice %arg2[%dma_start3A_740, %dma_start3A_741] : memref<270336x64xf32, #tpu.memory_space<hbm>> -> memref<270336x64xf32, #tpu.memory_space<hbm>>
        %dma_start3A_743 = tpu.memref_slice %arg14[%sub3A_599] : memref<2x!tpu.dma_semaphore, #tpu.memory_space<semaphore_mem>> -> memref<1x!tpu.dma_semaphore, #tpu.memory_space<semaphore_mem>>
        %dma_start3A_744 = tpu.memref_squeeze %dma_start3A_743 : memref<1x!tpu.dma_semaphore, #tpu.memory_space<semaphore_mem>> -> memref<!tpu.dma_semaphore, #tpu.memory_space<semaphore_mem>>
        tpu.enqueue_indirect_dma source(%dma_start3A_742 : memref<270336x64xf32, #tpu.memory_space<hbm>>) target(%dma_start3A_736 : memref<128x64xf32, #tpu.memory_space<vmem>>) offsets(%dma_start3A_739 : memref<128xi32, #tpu.memory_space<vmem>>) semaphore(%dma_start3A_744 : memref<!tpu.dma_semaphore, #tpu.memory_space<semaphore_mem>>)
        %dma_start3A_745 = arith.constant 256 : i32
        %dma_start3A_746 = arith.constant 0 : i32
        %dma_start3A_747 = tpu.memref_slice %arg11[%sub3A_599, %dma_start3A_745, %dma_start3A_746] : memref<2x400x64xf32, #tpu.memory_space<vmem>> -> memref<1x128x64xf32, #tpu.memory_space<vmem>>
        %dma_start3A_748 = tpu.memref_squeeze %dma_start3A_747 : memref<1x128x64xf32, #tpu.memory_space<vmem>> -> memref<128x64xf32, #tpu.memory_space<vmem>>
        %dma_start3A_749 = arith.constant 256 : i32
        %dma_start3A_750 = tpu.memref_slice %arg10[%sub3A_599, %dma_start3A_749] : memref<2x400xi32, #tpu.memory_space<vmem>> -> memref<1x128xi32, #tpu.memory_space<vmem>>
        %dma_start3A_751 = tpu.memref_squeeze %dma_start3A_750 : memref<1x128xi32, #tpu.memory_space<vmem>> -> memref<128xi32, #tpu.memory_space<vmem>>
        %dma_start3A_752 = arith.constant 0 : i32
        %dma_start3A_753 = arith.constant 0 : i32
        %dma_start3A_754 = tpu.memref_slice %arg2[%dma_start3A_752, %dma_start3A_753] : memref<270336x64xf32, #tpu.memory_space<hbm>> -> memref<270336x64xf32, #tpu.memory_space<hbm>>
        %dma_start3A_755 = tpu.memref_slice %arg14[%sub3A_599] : memref<2x!tpu.dma_semaphore, #tpu.memory_space<semaphore_mem>> -> memref<1x!tpu.dma_semaphore, #tpu.memory_space<semaphore_mem>>
        %dma_start3A_756 = tpu.memref_squeeze %dma_start3A_755 : memref<1x!tpu.dma_semaphore, #tpu.memory_space<semaphore_mem>> -> memref<!tpu.dma_semaphore, #tpu.memory_space<semaphore_mem>>
        tpu.enqueue_indirect_dma source(%dma_start3A_754 : memref<270336x64xf32, #tpu.memory_space<hbm>>) target(%dma_start3A_748 : memref<128x64xf32, #tpu.memory_space<vmem>>) offsets(%dma_start3A_751 : memref<128xi32, #tpu.memory_space<vmem>>) semaphore(%dma_start3A_756 : memref<!tpu.dma_semaphore, #tpu.memory_space<semaphore_mem>>)
        %dma_start3A_757 = arith.constant 384 : i32
        %dma_start3A_758 = arith.constant 0 : i32
        %dma_start3A_759 = tpu.memref_slice %arg11[%sub3A_599, %dma_start3A_757, %dma_start3A_758] : memref<2x400x64xf32, #tpu.memory_space<vmem>> -> memref<1x16x64xf32, #tpu.memory_space<vmem>>
        %dma_start3A_760 = tpu.memref_squeeze %dma_start3A_759 : memref<1x16x64xf32, #tpu.memory_space<vmem>> -> memref<16x64xf32, #tpu.memory_space<vmem>>
        %dma_start3A_761 = arith.constant 384 : i32
        %dma_start3A_762 = tpu.memref_slice %arg10[%sub3A_599, %dma_start3A_761] : memref<2x400xi32, #tpu.memory_space<vmem>> -> memref<1x16xi32, #tpu.memory_space<vmem>>
        %dma_start3A_763 = tpu.memref_squeeze %dma_start3A_762 : memref<1x16xi32, #tpu.memory_space<vmem>> -> memref<16xi32, #tpu.memory_space<vmem>>
        %dma_start3A_764 = arith.constant 0 : i32
        %dma_start3A_765 = arith.constant 0 : i32
        %dma_start3A_766 = tpu.memref_slice %arg2[%dma_start3A_764, %dma_start3A_765] : memref<270336x64xf32, #tpu.memory_space<hbm>> -> memref<270336x64xf32, #tpu.memory_space<hbm>>
        %dma_start3A_767 = tpu.memref_slice %arg14[%sub3A_599] : memref<2x!tpu.dma_semaphore, #tpu.memory_space<semaphore_mem>> -> memref<1x!tpu.dma_semaphore, #tpu.memory_space<semaphore_mem>>
        %dma_start3A_768 = tpu.memref_squeeze %dma_start3A_767 : memref<1x!tpu.dma_semaphore, #tpu.memory_space<semaphore_mem>> -> memref<!tpu.dma_semaphore, #tpu.memory_space<semaphore_mem>>
        tpu.enqueue_indirect_dma source(%dma_start3A_766 : memref<270336x64xf32, #tpu.memory_space<hbm>>) target(%dma_start3A_760 : memref<16x64xf32, #tpu.memory_space<vmem>>) offsets(%dma_start3A_763 : memref<16xi32, #tpu.memory_space<vmem>>) semaphore(%dma_start3A_768 : memref<!tpu.dma_semaphore, #tpu.memory_space<semaphore_mem>>)
      } else {
      }
      %add3A_604 = arith.constant 2 : i32
      %add3A_605 = arith.addi %scan3A_594, %add3A_604 : i32
      %lt3A_606 = arith.constant 50 : i32
      %lt3A_607 = arith.cmpi slt, %add3A_605, %lt3A_606 : i32
      %convert_element_type3A_608 = arith.extui %lt3A_607 : i1 to i32
      %cond3A_609 = arith.constant 0 : i32
      %cond3A_610 = arith.cmpi ne, %convert_element_type3A_608, %cond3A_609 : i32
      scf.if %cond3A_610 {
        %add3A_677 = arith.constant 2 : i32
        %add3A_678 = arith.addi %scan3A_594, %add3A_677 : i32
        %mul3A_679 = arith.constant 400 : i32
        %mul3A_680 = arith.muli %add3A_678, %mul3A_679 : i32
        %add3A_681 = arith.addi %sub3A_21, %mul3A_680 : i32
        %dma_start3A_682 = arith.constant 0 : i32
        %dma_start3A_683 = tpu.memref_slice %arg7[%rem3A_597, %dma_start3A_682] : memref<2x400xi32, #tpu.memory_space<vmem>> -> memref<1x400xi32, #tpu.memory_space<vmem>>
        %dma_start3A_684 = tpu.memref_squeeze %dma_start3A_683 : memref<1x400xi32, #tpu.memory_space<vmem>> -> memref<400xi32, #tpu.memory_space<vmem>>
        %dma_start3A_685 = tpu.memref_slice %arg3[%add3A_681] : memref<160000xi32, #tpu.memory_space<hbm>> -> memref<400xi32, #tpu.memory_space<hbm>>
        %dma_start3A_686 = tpu.memref_slice %arg13[%rem3A_597] : memref<2x!tpu.dma_semaphore, #tpu.memory_space<semaphore_mem>> -> memref<1x!tpu.dma_semaphore, #tpu.memory_space<semaphore_mem>>
        %dma_start3A_687 = tpu.memref_squeeze %dma_start3A_686 : memref<1x!tpu.dma_semaphore, #tpu.memory_space<semaphore_mem>> -> memref<!tpu.dma_semaphore, #tpu.memory_space<semaphore_mem>>
        %dma_start3A_688 = arith.constant 0 : i32
        %dma_start3A_689 = tpu.memref_slice %arg7[%rem3A_597, %dma_start3A_688] : memref<2x400xi32, #tpu.memory_space<vmem>> -> memref<1x400xi32, #tpu.memory_space<vmem>>
        %dma_start3A_690 = tpu.memref_squeeze %dma_start3A_689 : memref<1x400xi32, #tpu.memory_space<vmem>> -> memref<400xi32, #tpu.memory_space<vmem>>
        %dma_start3A_691 = tpu.memref_slice %arg3[%add3A_681] : memref<160000xi32, #tpu.memory_space<hbm>> -> memref<400xi32, #tpu.memory_space<hbm>>
        tpu.enqueue_dma source(%dma_start3A_691 : memref<400xi32, #tpu.memory_space<hbm>>) target(%dma_start3A_690 : memref<400xi32, #tpu.memory_space<vmem>>) target_semaphore(%dma_start3A_687 : memref<!tpu.dma_semaphore, #tpu.memory_space<semaphore_mem>>)
        %dma_start3A_692 = arith.constant 0 : i32
        %dma_start3A_693 = tpu.memref_slice %arg8[%rem3A_597, %dma_start3A_692] : memref<2x400xi32, #tpu.memory_space<vmem>> -> memref<1x400xi32, #tpu.memory_space<vmem>>
        %dma_start3A_694 = tpu.memref_squeeze %dma_start3A_693 : memref<1x400xi32, #tpu.memory_space<vmem>> -> memref<400xi32, #tpu.memory_space<vmem>>
        %dma_start3A_695 = tpu.memref_slice %arg4[%add3A_681] : memref<160000xi32, #tpu.memory_space<hbm>> -> memref<400xi32, #tpu.memory_space<hbm>>
        %dma_start3A_696 = tpu.memref_slice %arg13[%rem3A_597] : memref<2x!tpu.dma_semaphore, #tpu.memory_space<semaphore_mem>> -> memref<1x!tpu.dma_semaphore, #tpu.memory_space<semaphore_mem>>
        %dma_start3A_697 = tpu.memref_squeeze %dma_start3A_696 : memref<1x!tpu.dma_semaphore, #tpu.memory_space<semaphore_mem>> -> memref<!tpu.dma_semaphore, #tpu.memory_space<semaphore_mem>>
        %dma_start3A_698 = arith.constant 0 : i32
        %dma_start3A_699 = tpu.memref_slice %arg8[%rem3A_597, %dma_start3A_698] : memref<2x400xi32, #tpu.memory_space<vmem>> -> memref<1x400xi32, #tpu.memory_space<vmem>>
        %dma_start3A_700 = tpu.memref_squeeze %dma_start3A_699 : memref<1x400xi32, #tpu.memory_space<vmem>> -> memref<400xi32, #tpu.memory_space<vmem>>
        %dma_start3A_701 = tpu.memref_slice %arg4[%add3A_681] : memref<160000xi32, #tpu.memory_space<hbm>> -> memref<400xi32, #tpu.memory_space<hbm>>
        tpu.enqueue_dma source(%dma_start3A_701 : memref<400xi32, #tpu.memory_space<hbm>>) target(%dma_start3A_700 : memref<400xi32, #tpu.memory_space<vmem>>) target_semaphore(%dma_start3A_697 : memref<!tpu.dma_semaphore, #tpu.memory_space<semaphore_mem>>)
        %dma_start3A_702 = arith.constant 0 : i32
        %dma_start3A_703 = tpu.memref_slice %arg9[%rem3A_597, %dma_start3A_702] : memref<2x400xi32, #tpu.memory_space<vmem>> -> memref<1x400xi32, #tpu.memory_space<vmem>>
        %dma_start3A_704 = tpu.memref_squeeze %dma_start3A_703 : memref<1x400xi32, #tpu.memory_space<vmem>> -> memref<400xi32, #tpu.memory_space<vmem>>
        %dma_start3A_705 = tpu.memref_slice %arg5[%add3A_681] : memref<160000xi32, #tpu.memory_space<hbm>> -> memref<400xi32, #tpu.memory_space<hbm>>
        %dma_start3A_706 = tpu.memref_slice %arg13[%rem3A_597] : memref<2x!tpu.dma_semaphore, #tpu.memory_space<semaphore_mem>> -> memref<1x!tpu.dma_semaphore, #tpu.memory_space<semaphore_mem>>
        %dma_start3A_707 = tpu.memref_squeeze %dma_start3A_706 : memref<1x!tpu.dma_semaphore, #tpu.memory_space<semaphore_mem>> -> memref<!tpu.dma_semaphore, #tpu.memory_space<semaphore_mem>>
        %dma_start3A_708 = arith.constant 0 : i32
        %dma_start3A_709 = tpu.memref_slice %arg9[%rem3A_597, %dma_start3A_708] : memref<2x400xi32, #tpu.memory_space<vmem>> -> memref<1x400xi32, #tpu.memory_space<vmem>>
        %dma_start3A_710 = tpu.memref_squeeze %dma_start3A_709 : memref<1x400xi32, #tpu.memory_space<vmem>> -> memref<400xi32, #tpu.memory_space<vmem>>
        %dma_start3A_711 = tpu.memref_slice %arg5[%add3A_681] : memref<160000xi32, #tpu.memory_space<hbm>> -> memref<400xi32, #tpu.memory_space<hbm>>
        tpu.enqueue_dma source(%dma_start3A_711 : memref<400xi32, #tpu.memory_space<hbm>>) target(%dma_start3A_710 : memref<400xi32, #tpu.memory_space<vmem>>) target_semaphore(%dma_start3A_707 : memref<!tpu.dma_semaphore, #tpu.memory_space<semaphore_mem>>)
      } else {
      }
      %dma_wait3A_611 = arith.constant 0 : i32
      %dma_wait3A_612 = arith.constant 0 : i32
      %dma_wait3A_613 = tpu.memref_slice %arg11[%rem3A_597, %dma_wait3A_611, %dma_wait3A_612] : memref<2x400x64xf32, #tpu.memory_space<vmem>> -> memref<1x128x64xf32, #tpu.memory_space<vmem>>
      %dma_wait3A_614 = tpu.memref_squeeze %dma_wait3A_613 : memref<1x128x64xf32, #tpu.memory_space<vmem>> -> memref<128x64xf32, #tpu.memory_space<vmem>>
      %dma_wait3A_615 = arith.constant 0 : i32
      %dma_wait3A_616 = tpu.memref_slice %arg10[%rem3A_597, %dma_wait3A_615] : memref<2x400xi32, #tpu.memory_space<vmem>> -> memref<1x128xi32, #tpu.memory_space<vmem>>
      %dma_wait3A_617 = tpu.memref_squeeze %dma_wait3A_616 : memref<1x128xi32, #tpu.memory_space<vmem>> -> memref<128xi32, #tpu.memory_space<vmem>>
      %dma_wait3A_618 = arith.constant 0 : i32
      %dma_wait3A_619 = arith.constant 0 : i32
      %dma_wait3A_620 = tpu.memref_slice %arg2[%dma_wait3A_618, %dma_wait3A_619] : memref<270336x64xf32, #tpu.memory_space<hbm>> -> memref<270336x64xf32, #tpu.memory_space<hbm>>
      %dma_wait3A_621 = tpu.memref_slice %arg14[%rem3A_597] : memref<2x!tpu.dma_semaphore, #tpu.memory_space<semaphore_mem>> -> memref<1x!tpu.dma_semaphore, #tpu.memory_space<semaphore_mem>>
      %dma_wait3A_622 = tpu.memref_squeeze %dma_wait3A_621 : memref<1x!tpu.dma_semaphore, #tpu.memory_space<semaphore_mem>> -> memref<!tpu.dma_semaphore, #tpu.memory_space<semaphore_mem>>
      tpu.wait_indirect_dma semaphore(%dma_wait3A_622 : memref<!tpu.dma_semaphore, #tpu.memory_space<semaphore_mem>>) src(%dma_wait3A_620 : memref<270336x64xf32, #tpu.memory_space<hbm>>) dst(%dma_wait3A_614 : memref<128x64xf32, #tpu.memory_space<vmem>>)
      %dma_wait3A_623 = arith.constant 128 : i32
      %dma_wait3A_624 = arith.constant 0 : i32
      %dma_wait3A_625 = tpu.memref_slice %arg11[%rem3A_597, %dma_wait3A_623, %dma_wait3A_624] : memref<2x400x64xf32, #tpu.memory_space<vmem>> -> memref<1x128x64xf32, #tpu.memory_space<vmem>>
      %dma_wait3A_626 = tpu.memref_squeeze %dma_wait3A_625 : memref<1x128x64xf32, #tpu.memory_space<vmem>> -> memref<128x64xf32, #tpu.memory_space<vmem>>
      %dma_wait3A_627 = arith.constant 128 : i32
      %dma_wait3A_628 = tpu.memref_slice %arg10[%rem3A_597, %dma_wait3A_627] : memref<2x400xi32, #tpu.memory_space<vmem>> -> memref<1x128xi32, #tpu.memory_space<vmem>>
      %dma_wait3A_629 = tpu.memref_squeeze %dma_wait3A_628 : memref<1x128xi32, #tpu.memory_space<vmem>> -> memref<128xi32, #tpu.memory_space<vmem>>
      %dma_wait3A_630 = arith.constant 0 : i32
      %dma_wait3A_631 = arith.constant 0 : i32
      %dma_wait3A_632 = tpu.memref_slice %arg2[%dma_wait3A_630, %dma_wait3A_631] : memref<270336x64xf32, #tpu.memory_space<hbm>> -> memref<270336x64xf32, #tpu.memory_space<hbm>>
      %dma_wait3A_633 = tpu.memref_slice %arg14[%rem3A_597] : memref<2x!tpu.dma_semaphore, #tpu.memory_space<semaphore_mem>> -> memref<1x!tpu.dma_semaphore, #tpu.memory_space<semaphore_mem>>
      %dma_wait3A_634 = tpu.memref_squeeze %dma_wait3A_633 : memref<1x!tpu.dma_semaphore, #tpu.memory_space<semaphore_mem>> -> memref<!tpu.dma_semaphore, #tpu.memory_space<semaphore_mem>>
      tpu.wait_indirect_dma semaphore(%dma_wait3A_634 : memref<!tpu.dma_semaphore, #tpu.memory_space<semaphore_mem>>) src(%dma_wait3A_632 : memref<270336x64xf32, #tpu.memory_space<hbm>>) dst(%dma_wait3A_626 : memref<128x64xf32, #tpu.memory_space<vmem>>)
      %dma_wait3A_635 = arith.constant 256 : i32
      %dma_wait3A_636 = arith.constant 0 : i32
      %dma_wait3A_637 = tpu.memref_slice %arg11[%rem3A_597, %dma_wait3A_635, %dma_wait3A_636] : memref<2x400x64xf32, #tpu.memory_space<vmem>> -> memref<1x128x64xf32, #tpu.memory_space<vmem>>
      %dma_wait3A_638 = tpu.memref_squeeze %dma_wait3A_637 : memref<1x128x64xf32, #tpu.memory_space<vmem>> -> memref<128x64xf32, #tpu.memory_space<vmem>>
      %dma_wait3A_639 = arith.constant 256 : i32
      %dma_wait3A_640 = tpu.memref_slice %arg10[%rem3A_597, %dma_wait3A_639] : memref<2x400xi32, #tpu.memory_space<vmem>> -> memref<1x128xi32, #tpu.memory_space<vmem>>
      %dma_wait3A_641 = tpu.memref_squeeze %dma_wait3A_640 : memref<1x128xi32, #tpu.memory_space<vmem>> -> memref<128xi32, #tpu.memory_space<vmem>>
      %dma_wait3A_642 = arith.constant 0 : i32
      %dma_wait3A_643 = arith.constant 0 : i32
      %dma_wait3A_644 = tpu.memref_slice %arg2[%dma_wait3A_642, %dma_wait3A_643] : memref<270336x64xf32, #tpu.memory_space<hbm>> -> memref<270336x64xf32, #tpu.memory_space<hbm>>
      %dma_wait3A_645 = tpu.memref_slice %arg14[%rem3A_597] : memref<2x!tpu.dma_semaphore, #tpu.memory_space<semaphore_mem>> -> memref<1x!tpu.dma_semaphore, #tpu.memory_space<semaphore_mem>>
      %dma_wait3A_646 = tpu.memref_squeeze %dma_wait3A_645 : memref<1x!tpu.dma_semaphore, #tpu.memory_space<semaphore_mem>> -> memref<!tpu.dma_semaphore, #tpu.memory_space<semaphore_mem>>
      tpu.wait_indirect_dma semaphore(%dma_wait3A_646 : memref<!tpu.dma_semaphore, #tpu.memory_space<semaphore_mem>>) src(%dma_wait3A_644 : memref<270336x64xf32, #tpu.memory_space<hbm>>) dst(%dma_wait3A_638 : memref<128x64xf32, #tpu.memory_space<vmem>>)
      %dma_wait3A_647 = arith.constant 384 : i32
      %dma_wait3A_648 = arith.constant 0 : i32
      %dma_wait3A_649 = tpu.memref_slice %arg11[%rem3A_597, %dma_wait3A_647, %dma_wait3A_648] : memref<2x400x64xf32, #tpu.memory_space<vmem>> -> memref<1x16x64xf32, #tpu.memory_space<vmem>>
      %dma_wait3A_650 = tpu.memref_squeeze %dma_wait3A_649 : memref<1x16x64xf32, #tpu.memory_space<vmem>> -> memref<16x64xf32, #tpu.memory_space<vmem>>
      %dma_wait3A_651 = arith.constant 384 : i32
      %dma_wait3A_652 = tpu.memref_slice %arg10[%rem3A_597, %dma_wait3A_651] : memref<2x400xi32, #tpu.memory_space<vmem>> -> memref<1x16xi32, #tpu.memory_space<vmem>>
      %dma_wait3A_653 = tpu.memref_squeeze %dma_wait3A_652 : memref<1x16xi32, #tpu.memory_space<vmem>> -> memref<16xi32, #tpu.memory_space<vmem>>
      %dma_wait3A_654 = arith.constant 0 : i32
      %dma_wait3A_655 = arith.constant 0 : i32
      %dma_wait3A_656 = tpu.memref_slice %arg2[%dma_wait3A_654, %dma_wait3A_655] : memref<270336x64xf32, #tpu.memory_space<hbm>> -> memref<270336x64xf32, #tpu.memory_space<hbm>>
      %dma_wait3A_657 = tpu.memref_slice %arg14[%rem3A_597] : memref<2x!tpu.dma_semaphore, #tpu.memory_space<semaphore_mem>> -> memref<1x!tpu.dma_semaphore, #tpu.memory_space<semaphore_mem>>
      %dma_wait3A_658 = tpu.memref_squeeze %dma_wait3A_657 : memref<1x!tpu.dma_semaphore, #tpu.memory_space<semaphore_mem>> -> memref<!tpu.dma_semaphore, #tpu.memory_space<semaphore_mem>>
      tpu.wait_indirect_dma semaphore(%dma_wait3A_658 : memref<!tpu.dma_semaphore, #tpu.memory_space<semaphore_mem>>) src(%dma_wait3A_656 : memref<270336x64xf32, #tpu.memory_space<hbm>>) dst(%dma_wait3A_650 : memref<16x64xf32, #tpu.memory_space<vmem>>)
      %rem3A_659 = arith.constant 2 : i32
      %rem3A_660 = arith.remsi %scan3A_594, %rem3A_659 : i32
      %mul3A_661 = arith.constant 100 : i32
      %mul3A_662 = arith.muli %rem3A_660, %mul3A_661 : i32
      %scan3A_663 = arith.constant 0 : i32
      %scan3A_664 = arith.constant 0 : i32
      %scan3A_665 = arith.constant 25 : i32
      %scan3A_666 = arith.addi %scan3A_664, %scan3A_665 : i32
      %scan3A_667 = arith.constant 1 : i32
      %scan3A_668 = scf.for %scan3A_677 = %scan3A_664 to %scan3A_666 step %scan3A_667 iter_args(%scan3A_678 = %scan3A_663) -> (i32)  : i32 {
        %mul3A_679 = arith.constant 1024 : i32
        %mul3A_680 = arith.muli %scan3A_677, %mul3A_679 : i32
        %mul3A_681 = arith.constant 4 : i32
        %mul3A_682 = arith.muli %scan3A_677, %mul3A_681 : i32
        %add3A_683 = arith.addi %mul3A_682, %mul3A_662 : i32
        %add3A_684 = vector.broadcast %mul3A_680 : i32 to vector<16xi32>
        %add3A_685 = arith.addi %add3A_160, %add3A_684 : vector<16xi32>
        %add3A_686 = vector.broadcast %add3A_683 : i32 to vector<16xi32>
        %add3A_687 = arith.addi %add3A_288, %add3A_686 : vector<16xi32>
        %add3A_688 = arith.constant 0 : i32
        %add3A_689 = vector.broadcast %add3A_688 : i32 to vector<16xi32>
        %add3A_690 = arith.addi %add3A_685, %add3A_689 : vector<16xi32>
        %add3A_691 = arith.constant 0 : i32
        %add3A_692 = vector.broadcast %add3A_691 : i32 to vector<16xi32>
        %add3A_693 = arith.addi %add3A_687, %add3A_692 : vector<16xi32>
        %gather3A = arith.constant 0 : i32
        %gather3A_694 = arith.constant 0 : i32
        %gather3A_695 = tpu.memref_slice %arg11[%rem3A_597, %gather3A, %gather3A_694] : memref<2x400x64xf32, #tpu.memory_space<vmem>> -> memref<1x400x64xf32, #tpu.memory_space<vmem>>
        %gather3A_696 = tpu.memref_squeeze %gather3A_695 : memref<1x400x64xf32, #tpu.memory_space<vmem>> -> memref<400x64xf32, #tpu.memory_space<vmem>>
        %gather3A_697 = tpu.vector_load_idx %gather3A_696[%mul3A_50, %add3A_690] : memref<400x64xf32, #tpu.memory_space<vmem>>[vector<16xi32>, vector<16xi32>], vector<16xf32>,
        tpu.vector_store_idx %arg12[%mul3A_50, %add3A_693], %gather3A_697 : memref<64x800xf32, #tpu.memory_space<vmem>>[vector<16xi32>, vector<16xi32>], vector<16xf32>,
        %add3A_698 = arith.constant 16 : i32
        %add3A_699 = vector.broadcast %add3A_698 : i32 to vector<16xi32>
        %add3A_700 = arith.addi %add3A_685, %add3A_699 : vector<16xi32>
        %add3A_701 = arith.constant 12800 : i32
        %add3A_702 = vector.broadcast %add3A_701 : i32 to vector<16xi32>
        %add3A_703 = arith.addi %add3A_687, %add3A_702 : vector<16xi32>
        %gather3A_704 = arith.constant 0 : i32
        %gather3A_705 = arith.constant 0 : i32
        %gather3A_706 = tpu.memref_slice %arg11[%rem3A_597, %gather3A_704, %gather3A_705] : memref<2x400x64xf32, #tpu.memory_space<vmem>> -> memref<1x400x64xf32, #tpu.memory_space<vmem>>
        %gather3A_707 = tpu.memref_squeeze %gather3A_706 : memref<1x400x64xf32, #tpu.memory_space<vmem>> -> memref<400x64xf32, #tpu.memory_space<vmem>>
        %gather3A_708 = tpu.vector_load_idx %gather3A_707[%mul3A_50, %add3A_700] : memref<400x64xf32, #tpu.memory_space<vmem>>[vector<16xi32>, vector<16xi32>], vector<16xf32>,
        tpu.vector_store_idx %arg12[%mul3A_50, %add3A_703], %gather3A_708 : memref<64x800xf32, #tpu.memory_space<vmem>>[vector<16xi32>, vector<16xi32>], vector<16xf32>,
        %add3A_709 = arith.constant 32 : i32
        %add3A_710 = vector.broadcast %add3A_709 : i32 to vector<16xi32>
        %add3A_711 = arith.addi %add3A_685, %add3A_710 : vector<16xi32>
        %add3A_712 = arith.constant 25600 : i32
        %add3A_713 = vector.broadcast %add3A_712 : i32 to vector<16xi32>
        %add3A_714 = arith.addi %add3A_687, %add3A_713 : vector<16xi32>
        %gather3A_715 = arith.constant 0 : i32
        %gather3A_716 = arith.constant 0 : i32
        %gather3A_717 = tpu.memref_slice %arg11[%rem3A_597, %gather3A_715, %gather3A_716] : memref<2x400x64xf32, #tpu.memory_space<vmem>> -> memref<1x400x64xf32, #tpu.memory_space<vmem>>
        %gather3A_718 = tpu.memref_squeeze %gather3A_717 : memref<1x400x64xf32, #tpu.memory_space<vmem>> -> memref<400x64xf32, #tpu.memory_space<vmem>>
        %gather3A_719 = tpu.vector_load_idx %gather3A_718[%mul3A_50, %add3A_711] : memref<400x64xf32, #tpu.memory_space<vmem>>[vector<16xi32>, vector<16xi32>], vector<16xf32>,
        tpu.vector_store_idx %arg12[%mul3A_50, %add3A_714], %gather3A_719 : memref<64x800xf32, #tpu.memory_space<vmem>>[vector<16xi32>, vector<16xi32>], vector<16xf32>,
        %add3A_720 = arith.constant 48 : i32
        %add3A_721 = vector.broadcast %add3A_720 : i32 to vector<16xi32>
        %add3A_722 = arith.addi %add3A_685, %add3A_721 : vector<16xi32>
        %add3A_723 = arith.constant 38400 : i32
        %add3A_724 = vector.broadcast %add3A_723 : i32 to vector<16xi32>
        %add3A_725 = arith.addi %add3A_687, %add3A_724 : vector<16xi32>
        %gather3A_726 = arith.constant 0 : i32
        %gather3A_727 = arith.constant 0 : i32
        %gather3A_728 = tpu.memref_slice %arg11[%rem3A_597, %gather3A_726, %gather3A_727] : memref<2x400x64xf32, #tpu.memory_space<vmem>> -> memref<1x400x64xf32, #tpu.memory_space<vmem>>
        %gather3A_729 = tpu.memref_squeeze %gather3A_728 : memref<1x400x64xf32, #tpu.memory_space<vmem>> -> memref<400x64xf32, #tpu.memory_space<vmem>>
        %gather3A_730 = tpu.vector_load_idx %gather3A_729[%mul3A_50, %add3A_722] : memref<400x64xf32, #tpu.memory_space<vmem>>[vector<16xi32>, vector<16xi32>], vector<16xf32>,
        tpu.vector_store_idx %arg12[%mul3A_50, %add3A_725], %gather3A_730 : memref<64x800xf32, #tpu.memory_space<vmem>>[vector<16xi32>, vector<16xi32>], vector<16xf32>,
        %add3A_731 = vector.broadcast %mul3A_680 : i32 to vector<16xi32>
        %add3A_732 = arith.addi %add3A_168, %add3A_731 : vector<16xi32>
        %add3A_733 = vector.broadcast %add3A_683 : i32 to vector<16xi32>
        %add3A_734 = arith.addi %add3A_296, %add3A_733 : vector<16xi32>
        %add3A_735 = arith.constant 0 : i32
        %add3A_736 = vector.broadcast %add3A_735 : i32 to vector<16xi32>
        %add3A_737 = arith.addi %add3A_732, %add3A_736 : vector<16xi32>
        %add3A_738 = arith.constant 0 : i32
        %add3A_739 = vector.broadcast %add3A_738 : i32 to vector<16xi32>
        %add3A_740 = arith.addi %add3A_734, %add3A_739 : vector<16xi32>
        %gather3A_741 = arith.constant 0 : i32
        %gather3A_742 = arith.constant 0 : i32
        %gather3A_743 = tpu.memref_slice %arg11[%rem3A_597, %gather3A_741, %gather3A_742] : memref<2x400x64xf32, #tpu.memory_space<vmem>> -> memref<1x400x64xf32, #tpu.memory_space<vmem>>
        %gather3A_744 = tpu.memref_squeeze %gather3A_743 : memref<1x400x64xf32, #tpu.memory_space<vmem>> -> memref<400x64xf32, #tpu.memory_space<vmem>>
        %gather3A_745 = tpu.vector_load_idx %gather3A_744[%mul3A_50, %add3A_737] : memref<400x64xf32, #tpu.memory_space<vmem>>[vector<16xi32>, vector<16xi32>], vector<16xf32>,
        tpu.vector_store_idx %arg12[%mul3A_50, %add3A_740], %gather3A_745 : memref<64x800xf32, #tpu.memory_space<vmem>>[vector<16xi32>, vector<16xi32>], vector<16xf32>,
        %add3A_746 = arith.constant 16 : i32
        %add3A_747 = vector.broadcast %add3A_746 : i32 to vector<16xi32>
        %add3A_748 = arith.addi %add3A_732, %add3A_747 : vector<16xi32>
        %add3A_749 = arith.constant 12800 : i32
        %add3A_750 = vector.broadcast %add3A_749 : i32 to vector<16xi32>
        %add3A_751 = arith.addi %add3A_734, %add3A_750 : vector<16xi32>
        %gather3A_752 = arith.constant 0 : i32
        %gather3A_753 = arith.constant 0 : i32
        %gather3A_754 = tpu.memref_slice %arg11[%rem3A_597, %gather3A_752, %gather3A_753] : memref<2x400x64xf32, #tpu.memory_space<vmem>> -> memref<1x400x64xf32, #tpu.memory_space<vmem>>
        %gather3A_755 = tpu.memref_squeeze %gather3A_754 : memref<1x400x64xf32, #tpu.memory_space<vmem>> -> memref<400x64xf32, #tpu.memory_space<vmem>>
        %gather3A_756 = tpu.vector_load_idx %gather3A_755[%mul3A_50, %add3A_748] : memref<400x64xf32, #tpu.memory_space<vmem>>[vector<16xi32>, vector<16xi32>], vector<16xf32>,
        tpu.vector_store_idx %arg12[%mul3A_50, %add3A_751], %gather3A_756 : memref<64x800xf32, #tpu.memory_space<vmem>>[vector<16xi32>, vector<16xi32>], vector<16xf32>,
        %add3A_757 = arith.constant 32 : i32
        %add3A_758 = vector.broadcast %add3A_757 : i32 to vector<16xi32>
        %add3A_759 = arith.addi %add3A_732, %add3A_758 : vector<16xi32>
        %add3A_760 = arith.constant 25600 : i32
        %add3A_761 = vector.broadcast %add3A_760 : i32 to vector<16xi32>
        %add3A_762 = arith.addi %add3A_734, %add3A_761 : vector<16xi32>
        %gather3A_763 = arith.constant 0 : i32
        %gather3A_764 = arith.constant 0 : i32
        %gather3A_765 = tpu.memref_slice %arg11[%rem3A_597, %gather3A_763, %gather3A_764] : memref<2x400x64xf32, #tpu.memory_space<vmem>> -> memref<1x400x64xf32, #tpu.memory_space<vmem>>
        %gather3A_766 = tpu.memref_squeeze %gather3A_765 : memref<1x400x64xf32, #tpu.memory_space<vmem>> -> memref<400x64xf32, #tpu.memory_space<vmem>>
        %gather3A_767 = tpu.vector_load_idx %gather3A_766[%mul3A_50, %add3A_759] : memref<400x64xf32, #tpu.memory_space<vmem>>[vector<16xi32>, vector<16xi32>], vector<16xf32>,
        tpu.vector_store_idx %arg12[%mul3A_50, %add3A_762], %gather3A_767 : memref<64x800xf32, #tpu.memory_space<vmem>>[vector<16xi32>, vector<16xi32>], vector<16xf32>,
        %add3A_768 = arith.constant 48 : i32
        %add3A_769 = vector.broadcast %add3A_768 : i32 to vector<16xi32>
        %add3A_770 = arith.addi %add3A_732, %add3A_769 : vector<16xi32>
        %add3A_771 = arith.constant 38400 : i32
        %add3A_772 = vector.broadcast %add3A_771 : i32 to vector<16xi32>
        %add3A_773 = arith.addi %add3A_734, %add3A_772 : vector<16xi32>
        %gather3A_774 = arith.constant 0 : i32
        %gather3A_775 = arith.constant 0 : i32
        %gather3A_776 = tpu.memref_slice %arg11[%rem3A_597, %gather3A_774, %gather3A_775] : memref<2x400x64xf32, #tpu.memory_space<vmem>> -> memref<1x400x64xf32, #tpu.memory_space<vmem>>
        %gather3A_777 = tpu.memref_squeeze %gather3A_776 : memref<1x400x64xf32, #tpu.memory_space<vmem>> -> memref<400x64xf32, #tpu.memory_space<vmem>>
        %gather3A_778 = tpu.vector_load_idx %gather3A_777[%mul3A_50, %add3A_770] : memref<400x64xf32, #tpu.memory_space<vmem>>[vector<16xi32>, vector<16xi32>], vector<16xf32>,
        tpu.vector_store_idx %arg12[%mul3A_50, %add3A_773], %gather3A_778 : memref<64x800xf32, #tpu.memory_space<vmem>>[vector<16xi32>, vector<16xi32>], vector<16xf32>,
        %add3A_779 = vector.broadcast %mul3A_680 : i32 to vector<16xi32>
        %add3A_780 = arith.addi %add3A_176, %add3A_779 : vector<16xi32>
        %add3A_781 = vector.broadcast %add3A_683 : i32 to vector<16xi32>
        %add3A_782 = arith.addi %add3A_304, %add3A_781 : vector<16xi32>
        %add3A_783 = arith.constant 0 : i32
        %add3A_784 = vector.broadcast %add3A_783 : i32 to vector<16xi32>
        %add3A_785 = arith.addi %add3A_780, %add3A_784 : vector<16xi32>
        %add3A_786 = arith.constant 0 : i32
        %add3A_787 = vector.broadcast %add3A_786 : i32 to vector<16xi32>
        %add3A_788 = arith.addi %add3A_782, %add3A_787 : vector<16xi32>
        %gather3A_789 = arith.constant 0 : i32
        %gather3A_790 = arith.constant 0 : i32
        %gather3A_791 = tpu.memref_slice %arg11[%rem3A_597, %gather3A_789, %gather3A_790] : memref<2x400x64xf32, #tpu.memory_space<vmem>> -> memref<1x400x64xf32, #tpu.memory_space<vmem>>
        %gather3A_792 = tpu.memref_squeeze %gather3A_791 : memref<1x400x64xf32, #tpu.memory_space<vmem>> -> memref<400x64xf32, #tpu.memory_space<vmem>>
        %gather3A_793 = tpu.vector_load_idx %gather3A_792[%mul3A_50, %add3A_785] : memref<400x64xf32, #tpu.memory_space<vmem>>[vector<16xi32>, vector<16xi32>], vector<16xf32>,
        tpu.vector_store_idx %arg12[%mul3A_50, %add3A_788], %gather3A_793 : memref<64x800xf32, #tpu.memory_space<vmem>>[vector<16xi32>, vector<16xi32>], vector<16xf32>,
        %add3A_794 = arith.constant 16 : i32
        %add3A_795 = vector.broadcast %add3A_794 : i32 to vector<16xi32>
        %add3A_796 = arith.addi %add3A_780, %add3A_795 : vector<16xi32>
        %add3A_797 = arith.constant 12800 : i32
        %add3A_798 = vector.broadcast %add3A_797 : i32 to vector<16xi32>
        %add3A_799 = arith.addi %add3A_782, %add3A_798 : vector<16xi32>
        %gather3A_800 = arith.constant 0 : i32
        %gather3A_801 = arith.constant 0 : i32
        %gather3A_802 = tpu.memref_slice %arg11[%rem3A_597, %gather3A_800, %gather3A_801] : memref<2x400x64xf32, #tpu.memory_space<vmem>> -> memref<1x400x64xf32, #tpu.memory_space<vmem>>
        %gather3A_803 = tpu.memref_squeeze %gather3A_802 : memref<1x400x64xf32, #tpu.memory_space<vmem>> -> memref<400x64xf32, #tpu.memory_space<vmem>>
        %gather3A_804 = tpu.vector_load_idx %gather3A_803[%mul3A_50, %add3A_796] : memref<400x64xf32, #tpu.memory_space<vmem>>[vector<16xi32>, vector<16xi32>], vector<16xf32>,
        tpu.vector_store_idx %arg12[%mul3A_50, %add3A_799], %gather3A_804 : memref<64x800xf32, #tpu.memory_space<vmem>>[vector<16xi32>, vector<16xi32>], vector<16xf32>,
        %add3A_805 = arith.constant 32 : i32
        %add3A_806 = vector.broadcast %add3A_805 : i32 to vector<16xi32>
        %add3A_807 = arith.addi %add3A_780, %add3A_806 : vector<16xi32>
        %add3A_808 = arith.constant 25600 : i32
        %add3A_809 = vector.broadcast %add3A_808 : i32 to vector<16xi32>
        %add3A_810 = arith.addi %add3A_782, %add3A_809 : vector<16xi32>
        %gather3A_811 = arith.constant 0 : i32
        %gather3A_812 = arith.constant 0 : i32
        %gather3A_813 = tpu.memref_slice %arg11[%rem3A_597, %gather3A_811, %gather3A_812] : memref<2x400x64xf32, #tpu.memory_space<vmem>> -> memref<1x400x64xf32, #tpu.memory_space<vmem>>
        %gather3A_814 = tpu.memref_squeeze %gather3A_813 : memref<1x400x64xf32, #tpu.memory_space<vmem>> -> memref<400x64xf32, #tpu.memory_space<vmem>>
        %gather3A_815 = tpu.vector_load_idx %gather3A_814[%mul3A_50, %add3A_807] : memref<400x64xf32, #tpu.memory_space<vmem>>[vector<16xi32>, vector<16xi32>], vector<16xf32>,
        tpu.vector_store_idx %arg12[%mul3A_50, %add3A_810], %gather3A_815 : memref<64x800xf32, #tpu.memory_space<vmem>>[vector<16xi32>, vector<16xi32>], vector<16xf32>,
        %add3A_816 = arith.constant 48 : i32
        %add3A_817 = vector.broadcast %add3A_816 : i32 to vector<16xi32>
        %add3A_818 = arith.addi %add3A_780, %add3A_817 : vector<16xi32>
        %add3A_819 = arith.constant 38400 : i32
        %add3A_820 = vector.broadcast %add3A_819 : i32 to vector<16xi32>
        %add3A_821 = arith.addi %add3A_782, %add3A_820 : vector<16xi32>
        %gather3A_822 = arith.constant 0 : i32
        %gather3A_823 = arith.constant 0 : i32
        %gather3A_824 = tpu.memref_slice %arg11[%rem3A_597, %gather3A_822, %gather3A_823] : memref<2x400x64xf32, #tpu.memory_space<vmem>> -> memref<1x400x64xf32, #tpu.memory_space<vmem>>
        %gather3A_825 = tpu.memref_squeeze %gather3A_824 : memref<1x400x64xf32, #tpu.memory_space<vmem>> -> memref<400x64xf32, #tpu.memory_space<vmem>>
        %gather3A_826 = tpu.vector_load_idx %gather3A_825[%mul3A_50, %add3A_818] : memref<400x64xf32, #tpu.memory_space<vmem>>[vector<16xi32>, vector<16xi32>], vector<16xf32>,
        tpu.vector_store_idx %arg12[%mul3A_50, %add3A_821], %gather3A_826 : memref<64x800xf32, #tpu.memory_space<vmem>>[vector<16xi32>, vector<16xi32>], vector<16xf32>,
        %add3A_827 = vector.broadcast %mul3A_680 : i32 to vector<16xi32>
        %add3A_828 = arith.addi %add3A_184, %add3A_827 : vector<16xi32>
        %add3A_829 = vector.broadcast %add3A_683 : i32 to vector<16xi32>
        %add3A_830 = arith.addi %add3A_312, %add3A_829 : vector<16xi32>
        %add3A_831 = arith.constant 0 : i32
        %add3A_832 = vector.broadcast %add3A_831 : i32 to vector<16xi32>
        %add3A_833 = arith.addi %add3A_828, %add3A_832 : vector<16xi32>
        %add3A_834 = arith.constant 0 : i32
        %add3A_835 = vector.broadcast %add3A_834 : i32 to vector<16xi32>
        %add3A_836 = arith.addi %add3A_830, %add3A_835 : vector<16xi32>
        %gather3A_837 = arith.constant 0 : i32
        %gather3A_838 = arith.constant 0 : i32
        %gather3A_839 = tpu.memref_slice %arg11[%rem3A_597, %gather3A_837, %gather3A_838] : memref<2x400x64xf32, #tpu.memory_space<vmem>> -> memref<1x400x64xf32, #tpu.memory_space<vmem>>
        %gather3A_840 = tpu.memref_squeeze %gather3A_839 : memref<1x400x64xf32, #tpu.memory_space<vmem>> -> memref<400x64xf32, #tpu.memory_space<vmem>>
        %gather3A_841 = tpu.vector_load_idx %gather3A_840[%mul3A_50, %add3A_833] : memref<400x64xf32, #tpu.memory_space<vmem>>[vector<16xi32>, vector<16xi32>], vector<16xf32>,
        tpu.vector_store_idx %arg12[%mul3A_50, %add3A_836], %gather3A_841 : memref<64x800xf32, #tpu.memory_space<vmem>>[vector<16xi32>, vector<16xi32>], vector<16xf32>,
        %add3A_842 = arith.constant 16 : i32
        %add3A_843 = vector.broadcast %add3A_842 : i32 to vector<16xi32>
        %add3A_844 = arith.addi %add3A_828, %add3A_843 : vector<16xi32>
        %add3A_845 = arith.constant 12800 : i32
        %add3A_846 = vector.broadcast %add3A_845 : i32 to vector<16xi32>
        %add3A_847 = arith.addi %add3A_830, %add3A_846 : vector<16xi32>
        %gather3A_848 = arith.constant 0 : i32
        %gather3A_849 = arith.constant 0 : i32
        %gather3A_850 = tpu.memref_slice %arg11[%rem3A_597, %gather3A_848, %gather3A_849] : memref<2x400x64xf32, #tpu.memory_space<vmem>> -> memref<1x400x64xf32, #tpu.memory_space<vmem>>
        %gather3A_851 = tpu.memref_squeeze %gather3A_850 : memref<1x400x64xf32, #tpu.memory_space<vmem>> -> memref<400x64xf32, #tpu.memory_space<vmem>>
        %gather3A_852 = tpu.vector_load_idx %gather3A_851[%mul3A_50, %add3A_844] : memref<400x64xf32, #tpu.memory_space<vmem>>[vector<16xi32>, vector<16xi32>], vector<16xf32>,
        tpu.vector_store_idx %arg12[%mul3A_50, %add3A_847], %gather3A_852 : memref<64x800xf32, #tpu.memory_space<vmem>>[vector<16xi32>, vector<16xi32>], vector<16xf32>,
        %add3A_853 = arith.constant 32 : i32
        %add3A_854 = vector.broadcast %add3A_853 : i32 to vector<16xi32>
        %add3A_855 = arith.addi %add3A_828, %add3A_854 : vector<16xi32>
        %add3A_856 = arith.constant 25600 : i32
        %add3A_857 = vector.broadcast %add3A_856 : i32 to vector<16xi32>
        %add3A_858 = arith.addi %add3A_830, %add3A_857 : vector<16xi32>
        %gather3A_859 = arith.constant 0 : i32
        %gather3A_860 = arith.constant 0 : i32
        %gather3A_861 = tpu.memref_slice %arg11[%rem3A_597, %gather3A_859, %gather3A_860] : memref<2x400x64xf32, #tpu.memory_space<vmem>> -> memref<1x400x64xf32, #tpu.memory_space<vmem>>
        %gather3A_862 = tpu.memref_squeeze %gather3A_861 : memref<1x400x64xf32, #tpu.memory_space<vmem>> -> memref<400x64xf32, #tpu.memory_space<vmem>>
        %gather3A_863 = tpu.vector_load_idx %gather3A_862[%mul3A_50, %add3A_855] : memref<400x64xf32, #tpu.memory_space<vmem>>[vector<16xi32>, vector<16xi32>], vector<16xf32>,
        tpu.vector_store_idx %arg12[%mul3A_50, %add3A_858], %gather3A_863 : memref<64x800xf32, #tpu.memory_space<vmem>>[vector<16xi32>, vector<16xi32>], vector<16xf32>,
        %add3A_864 = arith.constant 48 : i32
        %add3A_865 = vector.broadcast %add3A_864 : i32 to vector<16xi32>
        %add3A_866 = arith.addi %add3A_828, %add3A_865 : vector<16xi32>
        %add3A_867 = arith.constant 38400 : i32
        %add3A_868 = vector.broadcast %add3A_867 : i32 to vector<16xi32>
        %add3A_869 = arith.addi %add3A_830, %add3A_868 : vector<16xi32>
        %gather3A_870 = arith.constant 0 : i32
        %gather3A_871 = arith.constant 0 : i32
        %gather3A_872 = tpu.memref_slice %arg11[%rem3A_597, %gather3A_870, %gather3A_871] : memref<2x400x64xf32, #tpu.memory_space<vmem>> -> memref<1x400x64xf32, #tpu.memory_space<vmem>>
        %gather3A_873 = tpu.memref_squeeze %gather3A_872 : memref<1x400x64xf32, #tpu.memory_space<vmem>> -> memref<400x64xf32, #tpu.memory_space<vmem>>
        %gather3A_874 = tpu.vector_load_idx %gather3A_873[%mul3A_50, %add3A_866] : memref<400x64xf32, #tpu.memory_space<vmem>>[vector<16xi32>, vector<16xi32>], vector<16xf32>,
        tpu.vector_store_idx %arg12[%mul3A_50, %add3A_869], %gather3A_874 : memref<64x800xf32, #tpu.memory_space<vmem>>[vector<16xi32>, vector<16xi32>], vector<16xf32>,
        %add3A_875 = vector.broadcast %mul3A_680 : i32 to vector<16xi32>
        %add3A_876 = arith.addi %add3A_192, %add3A_875 : vector<16xi32>
        %add3A_877 = vector.broadcast %add3A_683 : i32 to vector<16xi32>
        %add3A_878 = arith.addi %add3A_320, %add3A_877 : vector<16xi32>
        %add3A_879 = arith.constant 0 : i32
        %add3A_880 = vector.broadcast %add3A_879 : i32 to vector<16xi32>
        %add3A_881 = arith.addi %add3A_876, %add3A_880 : vector<16xi32>
        %add3A_882 = arith.constant 0 : i32
        %add3A_883 = vector.broadcast %add3A_882 : i32 to vector<16xi32>
        %add3A_884 = arith.addi %add3A_878, %add3A_883 : vector<16xi32>
        %gather3A_885 = arith.constant 0 : i32
        %gather3A_886 = arith.constant 0 : i32
        %gather3A_887 = tpu.memref_slice %arg11[%rem3A_597, %gather3A_885, %gather3A_886] : memref<2x400x64xf32, #tpu.memory_space<vmem>> -> memref<1x400x64xf32, #tpu.memory_space<vmem>>
        %gather3A_888 = tpu.memref_squeeze %gather3A_887 : memref<1x400x64xf32, #tpu.memory_space<vmem>> -> memref<400x64xf32, #tpu.memory_space<vmem>>
        %gather3A_889 = tpu.vector_load_idx %gather3A_888[%mul3A_50, %add3A_881] : memref<400x64xf32, #tpu.memory_space<vmem>>[vector<16xi32>, vector<16xi32>], vector<16xf32>,
        tpu.vector_store_idx %arg12[%mul3A_50, %add3A_884], %gather3A_889 : memref<64x800xf32, #tpu.memory_space<vmem>>[vector<16xi32>, vector<16xi32>], vector<16xf32>,
        %add3A_890 = arith.constant 16 : i32
        %add3A_891 = vector.broadcast %add3A_890 : i32 to vector<16xi32>
        %add3A_892 = arith.addi %add3A_876, %add3A_891 : vector<16xi32>
        %add3A_893 = arith.constant 12800 : i32
        %add3A_894 = vector.broadcast %add3A_893 : i32 to vector<16xi32>
        %add3A_895 = arith.addi %add3A_878, %add3A_894 : vector<16xi32>
        %gather3A_896 = arith.constant 0 : i32
        %gather3A_897 = arith.constant 0 : i32
        %gather3A_898 = tpu.memref_slice %arg11[%rem3A_597, %gather3A_896, %gather3A_897] : memref<2x400x64xf32, #tpu.memory_space<vmem>> -> memref<1x400x64xf32, #tpu.memory_space<vmem>>
        %gather3A_899 = tpu.memref_squeeze %gather3A_898 : memref<1x400x64xf32, #tpu.memory_space<vmem>> -> memref<400x64xf32, #tpu.memory_space<vmem>>
        %gather3A_900 = tpu.vector_load_idx %gather3A_899[%mul3A_50, %add3A_892] : memref<400x64xf32, #tpu.memory_space<vmem>>[vector<16xi32>, vector<16xi32>], vector<16xf32>,
        tpu.vector_store_idx %arg12[%mul3A_50, %add3A_895], %gather3A_900 : memref<64x800xf32, #tpu.memory_space<vmem>>[vector<16xi32>, vector<16xi32>], vector<16xf32>,
        %add3A_901 = arith.constant 32 : i32
        %add3A_902 = vector.broadcast %add3A_901 : i32 to vector<16xi32>
        %add3A_903 = arith.addi %add3A_876, %add3A_902 : vector<16xi32>
        %add3A_904 = arith.constant 25600 : i32
        %add3A_905 = vector.broadcast %add3A_904 : i32 to vector<16xi32>
        %add3A_906 = arith.addi %add3A_878, %add3A_905 : vector<16xi32>
        %gather3A_907 = arith.constant 0 : i32
        %gather3A_908 = arith.constant 0 : i32
        %gather3A_909 = tpu.memref_slice %arg11[%rem3A_597, %gather3A_907, %gather3A_908] : memref<2x400x64xf32, #tpu.memory_space<vmem>> -> memref<1x400x64xf32, #tpu.memory_space<vmem>>
        %gather3A_910 = tpu.memref_squeeze %gather3A_909 : memref<1x400x64xf32, #tpu.memory_space<vmem>> -> memref<400x64xf32, #tpu.memory_space<vmem>>
        %gather3A_911 = tpu.vector_load_idx %gather3A_910[%mul3A_50, %add3A_903] : memref<400x64xf32, #tpu.memory_space<vmem>>[vector<16xi32>, vector<16xi32>], vector<16xf32>,
        tpu.vector_store_idx %arg12[%mul3A_50, %add3A_906], %gather3A_911 : memref<64x800xf32, #tpu.memory_space<vmem>>[vector<16xi32>, vector<16xi32>], vector<16xf32>,
        %add3A_912 = arith.constant 48 : i32
        %add3A_913 = vector.broadcast %add3A_912 : i32 to vector<16xi32>
        %add3A_914 = arith.addi %add3A_876, %add3A_913 : vector<16xi32>
        %add3A_915 = arith.constant 38400 : i32
        %add3A_916 = vector.broadcast %add3A_915 : i32 to vector<16xi32>
        %add3A_917 = arith.addi %add3A_878, %add3A_916 : vector<16xi32>
        %gather3A_918 = arith.constant 0 : i32
        %gather3A_919 = arith.constant 0 : i32
        %gather3A_920 = tpu.memref_slice %arg11[%rem3A_597, %gather3A_918, %gather3A_919] : memref<2x400x64xf32, #tpu.memory_space<vmem>> -> memref<1x400x64xf32, #tpu.memory_space<vmem>>
        %gather3A_921 = tpu.memref_squeeze %gather3A_920 : memref<1x400x64xf32, #tpu.memory_space<vmem>> -> memref<400x64xf32, #tpu.memory_space<vmem>>
        %gather3A_922 = tpu.vector_load_idx %gather3A_921[%mul3A_50, %add3A_914] : memref<400x64xf32, #tpu.memory_space<vmem>>[vector<16xi32>, vector<16xi32>], vector<16xf32>,
        tpu.vector_store_idx %arg12[%mul3A_50, %add3A_917], %gather3A_922 : memref<64x800xf32, #tpu.memory_space<vmem>>[vector<16xi32>, vector<16xi32>], vector<16xf32>,
        %add3A_923 = vector.broadcast %mul3A_680 : i32 to vector<16xi32>
        %add3A_924 = arith.addi %add3A_200, %add3A_923 : vector<16xi32>
        %add3A_925 = vector.broadcast %add3A_683 : i32 to vector<16xi32>
        %add3A_926 = arith.addi %add3A_328, %add3A_925 : vector<16xi32>
        %add3A_927 = arith.constant 0 : i32
        %add3A_928 = vector.broadcast %add3A_927 : i32 to vector<16xi32>
        %add3A_929 = arith.addi %add3A_924, %add3A_928 : vector<16xi32>
        %add3A_930 = arith.constant 0 : i32
        %add3A_931 = vector.broadcast %add3A_930 : i32 to vector<16xi32>
        %add3A_932 = arith.addi %add3A_926, %add3A_931 : vector<16xi32>
        %gather3A_933 = arith.constant 0 : i32
        %gather3A_934 = arith.constant 0 : i32
        %gather3A_935 = tpu.memref_slice %arg11[%rem3A_597, %gather3A_933, %gather3A_934] : memref<2x400x64xf32, #tpu.memory_space<vmem>> -> memref<1x400x64xf32, #tpu.memory_space<vmem>>
        %gather3A_936 = tpu.memref_squeeze %gather3A_935 : memref<1x400x64xf32, #tpu.memory_space<vmem>> -> memref<400x64xf32, #tpu.memory_space<vmem>>
        %gather3A_937 = tpu.vector_load_idx %gather3A_936[%mul3A_50, %add3A_929] : memref<400x64xf32, #tpu.memory_space<vmem>>[vector<16xi32>, vector<16xi32>], vector<16xf32>,
        tpu.vector_store_idx %arg12[%mul3A_50, %add3A_932], %gather3A_937 : memref<64x800xf32, #tpu.memory_space<vmem>>[vector<16xi32>, vector<16xi32>], vector<16xf32>,
        %add3A_938 = arith.constant 16 : i32
        %add3A_939 = vector.broadcast %add3A_938 : i32 to vector<16xi32>
        %add3A_940 = arith.addi %add3A_924, %add3A_939 : vector<16xi32>
        %add3A_941 = arith.constant 12800 : i32
        %add3A_942 = vector.broadcast %add3A_941 : i32 to vector<16xi32>
        %add3A_943 = arith.addi %add3A_926, %add3A_942 : vector<16xi32>
        %gather3A_944 = arith.constant 0 : i32
        %gather3A_945 = arith.constant 0 : i32
        %gather3A_946 = tpu.memref_slice %arg11[%rem3A_597, %gather3A_944, %gather3A_945] : memref<2x400x64xf32, #tpu.memory_space<vmem>> -> memref<1x400x64xf32, #tpu.memory_space<vmem>>
        %gather3A_947 = tpu.memref_squeeze %gather3A_946 : memref<1x400x64xf32, #tpu.memory_space<vmem>> -> memref<400x64xf32, #tpu.memory_space<vmem>>
        %gather3A_948 = tpu.vector_load_idx %gather3A_947[%mul3A_50, %add3A_940] : memref<400x64xf32, #tpu.memory_space<vmem>>[vector<16xi32>, vector<16xi32>], vector<16xf32>,
        tpu.vector_store_idx %arg12[%mul3A_50, %add3A_943], %gather3A_948 : memref<64x800xf32, #tpu.memory_space<vmem>>[vector<16xi32>, vector<16xi32>], vector<16xf32>,
        %add3A_949 = arith.constant 32 : i32
        %add3A_950 = vector.broadcast %add3A_949 : i32 to vector<16xi32>
        %add3A_951 = arith.addi %add3A_924, %add3A_950 : vector<16xi32>
        %add3A_952 = arith.constant 25600 : i32
        %add3A_953 = vector.broadcast %add3A_952 : i32 to vector<16xi32>
        %add3A_954 = arith.addi %add3A_926, %add3A_953 : vector<16xi32>
        %gather3A_955 = arith.constant 0 : i32
        %gather3A_956 = arith.constant 0 : i32
        %gather3A_957 = tpu.memref_slice %arg11[%rem3A_597, %gather3A_955, %gather3A_956] : memref<2x400x64xf32, #tpu.memory_space<vmem>> -> memref<1x400x64xf32, #tpu.memory_space<vmem>>
        %gather3A_958 = tpu.memref_squeeze %gather3A_957 : memref<1x400x64xf32, #tpu.memory_space<vmem>> -> memref<400x64xf32, #tpu.memory_space<vmem>>
        %gather3A_959 = tpu.vector_load_idx %gather3A_958[%mul3A_50, %add3A_951] : memref<400x64xf32, #tpu.memory_space<vmem>>[vector<16xi32>, vector<16xi32>], vector<16xf32>,
        tpu.vector_store_idx %arg12[%mul3A_50, %add3A_954], %gather3A_959 : memref<64x800xf32, #tpu.memory_space<vmem>>[vector<16xi32>, vector<16xi32>], vector<16xf32>,
        %add3A_960 = arith.constant 48 : i32
        %add3A_961 = vector.broadcast %add3A_960 : i32 to vector<16xi32>
        %add3A_962 = arith.addi %add3A_924, %add3A_961 : vector<16xi32>
        %add3A_963 = arith.constant 38400 : i32
        %add3A_964 = vector.broadcast %add3A_963 : i32 to vector<16xi32>
        %add3A_965 = arith.addi %add3A_926, %add3A_964 : vector<16xi32>
        %gather3A_966 = arith.constant 0 : i32
        %gather3A_967 = arith.constant 0 : i32
        %gather3A_968 = tpu.memref_slice %arg11[%rem3A_597, %gather3A_966, %gather3A_967] : memref<2x400x64xf32, #tpu.memory_space<vmem>> -> memref<1x400x64xf32, #tpu.memory_space<vmem>>
        %gather3A_969 = tpu.memref_squeeze %gather3A_968 : memref<1x400x64xf32, #tpu.memory_space<vmem>> -> memref<400x64xf32, #tpu.memory_space<vmem>>
        %gather3A_970 = tpu.vector_load_idx %gather3A_969[%mul3A_50, %add3A_962] : memref<400x64xf32, #tpu.memory_space<vmem>>[vector<16xi32>, vector<16xi32>], vector<16xf32>,
        tpu.vector_store_idx %arg12[%mul3A_50, %add3A_965], %gather3A_970 : memref<64x800xf32, #tpu.memory_space<vmem>>[vector<16xi32>, vector<16xi32>], vector<16xf32>,
        %add3A_971 = vector.broadcast %mul3A_680 : i32 to vector<16xi32>
        %add3A_972 = arith.addi %add3A_208, %add3A_971 : vector<16xi32>
        %add3A_973 = vector.broadcast %add3A_683 : i32 to vector<16xi32>
        %add3A_974 = arith.addi %add3A_336, %add3A_973 : vector<16xi32>
        %add3A_975 = arith.constant 0 : i32
        %add3A_976 = vector.broadcast %add3A_975 : i32 to vector<16xi32>
        %add3A_977 = arith.addi %add3A_972, %add3A_976 : vector<16xi32>
        %add3A_978 = arith.constant 0 : i32
        %add3A_979 = vector.broadcast %add3A_978 : i32 to vector<16xi32>
        %add3A_980 = arith.addi %add3A_974, %add3A_979 : vector<16xi32>
        %gather3A_981 = arith.constant 0 : i32
        %gather3A_982 = arith.constant 0 : i32
        %gather3A_983 = tpu.memref_slice %arg11[%rem3A_597, %gather3A_981, %gather3A_982] : memref<2x400x64xf32, #tpu.memory_space<vmem>> -> memref<1x400x64xf32, #tpu.memory_space<vmem>>
        %gather3A_984 = tpu.memref_squeeze %gather3A_983 : memref<1x400x64xf32, #tpu.memory_space<vmem>> -> memref<400x64xf32, #tpu.memory_space<vmem>>
        %gather3A_985 = tpu.vector_load_idx %gather3A_984[%mul3A_50, %add3A_977] : memref<400x64xf32, #tpu.memory_space<vmem>>[vector<16xi32>, vector<16xi32>], vector<16xf32>,
        tpu.vector_store_idx %arg12[%mul3A_50, %add3A_980], %gather3A_985 : memref<64x800xf32, #tpu.memory_space<vmem>>[vector<16xi32>, vector<16xi32>], vector<16xf32>,
        %add3A_986 = arith.constant 16 : i32
        %add3A_987 = vector.broadcast %add3A_986 : i32 to vector<16xi32>
        %add3A_988 = arith.addi %add3A_972, %add3A_987 : vector<16xi32>
        %add3A_989 = arith.constant 12800 : i32
        %add3A_990 = vector.broadcast %add3A_989 : i32 to vector<16xi32>
        %add3A_991 = arith.addi %add3A_974, %add3A_990 : vector<16xi32>
        %gather3A_992 = arith.constant 0 : i32
        %gather3A_993 = arith.constant 0 : i32
        %gather3A_994 = tpu.memref_slice %arg11[%rem3A_597, %gather3A_992, %gather3A_993] : memref<2x400x64xf32, #tpu.memory_space<vmem>> -> memref<1x400x64xf32, #tpu.memory_space<vmem>>
        %gather3A_995 = tpu.memref_squeeze %gather3A_994 : memref<1x400x64xf32, #tpu.memory_space<vmem>> -> memref<400x64xf32, #tpu.memory_space<vmem>>
        %gather3A_996 = tpu.vector_load_idx %gather3A_995[%mul3A_50, %add3A_988] : memref<400x64xf32, #tpu.memory_space<vmem>>[vector<16xi32>, vector<16xi32>], vector<16xf32>,
        tpu.vector_store_idx %arg12[%mul3A_50, %add3A_991], %gather3A_996 : memref<64x800xf32, #tpu.memory_space<vmem>>[vector<16xi32>, vector<16xi32>], vector<16xf32>,
        %add3A_997 = arith.constant 32 : i32
        %add3A_998 = vector.broadcast %add3A_997 : i32 to vector<16xi32>
        %add3A_999 = arith.addi %add3A_972, %add3A_998 : vector<16xi32>
        %add3A_1000 = arith.constant 25600 : i32
        %add3A_1001 = vector.broadcast %add3A_1000 : i32 to vector<16xi32>
        %add3A_1002 = arith.addi %add3A_974, %add3A_1001 : vector<16xi32>
        %gather3A_1003 = arith.constant 0 : i32
        %gather3A_1004 = arith.constant 0 : i32
        %gather3A_1005 = tpu.memref_slice %arg11[%rem3A_597, %gather3A_1003, %gather3A_1004] : memref<2x400x64xf32, #tpu.memory_space<vmem>> -> memref<1x400x64xf32, #tpu.memory_space<vmem>>
        %gather3A_1006 = tpu.memref_squeeze %gather3A_1005 : memref<1x400x64xf32, #tpu.memory_space<vmem>> -> memref<400x64xf32, #tpu.memory_space<vmem>>
        %gather3A_1007 = tpu.vector_load_idx %gather3A_1006[%mul3A_50, %add3A_999] : memref<400x64xf32, #tpu.memory_space<vmem>>[vector<16xi32>, vector<16xi32>], vector<16xf32>,
        tpu.vector_store_idx %arg12[%mul3A_50, %add3A_1002], %gather3A_1007 : memref<64x800xf32, #tpu.memory_space<vmem>>[vector<16xi32>, vector<16xi32>], vector<16xf32>,
        %add3A_1008 = arith.constant 48 : i32
        %add3A_1009 = vector.broadcast %add3A_1008 : i32 to vector<16xi32>
        %add3A_1010 = arith.addi %add3A_972, %add3A_1009 : vector<16xi32>
        %add3A_1011 = arith.constant 38400 : i32
        %add3A_1012 = vector.broadcast %add3A_1011 : i32 to vector<16xi32>
        %add3A_1013 = arith.addi %add3A_974, %add3A_1012 : vector<16xi32>
        %gather3A_1014 = arith.constant 0 : i32
        %gather3A_1015 = arith.constant 0 : i32
        %gather3A_1016 = tpu.memref_slice %arg11[%rem3A_597, %gather3A_1014, %gather3A_1015] : memref<2x400x64xf32, #tpu.memory_space<vmem>> -> memref<1x400x64xf32, #tpu.memory_space<vmem>>
        %gather3A_1017 = tpu.memref_squeeze %gather3A_1016 : memref<1x400x64xf32, #tpu.memory_space<vmem>> -> memref<400x64xf32, #tpu.memory_space<vmem>>
        %gather3A_1018 = tpu.vector_load_idx %gather3A_1017[%mul3A_50, %add3A_1010] : memref<400x64xf32, #tpu.memory_space<vmem>>[vector<16xi32>, vector<16xi32>], vector<16xf32>,
        tpu.vector_store_idx %arg12[%mul3A_50, %add3A_1013], %gather3A_1018 : memref<64x800xf32, #tpu.memory_space<vmem>>[vector<16xi32>, vector<16xi32>], vector<16xf32>,
        %add3A_1019 = vector.broadcast %mul3A_680 : i32 to vector<16xi32>
        %add3A_1020 = arith.addi %add3A_216, %add3A_1019 : vector<16xi32>
        %add3A_1021 = vector.broadcast %add3A_683 : i32 to vector<16xi32>
        %add3A_1022 = arith.addi %add3A_344, %add3A_1021 : vector<16xi32>
        %add3A_1023 = arith.constant 0 : i32
        %add3A_1024 = vector.broadcast %add3A_1023 : i32 to vector<16xi32>
        %add3A_1025 = arith.addi %add3A_1020, %add3A_1024 : vector<16xi32>
        %add3A_1026 = arith.constant 0 : i32
        %add3A_1027 = vector.broadcast %add3A_1026 : i32 to vector<16xi32>
        %add3A_1028 = arith.addi %add3A_1022, %add3A_1027 : vector<16xi32>
        %gather3A_1029 = arith.constant 0 : i32
        %gather3A_1030 = arith.constant 0 : i32
        %gather3A_1031 = tpu.memref_slice %arg11[%rem3A_597, %gather3A_1029, %gather3A_1030] : memref<2x400x64xf32, #tpu.memory_space<vmem>> -> memref<1x400x64xf32, #tpu.memory_space<vmem>>
        %gather3A_1032 = tpu.memref_squeeze %gather3A_1031 : memref<1x400x64xf32, #tpu.memory_space<vmem>> -> memref<400x64xf32, #tpu.memory_space<vmem>>
        %gather3A_1033 = tpu.vector_load_idx %gather3A_1032[%mul3A_50, %add3A_1025] : memref<400x64xf32, #tpu.memory_space<vmem>>[vector<16xi32>, vector<16xi32>], vector<16xf32>,
        tpu.vector_store_idx %arg12[%mul3A_50, %add3A_1028], %gather3A_1033 : memref<64x800xf32, #tpu.memory_space<vmem>>[vector<16xi32>, vector<16xi32>], vector<16xf32>,
        %add3A_1034 = arith.constant 16 : i32
        %add3A_1035 = vector.broadcast %add3A_1034 : i32 to vector<16xi32>
        %add3A_1036 = arith.addi %add3A_1020, %add3A_1035 : vector<16xi32>
        %add3A_1037 = arith.constant 12800 : i32
        %add3A_1038 = vector.broadcast %add3A_1037 : i32 to vector<16xi32>
        %add3A_1039 = arith.addi %add3A_1022, %add3A_1038 : vector<16xi32>
        %gather3A_1040 = arith.constant 0 : i32
        %gather3A_1041 = arith.constant 0 : i32
        %gather3A_1042 = tpu.memref_slice %arg11[%rem3A_597, %gather3A_1040, %gather3A_1041] : memref<2x400x64xf32, #tpu.memory_space<vmem>> -> memref<1x400x64xf32, #tpu.memory_space<vmem>>
        %gather3A_1043 = tpu.memref_squeeze %gather3A_1042 : memref<1x400x64xf32, #tpu.memory_space<vmem>> -> memref<400x64xf32, #tpu.memory_space<vmem>>
        %gather3A_1044 = tpu.vector_load_idx %gather3A_1043[%mul3A_50, %add3A_1036] : memref<400x64xf32, #tpu.memory_space<vmem>>[vector<16xi32>, vector<16xi32>], vector<16xf32>,
        tpu.vector_store_idx %arg12[%mul3A_50, %add3A_1039], %gather3A_1044 : memref<64x800xf32, #tpu.memory_space<vmem>>[vector<16xi32>, vector<16xi32>], vector<16xf32>,
        %add3A_1045 = arith.constant 32 : i32
        %add3A_1046 = vector.broadcast %add3A_1045 : i32 to vector<16xi32>
        %add3A_1047 = arith.addi %add3A_1020, %add3A_1046 : vector<16xi32>
        %add3A_1048 = arith.constant 25600 : i32
        %add3A_1049 = vector.broadcast %add3A_1048 : i32 to vector<16xi32>
        %add3A_1050 = arith.addi %add3A_1022, %add3A_1049 : vector<16xi32>
        %gather3A_1051 = arith.constant 0 : i32
        %gather3A_1052 = arith.constant 0 : i32
        %gather3A_1053 = tpu.memref_slice %arg11[%rem3A_597, %gather3A_1051, %gather3A_1052] : memref<2x400x64xf32, #tpu.memory_space<vmem>> -> memref<1x400x64xf32, #tpu.memory_space<vmem>>
        %gather3A_1054 = tpu.memref_squeeze %gather3A_1053 : memref<1x400x64xf32, #tpu.memory_space<vmem>> -> memref<400x64xf32, #tpu.memory_space<vmem>>
        %gather3A_1055 = tpu.vector_load_idx %gather3A_1054[%mul3A_50, %add3A_1047] : memref<400x64xf32, #tpu.memory_space<vmem>>[vector<16xi32>, vector<16xi32>], vector<16xf32>,
        tpu.vector_store_idx %arg12[%mul3A_50, %add3A_1050], %gather3A_1055 : memref<64x800xf32, #tpu.memory_space<vmem>>[vector<16xi32>, vector<16xi32>], vector<16xf32>,
        %add3A_1056 = arith.constant 48 : i32
        %add3A_1057 = vector.broadcast %add3A_1056 : i32 to vector<16xi32>
        %add3A_1058 = arith.addi %add3A_1020, %add3A_1057 : vector<16xi32>
        %add3A_1059 = arith.constant 38400 : i32
        %add3A_1060 = vector.broadcast %add3A_1059 : i32 to vector<16xi32>
        %add3A_1061 = arith.addi %add3A_1022, %add3A_1060 : vector<16xi32>
        %gather3A_1062 = arith.constant 0 : i32
        %gather3A_1063 = arith.constant 0 : i32
        %gather3A_1064 = tpu.memref_slice %arg11[%rem3A_597, %gather3A_1062, %gather3A_1063] : memref<2x400x64xf32, #tpu.memory_space<vmem>> -> memref<1x400x64xf32, #tpu.memory_space<vmem>>
        %gather3A_1065 = tpu.memref_squeeze %gather3A_1064 : memref<1x400x64xf32, #tpu.memory_space<vmem>> -> memref<400x64xf32, #tpu.memory_space<vmem>>
        %gather3A_1066 = tpu.vector_load_idx %gather3A_1065[%mul3A_50, %add3A_1058] : memref<400x64xf32, #tpu.memory_space<vmem>>[vector<16xi32>, vector<16xi32>], vector<16xf32>,
        tpu.vector_store_idx %arg12[%mul3A_50, %add3A_1061], %gather3A_1066 : memref<64x800xf32, #tpu.memory_space<vmem>>[vector<16xi32>, vector<16xi32>], vector<16xf32>,
        %add3A_1067 = vector.broadcast %mul3A_680 : i32 to vector<16xi32>
        %add3A_1068 = arith.addi %add3A_224, %add3A_1067 : vector<16xi32>
        %add3A_1069 = vector.broadcast %add3A_683 : i32 to vector<16xi32>
        %add3A_1070 = arith.addi %add3A_352, %add3A_1069 : vector<16xi32>
        %add3A_1071 = arith.constant 0 : i32
        %add3A_1072 = vector.broadcast %add3A_1071 : i32 to vector<16xi32>
        %add3A_1073 = arith.addi %add3A_1068, %add3A_1072 : vector<16xi32>
        %add3A_1074 = arith.constant 0 : i32
        %add3A_1075 = vector.broadcast %add3A_1074 : i32 to vector<16xi32>
        %add3A_1076 = arith.addi %add3A_1070, %add3A_1075 : vector<16xi32>
        %gather3A_1077 = arith.constant 0 : i32
        %gather3A_1078 = arith.constant 0 : i32
        %gather3A_1079 = tpu.memref_slice %arg11[%rem3A_597, %gather3A_1077, %gather3A_1078] : memref<2x400x64xf32, #tpu.memory_space<vmem>> -> memref<1x400x64xf32, #tpu.memory_space<vmem>>
        %gather3A_1080 = tpu.memref_squeeze %gather3A_1079 : memref<1x400x64xf32, #tpu.memory_space<vmem>> -> memref<400x64xf32, #tpu.memory_space<vmem>>
        %gather3A_1081 = tpu.vector_load_idx %gather3A_1080[%mul3A_50, %add3A_1073] : memref<400x64xf32, #tpu.memory_space<vmem>>[vector<16xi32>, vector<16xi32>], vector<16xf32>,
        tpu.vector_store_idx %arg12[%mul3A_50, %add3A_1076], %gather3A_1081 : memref<64x800xf32, #tpu.memory_space<vmem>>[vector<16xi32>, vector<16xi32>], vector<16xf32>,
        %add3A_1082 = arith.constant 16 : i32
        %add3A_1083 = vector.broadcast %add3A_1082 : i32 to vector<16xi32>
        %add3A_1084 = arith.addi %add3A_1068, %add3A_1083 : vector<16xi32>
        %add3A_1085 = arith.constant 12800 : i32
        %add3A_1086 = vector.broadcast %add3A_1085 : i32 to vector<16xi32>
        %add3A_1087 = arith.addi %add3A_1070, %add3A_1086 : vector<16xi32>
        %gather3A_1088 = arith.constant 0 : i32
        %gather3A_1089 = arith.constant 0 : i32
        %gather3A_1090 = tpu.memref_slice %arg11[%rem3A_597, %gather3A_1088, %gather3A_1089] : memref<2x400x64xf32, #tpu.memory_space<vmem>> -> memref<1x400x64xf32, #tpu.memory_space<vmem>>
        %gather3A_1091 = tpu.memref_squeeze %gather3A_1090 : memref<1x400x64xf32, #tpu.memory_space<vmem>> -> memref<400x64xf32, #tpu.memory_space<vmem>>
        %gather3A_1092 = tpu.vector_load_idx %gather3A_1091[%mul3A_50, %add3A_1084] : memref<400x64xf32, #tpu.memory_space<vmem>>[vector<16xi32>, vector<16xi32>], vector<16xf32>,
        tpu.vector_store_idx %arg12[%mul3A_50, %add3A_1087], %gather3A_1092 : memref<64x800xf32, #tpu.memory_space<vmem>>[vector<16xi32>, vector<16xi32>], vector<16xf32>,
        %add3A_1093 = arith.constant 32 : i32
        %add3A_1094 = vector.broadcast %add3A_1093 : i32 to vector<16xi32>
        %add3A_1095 = arith.addi %add3A_1068, %add3A_1094 : vector<16xi32>
        %add3A_1096 = arith.constant 25600 : i32
        %add3A_1097 = vector.broadcast %add3A_1096 : i32 to vector<16xi32>
        %add3A_1098 = arith.addi %add3A_1070, %add3A_1097 : vector<16xi32>
        %gather3A_1099 = arith.constant 0 : i32
        %gather3A_1100 = arith.constant 0 : i32
        %gather3A_1101 = tpu.memref_slice %arg11[%rem3A_597, %gather3A_1099, %gather3A_1100] : memref<2x400x64xf32, #tpu.memory_space<vmem>> -> memref<1x400x64xf32, #tpu.memory_space<vmem>>
        %gather3A_1102 = tpu.memref_squeeze %gather3A_1101 : memref<1x400x64xf32, #tpu.memory_space<vmem>> -> memref<400x64xf32, #tpu.memory_space<vmem>>
        %gather3A_1103 = tpu.vector_load_idx %gather3A_1102[%mul3A_50, %add3A_1095] : memref<400x64xf32, #tpu.memory_space<vmem>>[vector<16xi32>, vector<16xi32>], vector<16xf32>,
        tpu.vector_store_idx %arg12[%mul3A_50, %add3A_1098], %gather3A_1103 : memref<64x800xf32, #tpu.memory_space<vmem>>[vector<16xi32>, vector<16xi32>], vector<16xf32>,
        %add3A_1104 = arith.constant 48 : i32
        %add3A_1105 = vector.broadcast %add3A_1104 : i32 to vector<16xi32>
        %add3A_1106 = arith.addi %add3A_1068, %add3A_1105 : vector<16xi32>
        %add3A_1107 = arith.constant 38400 : i32
        %add3A_1108 = vector.broadcast %add3A_1107 : i32 to vector<16xi32>
        %add3A_1109 = arith.addi %add3A_1070, %add3A_1108 : vector<16xi32>
        %gather3A_1110 = arith.constant 0 : i32
        %gather3A_1111 = arith.constant 0 : i32
        %gather3A_1112 = tpu.memref_slice %arg11[%rem3A_597, %gather3A_1110, %gather3A_1111] : memref<2x400x64xf32, #tpu.memory_space<vmem>> -> memref<1x400x64xf32, #tpu.memory_space<vmem>>
        %gather3A_1113 = tpu.memref_squeeze %gather3A_1112 : memref<1x400x64xf32, #tpu.memory_space<vmem>> -> memref<400x64xf32, #tpu.memory_space<vmem>>
        %gather3A_1114 = tpu.vector_load_idx %gather3A_1113[%mul3A_50, %add3A_1106] : memref<400x64xf32, #tpu.memory_space<vmem>>[vector<16xi32>, vector<16xi32>], vector<16xf32>,
        tpu.vector_store_idx %arg12[%mul3A_50, %add3A_1109], %gather3A_1114 : memref<64x800xf32, #tpu.memory_space<vmem>>[vector<16xi32>, vector<16xi32>], vector<16xf32>,
        %add3A_1115 = vector.broadcast %mul3A_680 : i32 to vector<16xi32>
        %add3A_1116 = arith.addi %add3A_232, %add3A_1115 : vector<16xi32>
        %add3A_1117 = vector.broadcast %add3A_683 : i32 to vector<16xi32>
        %add3A_1118 = arith.addi %add3A_360, %add3A_1117 : vector<16xi32>
        %add3A_1119 = arith.constant 0 : i32
        %add3A_1120 = vector.broadcast %add3A_1119 : i32 to vector<16xi32>
        %add3A_1121 = arith.addi %add3A_1116, %add3A_1120 : vector<16xi32>
        %add3A_1122 = arith.constant 0 : i32
        %add3A_1123 = vector.broadcast %add3A_1122 : i32 to vector<16xi32>
        %add3A_1124 = arith.addi %add3A_1118, %add3A_1123 : vector<16xi32>
        %gather3A_1125 = arith.constant 0 : i32
        %gather3A_1126 = arith.constant 0 : i32
        %gather3A_1127 = tpu.memref_slice %arg11[%rem3A_597, %gather3A_1125, %gather3A_1126] : memref<2x400x64xf32, #tpu.memory_space<vmem>> -> memref<1x400x64xf32, #tpu.memory_space<vmem>>
        %gather3A_1128 = tpu.memref_squeeze %gather3A_1127 : memref<1x400x64xf32, #tpu.memory_space<vmem>> -> memref<400x64xf32, #tpu.memory_space<vmem>>
        %gather3A_1129 = tpu.vector_load_idx %gather3A_1128[%mul3A_50, %add3A_1121] : memref<400x64xf32, #tpu.memory_space<vmem>>[vector<16xi32>, vector<16xi32>], vector<16xf32>,
        tpu.vector_store_idx %arg12[%mul3A_50, %add3A_1124], %gather3A_1129 : memref<64x800xf32, #tpu.memory_space<vmem>>[vector<16xi32>, vector<16xi32>], vector<16xf32>,
        %add3A_1130 = arith.constant 16 : i32
        %add3A_1131 = vector.broadcast %add3A_1130 : i32 to vector<16xi32>
        %add3A_1132 = arith.addi %add3A_1116, %add3A_1131 : vector<16xi32>
        %add3A_1133 = arith.constant 12800 : i32
        %add3A_1134 = vector.broadcast %add3A_1133 : i32 to vector<16xi32>
        %add3A_1135 = arith.addi %add3A_1118, %add3A_1134 : vector<16xi32>
        %gather3A_1136 = arith.constant 0 : i32
        %gather3A_1137 = arith.constant 0 : i32
        %gather3A_1138 = tpu.memref_slice %arg11[%rem3A_597, %gather3A_1136, %gather3A_1137] : memref<2x400x64xf32, #tpu.memory_space<vmem>> -> memref<1x400x64xf32, #tpu.memory_space<vmem>>
        %gather3A_1139 = tpu.memref_squeeze %gather3A_1138 : memref<1x400x64xf32, #tpu.memory_space<vmem>> -> memref<400x64xf32, #tpu.memory_space<vmem>>
        %gather3A_1140 = tpu.vector_load_idx %gather3A_1139[%mul3A_50, %add3A_1132] : memref<400x64xf32, #tpu.memory_space<vmem>>[vector<16xi32>, vector<16xi32>], vector<16xf32>,
        tpu.vector_store_idx %arg12[%mul3A_50, %add3A_1135], %gather3A_1140 : memref<64x800xf32, #tpu.memory_space<vmem>>[vector<16xi32>, vector<16xi32>], vector<16xf32>,
        %add3A_1141 = arith.constant 32 : i32
        %add3A_1142 = vector.broadcast %add3A_1141 : i32 to vector<16xi32>
        %add3A_1143 = arith.addi %add3A_1116, %add3A_1142 : vector<16xi32>
        %add3A_1144 = arith.constant 25600 : i32
        %add3A_1145 = vector.broadcast %add3A_1144 : i32 to vector<16xi32>
        %add3A_1146 = arith.addi %add3A_1118, %add3A_1145 : vector<16xi32>
        %gather3A_1147 = arith.constant 0 : i32
        %gather3A_1148 = arith.constant 0 : i32
        %gather3A_1149 = tpu.memref_slice %arg11[%rem3A_597, %gather3A_1147, %gather3A_1148] : memref<2x400x64xf32, #tpu.memory_space<vmem>> -> memref<1x400x64xf32, #tpu.memory_space<vmem>>
        %gather3A_1150 = tpu.memref_squeeze %gather3A_1149 : memref<1x400x64xf32, #tpu.memory_space<vmem>> -> memref<400x64xf32, #tpu.memory_space<vmem>>
        %gather3A_1151 = tpu.vector_load_idx %gather3A_1150[%mul3A_50, %add3A_1143] : memref<400x64xf32, #tpu.memory_space<vmem>>[vector<16xi32>, vector<16xi32>], vector<16xf32>,
        tpu.vector_store_idx %arg12[%mul3A_50, %add3A_1146], %gather3A_1151 : memref<64x800xf32, #tpu.memory_space<vmem>>[vector<16xi32>, vector<16xi32>], vector<16xf32>,
        %add3A_1152 = arith.constant 48 : i32
        %add3A_1153 = vector.broadcast %add3A_1152 : i32 to vector<16xi32>
        %add3A_1154 = arith.addi %add3A_1116, %add3A_1153 : vector<16xi32>
        %add3A_1155 = arith.constant 38400 : i32
        %add3A_1156 = vector.broadcast %add3A_1155 : i32 to vector<16xi32>
        %add3A_1157 = arith.addi %add3A_1118, %add3A_1156 : vector<16xi32>
        %gather3A_1158 = arith.constant 0 : i32
        %gather3A_1159 = arith.constant 0 : i32
        %gather3A_1160 = tpu.memref_slice %arg11[%rem3A_597, %gather3A_1158, %gather3A_1159] : memref<2x400x64xf32, #tpu.memory_space<vmem>> -> memref<1x400x64xf32, #tpu.memory_space<vmem>>
        %gather3A_1161 = tpu.memref_squeeze %gather3A_1160 : memref<1x400x64xf32, #tpu.memory_space<vmem>> -> memref<400x64xf32, #tpu.memory_space<vmem>>
        %gather3A_1162 = tpu.vector_load_idx %gather3A_1161[%mul3A_50, %add3A_1154] : memref<400x64xf32, #tpu.memory_space<vmem>>[vector<16xi32>, vector<16xi32>], vector<16xf32>,
        tpu.vector_store_idx %arg12[%mul3A_50, %add3A_1157], %gather3A_1162 : memref<64x800xf32, #tpu.memory_space<vmem>>[vector<16xi32>, vector<16xi32>], vector<16xf32>,
        %add3A_1163 = vector.broadcast %mul3A_680 : i32 to vector<16xi32>
        %add3A_1164 = arith.addi %add3A_240, %add3A_1163 : vector<16xi32>
        %add3A_1165 = vector.broadcast %add3A_683 : i32 to vector<16xi32>
        %add3A_1166 = arith.addi %add3A_368, %add3A_1165 : vector<16xi32>
        %add3A_1167 = arith.constant 0 : i32
        %add3A_1168 = vector.broadcast %add3A_1167 : i32 to vector<16xi32>
        %add3A_1169 = arith.addi %add3A_1164, %add3A_1168 : vector<16xi32>
        %add3A_1170 = arith.constant 0 : i32
        %add3A_1171 = vector.broadcast %add3A_1170 : i32 to vector<16xi32>
        %add3A_1172 = arith.addi %add3A_1166, %add3A_1171 : vector<16xi32>
        %gather3A_1173 = arith.constant 0 : i32
        %gather3A_1174 = arith.constant 0 : i32
        %gather3A_1175 = tpu.memref_slice %arg11[%rem3A_597, %gather3A_1173, %gather3A_1174] : memref<2x400x64xf32, #tpu.memory_space<vmem>> -> memref<1x400x64xf32, #tpu.memory_space<vmem>>
        %gather3A_1176 = tpu.memref_squeeze %gather3A_1175 : memref<1x400x64xf32, #tpu.memory_space<vmem>> -> memref<400x64xf32, #tpu.memory_space<vmem>>
        %gather3A_1177 = tpu.vector_load_idx %gather3A_1176[%mul3A_50, %add3A_1169] : memref<400x64xf32, #tpu.memory_space<vmem>>[vector<16xi32>, vector<16xi32>], vector<16xf32>,
        tpu.vector_store_idx %arg12[%mul3A_50, %add3A_1172], %gather3A_1177 : memref<64x800xf32, #tpu.memory_space<vmem>>[vector<16xi32>, vector<16xi32>], vector<16xf32>,
        %add3A_1178 = arith.constant 16 : i32
        %add3A_1179 = vector.broadcast %add3A_1178 : i32 to vector<16xi32>
        %add3A_1180 = arith.addi %add3A_1164, %add3A_1179 : vector<16xi32>
        %add3A_1181 = arith.constant 12800 : i32
        %add3A_1182 = vector.broadcast %add3A_1181 : i32 to vector<16xi32>
        %add3A_1183 = arith.addi %add3A_1166, %add3A_1182 : vector<16xi32>
        %gather3A_1184 = arith.constant 0 : i32
        %gather3A_1185 = arith.constant 0 : i32
        %gather3A_1186 = tpu.memref_slice %arg11[%rem3A_597, %gather3A_1184, %gather3A_1185] : memref<2x400x64xf32, #tpu.memory_space<vmem>> -> memref<1x400x64xf32, #tpu.memory_space<vmem>>
        %gather3A_1187 = tpu.memref_squeeze %gather3A_1186 : memref<1x400x64xf32, #tpu.memory_space<vmem>> -> memref<400x64xf32, #tpu.memory_space<vmem>>
        %gather3A_1188 = tpu.vector_load_idx %gather3A_1187[%mul3A_50, %add3A_1180] : memref<400x64xf32, #tpu.memory_space<vmem>>[vector<16xi32>, vector<16xi32>], vector<16xf32>,
        tpu.vector_store_idx %arg12[%mul3A_50, %add3A_1183], %gather3A_1188 : memref<64x800xf32, #tpu.memory_space<vmem>>[vector<16xi32>, vector<16xi32>], vector<16xf32>,
        %add3A_1189 = arith.constant 32 : i32
        %add3A_1190 = vector.broadcast %add3A_1189 : i32 to vector<16xi32>
        %add3A_1191 = arith.addi %add3A_1164, %add3A_1190 : vector<16xi32>
        %add3A_1192 = arith.constant 25600 : i32
        %add3A_1193 = vector.broadcast %add3A_1192 : i32 to vector<16xi32>
        %add3A_1194 = arith.addi %add3A_1166, %add3A_1193 : vector<16xi32>
        %gather3A_1195 = arith.constant 0 : i32
        %gather3A_1196 = arith.constant 0 : i32
        %gather3A_1197 = tpu.memref_slice %arg11[%rem3A_597, %gather3A_1195, %gather3A_1196] : memref<2x400x64xf32, #tpu.memory_space<vmem>> -> memref<1x400x64xf32, #tpu.memory_space<vmem>>
        %gather3A_1198 = tpu.memref_squeeze %gather3A_1197 : memref<1x400x64xf32, #tpu.memory_space<vmem>> -> memref<400x64xf32, #tpu.memory_space<vmem>>
        %gather3A_1199 = tpu.vector_load_idx %gather3A_1198[%mul3A_50, %add3A_1191] : memref<400x64xf32, #tpu.memory_space<vmem>>[vector<16xi32>, vector<16xi32>], vector<16xf32>,
        tpu.vector_store_idx %arg12[%mul3A_50, %add3A_1194], %gather3A_1199 : memref<64x800xf32, #tpu.memory_space<vmem>>[vector<16xi32>, vector<16xi32>], vector<16xf32>,
        %add3A_1200 = arith.constant 48 : i32
        %add3A_1201 = vector.broadcast %add3A_1200 : i32 to vector<16xi32>
        %add3A_1202 = arith.addi %add3A_1164, %add3A_1201 : vector<16xi32>
        %add3A_1203 = arith.constant 38400 : i32
        %add3A_1204 = vector.broadcast %add3A_1203 : i32 to vector<16xi32>
        %add3A_1205 = arith.addi %add3A_1166, %add3A_1204 : vector<16xi32>
        %gather3A_1206 = arith.constant 0 : i32
        %gather3A_1207 = arith.constant 0 : i32
        %gather3A_1208 = tpu.memref_slice %arg11[%rem3A_597, %gather3A_1206, %gather3A_1207] : memref<2x400x64xf32, #tpu.memory_space<vmem>> -> memref<1x400x64xf32, #tpu.memory_space<vmem>>
        %gather3A_1209 = tpu.memref_squeeze %gather3A_1208 : memref<1x400x64xf32, #tpu.memory_space<vmem>> -> memref<400x64xf32, #tpu.memory_space<vmem>>
        %gather3A_1210 = tpu.vector_load_idx %gather3A_1209[%mul3A_50, %add3A_1202] : memref<400x64xf32, #tpu.memory_space<vmem>>[vector<16xi32>, vector<16xi32>], vector<16xf32>,
        tpu.vector_store_idx %arg12[%mul3A_50, %add3A_1205], %gather3A_1210 : memref<64x800xf32, #tpu.memory_space<vmem>>[vector<16xi32>, vector<16xi32>], vector<16xf32>,
        %add3A_1211 = vector.broadcast %mul3A_680 : i32 to vector<16xi32>
        %add3A_1212 = arith.addi %add3A_248, %add3A_1211 : vector<16xi32>
        %add3A_1213 = vector.broadcast %add3A_683 : i32 to vector<16xi32>
        %add3A_1214 = arith.addi %add3A_376, %add3A_1213 : vector<16xi32>
        %add3A_1215 = arith.constant 0 : i32
        %add3A_1216 = vector.broadcast %add3A_1215 : i32 to vector<16xi32>
        %add3A_1217 = arith.addi %add3A_1212, %add3A_1216 : vector<16xi32>
        %add3A_1218 = arith.constant 0 : i32
        %add3A_1219 = vector.broadcast %add3A_1218 : i32 to vector<16xi32>
        %add3A_1220 = arith.addi %add3A_1214, %add3A_1219 : vector<16xi32>
        %gather3A_1221 = arith.constant 0 : i32
        %gather3A_1222 = arith.constant 0 : i32
        %gather3A_1223 = tpu.memref_slice %arg11[%rem3A_597, %gather3A_1221, %gather3A_1222] : memref<2x400x64xf32, #tpu.memory_space<vmem>> -> memref<1x400x64xf32, #tpu.memory_space<vmem>>
        %gather3A_1224 = tpu.memref_squeeze %gather3A_1223 : memref<1x400x64xf32, #tpu.memory_space<vmem>> -> memref<400x64xf32, #tpu.memory_space<vmem>>
        %gather3A_1225 = tpu.vector_load_idx %gather3A_1224[%mul3A_50, %add3A_1217] : memref<400x64xf32, #tpu.memory_space<vmem>>[vector<16xi32>, vector<16xi32>], vector<16xf32>,
        tpu.vector_store_idx %arg12[%mul3A_50, %add3A_1220], %gather3A_1225 : memref<64x800xf32, #tpu.memory_space<vmem>>[vector<16xi32>, vector<16xi32>], vector<16xf32>,
        %add3A_1226 = arith.constant 16 : i32
        %add3A_1227 = vector.broadcast %add3A_1226 : i32 to vector<16xi32>
        %add3A_1228 = arith.addi %add3A_1212, %add3A_1227 : vector<16xi32>
        %add3A_1229 = arith.constant 12800 : i32
        %add3A_1230 = vector.broadcast %add3A_1229 : i32 to vector<16xi32>
        %add3A_1231 = arith.addi %add3A_1214, %add3A_1230 : vector<16xi32>
        %gather3A_1232 = arith.constant 0 : i32
        %gather3A_1233 = arith.constant 0 : i32
        %gather3A_1234 = tpu.memref_slice %arg11[%rem3A_597, %gather3A_1232, %gather3A_1233] : memref<2x400x64xf32, #tpu.memory_space<vmem>> -> memref<1x400x64xf32, #tpu.memory_space<vmem>>
        %gather3A_1235 = tpu.memref_squeeze %gather3A_1234 : memref<1x400x64xf32, #tpu.memory_space<vmem>> -> memref<400x64xf32, #tpu.memory_space<vmem>>
        %gather3A_1236 = tpu.vector_load_idx %gather3A_1235[%mul3A_50, %add3A_1228] : memref<400x64xf32, #tpu.memory_space<vmem>>[vector<16xi32>, vector<16xi32>], vector<16xf32>,
        tpu.vector_store_idx %arg12[%mul3A_50, %add3A_1231], %gather3A_1236 : memref<64x800xf32, #tpu.memory_space<vmem>>[vector<16xi32>, vector<16xi32>], vector<16xf32>,
        %add3A_1237 = arith.constant 32 : i32
        %add3A_1238 = vector.broadcast %add3A_1237 : i32 to vector<16xi32>
        %add3A_1239 = arith.addi %add3A_1212, %add3A_1238 : vector<16xi32>
        %add3A_1240 = arith.constant 25600 : i32
        %add3A_1241 = vector.broadcast %add3A_1240 : i32 to vector<16xi32>
        %add3A_1242 = arith.addi %add3A_1214, %add3A_1241 : vector<16xi32>
        %gather3A_1243 = arith.constant 0 : i32
        %gather3A_1244 = arith.constant 0 : i32
        %gather3A_1245 = tpu.memref_slice %arg11[%rem3A_597, %gather3A_1243, %gather3A_1244] : memref<2x400x64xf32, #tpu.memory_space<vmem>> -> memref<1x400x64xf32, #tpu.memory_space<vmem>>
        %gather3A_1246 = tpu.memref_squeeze %gather3A_1245 : memref<1x400x64xf32, #tpu.memory_space<vmem>> -> memref<400x64xf32, #tpu.memory_space<vmem>>
        %gather3A_1247 = tpu.vector_load_idx %gather3A_1246[%mul3A_50, %add3A_1239] : memref<400x64xf32, #tpu.memory_space<vmem>>[vector<16xi32>, vector<16xi32>], vector<16xf32>,
        tpu.vector_store_idx %arg12[%mul3A_50, %add3A_1242], %gather3A_1247 : memref<64x800xf32, #tpu.memory_space<vmem>>[vector<16xi32>, vector<16xi32>], vector<16xf32>,
        %add3A_1248 = arith.constant 48 : i32
        %add3A_1249 = vector.broadcast %add3A_1248 : i32 to vector<16xi32>
        %add3A_1250 = arith.addi %add3A_1212, %add3A_1249 : vector<16xi32>
        %add3A_1251 = arith.constant 38400 : i32
        %add3A_1252 = vector.broadcast %add3A_1251 : i32 to vector<16xi32>
        %add3A_1253 = arith.addi %add3A_1214, %add3A_1252 : vector<16xi32>
        %gather3A_1254 = arith.constant 0 : i32
        %gather3A_1255 = arith.constant 0 : i32
        %gather3A_1256 = tpu.memref_slice %arg11[%rem3A_597, %gather3A_1254, %gather3A_1255] : memref<2x400x64xf32, #tpu.memory_space<vmem>> -> memref<1x400x64xf32, #tpu.memory_space<vmem>>
        %gather3A_1257 = tpu.memref_squeeze %gather3A_1256 : memref<1x400x64xf32, #tpu.memory_space<vmem>> -> memref<400x64xf32, #tpu.memory_space<vmem>>
        %gather3A_1258 = tpu.vector_load_idx %gather3A_1257[%mul3A_50, %add3A_1250] : memref<400x64xf32, #tpu.memory_space<vmem>>[vector<16xi32>, vector<16xi32>], vector<16xf32>,
        tpu.vector_store_idx %arg12[%mul3A_50, %add3A_1253], %gather3A_1258 : memref<64x800xf32, #tpu.memory_space<vmem>>[vector<16xi32>, vector<16xi32>], vector<16xf32>,
        %add3A_1259 = vector.broadcast %mul3A_680 : i32 to vector<16xi32>
        %add3A_1260 = arith.addi %add3A_256, %add3A_1259 : vector<16xi32>
        %add3A_1261 = vector.broadcast %add3A_683 : i32 to vector<16xi32>
        %add3A_1262 = arith.addi %add3A_384, %add3A_1261 : vector<16xi32>
        %add3A_1263 = arith.constant 0 : i32
        %add3A_1264 = vector.broadcast %add3A_1263 : i32 to vector<16xi32>
        %add3A_1265 = arith.addi %add3A_1260, %add3A_1264 : vector<16xi32>
        %add3A_1266 = arith.constant 0 : i32
        %add3A_1267 = vector.broadcast %add3A_1266 : i32 to vector<16xi32>
        %add3A_1268 = arith.addi %add3A_1262, %add3A_1267 : vector<16xi32>
        %gather3A_1269 = arith.constant 0 : i32
        %gather3A_1270 = arith.constant 0 : i32
        %gather3A_1271 = tpu.memref_slice %arg11[%rem3A_597, %gather3A_1269, %gather3A_1270] : memref<2x400x64xf32, #tpu.memory_space<vmem>> -> memref<1x400x64xf32, #tpu.memory_space<vmem>>
        %gather3A_1272 = tpu.memref_squeeze %gather3A_1271 : memref<1x400x64xf32, #tpu.memory_space<vmem>> -> memref<400x64xf32, #tpu.memory_space<vmem>>
        %gather3A_1273 = tpu.vector_load_idx %gather3A_1272[%mul3A_50, %add3A_1265] : memref<400x64xf32, #tpu.memory_space<vmem>>[vector<16xi32>, vector<16xi32>], vector<16xf32>,
        tpu.vector_store_idx %arg12[%mul3A_50, %add3A_1268], %gather3A_1273 : memref<64x800xf32, #tpu.memory_space<vmem>>[vector<16xi32>, vector<16xi32>], vector<16xf32>,
        %add3A_1274 = arith.constant 16 : i32
        %add3A_1275 = vector.broadcast %add3A_1274 : i32 to vector<16xi32>
        %add3A_1276 = arith.addi %add3A_1260, %add3A_1275 : vector<16xi32>
        %add3A_1277 = arith.constant 12800 : i32
        %add3A_1278 = vector.broadcast %add3A_1277 : i32 to vector<16xi32>
        %add3A_1279 = arith.addi %add3A_1262, %add3A_1278 : vector<16xi32>
        %gather3A_1280 = arith.constant 0 : i32
        %gather3A_1281 = arith.constant 0 : i32
        %gather3A_1282 = tpu.memref_slice %arg11[%rem3A_597, %gather3A_1280, %gather3A_1281] : memref<2x400x64xf32, #tpu.memory_space<vmem>> -> memref<1x400x64xf32, #tpu.memory_space<vmem>>
        %gather3A_1283 = tpu.memref_squeeze %gather3A_1282 : memref<1x400x64xf32, #tpu.memory_space<vmem>> -> memref<400x64xf32, #tpu.memory_space<vmem>>
        %gather3A_1284 = tpu.vector_load_idx %gather3A_1283[%mul3A_50, %add3A_1276] : memref<400x64xf32, #tpu.memory_space<vmem>>[vector<16xi32>, vector<16xi32>], vector<16xf32>,
        tpu.vector_store_idx %arg12[%mul3A_50, %add3A_1279], %gather3A_1284 : memref<64x800xf32, #tpu.memory_space<vmem>>[vector<16xi32>, vector<16xi32>], vector<16xf32>,
        %add3A_1285 = arith.constant 32 : i32
        %add3A_1286 = vector.broadcast %add3A_1285 : i32 to vector<16xi32>
        %add3A_1287 = arith.addi %add3A_1260, %add3A_1286 : vector<16xi32>
        %add3A_1288 = arith.constant 25600 : i32
        %add3A_1289 = vector.broadcast %add3A_1288 : i32 to vector<16xi32>
        %add3A_1290 = arith.addi %add3A_1262, %add3A_1289 : vector<16xi32>
        %gather3A_1291 = arith.constant 0 : i32
        %gather3A_1292 = arith.constant 0 : i32
        %gather3A_1293 = tpu.memref_slice %arg11[%rem3A_597, %gather3A_1291, %gather3A_1292] : memref<2x400x64xf32, #tpu.memory_space<vmem>> -> memref<1x400x64xf32, #tpu.memory_space<vmem>>
        %gather3A_1294 = tpu.memref_squeeze %gather3A_1293 : memref<1x400x64xf32, #tpu.memory_space<vmem>> -> memref<400x64xf32, #tpu.memory_space<vmem>>
        %gather3A_1295 = tpu.vector_load_idx %gather3A_1294[%mul3A_50, %add3A_1287] : memref<400x64xf32, #tpu.memory_space<vmem>>[vector<16xi32>, vector<16xi32>], vector<16xf32>,
        tpu.vector_store_idx %arg12[%mul3A_50, %add3A_1290], %gather3A_1295 : memref<64x800xf32, #tpu.memory_space<vmem>>[vector<16xi32>, vector<16xi32>], vector<16xf32>,
        %add3A_1296 = arith.constant 48 : i32
        %add3A_1297 = vector.broadcast %add3A_1296 : i32 to vector<16xi32>
        %add3A_1298 = arith.addi %add3A_1260, %add3A_1297 : vector<16xi32>
        %add3A_1299 = arith.constant 38400 : i32
        %add3A_1300 = vector.broadcast %add3A_1299 : i32 to vector<16xi32>
        %add3A_1301 = arith.addi %add3A_1262, %add3A_1300 : vector<16xi32>
        %gather3A_1302 = arith.constant 0 : i32
        %gather3A_1303 = arith.constant 0 : i32
        %gather3A_1304 = tpu.memref_slice %arg11[%rem3A_597, %gather3A_1302, %gather3A_1303] : memref<2x400x64xf32, #tpu.memory_space<vmem>> -> memref<1x400x64xf32, #tpu.memory_space<vmem>>
        %gather3A_1305 = tpu.memref_squeeze %gather3A_1304 : memref<1x400x64xf32, #tpu.memory_space<vmem>> -> memref<400x64xf32, #tpu.memory_space<vmem>>
        %gather3A_1306 = tpu.vector_load_idx %gather3A_1305[%mul3A_50, %add3A_1298] : memref<400x64xf32, #tpu.memory_space<vmem>>[vector<16xi32>, vector<16xi32>], vector<16xf32>,
        tpu.vector_store_idx %arg12[%mul3A_50, %add3A_1301], %gather3A_1306 : memref<64x800xf32, #tpu.memory_space<vmem>>[vector<16xi32>, vector<16xi32>], vector<16xf32>,
        %add3A_1307 = vector.broadcast %mul3A_680 : i32 to vector<16xi32>
        %add3A_1308 = arith.addi %add3A_264, %add3A_1307 : vector<16xi32>
        %add3A_1309 = vector.broadcast %add3A_683 : i32 to vector<16xi32>
        %add3A_1310 = arith.addi %add3A_392, %add3A_1309 : vector<16xi32>
        %add3A_1311 = arith.constant 0 : i32
        %add3A_1312 = vector.broadcast %add3A_1311 : i32 to vector<16xi32>
        %add3A_1313 = arith.addi %add3A_1308, %add3A_1312 : vector<16xi32>
        %add3A_1314 = arith.constant 0 : i32
        %add3A_1315 = vector.broadcast %add3A_1314 : i32 to vector<16xi32>
        %add3A_1316 = arith.addi %add3A_1310, %add3A_1315 : vector<16xi32>
        %gather3A_1317 = arith.constant 0 : i32
        %gather3A_1318 = arith.constant 0 : i32
        %gather3A_1319 = tpu.memref_slice %arg11[%rem3A_597, %gather3A_1317, %gather3A_1318] : memref<2x400x64xf32, #tpu.memory_space<vmem>> -> memref<1x400x64xf32, #tpu.memory_space<vmem>>
        %gather3A_1320 = tpu.memref_squeeze %gather3A_1319 : memref<1x400x64xf32, #tpu.memory_space<vmem>> -> memref<400x64xf32, #tpu.memory_space<vmem>>
        %gather3A_1321 = tpu.vector_load_idx %gather3A_1320[%mul3A_50, %add3A_1313] : memref<400x64xf32, #tpu.memory_space<vmem>>[vector<16xi32>, vector<16xi32>], vector<16xf32>,
        tpu.vector_store_idx %arg12[%mul3A_50, %add3A_1316], %gather3A_1321 : memref<64x800xf32, #tpu.memory_space<vmem>>[vector<16xi32>, vector<16xi32>], vector<16xf32>,
        %add3A_1322 = arith.constant 16 : i32
        %add3A_1323 = vector.broadcast %add3A_1322 : i32 to vector<16xi32>
        %add3A_1324 = arith.addi %add3A_1308, %add3A_1323 : vector<16xi32>
        %add3A_1325 = arith.constant 12800 : i32
        %add3A_1326 = vector.broadcast %add3A_1325 : i32 to vector<16xi32>
        %add3A_1327 = arith.addi %add3A_1310, %add3A_1326 : vector<16xi32>
        %gather3A_1328 = arith.constant 0 : i32
        %gather3A_1329 = arith.constant 0 : i32
        %gather3A_1330 = tpu.memref_slice %arg11[%rem3A_597, %gather3A_1328, %gather3A_1329] : memref<2x400x64xf32, #tpu.memory_space<vmem>> -> memref<1x400x64xf32, #tpu.memory_space<vmem>>
        %gather3A_1331 = tpu.memref_squeeze %gather3A_1330 : memref<1x400x64xf32, #tpu.memory_space<vmem>> -> memref<400x64xf32, #tpu.memory_space<vmem>>
        %gather3A_1332 = tpu.vector_load_idx %gather3A_1331[%mul3A_50, %add3A_1324] : memref<400x64xf32, #tpu.memory_space<vmem>>[vector<16xi32>, vector<16xi32>], vector<16xf32>,
        tpu.vector_store_idx %arg12[%mul3A_50, %add3A_1327], %gather3A_1332 : memref<64x800xf32, #tpu.memory_space<vmem>>[vector<16xi32>, vector<16xi32>], vector<16xf32>,
        %add3A_1333 = arith.constant 32 : i32
        %add3A_1334 = vector.broadcast %add3A_1333 : i32 to vector<16xi32>
        %add3A_1335 = arith.addi %add3A_1308, %add3A_1334 : vector<16xi32>
        %add3A_1336 = arith.constant 25600 : i32
        %add3A_1337 = vector.broadcast %add3A_1336 : i32 to vector<16xi32>
        %add3A_1338 = arith.addi %add3A_1310, %add3A_1337 : vector<16xi32>
        %gather3A_1339 = arith.constant 0 : i32
        %gather3A_1340 = arith.constant 0 : i32
        %gather3A_1341 = tpu.memref_slice %arg11[%rem3A_597, %gather3A_1339, %gather3A_1340] : memref<2x400x64xf32, #tpu.memory_space<vmem>> -> memref<1x400x64xf32, #tpu.memory_space<vmem>>
        %gather3A_1342 = tpu.memref_squeeze %gather3A_1341 : memref<1x400x64xf32, #tpu.memory_space<vmem>> -> memref<400x64xf32, #tpu.memory_space<vmem>>
        %gather3A_1343 = tpu.vector_load_idx %gather3A_1342[%mul3A_50, %add3A_1335] : memref<400x64xf32, #tpu.memory_space<vmem>>[vector<16xi32>, vector<16xi32>], vector<16xf32>,
        tpu.vector_store_idx %arg12[%mul3A_50, %add3A_1338], %gather3A_1343 : memref<64x800xf32, #tpu.memory_space<vmem>>[vector<16xi32>, vector<16xi32>], vector<16xf32>,
        %add3A_1344 = arith.constant 48 : i32
        %add3A_1345 = vector.broadcast %add3A_1344 : i32 to vector<16xi32>
        %add3A_1346 = arith.addi %add3A_1308, %add3A_1345 : vector<16xi32>
        %add3A_1347 = arith.constant 38400 : i32
        %add3A_1348 = vector.broadcast %add3A_1347 : i32 to vector<16xi32>
        %add3A_1349 = arith.addi %add3A_1310, %add3A_1348 : vector<16xi32>
        %gather3A_1350 = arith.constant 0 : i32
        %gather3A_1351 = arith.constant 0 : i32
        %gather3A_1352 = tpu.memref_slice %arg11[%rem3A_597, %gather3A_1350, %gather3A_1351] : memref<2x400x64xf32, #tpu.memory_space<vmem>> -> memref<1x400x64xf32, #tpu.memory_space<vmem>>
        %gather3A_1353 = tpu.memref_squeeze %gather3A_1352 : memref<1x400x64xf32, #tpu.memory_space<vmem>> -> memref<400x64xf32, #tpu.memory_space<vmem>>
        %gather3A_1354 = tpu.vector_load_idx %gather3A_1353[%mul3A_50, %add3A_1346] : memref<400x64xf32, #tpu.memory_space<vmem>>[vector<16xi32>, vector<16xi32>], vector<16xf32>,
        tpu.vector_store_idx %arg12[%mul3A_50, %add3A_1349], %gather3A_1354 : memref<64x800xf32, #tpu.memory_space<vmem>>[vector<16xi32>, vector<16xi32>], vector<16xf32>,
        %add3A_1355 = vector.broadcast %mul3A_680 : i32 to vector<16xi32>
        %add3A_1356 = arith.addi %add3A_272, %add3A_1355 : vector<16xi32>
        %add3A_1357 = vector.broadcast %add3A_683 : i32 to vector<16xi32>
        %add3A_1358 = arith.addi %add3A_400, %add3A_1357 : vector<16xi32>
        %add3A_1359 = arith.constant 0 : i32
        %add3A_1360 = vector.broadcast %add3A_1359 : i32 to vector<16xi32>
        %add3A_1361 = arith.addi %add3A_1356, %add3A_1360 : vector<16xi32>
        %add3A_1362 = arith.constant 0 : i32
        %add3A_1363 = vector.broadcast %add3A_1362 : i32 to vector<16xi32>
        %add3A_1364 = arith.addi %add3A_1358, %add3A_1363 : vector<16xi32>
        %gather3A_1365 = arith.constant 0 : i32
        %gather3A_1366 = arith.constant 0 : i32
        %gather3A_1367 = tpu.memref_slice %arg11[%rem3A_597, %gather3A_1365, %gather3A_1366] : memref<2x400x64xf32, #tpu.memory_space<vmem>> -> memref<1x400x64xf32, #tpu.memory_space<vmem>>
        %gather3A_1368 = tpu.memref_squeeze %gather3A_1367 : memref<1x400x64xf32, #tpu.memory_space<vmem>> -> memref<400x64xf32, #tpu.memory_space<vmem>>
        %gather3A_1369 = tpu.vector_load_idx %gather3A_1368[%mul3A_50, %add3A_1361] : memref<400x64xf32, #tpu.memory_space<vmem>>[vector<16xi32>, vector<16xi32>], vector<16xf32>,
        tpu.vector_store_idx %arg12[%mul3A_50, %add3A_1364], %gather3A_1369 : memref<64x800xf32, #tpu.memory_space<vmem>>[vector<16xi32>, vector<16xi32>], vector<16xf32>,
        %add3A_1370 = arith.constant 16 : i32
        %add3A_1371 = vector.broadcast %add3A_1370 : i32 to vector<16xi32>
        %add3A_1372 = arith.addi %add3A_1356, %add3A_1371 : vector<16xi32>
        %add3A_1373 = arith.constant 12800 : i32
        %add3A_1374 = vector.broadcast %add3A_1373 : i32 to vector<16xi32>
        %add3A_1375 = arith.addi %add3A_1358, %add3A_1374 : vector<16xi32>
        %gather3A_1376 = arith.constant 0 : i32
        %gather3A_1377 = arith.constant 0 : i32
        %gather3A_1378 = tpu.memref_slice %arg11[%rem3A_597, %gather3A_1376, %gather3A_1377] : memref<2x400x64xf32, #tpu.memory_space<vmem>> -> memref<1x400x64xf32, #tpu.memory_space<vmem>>
        %gather3A_1379 = tpu.memref_squeeze %gather3A_1378 : memref<1x400x64xf32, #tpu.memory_space<vmem>> -> memref<400x64xf32, #tpu.memory_space<vmem>>
        %gather3A_1380 = tpu.vector_load_idx %gather3A_1379[%mul3A_50, %add3A_1372] : memref<400x64xf32, #tpu.memory_space<vmem>>[vector<16xi32>, vector<16xi32>], vector<16xf32>,
        tpu.vector_store_idx %arg12[%mul3A_50, %add3A_1375], %gather3A_1380 : memref<64x800xf32, #tpu.memory_space<vmem>>[vector<16xi32>, vector<16xi32>], vector<16xf32>,
        %add3A_1381 = arith.constant 32 : i32
        %add3A_1382 = vector.broadcast %add3A_1381 : i32 to vector<16xi32>
        %add3A_1383 = arith.addi %add3A_1356, %add3A_1382 : vector<16xi32>
        %add3A_1384 = arith.constant 25600 : i32
        %add3A_1385 = vector.broadcast %add3A_1384 : i32 to vector<16xi32>
        %add3A_1386 = arith.addi %add3A_1358, %add3A_1385 : vector<16xi32>
        %gather3A_1387 = arith.constant 0 : i32
        %gather3A_1388 = arith.constant 0 : i32
        %gather3A_1389 = tpu.memref_slice %arg11[%rem3A_597, %gather3A_1387, %gather3A_1388] : memref<2x400x64xf32, #tpu.memory_space<vmem>> -> memref<1x400x64xf32, #tpu.memory_space<vmem>>
        %gather3A_1390 = tpu.memref_squeeze %gather3A_1389 : memref<1x400x64xf32, #tpu.memory_space<vmem>> -> memref<400x64xf32, #tpu.memory_space<vmem>>
        %gather3A_1391 = tpu.vector_load_idx %gather3A_1390[%mul3A_50, %add3A_1383] : memref<400x64xf32, #tpu.memory_space<vmem>>[vector<16xi32>, vector<16xi32>], vector<16xf32>,
        tpu.vector_store_idx %arg12[%mul3A_50, %add3A_1386], %gather3A_1391 : memref<64x800xf32, #tpu.memory_space<vmem>>[vector<16xi32>, vector<16xi32>], vector<16xf32>,
        %add3A_1392 = arith.constant 48 : i32
        %add3A_1393 = vector.broadcast %add3A_1392 : i32 to vector<16xi32>
        %add3A_1394 = arith.addi %add3A_1356, %add3A_1393 : vector<16xi32>
        %add3A_1395 = arith.constant 38400 : i32
        %add3A_1396 = vector.broadcast %add3A_1395 : i32 to vector<16xi32>
        %add3A_1397 = arith.addi %add3A_1358, %add3A_1396 : vector<16xi32>
        %gather3A_1398 = arith.constant 0 : i32
        %gather3A_1399 = arith.constant 0 : i32
        %gather3A_1400 = tpu.memref_slice %arg11[%rem3A_597, %gather3A_1398, %gather3A_1399] : memref<2x400x64xf32, #tpu.memory_space<vmem>> -> memref<1x400x64xf32, #tpu.memory_space<vmem>>
        %gather3A_1401 = tpu.memref_squeeze %gather3A_1400 : memref<1x400x64xf32, #tpu.memory_space<vmem>> -> memref<400x64xf32, #tpu.memory_space<vmem>>
        %gather3A_1402 = tpu.vector_load_idx %gather3A_1401[%mul3A_50, %add3A_1394] : memref<400x64xf32, #tpu.memory_space<vmem>>[vector<16xi32>, vector<16xi32>], vector<16xf32>,
        tpu.vector_store_idx %arg12[%mul3A_50, %add3A_1397], %gather3A_1402 : memref<64x800xf32, #tpu.memory_space<vmem>>[vector<16xi32>, vector<16xi32>], vector<16xf32>,
        %add3A_1403 = vector.broadcast %mul3A_680 : i32 to vector<16xi32>
        %add3A_1404 = arith.addi %add3A_280, %add3A_1403 : vector<16xi32>
        %add3A_1405 = vector.broadcast %add3A_683 : i32 to vector<16xi32>
        %add3A_1406 = arith.addi %add3A_408, %add3A_1405 : vector<16xi32>
        %add3A_1407 = arith.constant 0 : i32
        %add3A_1408 = vector.broadcast %add3A_1407 : i32 to vector<16xi32>
        %add3A_1409 = arith.addi %add3A_1404, %add3A_1408 : vector<16xi32>
        %add3A_1410 = arith.constant 0 : i32
        %add3A_1411 = vector.broadcast %add3A_1410 : i32 to vector<16xi32>
        %add3A_1412 = arith.addi %add3A_1406, %add3A_1411 : vector<16xi32>
        %gather3A_1413 = arith.constant 0 : i32
        %gather3A_1414 = arith.constant 0 : i32
        %gather3A_1415 = tpu.memref_slice %arg11[%rem3A_597, %gather3A_1413, %gather3A_1414] : memref<2x400x64xf32, #tpu.memory_space<vmem>> -> memref<1x400x64xf32, #tpu.memory_space<vmem>>
        %gather3A_1416 = tpu.memref_squeeze %gather3A_1415 : memref<1x400x64xf32, #tpu.memory_space<vmem>> -> memref<400x64xf32, #tpu.memory_space<vmem>>
        %gather3A_1417 = tpu.vector_load_idx %gather3A_1416[%mul3A_50, %add3A_1409] : memref<400x64xf32, #tpu.memory_space<vmem>>[vector<16xi32>, vector<16xi32>], vector<16xf32>,
        tpu.vector_store_idx %arg12[%mul3A_50, %add3A_1412], %gather3A_1417 : memref<64x800xf32, #tpu.memory_space<vmem>>[vector<16xi32>, vector<16xi32>], vector<16xf32>,
        %add3A_1418 = arith.constant 16 : i32
        %add3A_1419 = vector.broadcast %add3A_1418 : i32 to vector<16xi32>
        %add3A_1420 = arith.addi %add3A_1404, %add3A_1419 : vector<16xi32>
        %add3A_1421 = arith.constant 12800 : i32
        %add3A_1422 = vector.broadcast %add3A_1421 : i32 to vector<16xi32>
        %add3A_1423 = arith.addi %add3A_1406, %add3A_1422 : vector<16xi32>
        %gather3A_1424 = arith.constant 0 : i32
        %gather3A_1425 = arith.constant 0 : i32
        %gather3A_1426 = tpu.memref_slice %arg11[%rem3A_597, %gather3A_1424, %gather3A_1425] : memref<2x400x64xf32, #tpu.memory_space<vmem>> -> memref<1x400x64xf32, #tpu.memory_space<vmem>>
        %gather3A_1427 = tpu.memref_squeeze %gather3A_1426 : memref<1x400x64xf32, #tpu.memory_space<vmem>> -> memref<400x64xf32, #tpu.memory_space<vmem>>
        %gather3A_1428 = tpu.vector_load_idx %gather3A_1427[%mul3A_50, %add3A_1420] : memref<400x64xf32, #tpu.memory_space<vmem>>[vector<16xi32>, vector<16xi32>], vector<16xf32>,
        tpu.vector_store_idx %arg12[%mul3A_50, %add3A_1423], %gather3A_1428 : memref<64x800xf32, #tpu.memory_space<vmem>>[vector<16xi32>, vector<16xi32>], vector<16xf32>,
        %add3A_1429 = arith.constant 32 : i32
        %add3A_1430 = vector.broadcast %add3A_1429 : i32 to vector<16xi32>
        %add3A_1431 = arith.addi %add3A_1404, %add3A_1430 : vector<16xi32>
        %add3A_1432 = arith.constant 25600 : i32
        %add3A_1433 = vector.broadcast %add3A_1432 : i32 to vector<16xi32>
        %add3A_1434 = arith.addi %add3A_1406, %add3A_1433 : vector<16xi32>
        %gather3A_1435 = arith.constant 0 : i32
        %gather3A_1436 = arith.constant 0 : i32
        %gather3A_1437 = tpu.memref_slice %arg11[%rem3A_597, %gather3A_1435, %gather3A_1436] : memref<2x400x64xf32, #tpu.memory_space<vmem>> -> memref<1x400x64xf32, #tpu.memory_space<vmem>>
        %gather3A_1438 = tpu.memref_squeeze %gather3A_1437 : memref<1x400x64xf32, #tpu.memory_space<vmem>> -> memref<400x64xf32, #tpu.memory_space<vmem>>
        %gather3A_1439 = tpu.vector_load_idx %gather3A_1438[%mul3A_50, %add3A_1431] : memref<400x64xf32, #tpu.memory_space<vmem>>[vector<16xi32>, vector<16xi32>], vector<16xf32>,
        tpu.vector_store_idx %arg12[%mul3A_50, %add3A_1434], %gather3A_1439 : memref<64x800xf32, #tpu.memory_space<vmem>>[vector<16xi32>, vector<16xi32>], vector<16xf32>,
        %add3A_1440 = arith.constant 48 : i32
        %add3A_1441 = vector.broadcast %add3A_1440 : i32 to vector<16xi32>
        %add3A_1442 = arith.addi %add3A_1404, %add3A_1441 : vector<16xi32>
        %add3A_1443 = arith.constant 38400 : i32
        %add3A_1444 = vector.broadcast %add3A_1443 : i32 to vector<16xi32>
        %add3A_1445 = arith.addi %add3A_1406, %add3A_1444 : vector<16xi32>
        %gather3A_1446 = arith.constant 0 : i32
        %gather3A_1447 = arith.constant 0 : i32
        %gather3A_1448 = tpu.memref_slice %arg11[%rem3A_597, %gather3A_1446, %gather3A_1447] : memref<2x400x64xf32, #tpu.memory_space<vmem>> -> memref<1x400x64xf32, #tpu.memory_space<vmem>>
        %gather3A_1449 = tpu.memref_squeeze %gather3A_1448 : memref<1x400x64xf32, #tpu.memory_space<vmem>> -> memref<400x64xf32, #tpu.memory_space<vmem>>
        %gather3A_1450 = tpu.vector_load_idx %gather3A_1449[%mul3A_50, %add3A_1442] : memref<400x64xf32, #tpu.memory_space<vmem>>[vector<16xi32>, vector<16xi32>], vector<16xf32>,
        tpu.vector_store_idx %arg12[%mul3A_50, %add3A_1445], %gather3A_1450 : memref<64x800xf32, #tpu.memory_space<vmem>>[vector<16xi32>, vector<16xi32>], vector<16xf32>,
        %scan3A_1451 = arith.constant 0 : i32
        scf.yield %scan3A_1451 : i32
      }
      %scan3A_669 = arith.constant 25 : i32
      %rem3A_670 = arith.constant 2 : i32
      %rem3A_671 = arith.remsi %scan3A_594, %rem3A_670 : i32
      %eq3A = arith.constant 1 : i32
      %eq3A_672 = arith.cmpi eq, %rem3A_671, %eq3A : i32
      %convert_element_type3A_673 = arith.extui %eq3A_672 : i1 to i32
      %cond3A_674 = arith.constant 0 : i32
      %cond3A_675 = arith.cmpi ne, %convert_element_type3A_673, %cond3A_674 : i32
      scf.if %cond3A_675 {
        %jit3A_677 = arith.constant 2 : i32
        %div3A_678 = arith.divsi %scan3A_594, %jit3A_677 : i32
        %sign3A_679 = arith.constant 0 : i32
        %sign3A_680 = arith.cmpi sgt, %scan3A_594, %sign3A_679 : i32
        %sign3A_681 = arith.extui %sign3A_680 : i1 to i32
        %sign3A_682 = arith.constant 0 : i32
        %sign3A_683 = arith.cmpi slt, %scan3A_594, %sign3A_682 : i32
        %sign3A_684 = arith.extui %sign3A_683 : i1 to i32
        %sign3A_685 = arith.subi %sign3A_681, %sign3A_684 : i32
        %sign3A_686 = arith.constant 0 : i32
        %sign3A_687 = arith.cmpi sgt, %jit3A_677, %sign3A_686 : i32
        %sign3A_688 = arith.extui %sign3A_687 : i1 to i32
        %sign3A_689 = arith.constant 0 : i32
        %sign3A_690 = arith.cmpi slt, %jit3A_677, %sign3A_689 : i32
        %sign3A_691 = arith.extui %sign3A_690 : i1 to i32
        %sign3A_692 = arith.subi %sign3A_688, %sign3A_691 : i32
        %ne3A_693 = arith.cmpi ne, %sign3A_685, %sign3A_692 : i32
        %rem3A_694 = arith.remsi %scan3A_594, %jit3A_677 : i32
        %ne3A_695 = arith.constant 0 : i32
        %ne3A_696 = arith.cmpi ne, %rem3A_694, %ne3A_695 : i32
        %and3A_697 = arith.andi %ne3A_693, %ne3A_696 : i1
        %sub3A_698 = arith.constant 1 : i32
        %sub3A_699 = arith.subi %div3A_678, %sub3A_698 : i32
        %select_n3A_700 = arith.select %and3A_697, %sub3A_699, %div3A_678 : i32
        %add3A_701 = arith.addi %select_n3A_45, %select_n3A_700 : i32
        "tpu.region"() ({
          %run_scoped3A = tpu.sem_alloc : memref<!tpu.dma_semaphore, #tpu.memory_space<semaphore_mem>>
          %dma_start3A_702 = arith.constant 0 : i32
          %dma_start3A_703 = arith.constant 0 : i32
          %dma_start3A_704 = tpu.memref_slice %arg6[%select_n3A, %dma_start3A_702, %add3A_701, %dma_start3A_703] : memref<4x64x200x800xf32, #tpu.memory_space<hbm>> -> memref<1x64x1x800xf32, #tpu.memory_space<hbm>>
          %dma_start3A_705 = tpu.memref_squeeze %dma_start3A_704 : memref<1x64x1x800xf32, #tpu.memory_space<hbm>> -> memref<64x800xf32, #tpu.memory_space<hbm>>
          %dma_start3A_706 = arith.constant 0 : i32
          %dma_start3A_707 = arith.constant 0 : i32
          %dma_start3A_708 = tpu.memref_slice %arg6[%select_n3A, %dma_start3A_706, %add3A_701, %dma_start3A_707] : memref<4x64x200x800xf32, #tpu.memory_space<hbm>> -> memref<1x64x1x800xf32, #tpu.memory_space<hbm>>
          %dma_start3A_709 = tpu.memref_squeeze %dma_start3A_708 : memref<1x64x1x800xf32, #tpu.memory_space<hbm>> -> memref<64x800xf32, #tpu.memory_space<hbm>>
          tpu.enqueue_dma source(%arg12 : memref<64x800xf32, #tpu.memory_space<vmem>>) target(%dma_start3A_709 : memref<64x800xf32, #tpu.memory_space<hbm>>) target_semaphore(%run_scoped3A : memref<!tpu.dma_semaphore, #tpu.memory_space<semaphore_mem>>)
          %dma_wait3A_710 = arith.constant 0 : i32
          %dma_wait3A_711 = arith.constant 0 : i32
          %dma_wait3A_712 = tpu.memref_slice %arg6[%select_n3A, %dma_wait3A_710, %add3A_701, %dma_wait3A_711] : memref<4x64x200x800xf32, #tpu.memory_space<hbm>> -> memref<1x64x1x800xf32, #tpu.memory_space<hbm>>
          %dma_wait3A_713 = tpu.memref_squeeze %dma_wait3A_712 : memref<1x64x1x800xf32, #tpu.memory_space<hbm>> -> memref<64x800xf32, #tpu.memory_space<hbm>>
          %dma_wait3A_714 = arith.constant 0 : i32
          %dma_wait3A_715 = arith.constant 0 : i32
          %dma_wait3A_716 = tpu.memref_slice %arg6[%select_n3A, %dma_wait3A_714, %add3A_701, %dma_wait3A_715] : memref<4x64x200x800xf32, #tpu.memory_space<hbm>> -> memref<1x64x1x800xf32, #tpu.memory_space<hbm>>
          %dma_wait3A_717 = tpu.memref_squeeze %dma_wait3A_716 : memref<1x64x1x800xf32, #tpu.memory_space<hbm>> -> memref<64x800xf32, #tpu.memory_space<hbm>>
          tpu.wait_dma2 semaphore(%run_scoped3A : memref<!tpu.dma_semaphore, #tpu.memory_space<semaphore_mem>>) src(%arg12 : memref<64x800xf32, #tpu.memory_space<vmem>>) dst(%dma_wait3A_717 : memref<64x800xf32, #tpu.memory_space<hbm>>)
          tpu.yield
        }) : () -> ()
      } else {
      }
      %scan3A_676 = arith.constant 0 : i32
      scf.yield %scan3A_676 : i32
    }
    %scan3A_593 = arith.constant 50 : i32
    return
  }
}

</mosaic_0001>

<sc_bundles>
// kernel: kernel.3.cloned.1.call-start
scs
__scs_entry_jumppad:
0x0: {  	(pc) =	sbr.rel $0x88, $3  }
0x1: {  	(tag) =	ssettag $0x0;
	lr =	simm.s32 $0x1  }
0x2: {  	[smem:$0x3F9D] =	sst lr;
	_ =	strace $0xD0000000  }
0x3: {  	_ = 	snop  }
0x4: {  	_ = 	snop  }
0x5: {  	_ = 	snop  }
0x6: {  	_ = 	snop  }
0x7: {  	_ = 	snop  }
__scs_overlays_trampoline_lowered:
0x8: {  	[smem:$0x3FAC] =	sst s0  }
0x9: {  	[smem:$0x3FAD] =	sst s1  }
0xa: {  	[smem:$0x3FAE] =	sst s2  }
0xb: {  	[smem:$0x3FAF] =	sst s3  }
0xc: {  	[smem:$0x3FB0] =	sst s4  }
0xd: {  	[smem:$0x3FB1] =	sst s5  }
0xe: {  	[smem:$0x3FB2] =	sst s6  }
0xf: {  	[smem:$0x3FB3] =	sst s7  }
0x10: {  	[smem:$0x3FB4] =	sst s8  }
0x11: {  	[smem:$0x3FB5] =	sst s9;
	s0 =	simm.s32 @!p0 $0x0  }
0x12: {  	s1 =	sld [smem:$0x3F9B];
	s0 =	simm.s32 @p0 $0x1  }
0x13: {  	[smem:$0x3FB6] =	sst s0;
	s0 =	simm.s32 @!p1 $0x0  }
0x14: {  	s2 =	sld [smem:$0x3F9A];
	s0 =	simm.s32 @p1 $0x1  }
0x15: {  	[smem:$0x3FB7] =	sst s0;
	s0 =	simm.s32 @!p2 $0x0  }
0x16: {  	s3 =	sld [smem:$0x3FDB];
	s0 =	simm.s32 @p2 $0x1  }
0x17: {  	s4 =	simm.s32 $0x1BF5;
	[smem:$0x3FB9] =	sst s0  }
0x18: {  	s0 =	sld [smem:$0x3F9C];
	_ =	swait.ge [sflag:s4], $0x0  }
0x19: {  	s7 =	sld [smem:$0x3F9D]  }
0x1a: {  	s8 =	sadd.s32 $0xFFFFE003, lr  }
0x1b: {  	s9 =	sadd.s32 $0xFFFFFEF7, lr;
	s5 =	simm.s32 $0xFFFFFFFF;
	p2 =	slt.u32 s8, $0xFFFFF086  }
0x1c: {  	p1 =	slt.u32 s9, $0xF7A;
	s5 =	simm.s32 @!p2 $0x0  }
0x1d: {  	s5 =	simm.s32 @p1 $0x1;
	p0 =	seq.s32 s7, s2  }
0x1e: {  	s7 =	smul.u32 @!p0 $0xF7A, s2;
	p2 =	seq.s32 @!p0 s5, $0x0  }
0x1f: {  	s9 =	smul.u32 $0xF7A, s1;
	s8 =	simm.s32 @!p0 $0x1BF5;
	p2 =	por !p2, p0  }
0x20: {  	[sflag:s8] =	ssyncset.s32 @!p0 $0xFFFFF086;
	s6 =	sadd.s32 @!p0 s3, s7;
	s7 =	simm.s32 @!p0 $0x108  }
0x21: {  	s3 =	sadd.s32 s3, s9;
	s6 =	sadd.s32 @!p0 $0x88, s6;
	s7 =	simm.s32 @p2 $0x1082  }
0x22: {  	[simem:s7], [sflag:s8] =	dma.local @!p0 [hbm:s6], $0xF7A  }
0x23: {  	s9 =	sor.u32 $0xD0000000, s2;
	s6 =	simm.s32 $0x108;
	_ =	swait.ge @!p0 [sflag:s8], $0x0  }
0x24: {  	s3 =	sadd.s32 $0x88, s3;
	s6 =	simm.s32 @!p1 $0x1082;
	[sflag:s4] =	ssyncset.s32 $0xFFFFF086  }
0x25: {  	[simem:s6], [sflag:s4] =	dma.local [hbm:s3], $0xF7A  }
0x26: {  	[smem:$0x3F9D] =	sst s1;
	(tag) =	ssettag s2;
	_ =	strace s9  }
0x27: {  	s1 =	sld [smem:$0x3FAD]  }
0x28: {  	s2 =	sld [smem:$0x3FAE]  }
0x29: {  	s4 =	sld [smem:$0x3FB0]  }
0x2a: {  	p0 =	seq.s32 s5, $0x0;
	s5 =	sld [smem:$0x3FB1]  }
0x2b: {  	s6 =	sld [smem:$0x3FB2]  }
0x2c: {  	s7 =	sld [smem:$0x3FB3]  }
0x2d: {  	s3 =	simm.s32 $0x108;
	s8 =	sld [smem:$0x3FB4]  }
0x2e: {  	s3 =	simm.s32 @!p0 $0x1082;
	s9 =	sld [smem:$0x3FB5]  }
0x2f: {  	lr =	sadd.s32 s0, s3;
	s0 =	sld [smem:$0x3FAC]  }
0x30: {  	s3 =	sld [smem:$0x3FAF]  }
0x31: {  	[smem:$0x3FB8] =	sst s10  }
0x32: {  	s10 =	sld [smem:$0x3FB6];
	_ =	sdelay $0x3  }
0x33: {  	p0 =	seq.s32 s10, $0x1;
	s10 =	sld [smem:$0x3FB8];
	_ =	sdelay $0x3  }
0x34: {  	[smem:$0x3FB8] =	sst s10  }
0x35: {  	s10 =	sld [smem:$0x3FB7];
	_ =	sdelay $0x3  }
0x36: {  	p1 =	seq.s32 s10, $0x1;
	s10 =	sld [smem:$0x3FB8];
	_ =	sdelay $0x3  }
0x37: {  	[smem:$0x3FB8] =	sst s10  }
0x38: {  	s10 =	sld [smem:$0x3FB9]  }
0x39: {  	_ = 	snop;
	(pc) =	sbr.ind lr, $3  }
0x3a: {  	_ = 	snop  }
0x3b: {  	_ = 	snop  }
0x3c: {  	p2 =	seq.s32 s10, $0x1;
	s10 =	sld [smem:$0x3FB8]  }
0x3d: {  	_ =	shalt  }
0x3e: {  	_ =	shalt  }
0x3f: {  	_ =	shalt  }
0x40: {  	_ =	shalt  }
0x41: {  	_ =	shalt  }
0x42: {  	_ =	shalt  }
0x43: {  	_ =	shalt  }
0x44: {  	_ =	shalt  }
0x45: {  	_ =	shalt  }
0x46: {  	_ =	shalt  }
0x47: {  	_ =	shalt  }
0x48: {  	_ =	shalt  }
0x49: {  	_ =	shalt  }
0x4a: {  	_ =	shalt  }
0x4b: {  	_ =	shalt  }
0x4c: {  	_ =	shalt  }
0x4d: {  	_ =	shalt  }
0x4e: {  	_ =	shalt  }
0x4f: {  	_ =	shalt  }
0x50: {  	_ =	shalt  }
0x51: {  	_ =	shalt  }
0x52: {  	_ =	shalt  }
0x53: {  	_ =	shalt  }
0x54: {  	_ =	shalt  }
0x55: {  	_ =	shalt  }
0x56: {  	_ =	shalt  }
0x57: {  	_ =	shalt  }
0x58: {  	_ =	shalt  }
0x59: {  	_ =	shalt  }
0x5a: {  	_ =	shalt  }
0x5b: {  	_ =	shalt  }
0x5c: {  	_ =	shalt  }
0x5d: {  	_ =	shalt  }
0x5e: {  	_ =	shalt  }
0x5f: {  	_ =	shalt  }
0x60: {  	_ =	shalt  }
0x61: {  	_ =	shalt  }
0x62: {  	_ =	shalt  }
0x63: {  	_ =	shalt  }
0x64: {  	_ =	shalt  }
0x65: {  	_ =	shalt  }
0x66: {  	_ =	shalt  }
0x67: {  	_ =	shalt  }
0x68: {  	_ =	shalt  }
0x69: {  	_ =	shalt  }
0x6a: {  	_ =	shalt  }
0x6b: {  	_ =	shalt  }
0x6c: {  	_ =	shalt  }
0x6d: {  	_ =	shalt  }
0x6e: {  	_ =	shalt  }
0x6f: {  	_ =	shalt  }
0x70: {  	_ =	shalt  }
0x71: {  	_ =	shalt  }
0x72: {  	_ =	shalt  }
0x73: {  	_ =	shalt  }
0x74: {  	_ =	shalt  }
0x75: {  	_ =	shalt  }
0x76: {  	_ =	shalt  }
0x77: {  	_ =	shalt  }
0x78: {  	_ =	shalt  }
0x79: {  	_ =	shalt  }
0x7a: {  	_ =	shalt  }
0x7b: {  	_ =	shalt  }
0x7c: {  	_ =	shalt  }
0x7d: {  	_ =	shalt  }
0x7e: {  	_ =	shalt  }
0x7f: {  	_ =	shalt  }
0x80: {  	_ =	shalt  }
0x81: {  	_ =	shalt  }
0x82: {  	_ =	shalt  }
0x83: {  	_ =	shalt  }
0x84: {  	_ =	shalt  }
0x85: {  	_ =	shalt  }
0x86: {  	_ =	shalt  }
0x87: {  	_ =	shalt  }
.Lfunc_end0:
.L_simem_size_0:
called_computation.1_lowered:
.L_overlay_start_0:
0x88: {  	s2 =	sld [smem:$0x3FD9]  }
0x89: {  	s3 =	sld [smem:$0x3FFE];
	_ =	sdelay $0x1  }
0x8a: {  	s1 =	srdreg.scid  }
0x8b: {  	s0 =	sand.u32 $0x1, s1  }
0x8c: {  	s17 =	sshll.u32 s0, $0xA;
	s2 =	sadd.s32 s3, s2  }
0x8d: {  	s2 =	sadd.s32 s2, s17  }
0x8e: {  	[smem:$0x3FC4] =	sst s2  }
0x8f: {  	_ = 	snop  }
0x90: {  	s2 =	sld [smem:$0x3FC8]  }
0x91: {  	s18 =	sld [smem:$0x3FC7]  }
0x92: {  	s4 =	sld [smem:$0x3FC6];
	(tm) =	ssettm $0x1  }
0x93: {  	s5 =	sld [smem:$0x3FFB];
	_ =	sdelay $0x3  }
0x94: {  	_ =	strace s5  }
0x95: {  	s5 =	sld [smem:$0x3FFC];
	_ =	sdelay $0x3  }
0x96: {  	_ =	strace s5  }
0x97: {  	s5 =	sld [smem:$0x3FFD];
	_ =	sdelay $0x3  }
0x98: {  	_ =	strace s5  }
0x99: {  	_ =	strace $0x8FFFFFFF  }
0x9a: {  	s19 =	sld [smem:$0x3FDB];
	_ =	sdelay $0x1  }
0x9b: {  	s6 =	simm.s32 $_scs_section_size  }
0x9c: {  	s7 =	simm.s32 $_size__tile_overlayer_lowered;
	s8 =	simm.s32 $_tile_overlayer_lowered  }
0x9d: {  	s22 =	simm.s32 $0x1BFF;
	s21 =	sshll.u32 s8, $0x1;
	s5 =	sadd.s32 s6, s19  }
0x9e: {  	s9 =	simm.s32 $0x0;
	s20 =	sshll.u32 s7, $0x1;
	s7 =	sadd.s32 s21, s5  }
0x9f: {  	[timem:s9], [sflag:s22] =	dma.local [hbm:s7], s20  }
0xa0: {  	_ =	swait.ge [sflag:s22], s20  }
0xa1: {  	s6 =	ssub.s32 $0x0, s20;
	[sflag:s22] =	ssyncset.done $0x0  }
0xa2: {  	[sflag:s22] =	ssyncadd.s32 s6;
	_ =	sdelay $0x1  }
0xa3: {  	s23 =	simm.s32 $0x1B8B  }
0xa4: {  	_ =	swait.ge [sflag:s23], $0x1  }
0xa5: {  	[sflag:s23] =	ssyncset.done $0x0  }
0xa6: {  	s25 =	simm.s32 $0x1B8E;
	s24 =	sld [smem:$0x3FFE];
	[sflag:s23] =	ssyncadd.s32 $0xFFFFFFFF  }
0xa7: {  	s26 =	simm.s32 $execute0_lowered;
	[smem:$0x3FD2] =	sst s25  }
0xa8: {  	s7 =	sshll.u32 s26, $0x1;
	_ =	strace $0x80000049;
	[dreg:$0x1] =	wrdreg $0xFFFFFFFF  }
0xa9: {  	s28 =	simm.s32 $_size_execute0_lowered;
	s5 =	sadd.s32 s5, s7;
	[dreg:$0x0] =	wrdreg $0x0  }
0xaa: {  	s7 =	sshll.u32 s28, $0x1;
	[dreg:$0x2] =	wrdreg s5  }
0xab: {  	[dreg:$0x3] =	wrdreg s7  }
0xac: {  	[dreg:$0x4] =	wrdreg $0xC0  }
0xad: {  	_ =	task [dreg:s9], $0x5FFFF  }
0xae: {  	[dreg:$0x1] =	wrdreg $0xFFFFFFFF  }
0xaf: {  	[dreg:$0x0] =	wrdreg $0x60  }
0xb0: {  	[dreg:$0x2] =	wrdreg s24  }
0xb1: {  	[dreg:$0x3] =	wrdreg s2  }
0xb2: {  	[dreg:$0x4] =	wrdreg s18  }
0xb3: {  	[dreg:$0x5] =	wrdreg s4  }
0xb4: {  	[dreg:$0x6] =	wrdreg $0x9  }
0xb5: {  	_ =	task.clear_ibuf [dreg:s9], $0x7FFFF;
	_ =	strace $0x90000049  }
0xb6: {  	s29 =	simm.s32 $0x9;
	_ =	strace $0x8000004B  }
0xb7: {  	_ =	swait.ge [sflag:s29], $0x1  }
0xb8: {  	[sflag:s29] =	ssyncadd.s32 $0xFFFFFFFF  }
0xb9: {  	_ =	strace $0x9000004B  }
0xba: {  	_ =	sfence  }
0xbb: {  	s30 =	sld [smem:$0x0];
	_ =	sdelay $0x2  }
0xbc: {  	s31 =	sshll.u32 s1, $0xD;
	s1 =	sshrl.u32 s1, $0x2  }
0xbd: {  	s3 =	sand.u32 $0x4000, s31;
	s1 =	sadd.s32 s1, s30  }
0xbe: {  	s0 =	sor.u32 s3, s0;
	s1 =	sshll.u32 s1, $0x11  }
0xbf: {  	s0 =	sor.u32 s1, s0  }
0xc0: {  	s0 =	sadd.s32 $0x8F2B, s0  }
0xc1: {  	[sflag:s0] =	ssyncadd.remote.s32 $0x1  }
0xc2: {  	_ =	sfence.sel $0xFFFF  }
0xc3: {  	[dreg:$0x0] =	wrdreg $0xFFFFFFFF;
	(pc) =	sbr.abs _section_cstart, $3  }
0xc4: {  	[dreg:$0x1] =	wrdreg $0xFFFFFFFF  }
0xc5: {  	_ =	task.clear_ibuf [dreg:s9], $0x2FFFF;
	_ =	strace $0x9FFFFFFF  }
0xc6: {  	(tm) =	ssettm $0x7FFFFFFF  }
0xc7: {  	_ =	shalt  }
tec
execute0_lowered:
.L_overlay_start_1:
0x0: {  	(tag) =	ssettag $0x1  }
0x1: {  	v0 =	vimm.s32 $0x3CF;
	vm1 =	vcmask $0x300  }
0x2: {  	v1 =	vimm.s32 $0x313B;
	v2 =	vimm.s32 $0x953B;
	v6 =	vsel vm1, $0x0, v0  }
0x3: {  	v7 =	vsel vm1, $0x0, v1;
	v0 =	vimm.s32 $0x633B;
	v1 =	vimm.s32 $0x3DF  }
0x4: {  	v10 =	vsel vm1, $0x6400, v2;
	v2 =	vimm.s32 $0x3FF;
	v8 =	vsel vm1, $0x3200, v0  }
0x5: {  	v9 =	vsel vm1, $0x10, v1;
	v0 =	vimm.s32 $0x3EF;
	v1 =	vimm.s32 $0xC73B  }
0x6: {  	v13 =	vsel vm1, $0x30, v2;
	v2 =	vimm.s32 $0xC8CFCECD;
	v11 =	vsel vm1, $0x20, v0  }
0x7: {  	v12 =	vsel vm1, $0x9600, v1;
	v0 =	vimm.s32 $0x3C0;
	v1 =	vimm.s32 $0xCCCBCAC9  }
0x8: {  	v14 =	vsel vm1, $0x1, v0;
	v0 =	vunpack.c.0.s8.s32 v1;
	v1 =	vunpack.c.0.s8.s32 v2  }
0x9: {  	vm0 =	vcmask $0x1F10;
	v2 =	vimm.s32 $0x25B  }
0xa: {  	v15 =	vsel vm1, $0x320, v2;
	v2 =	vsel vm0, v1, v0;
	v0 =	vsel vm0, v0, v1  }
0xb: {  	[tilespmem:$0x1FCD0] =	vst v0;
	v0 =	vimm.s32 $0x40DB  }
0xc: {  	v1 =	vimm.s32 $0x72DB;
	v50 =	vsel vm1, $0x41A0, v0;
	v0 =	vimm.s32 $0x3D4  }
0xd: {  	v52 =	vsel vm1, $0x73A0, v1;
	v51 =	vsel vm1, $0x15, v0;
	v0 =	vimm.s32 $0x3E4  }
0xe: {  	v1 =	vimm.s32 $0x3F4;
	v53 =	vsel vm1, $0x25, v0;
	v0 =	vimm.s32 $0xA4DB  }
0xf: {  	v55 =	vsel vm1, $0x35, v1;
	v54 =	vsel vm1, $0xA5A0, v0;
	v0 =	vimm.s32 $0x3C5  }
0x10: {  	v1 =	vimm.s32 $0x43FB;
	v56 =	vsel vm1, $0x6, v0;
	v0 =	vimm.s32 $0x11FB  }
0x11: {  	v58 =	vsel vm1, $0x44C0, v1;
	v57 =	vsel vm1, $0x12C0, v0;
	v0 =	vimm.s32 $0x3D5  }
0x12: {  	v1 =	vimm.s32 $0x3E5;
	v59 =	vsel vm1, $0x16, v0;
	v0 =	vimm.s32 $0x75FB  }
0x13: {  	v61 =	vsel vm1, $0x26, v1;
	v60 =	vsel vm1, $0x76C0, v0;
	v0 =	vimm.s32 $0xA7FB  }
0x14: {  	v1 =	vimm.s32 $0x3C6;
	v62 =	vsel vm1, $0xA8C0, v0;
	v0 =	vimm.s32 $0x3F5  }
0x15: {  	v63 =	vsel vm1, $0x36, v0;
	v0 =	vsel vm1, $0x7, v1  }
0x16: {  	[tilespmem:$0x1BBF0] =	vst v0;
	v0 =	vimm.s32 $0x151B  }
0x17: {  	v0 =	vsel vm1, $0x15E0, v0  }
0x18: {  	[tilespmem:$0x1BC00] =	vst v0;
	v0 =	vimm.s32 $0x471B  }
0x19: {  	v1 =	vimm.s32 $0x3D6;
	v0 =	vsel vm1, $0x47E0, v0  }
0x1a: {  	[tilespmem:$0x1BC10] =	vst v0;
	v0 =	vsel vm1, $0x17, v1  }
0x1b: {  	[tilespmem:$0x1BC20] =	vst v0;
	v0 =	vimm.s32 $0x791B  }
0x1c: {  	v0 =	vsel vm1, $0x79E0, v0  }
0x1d: {  	[tilespmem:$0x1BC30] =	vst v0;
	v0 =	vimm.s32 $0x3E6  }
0x1e: {  	v1 =	vimm.s32 $0xAB1B;
	v0 =	vsel vm1, $0x27, v0  }
0x1f: {  	[tilespmem:$0x1BC40] =	vst v0;
	v0 =	vsel vm1, $0xABE0, v1  }
0x20: {  	[tilespmem:$0x1BC50] =	vst v0;
	v0 =	vimm.s32 $0x3F6  }
0x21: {  	v0 =	vsel vm1, $0x37, v0  }
0x22: {  	[tilespmem:$0x1BC60] =	vst v0;
	v0 =	vimm.s32 $0x3C7  }
0x23: {  	v1 =	vimm.s32 $0x183B;
	v0 =	vsel vm1, $0x8, v0  }
0x24: {  	[tilespmem:$0x1BC70] =	vst v0;
	v0 =	vsel vm1, $0x1900, v1  }
0x25: {  	[tilespmem:$0x1BC80] =	vst v0;
	v0 =	vimm.s32 $0x4A3B  }
0x26: {  	v0 =	vsel vm1, $0x4B00, v0  }
0x27: {  	[tilespmem:$0x1BC90] =	vst v0;
	v0 =	vimm.s32 $0x3D7  }
0x28: {  	v1 =	vimm.s32 $0x7C3B;
	v0 =	vsel vm1, $0x18, v0  }
0x29: {  	[tilespmem:$0x1BCA0] =	vst v0;
	v0 =	vsel vm1, $0x7D00, v1  }
0x2a: {  	[tilespmem:$0x1BCB0] =	vst v0;
	v0 =	vimm.s32 $0x3E7  }
0x2b: {  	v0 =	vsel vm1, $0x28, v0  }
0x2c: {  	[tilespmem:$0x1BCC0] =	vst v0;
	v0 =	vimm.s32 $0xAE3B  }
0x2d: {  	v1 =	vimm.s32 $0x3F7;
	v0 =	vsel vm1, $0xAF00, v0  }
0x2e: {  	[tilespmem:$0x1BCD0] =	vst v0;
	v0 =	vsel vm1, $0x38, v1  }
0x2f: {  	[tilespmem:$0x1BCE0] =	vst v0;
	v0 =	vimm.s32 $0x3C8  }
0x30: {  	v0 =	vsel vm1, $0x9, v0  }
0x31: {  	[tilespmem:$0x1BCF0] =	vst v0;
	v0 =	vimm.s32 $0x1B5B  }
0x32: {  	v1 =	vimm.s32 $0x4D5B;
	v0 =	vsel vm1, $0x1C20, v0  }
0x33: {  	[tilespmem:$0x1BD00] =	vst v0;
	v0 =	vsel vm1, $0x4E20, v1  }
0x34: {  	[tilespmem:$0x1BD10] =	vst v0;
	v0 =	vimm.s32 $0x3D8  }
0x35: {  	v0 =	vsel vm1, $0x19, v0  }
0x36: {  	[tilespmem:$0x1BD20] =	vst v0;
	v0 =	vimm.s32 $0x7F5B  }
0x37: {  	v1 =	vimm.s32 $0x3E8;
	v0 =	vsel vm1, $0x8020, v0  }
0x38: {  	[tilespmem:$0x1BD30] =	vst v0;
	v0 =	vsel vm1, $0x29, v1  }
0x39: {  	[tilespmem:$0x1BD40] =	vst v0;
	v0 =	vimm.s32 $0xB15B  }
0x3a: {  	v0 =	vsel vm1, $0xB220, v0  }
0x3b: {  	[tilespmem:$0x1BD50] =	vst v0;
	v0 =	vimm.s32 $0x3F8  }
0x3c: {  	v1 =	vimm.s32 $0x3C9;
	v0 =	vsel vm1, $0x39, v0  }
0x3d: {  	[tilespmem:$0x1BD60] =	vst v0;
	v0 =	vsel vm1, $0xA, v1  }
0x3e: {  	[tilespmem:$0x1BD70] =	vst v0;
	v0 =	vimm.s32 $0x1E7B  }
0x3f: {  	v0 =	vsel vm1, $0x1F40, v0  }
0x40: {  	[tilespmem:$0x1BD80] =	vst v0;
	v0 =	vimm.s32 $0x507B  }
0x41: {  	v1 =	vimm.s32 $0x3D9;
	v0 =	vsel vm1, $0x5140, v0  }
0x42: {  	[tilespmem:$0x1BD90] =	vst v0;
	v0 =	vsel vm1, $0x1A, v1  }
0x43: {  	[tilespmem:$0x1BDA0] =	vst v0;
	v0 =	vimm.s32 $0x827B  }
0x44: {  	v0 =	vsel vm1, $0x8340, v0  }
0x45: {  	[tilespmem:$0x1BDB0] =	vst v0;
	v0 =	vimm.s32 $0x3E9  }
0x46: {  	v1 =	vimm.s32 $0xB47B;
	v0 =	vsel vm1, $0x2A, v0  }
0x47: {  	[tilespmem:$0x1BDC0] =	vst v0;
	v0 =	vsel vm1, $0xB540, v1  }
0x48: {  	[tilespmem:$0x1BDD0] =	vst v0;
	v0 =	vimm.s32 $0x3F9  }
0x49: {  	v0 =	vsel vm1, $0x3A, v0  }
0x4a: {  	[tilespmem:$0x1BDE0] =	vst v0;
	v0 =	vimm.s32 $0x3CA  }
0x4b: {  	v1 =	vimm.s32 $0x219B;
	v0 =	vsel vm1, $0xB, v0  }
0x4c: {  	[tilespmem:$0x1BDF0] =	vst v0;
	v0 =	vsel vm1, $0x2260, v1  }
0x4d: {  	[tilespmem:$0x1BE00] =	vst v0;
	v0 =	vimm.s32 $0x539B  }
0x4e: {  	v0 =	vsel vm1, $0x5460, v0  }
0x4f: {  	v3 =	vimm.s32 $0x345B;
	v4 =	vimm.s32 $0x3E0;
	[tilespmem:$0x1BE10] =	vst v0;
	v0 =	vimm.s32 $0x3DA  }
0x50: {  	v16 =	vsel vm1, $0x3520, v3;
	v1 =	vimm.s32 $0x859B;
	v0 =	vsel vm1, $0x1B, v0  }
0x51: {  	v3 =	vimm.s32 $0x665B;
	v19 =	vsel vm1, $0x21, v4;
	[tilespmem:$0x1BE20] =	vst v0;
	v0 =	vsel vm1, $0x8660, v1  }
0x52: {  	v4 =	vimm.s32 $0x3C1;
	v18 =	vsel vm1, $0x6720, v3;
	[tilespmem:$0x1BE30] =	vst v0;
	v0 =	vimm.s32 $0x3EA  }
0x53: {  	v3 =	vimm.s32 $0x3F0;
	v22 =	vsel vm1, $0x2, v4;
	v0 =	vsel vm1, $0x2B, v0  }
0x54: {  	v4 =	vimm.s32 $0x3D1;
	v21 =	vsel vm1, $0x31, v3;
	[tilespmem:$0x1BE40] =	vst v0;
	v0 =	vimm.s32 $0xB79B  }
0x55: {  	v3 =	vimm.s32 $0x377B;
	v1 =	vimm.s32 $0x3FA;
	v0 =	vsel vm1, $0xB860, v0  }
0x56: {  	v25 =	vsel vm1, $0x12, v4;
	v4 =	vimm.s32 $0x9B7B;
	[tilespmem:$0x1BE50] =	vst v0;
	v0 =	vsel vm1, $0x3B, v1  }
0x57: {  	v24 =	vsel vm1, $0x3840, v3;
	v3 =	vimm.s32 $0x3E1;
	[tilespmem:$0x1BE60] =	vst v0;
	v0 =	vimm.s32 $0x3CB  }
0x58: {  	v28 =	vsel vm1, $0x9C40, v4;
	v4 =	vimm.s32 $0x89B;
	v0 =	vsel vm1, $0xC, v0  }
0x59: {  	v27 =	vsel vm1, $0x22, v3;
	v3 =	vimm.s32 $0x3C2;
	[tilespmem:$0x1BE70] =	vst v0;
	v0 =	vimm.s32 $0x24BB  }
0x5a: {  	v31 =	vsel vm1, $0x960, v4;
	v1 =	vimm.s32 $0x56BB;
	v0 =	vsel vm1, $0x2580, v0  }
0x5b: {  	v4 =	vimm.s32 $0x6C9B;
	v30 =	vsel vm1, $0x3, v3;
	[tilespmem:$0x1BE80] =	vst v0;
	v0 =	vsel vm1, $0x5780, v1  }
0x5c: {  	v3 =	vimm.s32 $0x3D2;
	v34 =	vsel vm1, $0x6D60, v4;
	[tilespmem:$0x1BE90] =	vst v0;
	v0 =	vimm.s32 $0x3DB  }
0x5d: {  	v4 =	vimm.s32 $0x3F2;
	v33 =	vsel vm1, $0x13, v3;
	v0 =	vsel vm1, $0x1C, v0  }
0x5e: {  	v3 =	vimm.s32 $0x9E9B;
	v37 =	vsel vm1, $0x33, v4;
	[tilespmem:$0x1BEA0] =	vst v0;
	v0 =	vimm.s32 $0x88BB  }
0x5f: {  	v4 =	vimm.s32 $0xCBCAC9C8;
	v1 =	vimm.s32 $0x3EB;
	v0 =	vsel vm1, $0x8980, v0  }
0x60: {  	v36 =	vsel vm1, $0x9F60, v3;
	v3 =	vimm.s32 $0xCFCECDCC;
	[tilespmem:$0x1BEB0] =	vst v0;
	v0 =	vsel vm1, $0x2C, v1  }
0x61: {  	v4 =	vunpack.c.0.s8.s32 v4;
	v3 =	vunpack.c.0.s8.s32 v3;
	[tilespmem:$0x1BEC0] =	vst v0;
	v0 =	vimm.s32 $0xBABB  }
0x62: {  	[tilespmem:$0x1FC70] =	vst v2;
	v0 =	vsel vm1, $0xBB80, v0  }
0x63: {  	v3 =	vsel vm0, v4, v3;
	[tilespmem:$0x1BED0] =	vst v0;
	v0 =	vimm.s32 $0x3FB  }
0x64: {  	[tilespmem:$0x1FCC0] =	vst v3;
	v1 =	vimm.s32 $0x3CC;
	v0 =	vsel vm1, $0x3C, v0  }
0x65: {  	[tilespmem:$0x1BEE0] =	vst v0;
	v0 =	vsel vm1, $0xD, v1  }
0x66: {  	[tilespmem:$0x1BEF0] =	vst v0;
	v0 =	vimm.s32 $0x27DB  }
0x67: {  	v0 =	vsel vm1, $0x28A0, v0  }
0x68: {  	[tilespmem:$0x1BF00] =	vst v0;
	v0 =	vimm.s32 $0x59DB  }
0x69: {  	v1 =	vimm.s32 $0x3DC;
	v0 =	vsel vm1, $0x5AA0, v0  }
0x6a: {  	[tilespmem:$0x1BF10] =	vst v0;
	v0 =	vsel vm1, $0x1D, v1  }
0x6b: {  	v5 =	vimm.s32 $0xBBB;
	vm2 =	vcmask $0x704;
	[tilespmem:$0x1BF20] =	vst v0;
	v0 =	vimm.s32 $0x8BDB  }
0x6c: {  	v39 =	vsel vm1, $0xC80, v5;
	v2 =	vimm.s32 $0x3D0;
	v0 =	vsel vm1, $0x8CA0, v0  }
0x6d: {  	v5 =	vsel vm2, $0x121, v11;
	v17 =	vsel vm1, $0x11, v2;
	[tilespmem:$0x1BF30] =	vst v0;
	v0 =	vimm.s32 $0x3EC  }
0x6e: {  	v2 =	vimm.s32 $0x985B;
	v1 =	vimm.s32 $0xBDDB;
	v0 =	vsel vm1, $0x2D, v0  }
0x6f: {  	v20 =	vsel vm1, $0x9920, v2;
	v2 =	vimm.s32 $0x57B;
	[tilespmem:$0x1BF40] =	vst v0;
	v0 =	vsel vm1, $0xBEA0, v1  }
0x70: {  	v23 =	vsel vm1, $0x640, v2;
	v2 =	vimm.s32 $0x697B;
	[tilespmem:$0x1BF50] =	vst v0;
	v0 =	vimm.s32 $0x3FC  }
0x71: {  	v11 =	vsel vm2, $0x112, v17;
	v26 =	vsel vm1, $0x6A40, v2;
	v0 =	vsel vm1, $0x3D, v0  }
0x72: {  	v2 =	vimm.s32 $0x3F1;
	v4 =	vsel vm2, $0x6721, v10;
	[tilespmem:$0x1BF60] =	vst v0;
	v0 =	vimm.s32 $0x3CD  }
0x73: {  	v10 =	vsel vm2, $0x3841, v16;
	v1 =	vimm.s32 $0x2AFB;
	v0 =	vsel vm1, $0xE, v0  }
0x74: {  	v16 =	vsel vm2, $0x103, v22;
	v17 =	vsel vm2, $0x961, v23;
	[tilespmem:$0x1BF70] =	vst v0;
	v0 =	vsel vm1, $0x2BC0, v1  }
0x75: {  	v22 =	vsel vm2, $0x9F61, v28;
	v28 =	vsel vm2, $0x7081, v34;
	[tilespmem:$0x1BF80] =	vst v0;
	v0 =	vimm.s32 $0x5CFB  }
0x76: {  	v29 =	vsel vm1, $0x32, v2;
	v2 =	vimm.s32 $0x3A9B;
	v0 =	vsel vm1, $0x5DC0, v0  }
0x77: {  	v3 =	vimm.s32 $0x3E3;
	v32 =	vsel vm1, $0x3B60, v2;
	[tilespmem:$0x1BF90] =	vst v0;
	v0 =	vimm.s32 $0x3DD  }
0x78: {  	v2 =	vimm.s32 $0x3E2;
	v1 =	vimm.s32 $0x8EFB;
	v0 =	vsel vm1, $0x1E, v0  }
0x79: {  	v43 =	vsel vm1, $0x24, v3;
	v3 =	vimm.s32 $0x3C4;
	[tilespmem:$0x1BFA0] =	vst v0;
	v0 =	vsel vm1, $0x8FC0, v1  }
0x7a: {  	v23 =	vsel vm2, $0x133, v29;
	v35 =	vsel vm1, $0x23, v2;
	[tilespmem:$0x1BFB0] =	vst v0;
	v0 =	vimm.s32 $0x3ED  }
0x7b: {  	v2 =	vimm.s32 $0x3C3;
	v48 =	vsel vm1, $0x5, v3;
	v0 =	vsel vm1, $0x2E, v0  }
0x7c: {  	v38 =	vsel vm1, $0x4, v2;
	v2 =	vimm.s32 $0x3DBB;
	[tilespmem:$0x1BFC0] =	vst v0;
	v0 =	vimm.s32 $0xC0FB  }
0x7d: {  	v29 =	vsel vm2, $0x124, v35;
	v1 =	vimm.s32 $0x3FD;
	v0 =	vsel vm1, $0xC1C0, v0  }
0x7e: {  	v40 =	vsel vm1, $0x3E80, v2;
	v2 =	vimm.s32 $0x3D3;
	[tilespmem:$0x1BFD0] =	vst v0;
	v0 =	vsel vm1, $0x3E, v1  }
0x7f: {  	v41 =	vsel vm1, $0x14, v2;
	v2 =	vimm.s32 $0x6FBB;
	[tilespmem:$0x1BFE0] =	vst v0;
	v0 =	vimm.s32 $0x3CE  }
0x80: {  	v34 =	vsel vm2, $0x41A1, v40;
	v40 =	vsel vm2, $0x106, v48;
	v0 =	vsel vm1, $0xF, v0  }
0x81: {  	v48 =	vsel vm2, $0xA8C1, v54;
	v54 =	vsel vm2, $0x79E1, v60;
	[tilespmem:$0x1BFF0] =	vst v0;
	v0 =	vimm.s32 $0x2E1B  }
0x82: {  	v42 =	vsel vm1, $0x7080, v2;
	v47 =	vld [tilespmem:$0x1BC10];
	v1 =	vimm.s32 $0x601B;
	v0 =	vsel vm1, $0x2EE0, v0  }
0x83: {  	v2 =	vimm.s32 $0xA1BB;
	v35 =	vsel vm2, $0x115, v41;
	[tilespmem:$0x1C000] =	vst v0;
	v0 =	vsel vm1, $0x60E0, v1  }
0x84: {  	v44 =	vsel vm1, $0xA280, v2;
	v2 =	vimm.s32 $0x3F3;
	[tilespmem:$0x1C010] =	vst v0;
	v0 =	vimm.s32 $0x3DE  }
0x85: {  	v45 =	vsel vm1, $0x34, v2;
	v2 =	vimm.s32 $0xEDB;
	v0 =	vsel vm1, $0x1F, v0  }
0x86: {  	v49 =	vsel vm1, $0xFA0, v2;
	v2 =	vsel vm2, $0x3521, v8;
	[tilespmem:$0x1C020] =	vst v0;
	v0 =	vimm.s32 $0x921B  }
0x87: {  	v60 =	vsel vm2, $0x4B01, v47;
	v47 =	vld [tilespmem:$0x1BC20];
	v1 =	vimm.s32 $0x3EE;
	v0 =	vsel vm1, $0x92E0, v0  }
0x88: {  	v8 =	vsel vm2, $0x102, v14;
	v14 =	vsel vm2, $0x9C41, v20;
	[tilespmem:$0x1C030] =	vst v0;
	v0 =	vsel vm1, $0x2F, v1  }
0x89: {  	v20 =	vsel vm2, $0x6D61, v26;
	v26 =	vsel vm2, $0x3E81, v32;
	[tilespmem:$0x1C040] =	vst v0;
	v0 =	vimm.s32 $0xC41B  }
0x8a: {  	v32 =	vsel vm2, $0x105, v38;
	v41 =	vsel vm2, $0x12C1, v49;
	v0 =	vsel vm1, $0xC4E0, v0  }
0x8b: {  	v49 =	vsel vm2, $0x136, v55;
	v55 =	vsel vm2, $0x127, v61;
	[tilespmem:$0x1C050] =	vst v0;
	v0 =	vimm.s32 $0x3FE  }
0x8c: {  	v61 =	vsel vm2, $0x118, v47;
	v46 =	vsel vm1, $0x3F, v0;
	v0 =	vsel vm2, $0x101, v6  }
0x8d: {  	v6 =	vsel vm2, $0x9921, v12;
	v12 =	vsel vm2, $0x6A41, v18;
	v18 =	vsel vm2, $0x3B61, v24  }
0x8e: {  	v47 =	vld [tilespmem:$0x1BC30];
	v24 =	vsel vm2, $0x104, v30;
	v30 =	vsel vm2, $0xA281, v36;
	v36 =	vsel vm2, $0x73A1, v42  }
0x8f: {  	v42 =	vsel vm2, $0x44C1, v50;
	v50 =	vsel vm2, $0x107, v56;
	v56 =	vsel vm2, $0xABE1, v62;
	v62 =	vld [tilespmem:$0x1BBF0]  }
0x90: {  	v38 =	vsel vm2, $0xA5A1, v44;
	v44 =	vsel vm2, $0x76C1, v52;
	v1 =	vsel vm2, $0x321, v7  }
0x91: {  	v7 =	vsel vm2, $0x131, v13;
	v13 =	vsel vm2, $0x122, v19;
	v19 =	vsel vm2, $0x113, v25  }
0x92: {  	v25 =	vsel vm2, $0xC81, v31;
	v31 =	vsel vm2, $0x134, v37;
	v37 =	vsel vm2, $0x125, v43  }
0x93: {  	v43 =	vsel vm2, $0x116, v51;
	v51 =	vsel vm2, $0x15E1, v57;
	v57 =	vsel vm2, $0x137, v63;
	v63 =	vld [tilespmem:$0x1BC00]  }
0x94: {  	v52 =	vsel vm2, $0x47E1, v58;
	v58 =	vsel vm2, $0x108, v62;
	v62 =	vsel vm2, $0x7D01, v47;
	v47 =	vld [tilespmem:$0x1BC40];
	_ =	sdelay $0x1  }
0x95: {  	v3 =	vsel vm2, $0x111, v9;
	v9 =	vsel vm2, $0x641, v15  }
0x96: {  	v15 =	vsel vm2, $0x132, v21;
	v21 =	vsel vm2, $0x123, v27;
	v27 =	vsel vm2, $0x114, v33  }
0x97: {  	v33 =	vsel vm2, $0xFA1, v39;
	v39 =	vsel vm2, $0x135, v45;
	v45 =	vsel vm2, $0x126, v53  }
0x98: {  	v53 =	vsel vm2, $0x117, v59;
	v59 =	vsel vm2, $0x1901, v63;
	v63 =	vsel vm2, $0x128, v47;
	v47 =	vld [tilespmem:$0x1BC50];
	_ =	sdelay $0x4  }
0x99: {  	v47 =	vsel vm2, $0xAF01, v47  }
0x9a: {  	vm1 =	vcmask $0xB08;
	v46 =	vsel vm2, $0x130, v46;
	[tilespmem:$0x1C060] =	vst v47;
	v47 =	vld [tilespmem:$0x1BC60]  }
0x9b: {  	[tilespmem:$0x1C470] =	vst v46;
	v46 =	vsel vm1, $0x79E2, v44;
	v44 =	vld [tilespmem:$0x1C060];
	_ =	sdelay $0x3  }
0x9c: {  	v47 =	vsel vm2, $0x138, v47  }
0x9d: {  	[tilespmem:$0x1C070] =	vst v47;
	v47 =	vld [tilespmem:$0x1BC70];
	v44 =	vsel vm1, $0xB222, v44  }
0x9e: {  	[tilespmem:$0x1C480] =	vst v44;
	v44 =	vld [tilespmem:$0x1C070];
	_ =	sdelay $0x3  }
0x9f: {  	v47 =	vsel vm2, $0x109, v47  }
0xa0: {  	[tilespmem:$0x1C080] =	vst v47;
	v47 =	vld [tilespmem:$0x1BC80];
	v44 =	vsel vm1, $0x239, v44  }
0xa1: {  	[tilespmem:$0x1C490] =	vst v44;
	v44 =	vld [tilespmem:$0x1C080];
	_ =	sdelay $0x3  }
0xa2: {  	v47 =	vsel vm2, $0x1C21, v47  }
0xa3: {  	[tilespmem:$0x1C090] =	vst v47;
	v47 =	vld [tilespmem:$0x1BC90];
	v44 =	vsel vm1, $0x20A, v44  }
0xa4: {  	[tilespmem:$0x1C4A0] =	vst v44;
	v44 =	vld [tilespmem:$0x1C090];
	_ =	sdelay $0x3  }
0xa5: {  	v47 =	vsel vm2, $0x4E21, v47  }
0xa6: {  	[tilespmem:$0x1C0A0] =	vst v47;
	v47 =	vld [tilespmem:$0x1BCA0];
	v44 =	vsel vm1, $0x1F42, v44  }
0xa7: {  	[tilespmem:$0x1C4B0] =	vst v44;
	v44 =	vld [tilespmem:$0x1C0A0];
	_ =	sdelay $0x3  }
0xa8: {  	v47 =	vsel vm2, $0x119, v47  }
0xa9: {  	[tilespmem:$0x1C0B0] =	vst v47;
	v47 =	vld [tilespmem:$0x1BCB0];
	v44 =	vsel vm1, $0x5142, v44  }
0xaa: {  	[tilespmem:$0x1C4C0] =	vst v44;
	v44 =	vld [tilespmem:$0x1C0B0];
	_ =	sdelay $0x3  }
0xab: {  	v47 =	vsel vm2, $0x8021, v47  }
0xac: {  	[tilespmem:$0x1C0C0] =	vst v47;
	v47 =	vld [tilespmem:$0x1BCC0];
	v44 =	vsel vm1, $0x21A, v44  }
0xad: {  	[tilespmem:$0x1C4D0] =	vst v44;
	v44 =	vld [tilespmem:$0x1C0C0];
	_ =	sdelay $0x3  }
0xae: {  	v47 =	vsel vm2, $0x129, v47  }
0xaf: {  	[tilespmem:$0x1C0D0] =	vst v47;
	v47 =	vld [tilespmem:$0x1BCD0];
	v44 =	vsel vm1, $0x8342, v44  }
0xb0: {  	[tilespmem:$0x1C4E0] =	vst v44;
	v44 =	vld [tilespmem:$0x1C0D0];
	_ =	sdelay $0x3  }
0xb1: {  	v47 =	vsel vm2, $0xB221, v47  }
0xb2: {  	[tilespmem:$0x1C0E0] =	vst v47;
	v47 =	vld [tilespmem:$0x1BCE0];
	v44 =	vsel vm1, $0x22A, v44  }
0xb3: {  	[tilespmem:$0x1C4F0] =	vst v44;
	v44 =	vld [tilespmem:$0x1C0E0];
	_ =	sdelay $0x3  }
0xb4: {  	v47 =	vsel vm2, $0x139, v47  }
0xb5: {  	[tilespmem:$0x1C0F0] =	vst v47;
	v47 =	vld [tilespmem:$0x1BCF0];
	v44 =	vsel vm1, $0xB542, v44  }
0xb6: {  	[tilespmem:$0x1C500] =	vst v44;
	v44 =	vld [tilespmem:$0x1C0F0];
	_ =	sdelay $0x3  }
0xb7: {  	v47 =	vsel vm2, $0x10A, v47  }
0xb8: {  	[tilespmem:$0x1C100] =	vst v47;
	v47 =	vld [tilespmem:$0x1BD00];
	v44 =	vsel vm1, $0x23A, v44  }
0xb9: {  	[tilespmem:$0x1C510] =	vst v44;
	v44 =	vld [tilespmem:$0x1C100];
	_ =	sdelay $0x3  }
0xba: {  	v47 =	vsel vm2, $0x1F41, v47  }
0xbb: {  	[tilespmem:$0x1C110] =	vst v47;
	v47 =	vld [tilespmem:$0x1BD10];
	v44 =	vsel vm1, $0x20B, v44  }
0xbc: {  	[tilespmem:$0x1C520] =	vst v44;
	v44 =	vld [tilespmem:$0x1C110];
	_ =	sdelay $0x3  }
0xbd: {  	v47 =	vsel vm2, $0x5141, v47  }
0xbe: {  	[tilespmem:$0x1C120] =	vst v47;
	v47 =	vld [tilespmem:$0x1BD20];
	v44 =	vsel vm1, $0x2262, v44  }
0xbf: {  	[tilespmem:$0x1C530] =	vst v44;
	v44 =	vld [tilespmem:$0x1C120];
	_ =	sdelay $0x3  }
0xc0: {  	v47 =	vsel vm2, $0x11A, v47  }
0xc1: {  	[tilespmem:$0x1C130] =	vst v47;
	v47 =	vld [tilespmem:$0x1BD30];
	v44 =	vsel vm1, $0x5462, v44  }
0xc2: {  	[tilespmem:$0x1C540] =	vst v44;
	v44 =	vld [tilespmem:$0x1C130];
	_ =	sdelay $0x3  }
0xc3: {  	v47 =	vsel vm2, $0x8341, v47  }
0xc4: {  	[tilespmem:$0x1C140] =	vst v47;
	v47 =	vld [tilespmem:$0x1BD40];
	v44 =	vsel vm1, $0x21B, v44  }
0xc5: {  	[tilespmem:$0x1C550] =	vst v44;
	v44 =	vld [tilespmem:$0x1C140];
	_ =	sdelay $0x3  }
0xc6: {  	v47 =	vsel vm2, $0x12A, v47  }
0xc7: {  	[tilespmem:$0x1C150] =	vst v47;
	v47 =	vld [tilespmem:$0x1BD50];
	v44 =	vsel vm1, $0x8662, v44  }
0xc8: {  	[tilespmem:$0x1C560] =	vst v44;
	v44 =	vld [tilespmem:$0x1C150];
	_ =	sdelay $0x3  }
0xc9: {  	v47 =	vsel vm2, $0xB541, v47  }
0xca: {  	[tilespmem:$0x1C160] =	vst v47;
	v47 =	vld [tilespmem:$0x1BD60];
	v44 =	vsel vm1, $0x22B, v44  }
0xcb: {  	[tilespmem:$0x1C570] =	vst v44;
	v44 =	vld [tilespmem:$0x1C160];
	_ =	sdelay $0x3  }
0xcc: {  	v47 =	vsel vm2, $0x13A, v47  }
0xcd: {  	[tilespmem:$0x1C170] =	vst v47;
	v47 =	vld [tilespmem:$0x1BD70];
	v44 =	vsel vm1, $0xB862, v44  }
0xce: {  	[tilespmem:$0x1C580] =	vst v44;
	v44 =	vld [tilespmem:$0x1C170];
	_ =	sdelay $0x3  }
0xcf: {  	v47 =	vsel vm2, $0x10B, v47  }
0xd0: {  	[tilespmem:$0x1C180] =	vst v47;
	v47 =	vld [tilespmem:$0x1BD80];
	v44 =	vsel vm1, $0x23B, v44  }
0xd1: {  	[tilespmem:$0x1C590] =	vst v44;
	v44 =	vld [tilespmem:$0x1C180];
	_ =	sdelay $0x3  }
0xd2: {  	v47 =	vsel vm2, $0x2261, v47  }
0xd3: {  	[tilespmem:$0x1C190] =	vst v47;
	v47 =	vld [tilespmem:$0x1BD90];
	v44 =	vsel vm1, $0x20C, v44  }
0xd4: {  	[tilespmem:$0x1C5A0] =	vst v44;
	v44 =	vld [tilespmem:$0x1C190];
	_ =	sdelay $0x3  }
0xd5: {  	v47 =	vsel vm2, $0x5461, v47  }
0xd6: {  	[tilespmem:$0x1C1A0] =	vst v47;
	v47 =	vld [tilespmem:$0x1BDA0];
	v44 =	vsel vm1, $0x2582, v44  }
0xd7: {  	[tilespmem:$0x1C5B0] =	vst v44;
	v44 =	vld [tilespmem:$0x1C1A0];
	_ =	sdelay $0x3  }
0xd8: {  	v47 =	vsel vm2, $0x11B, v47  }
0xd9: {  	[tilespmem:$0x1C1B0] =	vst v47;
	v47 =	vld [tilespmem:$0x1BDB0];
	v44 =	vsel vm1, $0x5782, v44  }
0xda: {  	[tilespmem:$0x1C5C0] =	vst v44;
	v44 =	vld [tilespmem:$0x1C1B0];
	_ =	sdelay $0x3  }
0xdb: {  	v47 =	vsel vm2, $0x8661, v47  }
0xdc: {  	[tilespmem:$0x1C1C0] =	vst v47;
	v47 =	vld [tilespmem:$0x1BDC0];
	v44 =	vsel vm1, $0x21C, v44  }
0xdd: {  	[tilespmem:$0x1C5D0] =	vst v44;
	v44 =	vld [tilespmem:$0x1C1C0];
	_ =	sdelay $0x3  }
0xde: {  	v47 =	vsel vm2, $0x12B, v47  }
0xdf: {  	[tilespmem:$0x1C1D0] =	vst v47;
	v47 =	vld [tilespmem:$0x1BDD0];
	v44 =	vsel vm1, $0x8982, v44  }
0xe0: {  	[tilespmem:$0x1C5E0] =	vst v44;
	v44 =	vld [tilespmem:$0x1C1D0];
	_ =	sdelay $0x3  }
0xe1: {  	v47 =	vsel vm2, $0xB861, v47  }
0xe2: {  	[tilespmem:$0x1C1E0] =	vst v47;
	v47 =	vld [tilespmem:$0x1BDE0];
	v44 =	vsel vm1, $0x22C, v44  }
0xe3: {  	[tilespmem:$0x1C5F0] =	vst v44;
	v44 =	vld [tilespmem:$0x1C1E0];
	_ =	sdelay $0x3  }
0xe4: {  	v47 =	vsel vm2, $0x13B, v47  }
0xe5: {  	[tilespmem:$0x1C1F0] =	vst v47;
	v47 =	vld [tilespmem:$0x1BDF0];
	v44 =	vsel vm1, $0xBB82, v44  }
0xe6: {  	[tilespmem:$0x1C600] =	vst v44;
	v44 =	vld [tilespmem:$0x1C1F0];
	_ =	sdelay $0x3  }
0xe7: {  	v47 =	vsel vm2, $0x10C, v47  }
0xe8: {  	[tilespmem:$0x1C200] =	vst v47;
	v47 =	vld [tilespmem:$0x1BE00];
	v44 =	vsel vm1, $0x23C, v44  }
0xe9: {  	[tilespmem:$0x1C610] =	vst v44;
	v44 =	vld [tilespmem:$0x1C200];
	_ =	sdelay $0x3  }
0xea: {  	v47 =	vsel vm2, $0x2581, v47  }
0xeb: {  	[tilespmem:$0x1C210] =	vst v47;
	v47 =	vld [tilespmem:$0x1BE10];
	v44 =	vsel vm1, $0x20D, v44  }
0xec: {  	[tilespmem:$0x1C620] =	vst v44;
	v44 =	vld [tilespmem:$0x1C210];
	_ =	sdelay $0x3  }
0xed: {  	v47 =	vsel vm2, $0x5781, v47  }
0xee: {  	[tilespmem:$0x1C220] =	vst v47;
	v47 =	vld [tilespmem:$0x1BE20];
	v44 =	vsel vm1, $0x28A2, v44  }
0xef: {  	[tilespmem:$0x1C630] =	vst v44;
	v44 =	vld [tilespmem:$0x1C220];
	_ =	sdelay $0x3  }
0xf0: {  	v47 =	vsel vm2, $0x11C, v47  }
0xf1: {  	[tilespmem:$0x1C230] =	vst v47;
	v47 =	vld [tilespmem:$0x1BE30];
	v44 =	vsel vm1, $0x5AA2, v44  }
0xf2: {  	[tilespmem:$0x1C640] =	vst v44;
	v44 =	vld [tilespmem:$0x1C230];
	_ =	sdelay $0x3  }
0xf3: {  	v47 =	vsel vm2, $0x8981, v47  }
0xf4: {  	[tilespmem:$0x1C240] =	vst v47;
	v47 =	vld [tilespmem:$0x1BE40];
	v44 =	vsel vm1, $0x21D, v44  }
0xf5: {  	[tilespmem:$0x1C650] =	vst v44;
	v44 =	vld [tilespmem:$0x1C240];
	_ =	sdelay $0x3  }
0xf6: {  	v47 =	vsel vm2, $0x12C, v47  }
0xf7: {  	[tilespmem:$0x1C250] =	vst v47;
	v47 =	vld [tilespmem:$0x1BE50];
	v44 =	vsel vm1, $0x8CA2, v44  }
0xf8: {  	[tilespmem:$0x1C660] =	vst v44;
	v44 =	vld [tilespmem:$0x1C250];
	_ =	sdelay $0x3  }
0xf9: {  	v47 =	vsel vm2, $0xBB81, v47  }
0xfa: {  	[tilespmem:$0x1C260] =	vst v47;
	v47 =	vld [tilespmem:$0x1BE60];
	v44 =	vsel vm1, $0x22D, v44  }
0xfb: {  	[tilespmem:$0x1C670] =	vst v44;
	v44 =	vld [tilespmem:$0x1C260];
	_ =	sdelay $0x3  }
0xfc: {  	v47 =	vsel vm2, $0x13C, v47  }
0xfd: {  	[tilespmem:$0x1C270] =	vst v47;
	v47 =	vld [tilespmem:$0x1BE70];
	v44 =	vsel vm1, $0xBEA2, v44  }
0xfe: {  	[tilespmem:$0x1C680] =	vst v44;
	v44 =	vld [tilespmem:$0x1C270];
	_ =	sdelay $0x3  }
0xff: {  	v47 =	vsel vm2, $0x10D, v47  }
0x100: {  	[tilespmem:$0x1C280] =	vst v47;
	v47 =	vld [tilespmem:$0x1BE80];
	v44 =	vsel vm1, $0x23D, v44  }
0x101: {  	[tilespmem:$0x1C690] =	vst v44;
	v44 =	vld [tilespmem:$0x1C280];
	_ =	sdelay $0x3  }
0x102: {  	v47 =	vsel vm2, $0x28A1, v47  }
0x103: {  	[tilespmem:$0x1C290] =	vst v47;
	v47 =	vld [tilespmem:$0x1BE90];
	v44 =	vsel vm1, $0x20E, v44  }
0x104: {  	[tilespmem:$0x1C6A0] =	vst v44;
	v44 =	vld [tilespmem:$0x1C290];
	_ =	sdelay $0x3  }
0x105: {  	v47 =	vsel vm2, $0x5AA1, v47  }
0x106: {  	[tilespmem:$0x1C2A0] =	vst v47;
	v47 =	vld [tilespmem:$0x1BEA0];
	v44 =	vsel vm1, $0x2BC2, v44  }
0x107: {  	[tilespmem:$0x1C6B0] =	vst v44;
	v44 =	vld [tilespmem:$0x1C2A0];
	_ =	sdelay $0x3  }
0x108: {  	v47 =	vsel vm2, $0x11D, v47  }
0x109: {  	[tilespmem:$0x1C2B0] =	vst v47;
	v47 =	vld [tilespmem:$0x1BEB0];
	v44 =	vsel vm1, $0x5DC2, v44  }
0x10a: {  	[tilespmem:$0x1C6C0] =	vst v44;
	v44 =	vld [tilespmem:$0x1C2B0];
	_ =	sdelay $0x3  }
0x10b: {  	v47 =	vsel vm2, $0x8CA1, v47  }
0x10c: {  	[tilespmem:$0x1C2C0] =	vst v47;
	v47 =	vld [tilespmem:$0x1BEC0];
	v44 =	vsel vm1, $0x21E, v44  }
0x10d: {  	[tilespmem:$0x1C6D0] =	vst v44;
	v44 =	vld [tilespmem:$0x1C2C0];
	_ =	sdelay $0x3  }
0x10e: {  	v47 =	vsel vm2, $0x12D, v47  }
0x10f: {  	[tilespmem:$0x1C2D0] =	vst v47;
	v47 =	vld [tilespmem:$0x1BED0];
	v44 =	vsel vm1, $0x8FC2, v44  }
0x110: {  	[tilespmem:$0x1C6E0] =	vst v44;
	v44 =	vld [tilespmem:$0x1C2D0];
	_ =	sdelay $0x3  }
0x111: {  	v47 =	vsel vm2, $0xBEA1, v47  }
0x112: {  	[tilespmem:$0x1C2E0] =	vst v47;
	v47 =	vld [tilespmem:$0x1BEE0];
	v44 =	vsel vm1, $0x22E, v44  }
0x113: {  	[tilespmem:$0x1C6F0] =	vst v44;
	v44 =	vld [tilespmem:$0x1C2E0];
	_ =	sdelay $0x3  }
0x114: {  	v47 =	vsel vm2, $0x13D, v47  }
0x115: {  	[tilespmem:$0x1C2F0] =	vst v47;
	v47 =	vld [tilespmem:$0x1BEF0];
	v44 =	vsel vm1, $0xC1C2, v44  }
0x116: {  	[tilespmem:$0x1C700] =	vst v44;
	v44 =	vld [tilespmem:$0x1C2F0];
	_ =	sdelay $0x3  }
0x117: {  	v47 =	vsel vm2, $0x10E, v47  }
0x118: {  	[tilespmem:$0x1C300] =	vst v47;
	v47 =	vld [tilespmem:$0x1BF00];
	v44 =	vsel vm1, $0x23E, v44  }
0x119: {  	[tilespmem:$0x1C710] =	vst v44;
	v44 =	vld [tilespmem:$0x1C300];
	_ =	sdelay $0x3  }
0x11a: {  	v47 =	vsel vm2, $0x2BC1, v47  }
0x11b: {  	[tilespmem:$0x1C310] =	vst v47;
	v47 =	vld [tilespmem:$0x1BF10];
	v44 =	vsel vm1, $0x20F, v44  }
0x11c: {  	[tilespmem:$0x1C720] =	vst v44;
	v44 =	vld [tilespmem:$0x1C310];
	_ =	sdelay $0x3  }
0x11d: {  	v47 =	vsel vm2, $0x5DC1, v47  }
0x11e: {  	[tilespmem:$0x1C320] =	vst v47;
	v47 =	vld [tilespmem:$0x1BF20];
	v44 =	vsel vm1, $0x2EE2, v44  }
0x11f: {  	[tilespmem:$0x1C730] =	vst v44;
	v44 =	vld [tilespmem:$0x1C320];
	_ =	sdelay $0x3  }
0x120: {  	v47 =	vsel vm2, $0x11E, v47  }
0x121: {  	[tilespmem:$0x1C330] =	vst v47;
	v47 =	vld [tilespmem:$0x1BF30];
	v44 =	vsel vm1, $0x60E2, v44  }
0x122: {  	[tilespmem:$0x1C740] =	vst v44;
	v44 =	vld [tilespmem:$0x1C330];
	_ =	sdelay $0x3  }
0x123: {  	v47 =	vsel vm2, $0x8FC1, v47  }
0x124: {  	[tilespmem:$0x1C340] =	vst v47;
	v47 =	vld [tilespmem:$0x1BF40];
	v44 =	vsel vm1, $0x21F, v44  }
0x125: {  	[tilespmem:$0x1C750] =	vst v44;
	v44 =	vld [tilespmem:$0x1C340];
	_ =	sdelay $0x3  }
0x126: {  	v47 =	vsel vm2, $0x12E, v47  }
0x127: {  	[tilespmem:$0x1C350] =	vst v47;
	v47 =	vld [tilespmem:$0x1BF50];
	v44 =	vsel vm1, $0x92E2, v44  }
0x128: {  	[tilespmem:$0x1C760] =	vst v44;
	v44 =	vld [tilespmem:$0x1C350];
	_ =	sdelay $0x3  }
0x129: {  	v47 =	vsel vm2, $0xC1C1, v47  }
0x12a: {  	[tilespmem:$0x1C360] =	vst v47;
	v47 =	vld [tilespmem:$0x1BF60];
	v44 =	vsel vm1, $0x22F, v44  }
0x12b: {  	[tilespmem:$0x1C770] =	vst v44;
	v44 =	vld [tilespmem:$0x1C360];
	_ =	sdelay $0x3  }
0x12c: {  	v47 =	vsel vm2, $0x13E, v47  }
0x12d: {  	[tilespmem:$0x1C370] =	vst v47;
	v47 =	vld [tilespmem:$0x1BF70];
	v44 =	vsel vm1, $0xC4E2, v44  }
0x12e: {  	[tilespmem:$0x1C780] =	vst v44;
	v44 =	vld [tilespmem:$0x1C370];
	_ =	sdelay $0x3  }
0x12f: {  	v47 =	vsel vm2, $0x10F, v47  }
0x130: {  	[tilespmem:$0x1C380] =	vst v47;
	v47 =	vld [tilespmem:$0x1BF80];
	v44 =	vsel vm1, $0x23F, v44  }
0x131: {  	[tilespmem:$0x1C790] =	vst v44;
	v44 =	vld [tilespmem:$0x1C380];
	_ =	sdelay $0x3  }
0x132: {  	v47 =	vsel vm2, $0x2EE1, v47  }
0x133: {  	[tilespmem:$0x1C390] =	vst v47;
	v47 =	vld [tilespmem:$0x1BF90];
	v44 =	vsel vm1, $0x200, v44  }
0x134: {  	[tilespmem:$0x1C7A0] =	vst v44;
	v44 =	vld [tilespmem:$0x1C390];
	_ =	sdelay $0x3  }
0x135: {  	v47 =	vsel vm2, $0x60E1, v47  }
0x136: {  	[tilespmem:$0x1C3A0] =	vst v47;
	v47 =	vld [tilespmem:$0x1BFA0];
	v44 =	vsel vm1, $0x2, v44  }
0x137: {  	[tilespmem:$0x1C7B0] =	vst v44;
	v44 =	vld [tilespmem:$0x1C3A0];
	_ =	sdelay $0x3  }
0x138: {  	v47 =	vsel vm2, $0x11F, v47  }
0x139: {  	[tilespmem:$0x1C3B0] =	vst v47;
	v47 =	vld [tilespmem:$0x1BFB0];
	v44 =	vsel vm1, $0x3202, v44  }
0x13a: {  	[tilespmem:$0x1C7C0] =	vst v44;
	v44 =	vld [tilespmem:$0x1C3B0];
	_ =	sdelay $0x3  }
0x13b: {  	v47 =	vsel vm2, $0x92E1, v47  }
0x13c: {  	[tilespmem:$0x1C3C0] =	vst v47;
	v47 =	vld [tilespmem:$0x1BFC0];
	v44 =	vsel vm1, $0x210, v44  }
0x13d: {  	[tilespmem:$0x1C7D0] =	vst v44;
	v44 =	vld [tilespmem:$0x1C3C0];
	_ =	sdelay $0x3  }
0x13e: {  	v47 =	vsel vm2, $0x12F, v47  }
0x13f: {  	[tilespmem:$0x1C3D0] =	vst v47;
	v47 =	vld [tilespmem:$0x1BFD0];
	v44 =	vsel vm1, $0x6402, v44  }
0x140: {  	[tilespmem:$0x1C7E0] =	vst v44;
	v44 =	vld [tilespmem:$0x1C3D0];
	_ =	sdelay $0x3  }
0x141: {  	v47 =	vsel vm2, $0xC4E1, v47  }
0x142: {  	[tilespmem:$0x1C3E0] =	vst v47;
	v47 =	vld [tilespmem:$0x1BFE0];
	v44 =	vsel vm1, $0x220, v44  }
0x143: {  	[tilespmem:$0x1C7F0] =	vst v44;
	v44 =	vld [tilespmem:$0x1C3E0];
	_ =	sdelay $0x3  }
0x144: {  	v47 =	vsel vm2, $0x13F, v47  }
0x145: {  	[tilespmem:$0x1C3F0] =	vst v47;
	v47 =	vld [tilespmem:$0x1BFF0];
	v44 =	vsel vm1, $0x9602, v44  }
0x146: {  	[tilespmem:$0x1C800] =	vst v44;
	v44 =	vld [tilespmem:$0x1C3F0];
	_ =	sdelay $0x3  }
0x147: {  	v47 =	vsel vm2, $0x100, v47  }
0x148: {  	[tilespmem:$0x1C400] =	vst v47;
	v47 =	vld [tilespmem:$0x1C000];
	v44 =	vsel vm1, $0x230, v44  }
0x149: {  	[tilespmem:$0x1C810] =	vst v44;
	v44 =	vld [tilespmem:$0x1C400];
	_ =	sdelay $0x3  }
0x14a: {  	v47 =	vsel vm2, $0x1, v47  }
0x14b: {  	[tilespmem:$0x1C410] =	vst v47;
	v47 =	vld [tilespmem:$0x1C010];
	v44 =	vsel vm1, $0x201, v44  }
0x14c: {  	[tilespmem:$0x1C820] =	vst v44;
	v44 =	vld [tilespmem:$0x1C410];
	_ =	sdelay $0x3  }
0x14d: {  	v47 =	vsel vm2, $0x3201, v47  }
0x14e: {  	[tilespmem:$0x1C420] =	vst v47;
	v47 =	vld [tilespmem:$0x1C020];
	v44 =	vsel vm1, $0x322, v44  }
0x14f: {  	[tilespmem:$0x1C830] =	vst v44;
	v44 =	vld [tilespmem:$0x1C420];
	_ =	sdelay $0x3  }
0x150: {  	v47 =	vsel vm2, $0x110, v47  }
0x151: {  	[tilespmem:$0x1C430] =	vst v47;
	v47 =	vld [tilespmem:$0x1C030];
	v44 =	vsel vm1, $0x3522, v44  }
0x152: {  	[tilespmem:$0x1C840] =	vst v44;
	v44 =	vld [tilespmem:$0x1C430];
	_ =	sdelay $0x3  }
0x153: {  	v47 =	vsel vm2, $0x6401, v47  }
0x154: {  	[tilespmem:$0x1C440] =	vst v47;
	v47 =	vld [tilespmem:$0x1C040];
	v44 =	vsel vm1, $0x211, v44  }
0x155: {  	[tilespmem:$0x1C850] =	vst v44;
	v44 =	vld [tilespmem:$0x1C440];
	_ =	sdelay $0x3  }
0x156: {  	v47 =	vsel vm2, $0x120, v47  }
0x157: {  	[tilespmem:$0x1C450] =	vst v47;
	v47 =	vld [tilespmem:$0x1C050];
	v44 =	vsel vm1, $0x6722, v44  }
0x158: {  	[tilespmem:$0x1C860] =	vst v44;
	v44 =	vld [tilespmem:$0x1C450];
	_ =	sdelay $0x3  }
0x159: {  	v47 =	vsel vm2, $0x9601, v47  }
0x15a: {  	[tilespmem:$0x1C460] =	vst v47;
	v44 =	vsel vm1, $0x221, v44  }
0x15b: {  	[tilespmem:$0x1C870] =	vst v44;
	v44 =	vld [tilespmem:$0x1C460];
	_ =	sdelay $0x4  }
0x15c: {  	v44 =	vsel vm1, $0x9922, v44  }
0x15d: {  	[tilespmem:$0x1C880] =	vst v44;
	v44 =	vld [tilespmem:$0x1C470];
	_ =	sdelay $0x4  }
0x15e: {  	v42 =	vsel vm1, $0x47E2, v42;
	vm2 =	vcmask $0xF0C;
	v44 =	vsel vm1, $0x231, v44  }
0x15f: {  	[tilespmem:$0x1C890] =	vst v44;
	v44 =	vsel vm2, $0x4B03, v42;
	v42 =	vld [tilespmem:$0x1C480];
	_ =	sdelay $0x4  }
0x160: {  	v42 =	vsel vm2, $0xB543, v42  }
0x161: {  	[tilespmem:$0x1C8A0] =	vst v42;
	v42 =	vld [tilespmem:$0x1C490];
	_ =	sdelay $0x4  }
0x162: {  	v42 =	vsel vm2, $0x33A, v42  }
0x163: {  	[tilespmem:$0x1C8B0] =	vst v42;
	v42 =	vld [tilespmem:$0x1C4A0];
	_ =	sdelay $0x4  }
0x164: {  	v42 =	vsel vm2, $0x30B, v42  }
0x165: {  	[tilespmem:$0x1C8C0] =	vst v42;
	v42 =	vld [tilespmem:$0x1C4B0];
	_ =	sdelay $0x4  }
0x166: {  	v42 =	vsel vm2, $0x2263, v42  }
0x167: {  	[tilespmem:$0x1C8D0] =	vst v42;
	v42 =	vld [tilespmem:$0x1C4C0];
	_ =	sdelay $0x4  }
0x168: {  	v42 =	vsel vm2, $0x5463, v42  }
0x169: {  	[tilespmem:$0x1C8E0] =	vst v42;
	v42 =	vld [tilespmem:$0x1C4D0];
	_ =	sdelay $0x4  }
0x16a: {  	v42 =	vsel vm2, $0x31B, v42  }
0x16b: {  	[tilespmem:$0x1C8F0] =	vst v42;
	v42 =	vld [tilespmem:$0x1C4E0];
	_ =	sdelay $0x4  }
0x16c: {  	v42 =	vsel vm2, $0x8663, v42  }
0x16d: {  	[tilespmem:$0x1C900] =	vst v42;
	v42 =	vld [tilespmem:$0x1C4F0];
	_ =	sdelay $0x4  }
0x16e: {  	v42 =	vsel vm2, $0x32B, v42  }
0x16f: {  	[tilespmem:$0x1C910] =	vst v42;
	v42 =	vld [tilespmem:$0x1C500];
	_ =	sdelay $0x4  }
0x170: {  	v42 =	vsel vm2, $0xB863, v42  }
0x171: {  	[tilespmem:$0x1C920] =	vst v42;
	v42 =	vld [tilespmem:$0x1C510];
	_ =	sdelay $0x4  }
0x172: {  	v42 =	vsel vm2, $0x33B, v42  }
0x173: {  	[tilespmem:$0x1C930] =	vst v42;
	v42 =	vld [tilespmem:$0x1C520];
	_ =	sdelay $0x4  }
0x174: {  	v42 =	vsel vm2, $0x30C, v42  }
0x175: {  	[tilespmem:$0x1C940] =	vst v42;
	v42 =	vld [tilespmem:$0x1C530];
	_ =	sdelay $0x4  }
0x176: {  	v42 =	vsel vm2, $0x2583, v42  }
0x177: {  	[tilespmem:$0x1C950] =	vst v42;
	v42 =	vld [tilespmem:$0x1C540];
	_ =	sdelay $0x4  }
0x178: {  	v42 =	vsel vm2, $0x5783, v42  }
0x179: {  	[tilespmem:$0x1C960] =	vst v42;
	v42 =	vld [tilespmem:$0x1C550];
	_ =	sdelay $0x4  }
0x17a: {  	v42 =	vsel vm2, $0x31C, v42  }
0x17b: {  	[tilespmem:$0x1C970] =	vst v42;
	v42 =	vld [tilespmem:$0x1C560];
	_ =	sdelay $0x4  }
0x17c: {  	v42 =	vsel vm2, $0x8983, v42  }
0x17d: {  	[tilespmem:$0x1C980] =	vst v42;
	v42 =	vld [tilespmem:$0x1C570];
	_ =	sdelay $0x4  }
0x17e: {  	v42 =	vsel vm2, $0x32C, v42  }
0x17f: {  	[tilespmem:$0x1C990] =	vst v42;
	v42 =	vld [tilespmem:$0x1C580];
	_ =	sdelay $0x4  }
0x180: {  	v42 =	vsel vm2, $0xBB83, v42  }
0x181: {  	[tilespmem:$0x1C9A0] =	vst v42;
	v42 =	vld [tilespmem:$0x1C590];
	_ =	sdelay $0x4  }
0x182: {  	v42 =	vsel vm2, $0x33C, v42  }
0x183: {  	[tilespmem:$0x1C9B0] =	vst v42;
	v42 =	vld [tilespmem:$0x1C5A0];
	_ =	sdelay $0x4  }
0x184: {  	v42 =	vsel vm2, $0x30D, v42  }
0x185: {  	[tilespmem:$0x1C9C0] =	vst v42;
	v42 =	vld [tilespmem:$0x1C5B0];
	_ =	sdelay $0x4  }
0x186: {  	v42 =	vsel vm2, $0x28A3, v42  }
0x187: {  	[tilespmem:$0x1C9D0] =	vst v42;
	v42 =	vld [tilespmem:$0x1C5C0];
	_ =	sdelay $0x4  }
0x188: {  	v42 =	vsel vm2, $0x5AA3, v42  }
0x189: {  	[tilespmem:$0x1C9E0] =	vst v42;
	v42 =	vld [tilespmem:$0x1C5D0];
	_ =	sdelay $0x4  }
0x18a: {  	v42 =	vsel vm2, $0x31D, v42  }
0x18b: {  	[tilespmem:$0x1C9F0] =	vst v42;
	v42 =	vld [tilespmem:$0x1C5E0];
	_ =	sdelay $0x4  }
0x18c: {  	v42 =	vsel vm2, $0x8CA3, v42  }
0x18d: {  	[tilespmem:$0x1CA00] =	vst v42;
	v42 =	vld [tilespmem:$0x1C5F0];
	_ =	sdelay $0x4  }
0x18e: {  	v42 =	vsel vm2, $0x32D, v42  }
0x18f: {  	[tilespmem:$0x1CA10] =	vst v42;
	v42 =	vld [tilespmem:$0x1C600];
	_ =	sdelay $0x4  }
0x190: {  	v42 =	vsel vm2, $0xBEA3, v42  }
0x191: {  	[tilespmem:$0x1CA20] =	vst v42;
	v42 =	vld [tilespmem:$0x1C610];
	_ =	sdelay $0x4  }
0x192: {  	v42 =	vsel vm2, $0x33D, v42  }
0x193: {  	[tilespmem:$0x1CA30] =	vst v42;
	v42 =	vld [tilespmem:$0x1C620];
	_ =	sdelay $0x4  }
0x194: {  	v42 =	vsel vm2, $0x30E, v42  }
0x195: {  	[tilespmem:$0x1CA40] =	vst v42;
	v42 =	vld [tilespmem:$0x1C630];
	_ =	sdelay $0x4  }
0x196: {  	v42 =	vsel vm2, $0x2BC3, v42  }
0x197: {  	[tilespmem:$0x1CA50] =	vst v42;
	v42 =	vld [tilespmem:$0x1C640];
	_ =	sdelay $0x4  }
0x198: {  	v42 =	vsel vm2, $0x5DC3, v42  }
0x199: {  	[tilespmem:$0x1CA60] =	vst v42;
	v42 =	vld [tilespmem:$0x1C650];
	_ =	sdelay $0x4  }
0x19a: {  	v42 =	vsel vm2, $0x31E, v42  }
0x19b: {  	[tilespmem:$0x1CA70] =	vst v42;
	v42 =	vld [tilespmem:$0x1C660];
	_ =	sdelay $0x4  }
0x19c: {  	v42 =	vsel vm2, $0x8FC3, v42  }
0x19d: {  	[tilespmem:$0x1CA80] =	vst v42;
	v42 =	vld [tilespmem:$0x1C670];
	_ =	sdelay $0x4  }
0x19e: {  	v42 =	vsel vm2, $0x32E, v42  }
0x19f: {  	[tilespmem:$0x1CA90] =	vst v42;
	v42 =	vld [tilespmem:$0x1C680];
	_ =	sdelay $0x4  }
0x1a0: {  	v42 =	vsel vm2, $0xC1C3, v42  }
0x1a1: {  	[tilespmem:$0x1CAA0] =	vst v42;
	v42 =	vld [tilespmem:$0x1C690];
	_ =	sdelay $0x4  }
0x1a2: {  	v42 =	vsel vm2, $0x33E, v42  }
0x1a3: {  	[tilespmem:$0x1CAB0] =	vst v42;
	v42 =	vld [tilespmem:$0x1C6A0];
	_ =	sdelay $0x4  }
0x1a4: {  	v42 =	vsel vm2, $0x30F, v42  }
0x1a5: {  	[tilespmem:$0x1CAC0] =	vst v42;
	v42 =	vld [tilespmem:$0x1C6B0];
	_ =	sdelay $0x4  }
0x1a6: {  	v42 =	vsel vm2, $0x2EE3, v42  }
0x1a7: {  	[tilespmem:$0x1CAD0] =	vst v42;
	v42 =	vld [tilespmem:$0x1C6C0];
	_ =	sdelay $0x4  }
0x1a8: {  	v42 =	vsel vm2, $0x60E3, v42  }
0x1a9: {  	[tilespmem:$0x1CAE0] =	vst v42;
	v42 =	vld [tilespmem:$0x1C6D0];
	_ =	sdelay $0x4  }
0x1aa: {  	v42 =	vsel vm2, $0x31F, v42  }
0x1ab: {  	[tilespmem:$0x1CAF0] =	vst v42;
	v42 =	vld [tilespmem:$0x1C6E0];
	_ =	sdelay $0x4  }
0x1ac: {  	v42 =	vsel vm2, $0x92E3, v42  }
0x1ad: {  	[tilespmem:$0x1CB00] =	vst v42;
	v42 =	vld [tilespmem:$0x1C6F0];
	_ =	sdelay $0x4  }
0x1ae: {  	v42 =	vsel vm2, $0x32F, v42  }
0x1af: {  	[tilespmem:$0x1CB10] =	vst v42;
	v42 =	vld [tilespmem:$0x1C700];
	_ =	sdelay $0x4  }
0x1b0: {  	v42 =	vsel vm2, $0xC4E3, v42  }
0x1b1: {  	[tilespmem:$0x1CB20] =	vst v42;
	v42 =	vld [tilespmem:$0x1C710];
	_ =	sdelay $0x4  }
0x1b2: {  	v42 =	vsel vm2, $0x33F, v42  }
0x1b3: {  	[tilespmem:$0x1CB30] =	vst v42;
	v42 =	vld [tilespmem:$0x1C720];
	_ =	sdelay $0x4  }
0x1b4: {  	v42 =	vsel vm2, $0x300, v42  }
0x1b5: {  	[tilespmem:$0x1CB40] =	vst v42;
	v42 =	vld [tilespmem:$0x1C730];
	_ =	sdelay $0x4  }
0x1b6: {  	v42 =	vsel vm2, $0x3, v42  }
0x1b7: {  	[tilespmem:$0x1CB50] =	vst v42;
	v42 =	vld [tilespmem:$0x1C740];
	_ =	sdelay $0x4  }
0x1b8: {  	v42 =	vsel vm2, $0x3203, v42  }
0x1b9: {  	[tilespmem:$0x1CB60] =	vst v42;
	v42 =	vld [tilespmem:$0x1C750];
	_ =	sdelay $0x4  }
0x1ba: {  	v42 =	vsel vm2, $0x310, v42  }
0x1bb: {  	[tilespmem:$0x1CB70] =	vst v42;
	v42 =	vld [tilespmem:$0x1C760];
	_ =	sdelay $0x4  }
0x1bc: {  	v42 =	vsel vm2, $0x6403, v42  }
0x1bd: {  	[tilespmem:$0x1CB80] =	vst v42;
	v42 =	vld [tilespmem:$0x1C770];
	_ =	sdelay $0x4  }
0x1be: {  	v42 =	vsel vm2, $0x320, v42  }
0x1bf: {  	[tilespmem:$0x1CB90] =	vst v42;
	v42 =	vld [tilespmem:$0x1C780];
	_ =	sdelay $0x4  }
0x1c0: {  	v42 =	vsel vm2, $0x9603, v42  }
0x1c1: {  	[tilespmem:$0x1CBA0] =	vst v42;
	v42 =	vld [tilespmem:$0x1C790];
	_ =	sdelay $0x4  }
0x1c2: {  	v42 =	vsel vm2, $0x330, v42  }
0x1c3: {  	[tilespmem:$0x1CBB0] =	vst v42;
	v42 =	vld [tilespmem:$0x1C7A0];
	_ =	sdelay $0x4  }
0x1c4: {  	v42 =	vsel vm2, $0x301, v42  }
0x1c5: {  	[tilespmem:$0x1CBC0] =	vst v42;
	v42 =	vld [tilespmem:$0x1C7B0];
	_ =	sdelay $0x4  }
0x1c6: {  	v42 =	vsel vm2, $0x323, v42  }
0x1c7: {  	[tilespmem:$0x1CBD0] =	vst v42;
	v42 =	vld [tilespmem:$0x1C7C0];
	_ =	sdelay $0x4  }
0x1c8: {  	v42 =	vsel vm2, $0x3523, v42  }
0x1c9: {  	[tilespmem:$0x1CBE0] =	vst v42;
	v42 =	vld [tilespmem:$0x1C7D0];
	_ =	sdelay $0x4  }
0x1ca: {  	v42 =	vsel vm2, $0x311, v42  }
0x1cb: {  	[tilespmem:$0x1CBF0] =	vst v42;
	v42 =	vld [tilespmem:$0x1C7E0];
	_ =	sdelay $0x4  }
0x1cc: {  	v42 =	vsel vm2, $0x6723, v42  }
0x1cd: {  	[tilespmem:$0x1CC00] =	vst v42;
	v42 =	vld [tilespmem:$0x1C7F0];
	_ =	sdelay $0x4  }
0x1ce: {  	v42 =	vsel vm2, $0x321, v42  }
0x1cf: {  	[tilespmem:$0x1CC10] =	vst v42;
	v42 =	vld [tilespmem:$0x1C800];
	_ =	sdelay $0x4  }
0x1d0: {  	v42 =	vsel vm2, $0x9923, v42  }
0x1d1: {  	[tilespmem:$0x1CC20] =	vst v42;
	v42 =	vld [tilespmem:$0x1C810];
	_ =	sdelay $0x4  }
0x1d2: {  	v42 =	vsel vm2, $0x331, v42  }
0x1d3: {  	[tilespmem:$0x1CC30] =	vst v42;
	v42 =	vld [tilespmem:$0x1C820];
	_ =	sdelay $0x4  }
0x1d4: {  	v42 =	vsel vm2, $0x302, v42  }
0x1d5: {  	[tilespmem:$0x1CC40] =	vst v42;
	v42 =	vld [tilespmem:$0x1C830];
	_ =	sdelay $0x4  }
0x1d6: {  	v42 =	vsel vm2, $0x643, v42  }
0x1d7: {  	[tilespmem:$0x1CC50] =	vst v42;
	v42 =	vld [tilespmem:$0x1C840];
	_ =	sdelay $0x4  }
0x1d8: {  	v42 =	vsel vm2, $0x3843, v42  }
0x1d9: {  	[tilespmem:$0x1CC60] =	vst v42;
	v42 =	vld [tilespmem:$0x1C850];
	_ =	sdelay $0x4  }
0x1da: {  	v42 =	vsel vm2, $0x312, v42  }
0x1db: {  	[tilespmem:$0x1CC70] =	vst v42;
	v42 =	vld [tilespmem:$0x1C860];
	_ =	sdelay $0x1  }
0x1dc: {  	v0 =	vsel vm1, $0x202, v0;
	v1 =	vsel vm1, $0x642, v1;
	v2 =	vsel vm1, $0x3842, v2  }
0x1dd: {  	v3 =	vsel vm1, $0x212, v3;
	v4 =	vsel vm1, $0x6A42, v4;
	v5 =	vsel vm1, $0x222, v5  }
0x1de: {  	v6 =	vsel vm1, $0x9C42, v6;
	v7 =	vsel vm1, $0x232, v7;
	v8 =	vsel vm1, $0x203, v8  }
0x1df: {  	v9 =	vsel vm1, $0x962, v9;
	v10 =	vsel vm1, $0x3B62, v10;
	v42 =	vsel vm2, $0x6A43, v42  }
0x1e0: {  	v11 =	vsel vm1, $0x213, v11;
	v12 =	vsel vm1, $0x6D62, v12;
	v13 =	vsel vm1, $0x223, v13;
	[tilespmem:$0x1CC80] =	vst v42;
	v42 =	vld [tilespmem:$0x1C870]  }
0x1e1: {  	v14 =	vsel vm1, $0x9F62, v14;
	v15 =	vsel vm1, $0x233, v15;
	v16 =	vsel vm1, $0x204, v16  }
0x1e2: {  	v17 =	vsel vm1, $0xC82, v17;
	v18 =	vsel vm1, $0x3E82, v18;
	v19 =	vsel vm1, $0x214, v19  }
0x1e3: {  	v20 =	vsel vm1, $0x7082, v20;
	v21 =	vsel vm1, $0x224, v21;
	v22 =	vsel vm1, $0xA282, v22  }
0x1e4: {  	v23 =	vsel vm1, $0x234, v23;
	v24 =	vsel vm1, $0x205, v24;
	v25 =	vsel vm1, $0xFA2, v25  }
0x1e5: {  	v26 =	vsel vm1, $0x41A2, v26;
	v27 =	vsel vm1, $0x215, v27;
	v42 =	vsel vm2, $0x322, v42  }
0x1e6: {  	v28 =	vsel vm1, $0x73A2, v28;
	v29 =	vsel vm1, $0x225, v29;
	v30 =	vsel vm1, $0xA5A2, v30;
	[tilespmem:$0x1CC90] =	vst v42;
	v42 =	vld [tilespmem:$0x1C880]  }
0x1e7: {  	v31 =	vsel vm1, $0x235, v31;
	v32 =	vsel vm1, $0x206, v32;
	v33 =	vsel vm1, $0x12C2, v33  }
0x1e8: {  	v34 =	vsel vm1, $0x44C2, v34;
	v35 =	vsel vm1, $0x216, v35;
	v36 =	vsel vm1, $0x76C2, v36  }
0x1e9: {  	v37 =	vsel vm1, $0x226, v37;
	v38 =	vsel vm1, $0xA8C2, v38;
	v39 =	vsel vm1, $0x236, v39  }
0x1ea: {  	v40 =	vsel vm1, $0x207, v40;
	v41 =	vsel vm1, $0x15E2, v41;
	v43 =	vsel vm1, $0x217, v43  }
0x1eb: {  	v48 =	vsel vm1, $0xABE2, v48;
	v49 =	vsel vm1, $0x237, v49;
	v42 =	vsel vm2, $0x9C43, v42  }
0x1ec: {  	v50 =	vsel vm1, $0x208, v50;
	v51 =	vsel vm1, $0x1902, v51;
	v52 =	vsel vm1, $0x4B02, v52;
	[tilespmem:$0x1CCA0] =	vst v42;
	v42 =	vld [tilespmem:$0x1C890]  }
0x1ed: {  	v53 =	vsel vm1, $0x218, v53;
	v54 =	vsel vm1, $0x7D02, v54;
	v55 =	vsel vm1, $0x228, v55  }
0x1ee: {  	v56 =	vsel vm1, $0xAF02, v56;
	v57 =	vsel vm1, $0x238, v57;
	v60 =	vsel vm1, $0x4E22, v60  }
0x1ef: {  	v61 =	vsel vm1, $0x219, v61;
	v59 =	vsel vm1, $0x1C22, v59;
	v58 =	vsel vm1, $0x209, v58  }
0x1f0: {  	v62 =	vsel vm1, $0x8022, v62;
	v63 =	vsel vm1, $0x229, v63;
	v47 =	vsel vm1, $0x227, v45  }
0x1f1: {  	v40 =	vsel vm2, $0x308, v40;
	vm1 =	vcmask $0x1310;
	v42 =	vsel vm2, $0x332, v42  }
0x1f2: {  	[tilespmem:$0x1CCB0] =	vst v42;
	v42 =	vsel vm1, $0x49, v40;
	v40 =	vld [tilespmem:$0x1C8A0];
	_ =	sdelay $0x4  }
0x1f3: {  	v40 =	vsel vm1, $0xB928, v40  }
0x1f4: {  	[tilespmem:$0x1CCC0] =	vst v40;
	v40 =	vld [tilespmem:$0x1C8B0];
	_ =	sdelay $0x4  }
0x1f5: {  	v40 =	vsel vm1, $0x7B, v40  }
0x1f6: {  	[tilespmem:$0x1CCD0] =	vst v40;
	v40 =	vld [tilespmem:$0x1C8C0];
	_ =	sdelay $0x4  }
0x1f7: {  	v40 =	vsel vm1, $0x4C, v40  }
0x1f8: {  	[tilespmem:$0x1CCE0] =	vst v40;
	v40 =	vld [tilespmem:$0x1C8D0];
	_ =	sdelay $0x4  }
0x1f9: {  	v40 =	vsel vm1, $0x2648, v40  }
0x1fa: {  	[tilespmem:$0x1CCF0] =	vst v40;
	v40 =	vld [tilespmem:$0x1C8E0];
	_ =	sdelay $0x4  }
0x1fb: {  	v40 =	vsel vm1, $0x5848, v40  }
0x1fc: {  	[tilespmem:$0x1CD00] =	vst v40;
	v40 =	vld [tilespmem:$0x1C8F0];
	_ =	sdelay $0x4  }
0x1fd: {  	v40 =	vsel vm1, $0x5C, v40  }
0x1fe: {  	[tilespmem:$0x1CD10] =	vst v40;
	v40 =	vld [tilespmem:$0x1C900];
	_ =	sdelay $0x4  }
0x1ff: {  	v40 =	vsel vm1, $0x8A48, v40  }
0x200: {  	[tilespmem:$0x1CD20] =	vst v40;
	v40 =	vld [tilespmem:$0x1C910];
	_ =	sdelay $0x4  }
0x201: {  	v40 =	vsel vm1, $0x6C, v40  }
0x202: {  	[tilespmem:$0x1CD30] =	vst v40;
	v40 =	vld [tilespmem:$0x1C920];
	_ =	sdelay $0x4  }
0x203: {  	v40 =	vsel vm1, $0xBC48, v40  }
0x204: {  	[tilespmem:$0x1CD40] =	vst v40;
	v40 =	vld [tilespmem:$0x1C930];
	_ =	sdelay $0x4  }
0x205: {  	v40 =	vsel vm1, $0x7C, v40  }
0x206: {  	[tilespmem:$0x1CD50] =	vst v40;
	v40 =	vld [tilespmem:$0x1C940];
	_ =	sdelay $0x4  }
0x207: {  	v40 =	vsel vm1, $0x4D, v40  }
0x208: {  	[tilespmem:$0x1CD60] =	vst v40;
	v40 =	vld [tilespmem:$0x1C950];
	_ =	sdelay $0x4  }
0x209: {  	v40 =	vsel vm1, $0x2968, v40  }
0x20a: {  	[tilespmem:$0x1CD70] =	vst v40;
	v40 =	vld [tilespmem:$0x1C960];
	_ =	sdelay $0x4  }
0x20b: {  	v40 =	vsel vm1, $0x5B68, v40  }
0x20c: {  	[tilespmem:$0x1CD80] =	vst v40;
	v40 =	vld [tilespmem:$0x1C970];
	_ =	sdelay $0x4  }
0x20d: {  	v40 =	vsel vm1, $0x5D, v40  }
0x20e: {  	[tilespmem:$0x1CD90] =	vst v40;
	v40 =	vld [tilespmem:$0x1C980];
	_ =	sdelay $0x4  }
0x20f: {  	v40 =	vsel vm1, $0x8D68, v40  }
0x210: {  	[tilespmem:$0x1CDA0] =	vst v40;
	v40 =	vld [tilespmem:$0x1C990];
	_ =	sdelay $0x4  }
0x211: {  	v40 =	vsel vm1, $0x6D, v40  }
0x212: {  	[tilespmem:$0x1CDB0] =	vst v40;
	v40 =	vld [tilespmem:$0x1C9A0];
	_ =	sdelay $0x4  }
0x213: {  	v40 =	vsel vm1, $0xBF68, v40  }
0x214: {  	[tilespmem:$0x1CDC0] =	vst v40;
	v40 =	vld [tilespmem:$0x1C9B0];
	_ =	sdelay $0x4  }
0x215: {  	v40 =	vsel vm1, $0x7D, v40  }
0x216: {  	[tilespmem:$0x1CDD0] =	vst v40;
	v40 =	vld [tilespmem:$0x1C9C0];
	_ =	sdelay $0x4  }
0x217: {  	v40 =	vsel vm1, $0x4E, v40  }
0x218: {  	[tilespmem:$0x1CDE0] =	vst v40;
	v40 =	vld [tilespmem:$0x1C9D0];
	_ =	sdelay $0x4  }
0x219: {  	v40 =	vsel vm1, $0x2C88, v40  }
0x21a: {  	[tilespmem:$0x1CDF0] =	vst v40;
	v40 =	vld [tilespmem:$0x1C9E0];
	_ =	sdelay $0x4  }
0x21b: {  	v40 =	vsel vm1, $0x5E88, v40  }
0x21c: {  	[tilespmem:$0x1CE00] =	vst v40;
	v40 =	vld [tilespmem:$0x1C9F0];
	_ =	sdelay $0x4  }
0x21d: {  	v40 =	vsel vm1, $0x5E, v40  }
0x21e: {  	[tilespmem:$0x1CE10] =	vst v40;
	v40 =	vld [tilespmem:$0x1CA00];
	_ =	sdelay $0x4  }
0x21f: {  	v40 =	vsel vm1, $0x9088, v40  }
0x220: {  	[tilespmem:$0x1CE20] =	vst v40;
	v40 =	vld [tilespmem:$0x1CA10];
	_ =	sdelay $0x4  }
0x221: {  	v40 =	vsel vm1, $0x6E, v40  }
0x222: {  	[tilespmem:$0x1CE30] =	vst v40;
	v40 =	vld [tilespmem:$0x1CA20];
	_ =	sdelay $0x4  }
0x223: {  	v40 =	vsel vm1, $0xC288, v40  }
0x224: {  	[tilespmem:$0x1CE40] =	vst v40;
	v40 =	vld [tilespmem:$0x1CA30];
	_ =	sdelay $0x4  }
0x225: {  	v40 =	vsel vm1, $0x7E, v40  }
0x226: {  	[tilespmem:$0x1CE50] =	vst v40;
	v40 =	vld [tilespmem:$0x1CA40];
	_ =	sdelay $0x4  }
0x227: {  	v40 =	vsel vm1, $0x4F, v40  }
0x228: {  	[tilespmem:$0x1CE60] =	vst v40;
	v40 =	vld [tilespmem:$0x1CA50];
	_ =	sdelay $0x4  }
0x229: {  	v40 =	vsel vm1, $0x2FA8, v40  }
0x22a: {  	[tilespmem:$0x1CE70] =	vst v40;
	v40 =	vld [tilespmem:$0x1CA60];
	_ =	sdelay $0x4  }
0x22b: {  	v40 =	vsel vm1, $0x61A8, v40  }
0x22c: {  	[tilespmem:$0x1CE80] =	vst v40;
	v40 =	vld [tilespmem:$0x1CA70];
	_ =	sdelay $0x4  }
0x22d: {  	v40 =	vsel vm1, $0x5F, v40  }
0x22e: {  	[tilespmem:$0x1CE90] =	vst v40;
	v40 =	vld [tilespmem:$0x1CA80];
	_ =	sdelay $0x4  }
0x22f: {  	v40 =	vsel vm1, $0x93A8, v40  }
0x230: {  	[tilespmem:$0x1CEA0] =	vst v40;
	v40 =	vld [tilespmem:$0x1CA90];
	_ =	sdelay $0x4  }
0x231: {  	v40 =	vsel vm1, $0x6F, v40  }
0x232: {  	[tilespmem:$0x1CEB0] =	vst v40;
	v40 =	vld [tilespmem:$0x1CAA0];
	_ =	sdelay $0x4  }
0x233: {  	v40 =	vsel vm1, $0xC5A8, v40  }
0x234: {  	[tilespmem:$0x1CEC0] =	vst v40;
	v40 =	vld [tilespmem:$0x1CAB0];
	_ =	sdelay $0x4  }
0x235: {  	v40 =	vsel vm1, $0x7F, v40  }
0x236: {  	[tilespmem:$0x1CED0] =	vst v40;
	v40 =	vld [tilespmem:$0x1CAC0];
	_ =	sdelay $0x4  }
0x237: {  	v40 =	vsel vm1, $0x40, v40  }
0x238: {  	[tilespmem:$0x1CEE0] =	vst v40;
	v40 =	vld [tilespmem:$0x1CAD0];
	_ =	sdelay $0x4  }
0x239: {  	v40 =	vsel vm1, $0xC8, v40  }
0x23a: {  	[tilespmem:$0x1CEF0] =	vst v40;
	v40 =	vld [tilespmem:$0x1CAE0];
	_ =	sdelay $0x4  }
0x23b: {  	v40 =	vsel vm1, $0x32C8, v40  }
0x23c: {  	[tilespmem:$0x1CF00] =	vst v40;
	v40 =	vld [tilespmem:$0x1CAF0];
	_ =	sdelay $0x4  }
0x23d: {  	v40 =	vsel vm1, $0x50, v40  }
0x23e: {  	[tilespmem:$0x1CF10] =	vst v40  }
0x23f: {  	v40 =	vld [tilespmem:$0x1CB00];
	_ =	sdelay $0x4  }
0x240: {  	v40 =	vsel vm1, $0x64C8, v40  }
0x241: {  	[tilespmem:$0x1CF20] =	vst v40;
	v40 =	vld [tilespmem:$0x1CB10];
	_ =	sdelay $0x4  }
0x242: {  	v40 =	vsel vm1, $0x60, v40  }
0x243: {  	[tilespmem:$0x1CF30] =	vst v40;
	v40 =	vld [tilespmem:$0x1CB20];
	_ =	sdelay $0x4  }
0x244: {  	v40 =	vsel vm1, $0x96C8, v40  }
0x245: {  	[tilespmem:$0x1CF40] =	vst v40;
	v40 =	vld [tilespmem:$0x1CB30];
	_ =	sdelay $0x4  }
0x246: {  	v40 =	vsel vm1, $0x70, v40  }
0x247: {  	[tilespmem:$0x1CF50] =	vst v40;
	v40 =	vld [tilespmem:$0x1CB40];
	_ =	sdelay $0x4  }
0x248: {  	v40 =	vsel vm1, $0x41, v40  }
0x249: {  	[tilespmem:$0x1CF60] =	vst v40;
	v40 =	vld [tilespmem:$0x1CB50];
	_ =	sdelay $0x4  }
0x24a: {  	v40 =	vsel vm1, $0x3E8, v40  }
0x24b: {  	[tilespmem:$0x1CF70] =	vst v40;
	v40 =	vld [tilespmem:$0x1CB60];
	_ =	sdelay $0x4  }
0x24c: {  	v40 =	vsel vm1, $0x35E8, v40  }
0x24d: {  	[tilespmem:$0x1CF80] =	vst v40;
	v40 =	vld [tilespmem:$0x1CB70];
	_ =	sdelay $0x4  }
0x24e: {  	v40 =	vsel vm1, $0x51, v40  }
0x24f: {  	[tilespmem:$0x1CF90] =	vst v40;
	v40 =	vld [tilespmem:$0x1CB80];
	_ =	sdelay $0x4  }
0x250: {  	v40 =	vsel vm1, $0x67E8, v40  }
0x251: {  	[tilespmem:$0x1CFA0] =	vst v40;
	v40 =	vld [tilespmem:$0x1CB90];
	_ =	sdelay $0x4  }
0x252: {  	v40 =	vsel vm1, $0x61, v40  }
0x253: {  	[tilespmem:$0x1CFB0] =	vst v40;
	v40 =	vld [tilespmem:$0x1CBA0];
	_ =	sdelay $0x4  }
0x254: {  	v40 =	vsel vm1, $0x99E8, v40  }
0x255: {  	[tilespmem:$0x1CFC0] =	vst v40;
	v40 =	vld [tilespmem:$0x1CBB0];
	_ =	sdelay $0x4  }
0x256: {  	v40 =	vsel vm1, $0x71, v40  }
0x257: {  	[tilespmem:$0x1CFD0] =	vst v40;
	v40 =	vld [tilespmem:$0x1CBC0];
	_ =	sdelay $0x4  }
0x258: {  	v40 =	vsel vm1, $0x42, v40  }
0x259: {  	[tilespmem:$0x1CFE0] =	vst v40;
	v40 =	vld [tilespmem:$0x1CBD0];
	_ =	sdelay $0x4  }
0x25a: {  	v40 =	vsel vm1, $0x708, v40  }
0x25b: {  	[tilespmem:$0x1CFF0] =	vst v40;
	v40 =	vld [tilespmem:$0x1CBE0];
	_ =	sdelay $0x4  }
0x25c: {  	v40 =	vsel vm1, $0x3908, v40  }
0x25d: {  	[tilespmem:$0x1D000] =	vst v40;
	v40 =	vld [tilespmem:$0x1CBF0];
	_ =	sdelay $0x4  }
0x25e: {  	v40 =	vsel vm1, $0x52, v40  }
0x25f: {  	[tilespmem:$0x1D010] =	vst v40;
	v40 =	vld [tilespmem:$0x1CC00];
	_ =	sdelay $0x4  }
0x260: {  	v40 =	vsel vm1, $0x6B08, v40  }
0x261: {  	[tilespmem:$0x1D020] =	vst v40;
	v40 =	vld [tilespmem:$0x1CC10];
	_ =	sdelay $0x4  }
0x262: {  	v40 =	vsel vm1, $0x62, v40  }
0x263: {  	[tilespmem:$0x1D030] =	vst v40;
	v40 =	vld [tilespmem:$0x1CC20];
	_ =	sdelay $0x4  }
0x264: {  	v40 =	vsel vm1, $0x9D08, v40  }
0x265: {  	[tilespmem:$0x1D040] =	vst v40;
	v40 =	vld [tilespmem:$0x1CC30];
	_ =	sdelay $0x4  }
0x266: {  	v40 =	vsel vm1, $0x72, v40  }
0x267: {  	[tilespmem:$0x1D050] =	vst v40;
	v40 =	vld [tilespmem:$0x1CC40];
	_ =	sdelay $0x4  }
0x268: {  	v40 =	vsel vm1, $0x43, v40  }
0x269: {  	[tilespmem:$0x1D060] =	vst v40;
	v40 =	vld [tilespmem:$0x1CC50];
	_ =	sdelay $0x4  }
0x26a: {  	v40 =	vsel vm1, $0xA28, v40  }
0x26b: {  	[tilespmem:$0x1D070] =	vst v40;
	v40 =	vld [tilespmem:$0x1CC60];
	_ =	sdelay $0x4  }
0x26c: {  	v40 =	vsel vm1, $0x3C28, v40  }
0x26d: {  	[tilespmem:$0x1D080] =	vst v40;
	v40 =	vld [tilespmem:$0x1CC70];
	_ =	sdelay $0x4  }
0x26e: {  	v40 =	vsel vm1, $0x53, v40  }
0x26f: {  	[tilespmem:$0x1D090] =	vst v40;
	v40 =	vld [tilespmem:$0x1CC80];
	_ =	sdelay $0x1  }
0x270: {  	v0 =	vsel vm2, $0x303, v0;
	v1 =	vsel vm2, $0x963, v1;
	v2 =	vsel vm2, $0x3B63, v2  }
0x271: {  	v3 =	vsel vm2, $0x313, v3;
	v4 =	vsel vm2, $0x6D63, v4;
	v5 =	vsel vm2, $0x323, v5  }
0x272: {  	v6 =	vsel vm2, $0x9F63, v6;
	v7 =	vsel vm2, $0x333, v7;
	v8 =	vsel vm2, $0x304, v8  }
0x273: {  	v9 =	vsel vm2, $0xC83, v9;
	v10 =	vsel vm2, $0x3E83, v10;
	v40 =	vsel vm1, $0x6E28, v40  }
0x274: {  	v11 =	vsel vm2, $0x314, v11;
	v12 =	vsel vm2, $0x7083, v12;
	v13 =	vsel vm2, $0x324, v13;
	[tilespmem:$0x1D0A0] =	vst v40;
	v40 =	vld [tilespmem:$0x1CC90]  }
0x275: {  	v14 =	vsel vm2, $0xA283, v14;
	v15 =	vsel vm2, $0x334, v15;
	v16 =	vsel vm2, $0x305, v16  }
0x276: {  	v17 =	vsel vm2, $0xFA3, v17;
	v18 =	vsel vm2, $0x41A3, v18;
	v19 =	vsel vm2, $0x315, v19  }
0x277: {  	v20 =	vsel vm2, $0x73A3, v20;
	v21 =	vsel vm2, $0x325, v21;
	v22 =	vsel vm2, $0xA5A3, v22  }
0x278: {  	v23 =	vsel vm2, $0x335, v23;
	v24 =	vsel vm2, $0x306, v24;
	v25 =	vsel vm2, $0x12C3, v25  }
0x279: {  	v26 =	vsel vm2, $0x44C3, v26;
	v27 =	vsel vm2, $0x316, v27;
	v40 =	vsel vm1, $0x63, v40  }
0x27a: {  	v28 =	vsel vm2, $0x76C3, v28;
	v29 =	vsel vm2, $0x326, v29;
	v30 =	vsel vm2, $0xA8C3, v30;
	[tilespmem:$0x1D0B0] =	vst v40;
	v40 =	vld [tilespmem:$0x1CCA0]  }
0x27b: {  	v31 =	vsel vm2, $0x336, v31;
	v32 =	vsel vm2, $0x307, v32;
	v33 =	vsel vm2, $0x15E3, v33  }
0x27c: {  	v34 =	vsel vm2, $0x47E3, v34;
	v35 =	vsel vm2, $0x317, v35;
	v36 =	vsel vm2, $0x79E3, v36  }
0x27d: {  	v37 =	vsel vm2, $0x327, v37;
	v38 =	vsel vm2, $0xABE3, v38;
	v39 =	vsel vm2, $0x337, v39  }
0x27e: {  	v41 =	vsel vm2, $0x1903, v41;
	v45 =	vsel vm2, $0x318, v43;
	v46 =	vsel vm2, $0x7D03, v46  }
0x27f: {  	v48 =	vsel vm2, $0xAF03, v48;
	v49 =	vsel vm2, $0x338, v49;
	v40 =	vsel vm1, $0xA028, v40  }
0x280: {  	v50 =	vsel vm2, $0x309, v50;
	v51 =	vsel vm2, $0x1C23, v51;
	v52 =	vsel vm2, $0x4E23, v52;
	[tilespmem:$0x1D0C0] =	vst v40;
	v40 =	vld [tilespmem:$0x1CCB0]  }
0x281: {  	v53 =	vsel vm2, $0x319, v53;
	v54 =	vsel vm2, $0x8023, v54;
	v55 =	vsel vm2, $0x329, v55  }
0x282: {  	v56 =	vsel vm2, $0xB223, v56;
	v57 =	vsel vm2, $0x339, v57;
	v58 =	vsel vm2, $0x30A, v58  }
0x283: {  	v59 =	vsel vm2, $0x1F43, v59;
	v60 =	vsel vm2, $0x5143, v60;
	v61 =	vsel vm2, $0x31A, v61  }
0x284: {  	v62 =	vsel vm2, $0x8343, v62;
	v63 =	vsel vm2, $0x32A, v63;
	v47 =	vsel vm2, $0x328, v47  }
0x285: {  	v38 =	vsel vm1, $0xAFC8, v38;
	vm2 =	vcmask $0x1714;
	v40 =	vsel vm1, $0x73, v40  }
0x286: {  	[tilespmem:$0x1D0D0] =	vst v40;
	v40 =	vsel vm2, $0xB2E9, v38;
	v38 =	vld [tilespmem:$0x1CCC0];
	_ =	sdelay $0x4  }
0x287: {  	v38 =	vsel vm2, $0xBC49, v38  }
0x288: {  	[tilespmem:$0x1D0E0] =	vst v38;
	v38 =	vld [tilespmem:$0x1CCD0];
	_ =	sdelay $0x4  }
0x289: {  	v38 =	vsel vm2, $0x17C, v38  }
0x28a: {  	[tilespmem:$0x1D0F0] =	vst v38;
	v38 =	vld [tilespmem:$0x1CCE0];
	_ =	sdelay $0x4  }
0x28b: {  	v38 =	vsel vm2, $0x14D, v38  }
0x28c: {  	[tilespmem:$0x1D100] =	vst v38;
	v38 =	vld [tilespmem:$0x1CCF0];
	_ =	sdelay $0x4  }
0x28d: {  	v38 =	vsel vm2, $0x2969, v38  }
0x28e: {  	[tilespmem:$0x1D110] =	vst v38;
	v38 =	vld [tilespmem:$0x1CD00];
	_ =	sdelay $0x4  }
0x28f: {  	v38 =	vsel vm2, $0x5B69, v38  }
0x290: {  	[tilespmem:$0x1D120] =	vst v38;
	v38 =	vld [tilespmem:$0x1CD10];
	_ =	sdelay $0x4  }
0x291: {  	v38 =	vsel vm2, $0x15D, v38  }
0x292: {  	[tilespmem:$0x1D130] =	vst v38;
	v38 =	vld [tilespmem:$0x1CD20];
	_ =	sdelay $0x4  }
0x293: {  	v38 =	vsel vm2, $0x8D69, v38  }
0x294: {  	[tilespmem:$0x1D140] =	vst v38;
	v38 =	vld [tilespmem:$0x1CD30];
	_ =	sdelay $0x4  }
0x295: {  	v38 =	vsel vm2, $0x16D, v38  }
0x296: {  	[tilespmem:$0x1D150] =	vst v38;
	v38 =	vld [tilespmem:$0x1CD40];
	_ =	sdelay $0x4  }
0x297: {  	v38 =	vsel vm2, $0xBF69, v38  }
0x298: {  	[tilespmem:$0x1D160] =	vst v38;
	v38 =	vld [tilespmem:$0x1CD50];
	_ =	sdelay $0x4  }
0x299: {  	v38 =	vsel vm2, $0x17D, v38  }
0x29a: {  	[tilespmem:$0x1D170] =	vst v38;
	v38 =	vld [tilespmem:$0x1CD60];
	_ =	sdelay $0x4  }
0x29b: {  	v38 =	vsel vm2, $0x14E, v38  }
0x29c: {  	[tilespmem:$0x1D180] =	vst v38;
	v38 =	vld [tilespmem:$0x1CD70];
	_ =	sdelay $0x4  }
0x29d: {  	v38 =	vsel vm2, $0x2C89, v38  }
0x29e: {  	[tilespmem:$0x1D190] =	vst v38;
	v38 =	vld [tilespmem:$0x1CD80];
	_ =	sdelay $0x4  }
0x29f: {  	v38 =	vsel vm2, $0x5E89, v38  }
0x2a0: {  	[tilespmem:$0x1D1A0] =	vst v38;
	v38 =	vld [tilespmem:$0x1CD90];
	_ =	sdelay $0x4  }
0x2a1: {  	v38 =	vsel vm2, $0x15E, v38  }
0x2a2: {  	[tilespmem:$0x1D1B0] =	vst v38;
	v38 =	vld [tilespmem:$0x1CDA0];
	_ =	sdelay $0x4  }
0x2a3: {  	v38 =	vsel vm2, $0x9089, v38  }
0x2a4: {  	[tilespmem:$0x1D1C0] =	vst v38;
	v38 =	vld [tilespmem:$0x1CDB0];
	_ =	sdelay $0x4  }
0x2a5: {  	v38 =	vsel vm2, $0x16E, v38  }
0x2a6: {  	[tilespmem:$0x1D1D0] =	vst v38;
	v38 =	vld [tilespmem:$0x1CDC0];
	_ =	sdelay $0x4  }
0x2a7: {  	v38 =	vsel vm2, $0xC289, v38  }
0x2a8: {  	[tilespmem:$0x1D1E0] =	vst v38;
	v38 =	vld [tilespmem:$0x1CDD0];
	_ =	sdelay $0x4  }
0x2a9: {  	v38 =	vsel vm2, $0x17E, v38  }
0x2aa: {  	[tilespmem:$0x1D1F0] =	vst v38;
	v38 =	vld [tilespmem:$0x1CDE0];
	_ =	sdelay $0x4  }
0x2ab: {  	v38 =	vsel vm2, $0x14F, v38  }
0x2ac: {  	[tilespmem:$0x1D200] =	vst v38;
	v38 =	vld [tilespmem:$0x1CDF0];
	_ =	sdelay $0x4  }
0x2ad: {  	v38 =	vsel vm2, $0x2FA9, v38  }
0x2ae: {  	[tilespmem:$0x1D210] =	vst v38;
	v38 =	vld [tilespmem:$0x1CE00];
	_ =	sdelay $0x4  }
0x2af: {  	v38 =	vsel vm2, $0x61A9, v38  }
0x2b0: {  	[tilespmem:$0x1D220] =	vst v38;
	v38 =	vld [tilespmem:$0x1CE10];
	_ =	sdelay $0x4  }
0x2b1: {  	v38 =	vsel vm2, $0x15F, v38  }
0x2b2: {  	[tilespmem:$0x1D230] =	vst v38;
	v38 =	vld [tilespmem:$0x1CE20];
	_ =	sdelay $0x4  }
0x2b3: {  	v38 =	vsel vm2, $0x93A9, v38  }
0x2b4: {  	[tilespmem:$0x1D240] =	vst v38;
	v38 =	vld [tilespmem:$0x1CE30];
	_ =	sdelay $0x4  }
0x2b5: {  	v38 =	vsel vm2, $0x16F, v38  }
0x2b6: {  	[tilespmem:$0x1D250] =	vst v38;
	v38 =	vld [tilespmem:$0x1CE40];
	_ =	sdelay $0x4  }
0x2b7: {  	v38 =	vsel vm2, $0xC5A9, v38  }
0x2b8: {  	[tilespmem:$0x1D260] =	vst v38;
	v38 =	vld [tilespmem:$0x1CE50];
	_ =	sdelay $0x4  }
0x2b9: {  	v38 =	vsel vm2, $0x17F, v38  }
0x2ba: {  	[tilespmem:$0x1D270] =	vst v38;
	v38 =	vld [tilespmem:$0x1CE60];
	_ =	sdelay $0x4  }
0x2bb: {  	v38 =	vsel vm2, $0x140, v38  }
0x2bc: {  	[tilespmem:$0x1D280] =	vst v38;
	v38 =	vld [tilespmem:$0x1CE70];
	_ =	sdelay $0x4  }
0x2bd: {  	v38 =	vsel vm2, $0xC9, v38  }
0x2be: {  	[tilespmem:$0x1D290] =	vst v38;
	v38 =	vld [tilespmem:$0x1CE80];
	_ =	sdelay $0x4  }
0x2bf: {  	v38 =	vsel vm2, $0x32C9, v38  }
0x2c0: {  	[tilespmem:$0x1D2A0] =	vst v38;
	v38 =	vld [tilespmem:$0x1CE90];
	_ =	sdelay $0x4  }
0x2c1: {  	v38 =	vsel vm2, $0x150, v38  }
0x2c2: {  	[tilespmem:$0x1D2B0] =	vst v38;
	v38 =	vld [tilespmem:$0x1CEA0];
	_ =	sdelay $0x4  }
0x2c3: {  	v38 =	vsel vm2, $0x64C9, v38  }
0x2c4: {  	[tilespmem:$0x1D2C0] =	vst v38;
	v38 =	vld [tilespmem:$0x1CEB0];
	_ =	sdelay $0x4  }
0x2c5: {  	v38 =	vsel vm2, $0x160, v38  }
0x2c6: {  	[tilespmem:$0x1D2D0] =	vst v38;
	v38 =	vld [tilespmem:$0x1CEC0];
	_ =	sdelay $0x4  }
0x2c7: {  	v38 =	vsel vm2, $0x96C9, v38  }
0x2c8: {  	[tilespmem:$0x1D2E0] =	vst v38;
	v38 =	vld [tilespmem:$0x1CED0];
	_ =	sdelay $0x4  }
0x2c9: {  	v38 =	vsel vm2, $0x170, v38  }
0x2ca: {  	[tilespmem:$0x1D2F0] =	vst v38;
	v38 =	vld [tilespmem:$0x1CEE0];
	_ =	sdelay $0x4  }
0x2cb: {  	v38 =	vsel vm2, $0x141, v38  }
0x2cc: {  	[tilespmem:$0x1D300] =	vst v38;
	v38 =	vld [tilespmem:$0x1CEF0];
	_ =	sdelay $0x4  }
0x2cd: {  	v38 =	vsel vm2, $0x3E9, v38  }
0x2ce: {  	[tilespmem:$0x1D310] =	vst v38;
	v38 =	vld [tilespmem:$0x1CF00];
	_ =	sdelay $0x4  }
0x2cf: {  	v38 =	vsel vm2, $0x35E9, v38  }
0x2d0: {  	[tilespmem:$0x1D320] =	vst v38;
	v38 =	vld [tilespmem:$0x1CF10];
	_ =	sdelay $0x4  }
0x2d1: {  	v38 =	vsel vm2, $0x151, v38  }
0x2d2: {  	[tilespmem:$0x1D330] =	vst v38;
	v38 =	vld [tilespmem:$0x1CF20];
	_ =	sdelay $0x4  }
0x2d3: {  	v38 =	vsel vm2, $0x67E9, v38  }
0x2d4: {  	[tilespmem:$0x1D340] =	vst v38;
	v38 =	vld [tilespmem:$0x1CF30];
	_ =	sdelay $0x4  }
0x2d5: {  	v38 =	vsel vm2, $0x161, v38  }
0x2d6: {  	[tilespmem:$0x1D350] =	vst v38;
	v38 =	vld [tilespmem:$0x1CF40];
	_ =	sdelay $0x4  }
0x2d7: {  	v38 =	vsel vm2, $0x99E9, v38  }
0x2d8: {  	[tilespmem:$0x1D360] =	vst v38;
	v38 =	vld [tilespmem:$0x1CF50];
	_ =	sdelay $0x4  }
0x2d9: {  	v38 =	vsel vm2, $0x171, v38  }
0x2da: {  	[tilespmem:$0x1D370] =	vst v38;
	v38 =	vld [tilespmem:$0x1CF60];
	_ =	sdelay $0x4  }
0x2db: {  	v38 =	vsel vm2, $0x142, v38  }
0x2dc: {  	[tilespmem:$0x1D380] =	vst v38;
	v38 =	vld [tilespmem:$0x1CF70];
	_ =	sdelay $0x4  }
0x2dd: {  	v38 =	vsel vm2, $0x709, v38  }
0x2de: {  	[tilespmem:$0x1D390] =	vst v38;
	v38 =	vld [tilespmem:$0x1CF80];
	_ =	sdelay $0x4  }
0x2df: {  	v38 =	vsel vm2, $0x3909, v38  }
0x2e0: {  	[tilespmem:$0x1D3A0] =	vst v38;
	v38 =	vld [tilespmem:$0x1CF90];
	_ =	sdelay $0x4  }
0x2e1: {  	v38 =	vsel vm2, $0x152, v38  }
0x2e2: {  	[tilespmem:$0x1D3B0] =	vst v38;
	v38 =	vld [tilespmem:$0x1CFA0];
	_ =	sdelay $0x4  }
0x2e3: {  	v38 =	vsel vm2, $0x6B09, v38  }
0x2e4: {  	[tilespmem:$0x1D3C0] =	vst v38;
	v38 =	vld [tilespmem:$0x1CFB0];
	_ =	sdelay $0x4  }
0x2e5: {  	v38 =	vsel vm2, $0x162, v38  }
0x2e6: {  	[tilespmem:$0x1D3D0] =	vst v38;
	v38 =	vld [tilespmem:$0x1CFC0];
	_ =	sdelay $0x4  }
0x2e7: {  	v38 =	vsel vm2, $0x9D09, v38  }
0x2e8: {  	[tilespmem:$0x1D3E0] =	vst v38;
	v38 =	vld [tilespmem:$0x1CFD0];
	_ =	sdelay $0x4  }
0x2e9: {  	v38 =	vsel vm2, $0x172, v38  }
0x2ea: {  	[tilespmem:$0x1D3F0] =	vst v38;
	v38 =	vld [tilespmem:$0x1CFE0];
	_ =	sdelay $0x4  }
0x2eb: {  	v38 =	vsel vm2, $0x143, v38  }
0x2ec: {  	[tilespmem:$0x1D400] =	vst v38;
	v38 =	vld [tilespmem:$0x1CFF0];
	_ =	sdelay $0x4  }
0x2ed: {  	v38 =	vsel vm2, $0xA29, v38  }
0x2ee: {  	[tilespmem:$0x1D410] =	vst v38;
	v38 =	vld [tilespmem:$0x1D000];
	_ =	sdelay $0x4  }
0x2ef: {  	v38 =	vsel vm2, $0x3C29, v38  }
0x2f0: {  	[tilespmem:$0x1D420] =	vst v38;
	v38 =	vld [tilespmem:$0x1D010];
	_ =	sdelay $0x4  }
0x2f1: {  	v38 =	vsel vm2, $0x153, v38  }
0x2f2: {  	[tilespmem:$0x1D430] =	vst v38;
	v38 =	vld [tilespmem:$0x1D020];
	_ =	sdelay $0x4  }
0x2f3: {  	v38 =	vsel vm2, $0x6E29, v38  }
0x2f4: {  	[tilespmem:$0x1D440] =	vst v38;
	v38 =	vld [tilespmem:$0x1D030];
	_ =	sdelay $0x4  }
0x2f5: {  	v38 =	vsel vm2, $0x163, v38  }
0x2f6: {  	[tilespmem:$0x1D450] =	vst v38;
	v38 =	vld [tilespmem:$0x1D040];
	_ =	sdelay $0x4  }
0x2f7: {  	v38 =	vsel vm2, $0xA029, v38  }
0x2f8: {  	[tilespmem:$0x1D460] =	vst v38;
	v38 =	vld [tilespmem:$0x1D050];
	_ =	sdelay $0x4  }
0x2f9: {  	v38 =	vsel vm2, $0x173, v38  }
0x2fa: {  	[tilespmem:$0x1D470] =	vst v38;
	v38 =	vld [tilespmem:$0x1D060];
	_ =	sdelay $0x4  }
0x2fb: {  	v38 =	vsel vm2, $0x144, v38  }
0x2fc: {  	[tilespmem:$0x1D480] =	vst v38;
	v38 =	vld [tilespmem:$0x1D070];
	_ =	sdelay $0x4  }
0x2fd: {  	v38 =	vsel vm2, $0xD49, v38  }
0x2fe: {  	[tilespmem:$0x1D490] =	vst v38;
	v38 =	vld [tilespmem:$0x1D080];
	_ =	sdelay $0x4  }
0x2ff: {  	v38 =	vsel vm2, $0x3F49, v38  }
0x300: {  	[tilespmem:$0x1D4A0] =	vst v38;
	v38 =	vld [tilespmem:$0x1D090];
	_ =	sdelay $0x4  }
0x301: {  	v38 =	vsel vm2, $0x154, v38  }
0x302: {  	[tilespmem:$0x1D4B0] =	vst v38;
	v38 =	vld [tilespmem:$0x1D0A0];
	_ =	sdelay $0x1  }
0x303: {  	v0 =	vsel vm1, $0x44, v0;
	v1 =	vsel vm1, $0xD48, v1;
	v2 =	vsel vm1, $0x3F48, v2  }
0x304: {  	v3 =	vsel vm1, $0x54, v3;
	v4 =	vsel vm1, $0x7148, v4;
	v5 =	vsel vm1, $0x64, v5  }
0x305: {  	v6 =	vsel vm1, $0xA348, v6;
	v7 =	vsel vm1, $0x74, v7;
	v8 =	vsel vm1, $0x45, v8  }
0x306: {  	v9 =	vsel vm1, $0x1068, v9;
	v10 =	vsel vm1, $0x4268, v10;
	v38 =	vsel vm2, $0x7149, v38  }
0x307: {  	v11 =	vsel vm1, $0x55, v11;
	v12 =	vsel vm1, $0x7468, v12;
	v13 =	vsel vm1, $0x65, v13;
	[tilespmem:$0x1D4C0] =	vst v38;
	v38 =	vld [tilespmem:$0x1D0B0]  }
0x308: {  	v14 =	vsel vm1, $0xA668, v14;
	v15 =	vsel vm1, $0x75, v15;
	v16 =	vsel vm1, $0x46, v16  }
0x309: {  	v17 =	vsel vm1, $0x1388, v17;
	v18 =	vsel vm1, $0x4588, v18;
	v19 =	vsel vm1, $0x56, v19  }
0x30a: {  	v20 =	vsel vm1, $0x7788, v20;
	v21 =	vsel vm1, $0x66, v21;
	v22 =	vsel vm1, $0xA988, v22  }
0x30b: {  	v23 =	vsel vm1, $0x76, v23;
	v24 =	vsel vm1, $0x47, v24;
	v25 =	vsel vm1, $0x16A8, v25  }
0x30c: {  	v26 =	vsel vm1, $0x48A8, v26;
	v27 =	vsel vm1, $0x57, v27;
	v38 =	vsel vm2, $0x164, v38  }
0x30d: {  	v28 =	vsel vm1, $0x7AA8, v28;
	v29 =	vsel vm1, $0x67, v29;
	v30 =	vsel vm1, $0xACA8, v30;
	[tilespmem:$0x1D4D0] =	vst v38;
	v38 =	vld [tilespmem:$0x1D0C0]  }
0x30e: {  	v31 =	vsel vm1, $0x77, v31;
	v32 =	vsel vm1, $0x48, v32;
	v33 =	vsel vm1, $0x19C8, v33  }
0x30f: {  	v34 =	vsel vm1, $0x4BC8, v34;
	v35 =	vsel vm1, $0x58, v35;
	v36 =	vsel vm1, $0x7DC8, v36  }
0x310: {  	v37 =	vsel vm1, $0x68, v37;
	v39 =	vsel vm1, $0x78, v39;
	v43 =	vsel vm1, $0x1CE8, v41  }
0x311: {  	v45 =	vsel vm1, $0x59, v45;
	v46 =	vsel vm1, $0x80E8, v46;
	v47 =	vsel vm1, $0x69, v47  }
0x312: {  	v48 =	vsel vm1, $0xB2E8, v48;
	v49 =	vsel vm1, $0x79, v49;
	v38 =	vsel vm2, $0xA349, v38  }
0x313: {  	v50 =	vsel vm1, $0x4A, v50;
	v51 =	vsel vm1, $0x2008, v51;
	v52 =	vsel vm1, $0x5208, v52;
	[tilespmem:$0x1D4E0] =	vst v38;
	v38 =	vld [tilespmem:$0x1D0D0]  }
0x314: {  	v53 =	vsel vm1, $0x5A, v53;
	v54 =	vsel vm1, $0x8408, v54;
	v55 =	vsel vm1, $0x6A, v55  }
0x315: {  	v56 =	vsel vm1, $0xB608, v56;
	v57 =	vsel vm1, $0x7A, v57;
	v58 =	vsel vm1, $0x4B, v58  }
0x316: {  	v59 =	vsel vm1, $0x2328, v59;
	v60 =	vsel vm1, $0x5528, v60;
	v61 =	vsel vm1, $0x5B, v61  }
0x317: {  	v62 =	vsel vm1, $0x8728, v62;
	v63 =	vsel vm1, $0x6B, v63;
	v44 =	vsel vm1, $0x4EE8, v44  }
0x318: {  	v36 =	vsel vm2, $0x80E9, v36;
	vm1 =	vcmask $0x1B18;
	v38 =	vsel vm2, $0x174, v38  }
0x319: {  	[tilespmem:$0x1D4F0] =	vst v38;
	v38 =	vsel vm1, $0x840A, v36;
	v36 =	vld [tilespmem:$0x1D0E0];
	_ =	sdelay $0x4  }
0x31a: {  	v36 =	vsel vm1, $0xBF6A, v36  }
0x31b: {  	[tilespmem:$0x1D500] =	vst v36;
	v36 =	vld [tilespmem:$0x1D0F0];
	_ =	sdelay $0x4  }
0x31c: {  	v36 =	vsel vm1, $0x27D, v36  }
0x31d: {  	[tilespmem:$0x1D510] =	vst v36;
	v36 =	vld [tilespmem:$0x1D100];
	_ =	sdelay $0x4  }
0x31e: {  	v36 =	vsel vm1, $0x24E, v36  }
0x31f: {  	[tilespmem:$0x1D520] =	vst v36;
	v36 =	vld [tilespmem:$0x1D110];
	_ =	sdelay $0x4  }
0x320: {  	v36 =	vsel vm1, $0x2C8A, v36  }
0x321: {  	[tilespmem:$0x1D530] =	vst v36;
	v36 =	vld [tilespmem:$0x1D120];
	_ =	sdelay $0x4  }
0x322: {  	v36 =	vsel vm1, $0x5E8A, v36  }
0x323: {  	[tilespmem:$0x1D540] =	vst v36;
	v36 =	vld [tilespmem:$0x1D130];
	_ =	sdelay $0x4  }
0x324: {  	v36 =	vsel vm1, $0x25E, v36  }
0x325: {  	[tilespmem:$0x1D550] =	vst v36;
	v36 =	vld [tilespmem:$0x1D140];
	_ =	sdelay $0x4  }
0x326: {  	v36 =	vsel vm1, $0x908A, v36  }
0x327: {  	[tilespmem:$0x1D560] =	vst v36;
	v36 =	vld [tilespmem:$0x1D150];
	_ =	sdelay $0x4  }
0x328: {  	v36 =	vsel vm1, $0x26E, v36  }
0x329: {  	[tilespmem:$0x1D570] =	vst v36;
	v36 =	vld [tilespmem:$0x1D160];
	_ =	sdelay $0x4  }
0x32a: {  	v36 =	vsel vm1, $0xC28A, v36  }
0x32b: {  	[tilespmem:$0x1D580] =	vst v36;
	v36 =	vld [tilespmem:$0x1D170];
	_ =	sdelay $0x4  }
0x32c: {  	v36 =	vsel vm1, $0x27E, v36  }
0x32d: {  	[tilespmem:$0x1D590] =	vst v36;
	v36 =	vld [tilespmem:$0x1D180];
	_ =	sdelay $0x4  }
0x32e: {  	v36 =	vsel vm1, $0x24F, v36  }
0x32f: {  	[tilespmem:$0x1D5A0] =	vst v36;
	v36 =	vld [tilespmem:$0x1D190];
	_ =	sdelay $0x4  }
0x330: {  	v36 =	vsel vm1, $0x2FAA, v36  }
0x331: {  	[tilespmem:$0x1D5B0] =	vst v36;
	v36 =	vld [tilespmem:$0x1D1A0];
	_ =	sdelay $0x4  }
0x332: {  	v36 =	vsel vm1, $0x61AA, v36  }
0x333: {  	[tilespmem:$0x1D5C0] =	vst v36;
	v36 =	vld [tilespmem:$0x1D1B0];
	_ =	sdelay $0x4  }
0x334: {  	v36 =	vsel vm1, $0x25F, v36  }
0x335: {  	[tilespmem:$0x1D5D0] =	vst v36;
	v36 =	vld [tilespmem:$0x1D1C0];
	_ =	sdelay $0x4  }
0x336: {  	v36 =	vsel vm1, $0x93AA, v36  }
0x337: {  	[tilespmem:$0x1D5E0] =	vst v36;
	v36 =	vld [tilespmem:$0x1D1D0];
	_ =	sdelay $0x4  }
0x338: {  	v36 =	vsel vm1, $0x26F, v36  }
0x339: {  	[tilespmem:$0x1D5F0] =	vst v36;
	v36 =	vld [tilespmem:$0x1D1E0];
	_ =	sdelay $0x4  }
0x33a: {  	v36 =	vsel vm1, $0xC5AA, v36  }
0x33b: {  	[tilespmem:$0x1D600] =	vst v36;
	v36 =	vld [tilespmem:$0x1D1F0];
	_ =	sdelay $0x4  }
0x33c: {  	v36 =	vsel vm1, $0x27F, v36  }
0x33d: {  	[tilespmem:$0x1D610] =	vst v36;
	v36 =	vld [tilespmem:$0x1D200];
	_ =	sdelay $0x4  }
0x33e: {  	v36 =	vsel vm1, $0x240, v36  }
0x33f: {  	[tilespmem:$0x1D620] =	vst v36;
	v36 =	vld [tilespmem:$0x1D210];
	_ =	sdelay $0x4  }
0x340: {  	v36 =	vsel vm1, $0xCA, v36  }
0x341: {  	[tilespmem:$0x1D630] =	vst v36;
	v36 =	vld [tilespmem:$0x1D220];
	_ =	sdelay $0x4  }
0x342: {  	v36 =	vsel vm1, $0x32CA, v36  }
0x343: {  	[tilespmem:$0x1D640] =	vst v36;
	v36 =	vld [tilespmem:$0x1D230];
	_ =	sdelay $0x4  }
0x344: {  	v36 =	vsel vm1, $0x250, v36  }
0x345: {  	[tilespmem:$0x1D650] =	vst v36;
	v36 =	vld [tilespmem:$0x1D240];
	_ =	sdelay $0x4  }
0x346: {  	v36 =	vsel vm1, $0x64CA, v36  }
0x347: {  	[tilespmem:$0x1D660] =	vst v36;
	v36 =	vld [tilespmem:$0x1D250];
	_ =	sdelay $0x4  }
0x348: {  	v36 =	vsel vm1, $0x260, v36  }
0x349: {  	[tilespmem:$0x1D670] =	vst v36;
	v36 =	vld [tilespmem:$0x1D260];
	_ =	sdelay $0x4  }
0x34a: {  	v36 =	vsel vm1, $0x96CA, v36  }
0x34b: {  	[tilespmem:$0x1D680] =	vst v36;
	v36 =	vld [tilespmem:$0x1D270];
	_ =	sdelay $0x4  }
0x34c: {  	v36 =	vsel vm1, $0x270, v36  }
0x34d: {  	[tilespmem:$0x1D690] =	vst v36;
	v36 =	vld [tilespmem:$0x1D280];
	_ =	sdelay $0x4  }
0x34e: {  	v36 =	vsel vm1, $0x241, v36  }
0x34f: {  	[tilespmem:$0x1D6A0] =	vst v36;
	v36 =	vld [tilespmem:$0x1D290];
	_ =	sdelay $0x4  }
0x350: {  	v36 =	vsel vm1, $0x3EA, v36  }
0x351: {  	[tilespmem:$0x1D6B0] =	vst v36;
	v36 =	vld [tilespmem:$0x1D2A0];
	_ =	sdelay $0x4  }
0x352: {  	v36 =	vsel vm1, $0x35EA, v36  }
0x353: {  	[tilespmem:$0x1D6C0] =	vst v36;
	v36 =	vld [tilespmem:$0x1D2B0];
	_ =	sdelay $0x4  }
0x354: {  	v36 =	vsel vm1, $0x251, v36  }
0x355: {  	[tilespmem:$0x1D6D0] =	vst v36;
	v36 =	vld [tilespmem:$0x1D2C0];
	_ =	sdelay $0x4  }
0x356: {  	v36 =	vsel vm1, $0x67EA, v36  }
0x357: {  	[tilespmem:$0x1D6E0] =	vst v36;
	v36 =	vld [tilespmem:$0x1D2D0];
	_ =	sdelay $0x4  }
0x358: {  	v36 =	vsel vm1, $0x261, v36  }
0x359: {  	[tilespmem:$0x1D6F0] =	vst v36;
	v36 =	vld [tilespmem:$0x1D2E0];
	_ =	sdelay $0x4  }
0x35a: {  	v36 =	vsel vm1, $0x99EA, v36  }
0x35b: {  	[tilespmem:$0x1D700] =	vst v36;
	v36 =	vld [tilespmem:$0x1D2F0];
	_ =	sdelay $0x4  }
0x35c: {  	v36 =	vsel vm1, $0x271, v36  }
0x35d: {  	[tilespmem:$0x1D710] =	vst v36;
	v36 =	vld [tilespmem:$0x1D300];
	_ =	sdelay $0x4  }
0x35e: {  	v36 =	vsel vm1, $0x242, v36  }
0x35f: {  	[tilespmem:$0x1D720] =	vst v36;
	v36 =	vld [tilespmem:$0x1D310];
	_ =	sdelay $0x4  }
0x360: {  	v36 =	vsel vm1, $0x70A, v36  }
0x361: {  	[tilespmem:$0x1D730] =	vst v36;
	v36 =	vld [tilespmem:$0x1D320];
	_ =	sdelay $0x4  }
0x362: {  	v36 =	vsel vm1, $0x390A, v36  }
0x363: {  	[tilespmem:$0x1D740] =	vst v36;
	v36 =	vld [tilespmem:$0x1D330];
	_ =	sdelay $0x4  }
0x364: {  	v36 =	vsel vm1, $0x252, v36  }
0x365: {  	[tilespmem:$0x1D750] =	vst v36;
	v36 =	vld [tilespmem:$0x1D340];
	_ =	sdelay $0x4  }
0x366: {  	v36 =	vsel vm1, $0x6B0A, v36  }
0x367: {  	[tilespmem:$0x1D760] =	vst v36;
	v36 =	vld [tilespmem:$0x1D350];
	_ =	sdelay $0x4  }
0x368: {  	v36 =	vsel vm1, $0x262, v36  }
0x369: {  	[tilespmem:$0x1D770] =	vst v36;
	v36 =	vld [tilespmem:$0x1D360];
	_ =	sdelay $0x4  }
0x36a: {  	v36 =	vsel vm1, $0x9D0A, v36  }
0x36b: {  	[tilespmem:$0x1D780] =	vst v36;
	v36 =	vld [tilespmem:$0x1D370];
	_ =	sdelay $0x4  }
0x36c: {  	v36 =	vsel vm1, $0x272, v36  }
0x36d: {  	[tilespmem:$0x1D790] =	vst v36;
	v36 =	vld [tilespmem:$0x1D380];
	_ =	sdelay $0x4  }
0x36e: {  	v36 =	vsel vm1, $0x243, v36  }
0x36f: {  	[tilespmem:$0x1D7A0] =	vst v36;
	v36 =	vld [tilespmem:$0x1D390];
	_ =	sdelay $0x4  }
0x370: {  	v36 =	vsel vm1, $0xA2A, v36  }
0x371: {  	[tilespmem:$0x1D7B0] =	vst v36;
	v36 =	vld [tilespmem:$0x1D3A0];
	_ =	sdelay $0x4  }
0x372: {  	v36 =	vsel vm1, $0x3C2A, v36  }
0x373: {  	[tilespmem:$0x1D7C0] =	vst v36;
	v36 =	vld [tilespmem:$0x1D3B0];
	_ =	sdelay $0x4  }
0x374: {  	v36 =	vsel vm1, $0x253, v36  }
0x375: {  	[tilespmem:$0x1D7D0] =	vst v36;
	v36 =	vld [tilespmem:$0x1D3C0];
	_ =	sdelay $0x4  }
0x376: {  	v36 =	vsel vm1, $0x6E2A, v36  }
0x377: {  	[tilespmem:$0x1D7E0] =	vst v36;
	v36 =	vld [tilespmem:$0x1D3D0];
	_ =	sdelay $0x4  }
0x378: {  	v36 =	vsel vm1, $0x263, v36  }
0x379: {  	[tilespmem:$0x1D7F0] =	vst v36;
	v36 =	vld [tilespmem:$0x1D3E0];
	_ =	sdelay $0x4  }
0x37a: {  	v36 =	vsel vm1, $0xA02A, v36  }
0x37b: {  	[tilespmem:$0x1D800] =	vst v36;
	v36 =	vld [tilespmem:$0x1D3F0];
	_ =	sdelay $0x4  }
0x37c: {  	v36 =	vsel vm1, $0x273, v36  }
0x37d: {  	[tilespmem:$0x1D810] =	vst v36;
	v36 =	vld [tilespmem:$0x1D400];
	_ =	sdelay $0x4  }
0x37e: {  	v36 =	vsel vm1, $0x244, v36  }
0x37f: {  	[tilespmem:$0x1D820] =	vst v36;
	v36 =	vld [tilespmem:$0x1D410];
	_ =	sdelay $0x4  }
0x380: {  	v36 =	vsel vm1, $0xD4A, v36  }
0x381: {  	[tilespmem:$0x1D830] =	vst v36;
	v36 =	vld [tilespmem:$0x1D420];
	_ =	sdelay $0x4  }
0x382: {  	v36 =	vsel vm1, $0x3F4A, v36  }
0x383: {  	[tilespmem:$0x1D840] =	vst v36;
	v36 =	vld [tilespmem:$0x1D430];
	_ =	sdelay $0x4  }
0x384: {  	v36 =	vsel vm1, $0x254, v36  }
0x385: {  	[tilespmem:$0x1D850] =	vst v36;
	v36 =	vld [tilespmem:$0x1D440];
	_ =	sdelay $0x4  }
0x386: {  	v36 =	vsel vm1, $0x714A, v36  }
0x387: {  	[tilespmem:$0x1D860] =	vst v36;
	v36 =	vld [tilespmem:$0x1D450];
	_ =	sdelay $0x4  }
0x388: {  	v36 =	vsel vm1, $0x264, v36  }
0x389: {  	[tilespmem:$0x1D870] =	vst v36;
	v36 =	vld [tilespmem:$0x1D460];
	_ =	sdelay $0x4  }
0x38a: {  	v36 =	vsel vm1, $0xA34A, v36  }
0x38b: {  	[tilespmem:$0x1D880] =	vst v36;
	v36 =	vld [tilespmem:$0x1D470];
	_ =	sdelay $0x4  }
0x38c: {  	v36 =	vsel vm1, $0x274, v36  }
0x38d: {  	[tilespmem:$0x1D890] =	vst v36;
	v36 =	vld [tilespmem:$0x1D480];
	_ =	sdelay $0x4  }
0x38e: {  	v36 =	vsel vm1, $0x245, v36  }
0x38f: {  	[tilespmem:$0x1D8A0] =	vst v36;
	v36 =	vld [tilespmem:$0x1D490];
	_ =	sdelay $0x4  }
0x390: {  	v36 =	vsel vm1, $0x106A, v36  }
0x391: {  	[tilespmem:$0x1D8B0] =	vst v36;
	v36 =	vld [tilespmem:$0x1D4A0];
	_ =	sdelay $0x4  }
0x392: {  	v36 =	vsel vm1, $0x426A, v36  }
0x393: {  	[tilespmem:$0x1D8C0] =	vst v36;
	v36 =	vld [tilespmem:$0x1D4B0];
	_ =	sdelay $0x4  }
0x394: {  	v36 =	vsel vm1, $0x255, v36  }
0x395: {  	[tilespmem:$0x1D8D0] =	vst v36;
	v36 =	vld [tilespmem:$0x1D4C0];
	_ =	sdelay $0x1  }
0x396: {  	v0 =	vsel vm2, $0x145, v0;
	v1 =	vsel vm2, $0x1069, v1;
	v2 =	vsel vm2, $0x4269, v2  }
0x397: {  	v3 =	vsel vm2, $0x155, v3;
	v4 =	vsel vm2, $0x7469, v4;
	v5 =	vsel vm2, $0x165, v5  }
0x398: {  	v6 =	vsel vm2, $0xA669, v6;
	v7 =	vsel vm2, $0x175, v7;
	v8 =	vsel vm2, $0x146, v8  }
0x399: {  	v9 =	vsel vm2, $0x1389, v9;
	v10 =	vsel vm2, $0x4589, v10;
	v36 =	vsel vm1, $0x746A, v36  }
0x39a: {  	v11 =	vsel vm2, $0x156, v11;
	v12 =	vsel vm2, $0x7789, v12;
	v13 =	vsel vm2, $0x166, v13;
	[tilespmem:$0x1D8E0] =	vst v36;
	v36 =	vld [tilespmem:$0x1D4D0]  }
0x39b: {  	v14 =	vsel vm2, $0xA989, v14;
	v15 =	vsel vm2, $0x176, v15;
	v16 =	vsel vm2, $0x147, v16  }
0x39c: {  	v17 =	vsel vm2, $0x16A9, v17;
	v18 =	vsel vm2, $0x48A9, v18;
	v19 =	vsel vm2, $0x157, v19  }
0x39d: {  	v20 =	vsel vm2, $0x7AA9, v20;
	v21 =	vsel vm2, $0x167, v21;
	v22 =	vsel vm2, $0xACA9, v22  }
0x39e: {  	v23 =	vsel vm2, $0x177, v23;
	v24 =	vsel vm2, $0x148, v24;
	v25 =	vsel vm2, $0x19C9, v25  }
0x39f: {  	v26 =	vsel vm2, $0x4BC9, v26;
	v27 =	vsel vm2, $0x158, v27;
	v36 =	vsel vm1, $0x265, v36  }
0x3a0: {  	v28 =	vsel vm2, $0x7DC9, v28;
	v29 =	vsel vm2, $0x168, v29;
	v30 =	vsel vm2, $0xAFC9, v30;
	[tilespmem:$0x1D8F0] =	vst v36;
	v36 =	vld [tilespmem:$0x1D4E0]  }
0x3a1: {  	v31 =	vsel vm2, $0x178, v31;
	v32 =	vsel vm2, $0x149, v32;
	v33 =	vsel vm2, $0x1CE9, v33  }
0x3a2: {  	v34 =	vsel vm2, $0x4EE9, v34;
	v35 =	vsel vm2, $0x159, v35;
	v37 =	vsel vm2, $0x169, v37  }
0x3a3: {  	v41 =	vsel vm2, $0x179, v39;
	v43 =	vsel vm2, $0x2009, v43;
	v44 =	vsel vm2, $0x5209, v44  }
0x3a4: {  	v45 =	vsel vm2, $0x15A, v45;
	v46 =	vsel vm2, $0x8409, v46;
	v47 =	vsel vm2, $0x16A, v47  }
0x3a5: {  	v48 =	vsel vm2, $0xB609, v48;
	v49 =	vsel vm2, $0x17A, v49;
	v36 =	vsel vm1, $0xA66A, v36  }
0x3a6: {  	v50 =	vsel vm2, $0x14B, v50;
	v51 =	vsel vm2, $0x2329, v51;
	v52 =	vsel vm2, $0x5529, v52;
	[tilespmem:$0x1D900] =	vst v36;
	v36 =	vld [tilespmem:$0x1D4F0]  }
0x3a7: {  	v53 =	vsel vm2, $0x15B, v53;
	v54 =	vsel vm2, $0x8729, v54;
	v55 =	vsel vm2, $0x16B, v55  }
0x3a8: {  	v56 =	vsel vm2, $0xB929, v56;
	v57 =	vsel vm2, $0x17B, v57;
	v58 =	vsel vm2, $0x14C, v58  }
0x3a9: {  	v59 =	vsel vm2, $0x2649, v59;
	v60 =	vsel vm2, $0x5849, v60;
	v61 =	vsel vm2, $0x15C, v61  }
0x3aa: {  	v62 =	vsel vm2, $0x8A49, v62;
	v63 =	vsel vm2, $0x16C, v63;
	v42 =	vsel vm2, $0x14A, v42  }
0x3ab: {  	v34 =	vsel vm1, $0x520A, v34;
	vm2 =	vcmask $0x1F1C;
	v36 =	vsel vm1, $0x275, v36  }
0x3ac: {  	[tilespmem:$0x1D910] =	vst v36;
	v36 =	vsel vm2, $0x552B, v34;
	v34 =	vld [tilespmem:$0x1D500];
	_ =	sdelay $0x4  }
0x3ad: {  	v34 =	vsel vm2, $0xC28B, v34  }
0x3ae: {  	[tilespmem:$0x1D920] =	vst v34;
	v34 =	vld [tilespmem:$0x1D510];
	_ =	sdelay $0x4  }
0x3af: {  	v34 =	vsel vm2, $0x37E, v34  }
0x3b0: {  	[tilespmem:$0x1D930] =	vst v34;
	v34 =	vld [tilespmem:$0x1D520];
	_ =	sdelay $0x4  }
0x3b1: {  	v34 =	vsel vm2, $0x34F, v34  }
0x3b2: {  	[tilespmem:$0x1D940] =	vst v34;
	v34 =	vld [tilespmem:$0x1D530];
	_ =	sdelay $0x4  }
0x3b3: {  	v34 =	vsel vm2, $0x2FAB, v34  }
0x3b4: {  	[tilespmem:$0x1D950] =	vst v34;
	v34 =	vld [tilespmem:$0x1D540];
	_ =	sdelay $0x4  }
0x3b5: {  	v34 =	vsel vm2, $0x61AB, v34  }
0x3b6: {  	[tilespmem:$0x1D960] =	vst v34;
	v34 =	vld [tilespmem:$0x1D550];
	_ =	sdelay $0x4  }
0x3b7: {  	v34 =	vsel vm2, $0x35F, v34  }
0x3b8: {  	[tilespmem:$0x1D970] =	vst v34;
	v34 =	vld [tilespmem:$0x1D560];
	_ =	sdelay $0x4  }
0x3b9: {  	v34 =	vsel vm2, $0x93AB, v34  }
0x3ba: {  	[tilespmem:$0x1D980] =	vst v34;
	v34 =	vld [tilespmem:$0x1D570];
	_ =	sdelay $0x4  }
0x3bb: {  	v34 =	vsel vm2, $0x36F, v34  }
0x3bc: {  	[tilespmem:$0x1D990] =	vst v34;
	v34 =	vld [tilespmem:$0x1D580];
	_ =	sdelay $0x4  }
0x3bd: {  	v34 =	vsel vm2, $0xC5AB, v34  }
0x3be: {  	[tilespmem:$0x1D9A0] =	vst v34;
	v34 =	vld [tilespmem:$0x1D590];
	_ =	sdelay $0x4  }
0x3bf: {  	v34 =	vsel vm2, $0x37F, v34  }
0x3c0: {  	[tilespmem:$0x1D9B0] =	vst v34;
	v34 =	vld [tilespmem:$0x1D5A0];
	_ =	sdelay $0x4  }
0x3c1: {  	v34 =	vsel vm2, $0x340, v34  }
0x3c2: {  	[tilespmem:$0x1D9C0] =	vst v34;
	v34 =	vld [tilespmem:$0x1D5B0];
	_ =	sdelay $0x4  }
0x3c3: {  	v34 =	vsel vm2, $0xCB, v34  }
0x3c4: {  	[tilespmem:$0x1D9D0] =	vst v34;
	v34 =	vld [tilespmem:$0x1D5C0];
	_ =	sdelay $0x4  }
0x3c5: {  	v34 =	vsel vm2, $0x32CB, v34  }
0x3c6: {  	[tilespmem:$0x1D9E0] =	vst v34;
	v34 =	vld [tilespmem:$0x1D5D0];
	_ =	sdelay $0x4  }
0x3c7: {  	v34 =	vsel vm2, $0x350, v34  }
0x3c8: {  	[tilespmem:$0x1D9F0] =	vst v34;
	v34 =	vld [tilespmem:$0x1D5E0];
	_ =	sdelay $0x4  }
0x3c9: {  	v34 =	vsel vm2, $0x64CB, v34  }
0x3ca: {  	[tilespmem:$0x1DA00] =	vst v34;
	v34 =	vld [tilespmem:$0x1D5F0];
	_ =	sdelay $0x4  }
0x3cb: {  	v34 =	vsel vm2, $0x360, v34  }
0x3cc: {  	[tilespmem:$0x1DA10] =	vst v34;
	v34 =	vld [tilespmem:$0x1D600];
	_ =	sdelay $0x4  }
0x3cd: {  	v34 =	vsel vm2, $0x96CB, v34  }
0x3ce: {  	[tilespmem:$0x1DA20] =	vst v34;
	v34 =	vld [tilespmem:$0x1D610];
	_ =	sdelay $0x4  }
0x3cf: {  	v34 =	vsel vm2, $0x370, v34  }
0x3d0: {  	[tilespmem:$0x1DA30] =	vst v34;
	v34 =	vld [tilespmem:$0x1D620];
	_ =	sdelay $0x4  }
0x3d1: {  	v34 =	vsel vm2, $0x341, v34  }
0x3d2: {  	[tilespmem:$0x1DA40] =	vst v34;
	v34 =	vld [tilespmem:$0x1D630];
	_ =	sdelay $0x4  }
0x3d3: {  	v34 =	vsel vm2, $0x3EB, v34  }
0x3d4: {  	[tilespmem:$0x1DA50] =	vst v34;
	v34 =	vld [tilespmem:$0x1D640];
	_ =	sdelay $0x4  }
0x3d5: {  	v34 =	vsel vm2, $0x35EB, v34  }
0x3d6: {  	[tilespmem:$0x1DA60] =	vst v34;
	v34 =	vld [tilespmem:$0x1D650];
	_ =	sdelay $0x4  }
0x3d7: {  	v34 =	vsel vm2, $0x351, v34  }
0x3d8: {  	[tilespmem:$0x1DA70] =	vst v34;
	v34 =	vld [tilespmem:$0x1D660];
	_ =	sdelay $0x4  }
0x3d9: {  	v34 =	vsel vm2, $0x67EB, v34  }
0x3da: {  	[tilespmem:$0x1DA80] =	vst v34;
	v34 =	vld [tilespmem:$0x1D670];
	_ =	sdelay $0x4  }
0x3db: {  	v34 =	vsel vm2, $0x361, v34  }
0x3dc: {  	[tilespmem:$0x1DA90] =	vst v34;
	v34 =	vld [tilespmem:$0x1D680];
	_ =	sdelay $0x4  }
0x3dd: {  	v34 =	vsel vm2, $0x99EB, v34  }
0x3de: {  	[tilespmem:$0x1DAA0] =	vst v34;
	v34 =	vld [tilespmem:$0x1D690];
	_ =	sdelay $0x4  }
0x3df: {  	v34 =	vsel vm2, $0x371, v34  }
0x3e0: {  	[tilespmem:$0x1DAB0] =	vst v34;
	v34 =	vld [tilespmem:$0x1D6A0];
	_ =	sdelay $0x4  }
0x3e1: {  	v34 =	vsel vm2, $0x342, v34  }
0x3e2: {  	[tilespmem:$0x1DAC0] =	vst v34;
	v34 =	vld [tilespmem:$0x1D6B0];
	_ =	sdelay $0x4  }
0x3e3: {  	v34 =	vsel vm2, $0x70B, v34  }
0x3e4: {  	[tilespmem:$0x1DAD0] =	vst v34;
	v34 =	vld [tilespmem:$0x1D6C0];
	_ =	sdelay $0x4  }
0x3e5: {  	v34 =	vsel vm2, $0x390B, v34  }
0x3e6: {  	[tilespmem:$0x1DAE0] =	vst v34;
	v34 =	vld [tilespmem:$0x1D6D0];
	_ =	sdelay $0x4  }
0x3e7: {  	v34 =	vsel vm2, $0x352, v34  }
0x3e8: {  	[tilespmem:$0x1DAF0] =	vst v34;
	v34 =	vld [tilespmem:$0x1D6E0];
	_ =	sdelay $0x4  }
0x3e9: {  	v34 =	vsel vm2, $0x6B0B, v34  }
0x3ea: {  	[tilespmem:$0x1DB00] =	vst v34;
	v34 =	vld [tilespmem:$0x1D6F0];
	_ =	sdelay $0x4  }
0x3eb: {  	v34 =	vsel vm2, $0x362, v34  }
0x3ec: {  	[tilespmem:$0x1DB10] =	vst v34;
	v34 =	vld [tilespmem:$0x1D700];
	_ =	sdelay $0x4  }
0x3ed: {  	v34 =	vsel vm2, $0x9D0B, v34  }
0x3ee: {  	[tilespmem:$0x1DB20] =	vst v34;
	v34 =	vld [tilespmem:$0x1D710];
	_ =	sdelay $0x4  }
0x3ef: {  	v34 =	vsel vm2, $0x372, v34  }
0x3f0: {  	[tilespmem:$0x1DB30] =	vst v34;
	v34 =	vld [tilespmem:$0x1D720];
	_ =	sdelay $0x4  }
0x3f1: {  	v34 =	vsel vm2, $0x343, v34  }
0x3f2: {  	[tilespmem:$0x1DB40] =	vst v34;
	v34 =	vld [tilespmem:$0x1D730];
	_ =	sdelay $0x4  }
0x3f3: {  	v34 =	vsel vm2, $0xA2B, v34  }
0x3f4: {  	[tilespmem:$0x1DB50] =	vst v34;
	v34 =	vld [tilespmem:$0x1D740];
	_ =	sdelay $0x4  }
0x3f5: {  	v34 =	vsel vm2, $0x3C2B, v34  }
0x3f6: {  	[tilespmem:$0x1DB60] =	vst v34;
	v34 =	vld [tilespmem:$0x1D750];
	_ =	sdelay $0x4  }
0x3f7: {  	v34 =	vsel vm2, $0x353, v34  }
0x3f8: {  	[tilespmem:$0x1DB70] =	vst v34;
	v34 =	vld [tilespmem:$0x1D760];
	_ =	sdelay $0x4  }
0x3f9: {  	v34 =	vsel vm2, $0x6E2B, v34  }
0x3fa: {  	[tilespmem:$0x1DB80] =	vst v34;
	v34 =	vld [tilespmem:$0x1D770];
	_ =	sdelay $0x4  }
0x3fb: {  	v34 =	vsel vm2, $0x363, v34  }
0x3fc: {  	[tilespmem:$0x1DB90] =	vst v34;
	v34 =	vld [tilespmem:$0x1D780];
	_ =	sdelay $0x4  }
0x3fd: {  	v34 =	vsel vm2, $0xA02B, v34  }
0x3fe: {  	[tilespmem:$0x1DBA0] =	vst v34;
	v34 =	vld [tilespmem:$0x1D790];
	_ =	sdelay $0x4  }
0x3ff: {  	v34 =	vsel vm2, $0x373, v34  }
0x400: {  	[tilespmem:$0x1DBB0] =	vst v34;
	v34 =	vld [tilespmem:$0x1D7A0];
	_ =	sdelay $0x4  }
0x401: {  	v34 =	vsel vm2, $0x344, v34  }
0x402: {  	[tilespmem:$0x1DBC0] =	vst v34;
	v34 =	vld [tilespmem:$0x1D7B0];
	_ =	sdelay $0x4  }
0x403: {  	v34 =	vsel vm2, $0xD4B, v34  }
0x404: {  	[tilespmem:$0x1DBD0] =	vst v34;
	v34 =	vld [tilespmem:$0x1D7C0];
	_ =	sdelay $0x4  }
0x405: {  	v34 =	vsel vm2, $0x3F4B, v34  }
0x406: {  	[tilespmem:$0x1DBE0] =	vst v34;
	v34 =	vld [tilespmem:$0x1D7D0];
	_ =	sdelay $0x4  }
0x407: {  	v34 =	vsel vm2, $0x354, v34  }
0x408: {  	[tilespmem:$0x1DBF0] =	vst v34;
	v34 =	vld [tilespmem:$0x1D7E0];
	_ =	sdelay $0x4  }
0x409: {  	v34 =	vsel vm2, $0x714B, v34  }
0x40a: {  	[tilespmem:$0x1DC00] =	vst v34;
	v34 =	vld [tilespmem:$0x1D7F0];
	_ =	sdelay $0x4  }
0x40b: {  	v34 =	vsel vm2, $0x364, v34  }
0x40c: {  	[tilespmem:$0x1DC10] =	vst v34;
	v34 =	vld [tilespmem:$0x1D800];
	_ =	sdelay $0x4  }
0x40d: {  	v34 =	vsel vm2, $0xA34B, v34  }
0x40e: {  	[tilespmem:$0x1DC20] =	vst v34;
	v34 =	vld [tilespmem:$0x1D810];
	_ =	sdelay $0x4  }
0x40f: {  	v34 =	vsel vm2, $0x374, v34  }
0x410: {  	[tilespmem:$0x1DC30] =	vst v34;
	v34 =	vld [tilespmem:$0x1D820];
	_ =	sdelay $0x4  }
0x411: {  	v34 =	vsel vm2, $0x345, v34  }
0x412: {  	[tilespmem:$0x1DC40] =	vst v34;
	v34 =	vld [tilespmem:$0x1D830];
	_ =	sdelay $0x4  }
0x413: {  	v34 =	vsel vm2, $0x106B, v34  }
0x414: {  	[tilespmem:$0x1DC50] =	vst v34;
	v34 =	vld [tilespmem:$0x1D840];
	_ =	sdelay $0x4  }
0x415: {  	v34 =	vsel vm2, $0x426B, v34  }
0x416: {  	[tilespmem:$0x1DC60] =	vst v34;
	v34 =	vld [tilespmem:$0x1D850];
	_ =	sdelay $0x4  }
0x417: {  	v34 =	vsel vm2, $0x355, v34  }
0x418: {  	[tilespmem:$0x1DC70] =	vst v34;
	v34 =	vld [tilespmem:$0x1D860];
	_ =	sdelay $0x4  }
0x419: {  	v34 =	vsel vm2, $0x746B, v34  }
0x41a: {  	[tilespmem:$0x1DC80] =	vst v34;
	v34 =	vld [tilespmem:$0x1D870];
	_ =	sdelay $0x4  }
0x41b: {  	v34 =	vsel vm2, $0x365, v34  }
0x41c: {  	[tilespmem:$0x1DC90] =	vst v34;
	v34 =	vld [tilespmem:$0x1D880];
	_ =	sdelay $0x4  }
0x41d: {  	v34 =	vsel vm2, $0xA66B, v34  }
0x41e: {  	[tilespmem:$0x1DCA0] =	vst v34;
	v34 =	vld [tilespmem:$0x1D890];
	_ =	sdelay $0x4  }
0x41f: {  	v34 =	vsel vm2, $0x375, v34  }
0x420: {  	[tilespmem:$0x1DCB0] =	vst v34;
	v34 =	vld [tilespmem:$0x1D8A0];
	_ =	sdelay $0x4  }
0x421: {  	v34 =	vsel vm2, $0x346, v34  }
0x422: {  	[tilespmem:$0x1DCC0] =	vst v34;
	v34 =	vld [tilespmem:$0x1D8B0];
	_ =	sdelay $0x4  }
0x423: {  	v34 =	vsel vm2, $0x138B, v34  }
0x424: {  	[tilespmem:$0x1DCD0] =	vst v34;
	v34 =	vld [tilespmem:$0x1D8C0];
	_ =	sdelay $0x4  }
0x425: {  	v34 =	vsel vm2, $0x458B, v34  }
0x426: {  	[tilespmem:$0x1DCE0] =	vst v34;
	v34 =	vld [tilespmem:$0x1D8D0]  }
0x427: {  	v0 =	vsel vm1, $0x246, v0  }
0x428: {  	v1 =	vsel vm1, $0x138A, v1;
	v2 =	vsel vm1, $0x458A, v2;
	v3 =	vsel vm1, $0x256, v3  }
0x429: {  	v4 =	vsel vm1, $0x778A, v4;
	v5 =	vsel vm1, $0x266, v5;
	v6 =	vsel vm1, $0xA98A, v6  }
0x42a: {  	v7 =	vsel vm1, $0x276, v7;
	v8 =	vsel vm1, $0x247, v8;
	v9 =	vsel vm1, $0x16AA, v9  }
0x42b: {  	v10 =	vsel vm1, $0x48AA, v10;
	v11 =	vsel vm1, $0x257, v11;
	v34 =	vsel vm2, $0x356, v34  }
0x42c: {  	v12 =	vsel vm1, $0x7AAA, v12;
	v13 =	vsel vm1, $0x267, v13;
	v14 =	vsel vm1, $0xACAA, v14;
	[tilespmem:$0x1DCF0] =	vst v34;
	v34 =	vld [tilespmem:$0x1D8E0]  }
0x42d: {  	v15 =	vsel vm1, $0x277, v15;
	v16 =	vsel vm1, $0x248, v16;
	v17 =	vsel vm1, $0x19CA, v17  }
0x42e: {  	v18 =	vsel vm1, $0x4BCA, v18;
	v19 =	vsel vm1, $0x258, v19;
	v20 =	vsel vm1, $0x7DCA, v20  }
0x42f: {  	v21 =	vsel vm1, $0x268, v21;
	v22 =	vsel vm1, $0xAFCA, v22;
	v23 =	vsel vm1, $0x278, v23  }
0x430: {  	v24 =	vsel vm1, $0x249, v24;
	v25 =	vsel vm1, $0x1CEA, v25;
	v26 =	vsel vm1, $0x4EEA, v26  }
0x431: {  	v27 =	vsel vm1, $0x259, v27;
	v28 =	vsel vm1, $0x80EA, v28;
	v34 =	vsel vm2, $0x778B, v34  }
0x432: {  	v29 =	vsel vm1, $0x269, v29;
	v30 =	vsel vm1, $0xB2EA, v30;
	v31 =	vsel vm1, $0x279, v31;
	[tilespmem:$0x1DD00] =	vst v34;
	v34 =	vld [tilespmem:$0x1D8F0]  }
0x433: {  	v32 =	vsel vm1, $0x24A, v32;
	v33 =	vsel vm1, $0x200A, v33;
	v35 =	vsel vm1, $0x25A, v35  }
0x434: {  	v39 =	vsel vm1, $0x26A, v37;
	v41 =	vsel vm1, $0x27A, v41;
	v42 =	vsel vm1, $0x24B, v42  }
0x435: {  	v43 =	vsel vm1, $0x232A, v43;
	v44 =	vsel vm1, $0x552A, v44;
	v45 =	vsel vm1, $0x25B, v45  }
0x436: {  	v46 =	vsel vm1, $0x872A, v46;
	v47 =	vsel vm1, $0x26B, v47;
	v48 =	vsel vm1, $0xB92A, v48  }
0x437: {  	v49 =	vsel vm1, $0x27B, v49;
	v50 =	vsel vm1, $0x24C, v50;
	v34 =	vsel vm2, $0x366, v34  }
0x438: {  	v51 =	vsel vm1, $0x264A, v51;
	v52 =	vsel vm1, $0x584A, v52;
	v53 =	vsel vm1, $0x25C, v53;
	[tilespmem:$0x1DD10] =	vst v34;
	v34 =	vld [tilespmem:$0x1D900]  }
0x439: {  	v54 =	vsel vm1, $0x8A4A, v54;
	v55 =	vsel vm1, $0x26C, v55;
	v56 =	vsel vm1, $0xBC4A, v56  }
0x43a: {  	v57 =	vsel vm1, $0x27C, v57;
	v58 =	vsel vm1, $0x24D, v58;
	v59 =	vsel vm1, $0x296A, v59  }
0x43b: {  	v60 =	vsel vm1, $0x5B6A, v60;
	v61 =	vsel vm1, $0x25D, v61;
	v62 =	vsel vm1, $0x8D6A, v62  }
0x43c: {  	v63 =	vsel vm1, $0x26D, v63;
	v40 =	vsel vm1, $0xB60A, v40;
	v60 =	vsel vm2, $0x5E8B, v60  }
0x43d: {  	v61 =	vsel vm2, $0x35E, v61;
	vm1 =	vcmask $0x2320;
	v34 =	vsel vm2, $0xA98B, v34  }
0x43e: {  	v62 =	vsel vm2, $0x908B, v62;
	v63 =	vsel vm2, $0x36E, v63;
	v60 =	vsel vm1, $0x6270, v60;
	[tilespmem:$0x1DD20] =	vst v34;
	v34 =	vld [tilespmem:$0x1D910]  }
0x43f: {  	[tilespmem:$0x1DD40] =	vst v60;
	v60 =	vsel vm1, $0x9F, v61;
	v61 =	vsel vm1, $0x9470, v62;
	v62 =	vsel vm1, $0xAF, v63;
	v63 =	vld [tilespmem:$0x1D920]  }
0x440: {  	[tilespmem:$0x1DD50] =	vst v60;
	v60 =	vld [tilespmem:$0x1D930];
	_ =	sdelay $0x1  }
0x441: {  	[tilespmem:$0x1DD60] =	vst v61;
	v61 =	vld [tilespmem:$0x1D940]  }
0x442: {  	v32 =	vsel vm2, $0x34B, v32;
	[tilespmem:$0x1DD70] =	vst v62;
	v62 =	vld [tilespmem:$0x1D950];
	v34 =	vsel vm2, $0x376, v34  }
0x443: {  	[tilespmem:$0x1DD30] =	vst v34;
	v34 =	vsel vm1, $0x8C, v32;
	v32 =	vsel vm1, $0xC670, v63;
	v63 =	vld [tilespmem:$0x1D960]  }
0x444: {  	[tilespmem:$0x1DD80] =	vst v32;
	v32 =	vsel vm1, $0xBF, v60;
	v60 =	vld [tilespmem:$0x1D970];
	_ =	sdelay $0x1  }
0x445: {  	[tilespmem:$0x1DD90] =	vst v32;
	v32 =	vsel vm1, $0x80, v61;
	v61 =	vld [tilespmem:$0x1D980]  }
0x446: {  	[tilespmem:$0x1DDA0] =	vst v32;
	v32 =	vsel vm1, $0x190, v62;
	v62 =	vld [tilespmem:$0x1D990]  }
0x447: {  	[tilespmem:$0x1DDB0] =	vst v32;
	v32 =	vsel vm1, $0x3390, v63;
	v63 =	vld [tilespmem:$0x1D9A0]  }
0x448: {  	[tilespmem:$0x1DDC0] =	vst v32;
	v32 =	vsel vm1, $0x90, v60;
	v60 =	vld [tilespmem:$0x1D9B0];
	_ =	sdelay $0x1  }
0x449: {  	[tilespmem:$0x1DDD0] =	vst v32;
	v32 =	vsel vm1, $0x6590, v61;
	v61 =	vld [tilespmem:$0x1D9C0]  }
0x44a: {  	[tilespmem:$0x1DDE0] =	vst v32;
	v32 =	vsel vm1, $0xA0, v62;
	v62 =	vld [tilespmem:$0x1D9D0]  }
0x44b: {  	[tilespmem:$0x1DDF0] =	vst v32;
	v32 =	vsel vm1, $0x9790, v63;
	v63 =	vld [tilespmem:$0x1D9E0]  }
0x44c: {  	[tilespmem:$0x1DE00] =	vst v32;
	v32 =	vsel vm1, $0xB0, v60;
	v60 =	vld [tilespmem:$0x1D9F0];
	_ =	sdelay $0x1  }
0x44d: {  	[tilespmem:$0x1DE10] =	vst v32;
	v32 =	vsel vm1, $0x81, v61;
	v61 =	vld [tilespmem:$0x1DA00]  }
0x44e: {  	[tilespmem:$0x1DE20] =	vst v32;
	v32 =	vsel vm1, $0x4B0, v62;
	v62 =	vld [tilespmem:$0x1DA10]  }
0x44f: {  	[tilespmem:$0x1DE30] =	vst v32;
	v32 =	vsel vm1, $0x36B0, v63;
	v63 =	vld [tilespmem:$0x1DA20]  }
0x450: {  	[tilespmem:$0x1DE40] =	vst v32;
	v32 =	vsel vm1, $0x91, v60;
	v60 =	vld [tilespmem:$0x1DA30];
	_ =	sdelay $0x1  }
0x451: {  	[tilespmem:$0x1DE50] =	vst v32;
	v32 =	vsel vm1, $0x68B0, v61;
	v61 =	vld [tilespmem:$0x1DA40]  }
0x452: {  	[tilespmem:$0x1DE60] =	vst v32;
	v32 =	vsel vm1, $0xA1, v62;
	v62 =	vld [tilespmem:$0x1DA50]  }
0x453: {  	[tilespmem:$0x1DE70] =	vst v32;
	v32 =	vsel vm1, $0x9AB0, v63;
	v63 =	vld [tilespmem:$0x1DA60]  }
0x454: {  	[tilespmem:$0x1DE80] =	vst v32;
	v32 =	vsel vm1, $0xB1, v60;
	v60 =	vld [tilespmem:$0x1DA70];
	_ =	sdelay $0x1  }
0x455: {  	[tilespmem:$0x1DE90] =	vst v32;
	v32 =	vsel vm1, $0x82, v61  }
0x456: {  	[tilespmem:$0x1DEA0] =	vst v32;
	v32 =	vsel vm1, $0x7D0, v62  }
0x457: {  	[tilespmem:$0x1DEB0] =	vst v32;
	v32 =	vsel vm1, $0x39D0, v63  }
0x458: {  	[tilespmem:$0x1DEC0] =	vst v32;
	v32 =	vsel vm1, $0x92, v60  }
0x459: {  	[tilespmem:$0x1DED0] =	vst v32  }
0x45a: {  	v32 =	vld [tilespmem:$0x1DA80]  }
0x45b: {  	v61 =	vld [tilespmem:$0x1DA90]  }
0x45c: {  	v62 =	vld [tilespmem:$0x1DAA0]  }
0x45d: {  	v63 =	vld [tilespmem:$0x1DAB0];
	_ =	sdelay $0x1  }
0x45e: {  	v60 =	vld [tilespmem:$0x1DAC0];
	v32 =	vsel vm1, $0x6BD0, v32  }
0x45f: {  	[tilespmem:$0x1DEE0] =	vst v32;
	v32 =	vsel vm1, $0xA2, v61;
	v61 =	vld [tilespmem:$0x1DAD0]  }
0x460: {  	[tilespmem:$0x1DEF0] =	vst v32;
	v32 =	vsel vm1, $0x9DD0, v62;
	v62 =	vld [tilespmem:$0x1DAE0]  }
0x461: {  	[tilespmem:$0x1DF00] =	vst v32;
	v32 =	vsel vm1, $0xB2, v63;
	v63 =	vld [tilespmem:$0x1DAF0];
	_ =	sdelay $0x1  }
0x462: {  	[tilespmem:$0x1DF10] =	vst v32;
	v32 =	vsel vm1, $0x83, v60;
	v60 =	vld [tilespmem:$0x1DB00]  }
0x463: {  	[tilespmem:$0x1DF20] =	vst v32;
	v32 =	vsel vm1, $0xAF0, v61;
	v61 =	vld [tilespmem:$0x1DB10]  }
0x464: {  	[tilespmem:$0x1DF30] =	vst v32;
	v32 =	vsel vm1, $0x3CF0, v62;
	v62 =	vld [tilespmem:$0x1DB20]  }
0x465: {  	[tilespmem:$0x1DF40] =	vst v32;
	v32 =	vsel vm1, $0x93, v63;
	v63 =	vld [tilespmem:$0x1DB30];
	_ =	sdelay $0x1  }
0x466: {  	[tilespmem:$0x1DF50] =	vst v32;
	v32 =	vsel vm1, $0x6EF0, v60;
	v60 =	vld [tilespmem:$0x1DB40]  }
0x467: {  	[tilespmem:$0x1DF60] =	vst v32;
	v32 =	vsel vm1, $0xA3, v61;
	v61 =	vld [tilespmem:$0x1DB50]  }
0x468: {  	[tilespmem:$0x1DF70] =	vst v32;
	v32 =	vsel vm1, $0xA0F0, v62;
	v62 =	vld [tilespmem:$0x1DB60]  }
0x469: {  	[tilespmem:$0x1DF80] =	vst v32;
	v32 =	vsel vm1, $0xB3, v63;
	v63 =	vld [tilespmem:$0x1DB70];
	_ =	sdelay $0x1  }
0x46a: {  	[tilespmem:$0x1DF90] =	vst v32;
	v32 =	vsel vm1, $0x84, v60;
	v60 =	vld [tilespmem:$0x1DB80]  }
0x46b: {  	[tilespmem:$0x1DFA0] =	vst v32;
	v32 =	vsel vm1, $0xE10, v61;
	v61 =	vld [tilespmem:$0x1DB90]  }
0x46c: {  	[tilespmem:$0x1DFB0] =	vst v32;
	v32 =	vsel vm1, $0x4010, v62;
	v62 =	vld [tilespmem:$0x1DBA0]  }
0x46d: {  	[tilespmem:$0x1DFC0] =	vst v32;
	v32 =	vsel vm1, $0x94, v63;
	v63 =	vld [tilespmem:$0x1DBB0];
	_ =	sdelay $0x1  }
0x46e: {  	[tilespmem:$0x1DFD0] =	vst v32;
	v32 =	vsel vm1, $0x7210, v60;
	v60 =	vld [tilespmem:$0x1DBC0]  }
0x46f: {  	[tilespmem:$0x1DFE0] =	vst v32;
	v32 =	vsel vm1, $0xA4, v61;
	v61 =	vld [tilespmem:$0x1DBD0]  }
0x470: {  	[tilespmem:$0x1DFF0] =	vst v32;
	v32 =	vsel vm1, $0xA410, v62;
	v62 =	vld [tilespmem:$0x1DBE0]  }
0x471: {  	[tilespmem:$0x1E000] =	vst v32;
	v32 =	vsel vm1, $0xB4, v63;
	v63 =	vld [tilespmem:$0x1DBF0];
	_ =	sdelay $0x1  }
0x472: {  	v0 =	vsel vm2, $0x347, v0;
	[tilespmem:$0x1E010] =	vst v32;
	v32 =	vsel vm1, $0x85, v60;
	v60 =	vld [tilespmem:$0x1DC00]  }
0x473: {  	v1 =	vsel vm2, $0x16AB, v1;
	v2 =	vsel vm2, $0x48AB, v2;
	[tilespmem:$0x1E020] =	vst v32;
	v32 =	vsel vm1, $0x1130, v61;
	v61 =	vld [tilespmem:$0x1DC10]  }
0x474: {  	v3 =	vsel vm2, $0x357, v3;
	v4 =	vsel vm2, $0x7AAB, v4;
	[tilespmem:$0x1E030] =	vst v32;
	v32 =	vsel vm1, $0x4330, v62;
	v62 =	vld [tilespmem:$0x1DC20]  }
0x475: {  	v5 =	vsel vm2, $0x367, v5;
	v6 =	vsel vm2, $0xACAB, v6;
	[tilespmem:$0x1E040] =	vst v32;
	v32 =	vsel vm1, $0x95, v63;
	v63 =	vld [tilespmem:$0x1DC30]  }
0x476: {  	v7 =	vsel vm2, $0x377, v7;
	v8 =	vsel vm2, $0x348, v8;
	v9 =	vsel vm2, $0x19CB, v9  }
0x477: {  	v10 =	vsel vm2, $0x4BCB, v10;
	v11 =	vsel vm2, $0x358, v11;
	[tilespmem:$0x1E050] =	vst v32;
	v32 =	vsel vm1, $0x7530, v60;
	v60 =	vld [tilespmem:$0x1DC40]  }
0x478: {  	v12 =	vsel vm2, $0x7DCB, v12;
	v13 =	vsel vm2, $0x368, v13;
	[tilespmem:$0x1E060] =	vst v32;
	v32 =	vsel vm1, $0xA5, v61;
	v61 =	vld [tilespmem:$0x1DC50]  }
0x479: {  	v14 =	vsel vm2, $0xAFCB, v14;
	v15 =	vsel vm2, $0x378, v15;
	[tilespmem:$0x1E070] =	vst v32;
	v32 =	vsel vm1, $0xA730, v62;
	v62 =	vld [tilespmem:$0x1DC60]  }
0x47a: {  	v16 =	vsel vm2, $0x349, v16;
	v17 =	vsel vm2, $0x1CEB, v17;
	[tilespmem:$0x1E080] =	vst v32;
	v32 =	vsel vm1, $0xB5, v63;
	v63 =	vld [tilespmem:$0x1DC70]  }
0x47b: {  	v18 =	vsel vm2, $0x4EEB, v18;
	v19 =	vsel vm2, $0x359, v19;
	v20 =	vsel vm2, $0x80EB, v20  }
0x47c: {  	v21 =	vsel vm2, $0x369, v21;
	v22 =	vsel vm2, $0xB2EB, v22;
	[tilespmem:$0x1E090] =	vst v32;
	v32 =	vsel vm1, $0x86, v60;
	v60 =	vld [tilespmem:$0x1DC80]  }
0x47d: {  	v23 =	vsel vm2, $0x379, v23;
	v24 =	vsel vm2, $0x34A, v24;
	[tilespmem:$0x1E0A0] =	vst v32;
	v32 =	vsel vm1, $0x1450, v61;
	v61 =	vld [tilespmem:$0x1DC90]  }
0x47e: {  	v25 =	vsel vm2, $0x200B, v25;
	v26 =	vsel vm2, $0x520B, v26;
	[tilespmem:$0x1E0B0] =	vst v32;
	v32 =	vsel vm1, $0x4650, v62;
	v62 =	vld [tilespmem:$0x1DCA0]  }
0x47f: {  	v27 =	vsel vm2, $0x35A, v27;
	v28 =	vsel vm2, $0x840B, v28;
	[tilespmem:$0x1E0C0] =	vst v32;
	v32 =	vsel vm1, $0x96, v63;
	v63 =	vld [tilespmem:$0x1DCB0]  }
0x480: {  	v29 =	vsel vm2, $0x36A, v29;
	v30 =	vsel vm2, $0xB60B, v30;
	v31 =	vsel vm2, $0x37A, v31  }
0x481: {  	v33 =	vsel vm2, $0x232B, v33;
	v37 =	vsel vm2, $0x35B, v35;
	[tilespmem:$0x1E0D0] =	vst v32;
	v32 =	vsel vm1, $0x7850, v60;
	v60 =	vld [tilespmem:$0x1DCC0]  }
0x482: {  	v39 =	vsel vm2, $0x36B, v39;
	v40 =	vsel vm2, $0xB92B, v40;
	[tilespmem:$0x1E0E0] =	vst v32;
	v32 =	vsel vm1, $0xA6, v61;
	v61 =	vld [tilespmem:$0x1DCD0]  }
0x483: {  	v41 =	vsel vm2, $0x37B, v41;
	v42 =	vsel vm2, $0x34C, v42;
	[tilespmem:$0x1E0F0] =	vst v32;
	v32 =	vsel vm1, $0xAA50, v62;
	v62 =	vld [tilespmem:$0x1DCE0]  }
0x484: {  	v43 =	vsel vm2, $0x264B, v43;
	v44 =	vsel vm2, $0x584B, v44;
	[tilespmem:$0x1E100] =	vst v32;
	v32 =	vsel vm1, $0xB6, v63;
	v63 =	vld [tilespmem:$0x1DCF0]  }
0x485: {  	v45 =	vsel vm2, $0x35C, v45;
	v46 =	vsel vm2, $0x8A4B, v46;
	v47 =	vsel vm2, $0x36C, v47  }
0x486: {  	v48 =	vsel vm2, $0xBC4B, v48;
	v49 =	vsel vm2, $0x37C, v49;
	[tilespmem:$0x1E110] =	vst v32;
	v32 =	vsel vm1, $0x87, v60;
	v60 =	vld [tilespmem:$0x1DD00]  }
0x487: {  	v50 =	vsel vm2, $0x34D, v50;
	v51 =	vsel vm2, $0x296B, v51;
	[tilespmem:$0x1E120] =	vst v32;
	v32 =	vsel vm1, $0x1770, v61;
	v61 =	vld [tilespmem:$0x1DD10]  }
0x488: {  	v52 =	vsel vm2, $0x5B6B, v52;
	v53 =	vsel vm2, $0x35D, v53;
	[tilespmem:$0x1E130] =	vst v32;
	v32 =	vsel vm1, $0x4970, v62;
	v62 =	vld [tilespmem:$0x1DD20]  }
0x489: {  	v54 =	vsel vm2, $0x8D6B, v54;
	v55 =	vsel vm2, $0x36D, v55;
	[tilespmem:$0x1E140] =	vst v32;
	v32 =	vsel vm1, $0x97, v63;
	v63 =	vld [tilespmem:$0x1DD30]  }
0x48a: {  	v56 =	vsel vm2, $0xBF6B, v56;
	v57 =	vsel vm2, $0x37D, v57;
	v58 =	vsel vm2, $0x34E, v58  }
0x48b: {  	v59 =	vsel vm2, $0x2C8B, v59;
	v38 =	vsel vm2, $0x872B, v38;
	[tilespmem:$0x1E150] =	vst v32;
	v32 =	vsel vm1, $0x7B70, v60  }
0x48c: {  	v58 =	vsel vm1, $0x8F, v58;
	vm2 =	vcmask $0x2724;
	[tilespmem:$0x1E160] =	vst v32;
	v32 =	vsel vm1, $0xA7, v61  }
0x48d: {  	v59 =	vsel vm1, $0x3070, v59;
	[tilespmem:$0x1E170] =	vst v32;
	v32 =	vsel vm1, $0xAD70, v62;
	v62 =	vsel vm2, $0x180, v58;
	v58 =	vld [tilespmem:$0x1DD40]  }
0x48e: {  	[tilespmem:$0x1E180] =	vst v32;
	v32 =	vsel vm1, $0xB7, v63;
	v63 =	vsel vm2, $0x191, v59;
	v59 =	vld [tilespmem:$0x1DD50]  }
0x48f: {  	v56 =	vsel vm1, $0xC350, v56  }
0x490: {  	v57 =	vsel vm1, $0xBE, v57;
	v60 =	vsel vm2, $0xC671, v56;
	v56 =	vld [tilespmem:$0x1DD60]  }
0x491: {  	v30 =	vsel vm1, $0xB9F0, v30;
	v61 =	vsel vm2, $0x1BF, v57;
	v57 =	vld [tilespmem:$0x1DD70]  }
0x492: {  	[tilespmem:$0x1E190] =	vst v32;
	v32 =	vsel vm2, $0xBD11, v30;
	v30 =	vsel vm2, $0x3391, v58;
	v58 =	vld [tilespmem:$0x1DD80]  }
0x493: {  	[tilespmem:$0x1E1A0] =	vst v30;
	v30 =	vsel vm2, $0x190, v59;
	v59 =	vld [tilespmem:$0x1DD90];
	_ =	sdelay $0x1  }
0x494: {  	[tilespmem:$0x1E1B0] =	vst v30;
	v30 =	vsel vm2, $0x6591, v56;
	v56 =	vld [tilespmem:$0x1DDA0]  }
0x495: {  	[tilespmem:$0x1E1C0] =	vst v30;
	v30 =	vsel vm2, $0x1A0, v57;
	v57 =	vld [tilespmem:$0x1DDB0]  }
0x496: {  	[tilespmem:$0x1E1D0] =	vst v30;
	v30 =	vsel vm2, $0x9791, v58;
	v58 =	vld [tilespmem:$0x1DDC0]  }
0x497: {  	[tilespmem:$0x1E1E0] =	vst v30;
	v30 =	vsel vm2, $0x1B0, v59;
	v59 =	vld [tilespmem:$0x1DDD0];
	_ =	sdelay $0x1  }
0x498: {  	[tilespmem:$0x1E1F0] =	vst v30;
	v30 =	vsel vm2, $0x181, v56;
	v56 =	vld [tilespmem:$0x1DDE0]  }
0x499: {  	[tilespmem:$0x1E200] =	vst v30;
	v30 =	vsel vm2, $0x4B1, v57;
	v57 =	vld [tilespmem:$0x1DDF0]  }
0x49a: {  	[tilespmem:$0x1E210] =	vst v30;
	v30 =	vsel vm2, $0x36B1, v58;
	v58 =	vld [tilespmem:$0x1DE00]  }
0x49b: {  	[tilespmem:$0x1E220] =	vst v30;
	v30 =	vsel vm2, $0x191, v59;
	v59 =	vld [tilespmem:$0x1DE10];
	_ =	sdelay $0x1  }
0x49c: {  	[tilespmem:$0x1E230] =	vst v30;
	v30 =	vsel vm2, $0x68B1, v56;
	v56 =	vld [tilespmem:$0x1DE20]  }
0x49d: {  	[tilespmem:$0x1E240] =	vst v30;
	v30 =	vsel vm2, $0x1A1, v57;
	v57 =	vld [tilespmem:$0x1DE30]  }
0x49e: {  	[tilespmem:$0x1E250] =	vst v30;
	v30 =	vsel vm2, $0x9AB1, v58;
	v58 =	vld [tilespmem:$0x1DE40]  }
0x49f: {  	[tilespmem:$0x1E260] =	vst v30;
	v30 =	vsel vm2, $0x1B1, v59;
	v59 =	vld [tilespmem:$0x1DE50];
	_ =	sdelay $0x1  }
0x4a0: {  	[tilespmem:$0x1E270] =	vst v30;
	v30 =	vsel vm2, $0x182, v56;
	v56 =	vld [tilespmem:$0x1DE60]  }
0x4a1: {  	[tilespmem:$0x1E280] =	vst v30;
	v30 =	vsel vm2, $0x7D1, v57;
	v57 =	vld [tilespmem:$0x1DE70]  }
0x4a2: {  	[tilespmem:$0x1E290] =	vst v30;
	v30 =	vsel vm2, $0x39D1, v58;
	v58 =	vld [tilespmem:$0x1DE80]  }
0x4a3: {  	[tilespmem:$0x1E2A0] =	vst v30;
	v30 =	vsel vm2, $0x192, v59;
	v59 =	vld [tilespmem:$0x1DE90];
	_ =	sdelay $0x1  }
0x4a4: {  	[tilespmem:$0x1E2B0] =	vst v30;
	v30 =	vsel vm2, $0x6BD1, v56;
	v56 =	vld [tilespmem:$0x1DEA0]  }
0x4a5: {  	[tilespmem:$0x1E2C0] =	vst v30;
	v30 =	vsel vm2, $0x1A2, v57;
	v57 =	vld [tilespmem:$0x1DEB0]  }
0x4a6: {  	[tilespmem:$0x1E2D0] =	vst v30;
	v30 =	vsel vm2, $0x9DD1, v58;
	v58 =	vld [tilespmem:$0x1DEC0]  }
0x4a7: {  	[tilespmem:$0x1E2E0] =	vst v30;
	v30 =	vsel vm2, $0x1B2, v59;
	v59 =	vld [tilespmem:$0x1DED0];
	_ =	sdelay $0x1  }
0x4a8: {  	[tilespmem:$0x1E2F0] =	vst v30;
	v30 =	vsel vm2, $0x183, v56;
	v56 =	vld [tilespmem:$0x1DEE0]  }
0x4a9: {  	[tilespmem:$0x1E300] =	vst v30;
	v30 =	vsel vm2, $0xAF1, v57;
	v57 =	vld [tilespmem:$0x1DEF0]  }
0x4aa: {  	[tilespmem:$0x1E310] =	vst v30;
	v30 =	vsel vm2, $0x3CF1, v58;
	v58 =	vld [tilespmem:$0x1DF00]  }
0x4ab: {  	[tilespmem:$0x1E320] =	vst v30;
	v30 =	vsel vm2, $0x193, v59;
	v59 =	vld [tilespmem:$0x1DF10];
	_ =	sdelay $0x1  }
0x4ac: {  	[tilespmem:$0x1E330] =	vst v30;
	v30 =	vsel vm2, $0x6EF1, v56;
	v56 =	vld [tilespmem:$0x1DF20]  }
0x4ad: {  	[tilespmem:$0x1E340] =	vst v30;
	v30 =	vsel vm2, $0x1A3, v57;
	v57 =	vld [tilespmem:$0x1DF30]  }
0x4ae: {  	[tilespmem:$0x1E350] =	vst v30;
	v30 =	vsel vm2, $0xA0F1, v58;
	v58 =	vld [tilespmem:$0x1DF40]  }
0x4af: {  	[tilespmem:$0x1E360] =	vst v30;
	v30 =	vsel vm2, $0x1B3, v59;
	v59 =	vld [tilespmem:$0x1DF50];
	_ =	sdelay $0x1  }
0x4b0: {  	[tilespmem:$0x1E370] =	vst v30;
	v30 =	vsel vm2, $0x184, v56;
	v56 =	vld [tilespmem:$0x1DF60]  }
0x4b1: {  	[tilespmem:$0x1E380] =	vst v30;
	v30 =	vsel vm2, $0xE11, v57;
	v57 =	vld [tilespmem:$0x1DF70]  }
0x4b2: {  	[tilespmem:$0x1E390] =	vst v30;
	v30 =	vsel vm2, $0x4011, v58;
	v58 =	vld [tilespmem:$0x1DF80]  }
0x4b3: {  	[tilespmem:$0x1E3A0] =	vst v30;
	v30 =	vsel vm2, $0x194, v59;
	v59 =	vld [tilespmem:$0x1DF90];
	_ =	sdelay $0x1  }
0x4b4: {  	[tilespmem:$0x1E3B0] =	vst v30;
	v30 =	vsel vm2, $0x7211, v56;
	v56 =	vld [tilespmem:$0x1DFA0]  }
0x4b5: {  	[tilespmem:$0x1E3C0] =	vst v30;
	v30 =	vsel vm2, $0x1A4, v57;
	v57 =	vld [tilespmem:$0x1DFB0]  }
0x4b6: {  	[tilespmem:$0x1E3D0] =	vst v30;
	v30 =	vsel vm2, $0xA411, v58;
	v58 =	vld [tilespmem:$0x1DFC0]  }
0x4b7: {  	[tilespmem:$0x1E3E0] =	vst v30;
	v30 =	vsel vm2, $0x1B4, v59;
	v59 =	vld [tilespmem:$0x1DFD0];
	_ =	sdelay $0x1  }
0x4b8: {  	[tilespmem:$0x1E3F0] =	vst v30;
	v30 =	vsel vm2, $0x185, v56;
	v56 =	vld [tilespmem:$0x1DFE0]  }
0x4b9: {  	[tilespmem:$0x1E400] =	vst v30;
	v30 =	vsel vm2, $0x1131, v57;
	v57 =	vld [tilespmem:$0x1DFF0]  }
0x4ba: {  	[tilespmem:$0x1E410] =	vst v30;
	v30 =	vsel vm2, $0x4331, v58;
	v58 =	vld [tilespmem:$0x1E000]  }
0x4bb: {  	[tilespmem:$0x1E420] =	vst v30;
	v30 =	vsel vm2, $0x195, v59;
	v59 =	vld [tilespmem:$0x1E010];
	_ =	sdelay $0x1  }
0x4bc: {  	[tilespmem:$0x1E430] =	vst v30;
	v30 =	vsel vm2, $0x7531, v56;
	v56 =	vld [tilespmem:$0x1E020]  }
0x4bd: {  	[tilespmem:$0x1E440] =	vst v30;
	v30 =	vsel vm2, $0x1A5, v57;
	v57 =	vld [tilespmem:$0x1E030]  }
0x4be: {  	[tilespmem:$0x1E450] =	vst v30;
	v30 =	vsel vm2, $0xA731, v58;
	v58 =	vld [tilespmem:$0x1E040]  }
0x4bf: {  	[tilespmem:$0x1E460] =	vst v30;
	v30 =	vsel vm2, $0x1B5, v59;
	v59 =	vld [tilespmem:$0x1E050];
	_ =	sdelay $0x1  }
0x4c0: {  	[tilespmem:$0x1E470] =	vst v30;
	v30 =	vsel vm2, $0x186, v56;
	v56 =	vld [tilespmem:$0x1E060]  }
0x4c1: {  	[tilespmem:$0x1E480] =	vst v30;
	v30 =	vsel vm2, $0x1451, v57;
	v57 =	vld [tilespmem:$0x1E070]  }
0x4c2: {  	v0 =	vsel vm1, $0x88, v0;
	[tilespmem:$0x1E490] =	vst v30;
	v30 =	vsel vm2, $0x4651, v58;
	v58 =	vld [tilespmem:$0x1E080]  }
0x4c3: {  	v1 =	vsel vm1, $0x1A90, v1;
	v2 =	vsel vm1, $0x4C90, v2;
	[tilespmem:$0x1E4A0] =	vst v30;
	v30 =	vsel vm2, $0x196, v59;
	v59 =	vld [tilespmem:$0x1E090]  }
0x4c4: {  	v3 =	vsel vm1, $0x98, v3;
	v4 =	vsel vm1, $0x7E90, v4;
	v5 =	vsel vm1, $0xA8, v5  }
0x4c5: {  	v6 =	vsel vm1, $0xB090, v6;
	v7 =	vsel vm1, $0xB8, v7;
	[tilespmem:$0x1E4B0] =	vst v30;
	v30 =	vsel vm2, $0x7851, v56;
	v56 =	vld [tilespmem:$0x1E0A0]  }
0x4c6: {  	v8 =	vsel vm1, $0x89, v8;
	v9 =	vsel vm1, $0x1DB0, v9;
	[tilespmem:$0x1E4C0] =	vst v30;
	v30 =	vsel vm2, $0x1A6, v57;
	v57 =	vld [tilespmem:$0x1E0B0]  }
0x4c7: {  	v10 =	vsel vm1, $0x4FB0, v10;
	v11 =	vsel vm1, $0x99, v11;
	[tilespmem:$0x1E4D0] =	vst v30;
	v30 =	vsel vm2, $0xAA51, v58;
	v58 =	vld [tilespmem:$0x1E0C0]  }
0x4c8: {  	v12 =	vsel vm1, $0x81B0, v12;
	v13 =	vsel vm1, $0xA9, v13;
	[tilespmem:$0x1E4E0] =	vst v30;
	v30 =	vsel vm2, $0x1B6, v59;
	v59 =	vld [tilespmem:$0x1E0D0]  }
0x4c9: {  	v14 =	vsel vm1, $0xB3B0, v14;
	v15 =	vsel vm1, $0xB9, v15;
	v16 =	vsel vm1, $0x8A, v16  }
0x4ca: {  	v17 =	vsel vm1, $0x20D0, v17;
	v18 =	vsel vm1, $0x52D0, v18;
	[tilespmem:$0x1E4F0] =	vst v30;
	v30 =	vsel vm2, $0x187, v56;
	v56 =	vld [tilespmem:$0x1E0E0]  }
0x4cb: {  	v19 =	vsel vm1, $0x9A, v19;
	v20 =	vsel vm1, $0x84D0, v20;
	[tilespmem:$0x1E500] =	vst v30;
	v30 =	vsel vm2, $0x1771, v57;
	v57 =	vld [tilespmem:$0x1E0F0]  }
0x4cc: {  	v21 =	vsel vm1, $0xAA, v21;
	v22 =	vsel vm1, $0xB6D0, v22;
	[tilespmem:$0x1E510] =	vst v30;
	v30 =	vsel vm2, $0x4971, v58;
	v58 =	vld [tilespmem:$0x1E100]  }
0x4cd: {  	v23 =	vsel vm1, $0xBA, v23;
	v24 =	vsel vm1, $0x8B, v24;
	[tilespmem:$0x1E520] =	vst v30;
	v30 =	vsel vm2, $0x197, v59;
	v59 =	vld [tilespmem:$0x1E110]  }
0x4ce: {  	v25 =	vsel vm1, $0x23F0, v25;
	v26 =	vsel vm1, $0x55F0, v26;
	v27 =	vsel vm1, $0x9B, v27  }
0x4cf: {  	v28 =	vsel vm1, $0x87F0, v28;
	v29 =	vsel vm1, $0xAB, v29;
	[tilespmem:$0x1E530] =	vst v30;
	v30 =	vsel vm2, $0x7B71, v56;
	v56 =	vld [tilespmem:$0x1E120]  }
0x4d0: {  	v31 =	vsel vm1, $0xBB, v31;
	v35 =	vsel vm1, $0x2710, v33;
	[tilespmem:$0x1E540] =	vst v30;
	v30 =	vsel vm2, $0x1A7, v57;
	v57 =	vld [tilespmem:$0x1E130]  }
0x4d1: {  	v37 =	vsel vm1, $0x9C, v37;
	v38 =	vsel vm1, $0x8B10, v38;
	[tilespmem:$0x1E550] =	vst v30;
	v30 =	vsel vm2, $0xAD71, v58;
	v58 =	vld [tilespmem:$0x1E140]  }
0x4d2: {  	v39 =	vsel vm1, $0xAC, v39;
	v40 =	vsel vm1, $0xBD10, v40;
	[tilespmem:$0x1E560] =	vst v30;
	v30 =	vsel vm2, $0x1B7, v59;
	v59 =	vld [tilespmem:$0x1E150]  }
0x4d3: {  	v41 =	vsel vm1, $0xBC, v41;
	v42 =	vsel vm1, $0x8D, v42;
	v43 =	vsel vm1, $0x2A30, v43  }
0x4d4: {  	v44 =	vsel vm1, $0x5C30, v44;
	v45 =	vsel vm1, $0x9D, v45;
	[tilespmem:$0x1E570] =	vst v30;
	v30 =	vsel vm2, $0x188, v56;
	v56 =	vld [tilespmem:$0x1E160]  }
0x4d5: {  	v46 =	vsel vm1, $0x8E30, v46;
	v47 =	vsel vm1, $0xAD, v47;
	[tilespmem:$0x1E580] =	vst v30;
	v30 =	vsel vm2, $0x1A91, v57;
	v57 =	vld [tilespmem:$0x1E170]  }
0x4d6: {  	v48 =	vsel vm1, $0xC030, v48;
	v49 =	vsel vm1, $0xBD, v49;
	[tilespmem:$0x1E590] =	vst v30;
	v30 =	vsel vm2, $0x4C91, v58;
	v58 =	vld [tilespmem:$0x1E180]  }
0x4d7: {  	v50 =	vsel vm1, $0x8E, v50;
	v51 =	vsel vm1, $0x2D50, v51;
	[tilespmem:$0x1E5A0] =	vst v30;
	v30 =	vsel vm2, $0x198, v59;
	v59 =	vld [tilespmem:$0x1E190]  }
0x4d8: {  	v52 =	vsel vm1, $0x5F50, v52;
	v53 =	vsel vm1, $0x9E, v53;
	v54 =	vsel vm1, $0x9150, v54  }
0x4d9: {  	v55 =	vsel vm1, $0xAE, v55;
	v36 =	vsel vm1, $0x5910, v36;
	[tilespmem:$0x1E5B0] =	vst v30;
	v30 =	vsel vm2, $0x7E91, v56  }
0x4da: {  	v54 =	vsel vm2, $0x9471, v54;
	vm1 =	vcmask $0x2B28;
	[tilespmem:$0x1E5C0] =	vst v30;
	v30 =	vsel vm2, $0x1A8, v57  }
0x4db: {  	v55 =	vsel vm2, $0x1AF, v55;
	[tilespmem:$0x1E5D0] =	vst v30;
	v30 =	vsel vm2, $0xB091, v58;
	v58 =	vsel vm1, $0x6592, v54;
	v54 =	vld [tilespmem:$0x1E1A0]  }
0x4dc: {  	[tilespmem:$0x1E5E0] =	vst v30;
	v30 =	vsel vm2, $0x1B8, v59;
	v59 =	vsel vm1, $0x2A0, v55;
	v55 =	vld [tilespmem:$0x1E1B0]  }
0x4dd: {  	v52 =	vsel vm2, $0x6271, v52  }
0x4de: {  	v53 =	vsel vm2, $0x19F, v53;
	v56 =	vsel vm1, $0x3392, v52;
	v52 =	vld [tilespmem:$0x1E1C0]  }
0x4df: {  	v28 =	vsel vm2, $0x8B11, v28;
	v57 =	vsel vm1, $0x290, v53;
	v53 =	vld [tilespmem:$0x1E1D0]  }
0x4e0: {  	[tilespmem:$0x1E5F0] =	vst v30;
	v30 =	vsel vm1, $0x8E32, v28;
	v28 =	vsel vm1, $0x36B2, v54;
	v54 =	vld [tilespmem:$0x1E1E0]  }
0x4e1: {  	[tilespmem:$0x1E600] =	vst v28;
	v28 =	vsel vm1, $0x291, v55;
	v55 =	vld [tilespmem:$0x1E1F0];
	_ =	sdelay $0x1  }
0x4e2: {  	[tilespmem:$0x1E610] =	vst v28;
	v28 =	vsel vm1, $0x68B2, v52;
	v52 =	vld [tilespmem:$0x1E200]  }
0x4e3: {  	[tilespmem:$0x1E620] =	vst v28;
	v28 =	vsel vm1, $0x2A1, v53;
	v53 =	vld [tilespmem:$0x1E210]  }
0x4e4: {  	[tilespmem:$0x1E630] =	vst v28;
	v28 =	vsel vm1, $0x9AB2, v54;
	v54 =	vld [tilespmem:$0x1E220]  }
0x4e5: {  	[tilespmem:$0x1E640] =	vst v28;
	v28 =	vsel vm1, $0x2B1, v55;
	v55 =	vld [tilespmem:$0x1E230];
	_ =	sdelay $0x1  }
0x4e6: {  	[tilespmem:$0x1E650] =	vst v28;
	v28 =	vsel vm1, $0x282, v52;
	v52 =	vld [tilespmem:$0x1E240]  }
0x4e7: {  	[tilespmem:$0x1E660] =	vst v28;
	v28 =	vsel vm1, $0x7D2, v53;
	v53 =	vld [tilespmem:$0x1E250]  }
0x4e8: {  	[tilespmem:$0x1E670] =	vst v28;
	v28 =	vsel vm1, $0x39D2, v54;
	v54 =	vld [tilespmem:$0x1E260]  }
0x4e9: {  	[tilespmem:$0x1E680] =	vst v28;
	v28 =	vsel vm1, $0x292, v55;
	v55 =	vld [tilespmem:$0x1E270];
	_ =	sdelay $0x1  }
0x4ea: {  	[tilespmem:$0x1E690] =	vst v28;
	v28 =	vsel vm1, $0x6BD2, v52;
	v52 =	vld [tilespmem:$0x1E280]  }
0x4eb: {  	[tilespmem:$0x1E6A0] =	vst v28;
	v28 =	vsel vm1, $0x2A2, v53;
	v53 =	vld [tilespmem:$0x1E290]  }
0x4ec: {  	[tilespmem:$0x1E6B0] =	vst v28;
	v28 =	vsel vm1, $0x9DD2, v54;
	v54 =	vld [tilespmem:$0x1E2A0]  }
0x4ed: {  	[tilespmem:$0x1E6C0] =	vst v28;
	v28 =	vsel vm1, $0x2B2, v55;
	v55 =	vld [tilespmem:$0x1E2B0];
	_ =	sdelay $0x1  }
0x4ee: {  	[tilespmem:$0x1E6D0] =	vst v28;
	v28 =	vsel vm1, $0x283, v52;
	v52 =	vld [tilespmem:$0x1E2C0]  }
0x4ef: {  	[tilespmem:$0x1E6E0] =	vst v28;
	v28 =	vsel vm1, $0xAF2, v53;
	v53 =	vld [tilespmem:$0x1E2D0]  }
0x4f0: {  	[tilespmem:$0x1E6F0] =	vst v28;
	v28 =	vsel vm1, $0x3CF2, v54;
	v54 =	vld [tilespmem:$0x1E2E0]  }
0x4f1: {  	[tilespmem:$0x1E700] =	vst v28;
	v28 =	vsel vm1, $0x293, v55;
	v55 =	vld [tilespmem:$0x1E2F0];
	_ =	sdelay $0x1  }
0x4f2: {  	[tilespmem:$0x1E710] =	vst v28;
	v28 =	vsel vm1, $0x6EF2, v52;
	v52 =	vld [tilespmem:$0x1E300]  }
0x4f3: {  	[tilespmem:$0x1E720] =	vst v28;
	v28 =	vsel vm1, $0x2A3, v53;
	v53 =	vld [tilespmem:$0x1E310]  }
0x4f4: {  	[tilespmem:$0x1E730] =	vst v28;
	v28 =	vsel vm1, $0xA0F2, v54;
	v54 =	vld [tilespmem:$0x1E320]  }
0x4f5: {  	[tilespmem:$0x1E740] =	vst v28;
	v28 =	vsel vm1, $0x2B3, v55;
	v55 =	vld [tilespmem:$0x1E330];
	_ =	sdelay $0x1  }
0x4f6: {  	[tilespmem:$0x1E750] =	vst v28;
	v28 =	vsel vm1, $0x284, v52;
	v52 =	vld [tilespmem:$0x1E340]  }
0x4f7: {  	[tilespmem:$0x1E760] =	vst v28;
	v28 =	vsel vm1, $0xE12, v53;
	v53 =	vld [tilespmem:$0x1E350]  }
0x4f8: {  	[tilespmem:$0x1E770] =	vst v28;
	v28 =	vsel vm1, $0x4012, v54;
	v54 =	vld [tilespmem:$0x1E360]  }
0x4f9: {  	[tilespmem:$0x1E780] =	vst v28;
	v28 =	vsel vm1, $0x294, v55;
	v55 =	vld [tilespmem:$0x1E370];
	_ =	sdelay $0x1  }
0x4fa: {  	[tilespmem:$0x1E790] =	vst v28;
	v28 =	vsel vm1, $0x7212, v52;
	v52 =	vld [tilespmem:$0x1E380]  }
0x4fb: {  	[tilespmem:$0x1E7A0] =	vst v28;
	v28 =	vsel vm1, $0x2A4, v53;
	v53 =	vld [tilespmem:$0x1E390]  }
0x4fc: {  	[tilespmem:$0x1E7B0] =	vst v28;
	v28 =	vsel vm1, $0xA412, v54;
	v54 =	vld [tilespmem:$0x1E3A0]  }
0x4fd: {  	[tilespmem:$0x1E7C0] =	vst v28;
	v28 =	vsel vm1, $0x2B4, v55;
	v55 =	vld [tilespmem:$0x1E3B0];
	_ =	sdelay $0x1  }
0x4fe: {  	[tilespmem:$0x1E7D0] =	vst v28;
	v28 =	vsel vm1, $0x285, v52;
	v52 =	vld [tilespmem:$0x1E3C0]  }
0x4ff: {  	[tilespmem:$0x1E7E0] =	vst v28;
	v28 =	vsel vm1, $0x1132, v53;
	v53 =	vld [tilespmem:$0x1E3D0]  }
0x500: {  	[tilespmem:$0x1E7F0] =	vst v28;
	v28 =	vsel vm1, $0x4332, v54;
	v54 =	vld [tilespmem:$0x1E3E0]  }
0x501: {  	[tilespmem:$0x1E800] =	vst v28;
	v28 =	vsel vm1, $0x295, v55;
	v55 =	vld [tilespmem:$0x1E3F0];
	_ =	sdelay $0x1  }
0x502: {  	[tilespmem:$0x1E810] =	vst v28;
	v28 =	vsel vm1, $0x7532, v52;
	v52 =	vld [tilespmem:$0x1E400]  }
0x503: {  	[tilespmem:$0x1E820] =	vst v28;
	v28 =	vsel vm1, $0x2A5, v53;
	v53 =	vld [tilespmem:$0x1E410]  }
0x504: {  	[tilespmem:$0x1E830] =	vst v28;
	v28 =	vsel vm1, $0xA732, v54;
	v54 =	vld [tilespmem:$0x1E420]  }
0x505: {  	[tilespmem:$0x1E840] =	vst v28;
	v28 =	vsel vm1, $0x2B5, v55;
	v55 =	vld [tilespmem:$0x1E430];
	_ =	sdelay $0x1  }
0x506: {  	[tilespmem:$0x1E850] =	vst v28;
	v28 =	vsel vm1, $0x286, v52;
	v52 =	vld [tilespmem:$0x1E440]  }
0x507: {  	[tilespmem:$0x1E860] =	vst v28;
	v28 =	vsel vm1, $0x1452, v53;
	v53 =	vld [tilespmem:$0x1E450]  }
0x508: {  	[tilespmem:$0x1E870] =	vst v28;
	v28 =	vsel vm1, $0x4652, v54;
	v54 =	vld [tilespmem:$0x1E460]  }
0x509: {  	[tilespmem:$0x1E880] =	vst v28;
	v28 =	vsel vm1, $0x296, v55;
	v55 =	vld [tilespmem:$0x1E470];
	_ =	sdelay $0x1  }
0x50a: {  	[tilespmem:$0x1E890] =	vst v28;
	v28 =	vsel vm1, $0x7852, v52;
	v52 =	vld [tilespmem:$0x1E480]  }
0x50b: {  	[tilespmem:$0x1E8A0] =	vst v28;
	v28 =	vsel vm1, $0x2A6, v53;
	v53 =	vld [tilespmem:$0x1E490]  }
0x50c: {  	[tilespmem:$0x1E8B0] =	vst v28;
	v28 =	vsel vm1, $0xAA52, v54;
	v54 =	vld [tilespmem:$0x1E4A0]  }
0x50d: {  	[tilespmem:$0x1E8C0] =	vst v28;
	v28 =	vsel vm1, $0x2B6, v55;
	v55 =	vld [tilespmem:$0x1E4B0];
	_ =	sdelay $0x1  }
0x50e: {  	[tilespmem:$0x1E8D0] =	vst v28;
	v28 =	vsel vm1, $0x287, v52;
	v52 =	vld [tilespmem:$0x1E4C0]  }
0x50f: {  	[tilespmem:$0x1E8E0] =	vst v28;
	v28 =	vsel vm1, $0x1772, v53;
	v53 =	vld [tilespmem:$0x1E4D0]  }
0x510: {  	[tilespmem:$0x1E8F0] =	vst v28;
	v28 =	vsel vm1, $0x4972, v54;
	v54 =	vld [tilespmem:$0x1E4E0]  }
0x511: {  	[tilespmem:$0x1E900] =	vst v28;
	v28 =	vsel vm1, $0x297, v55;
	v55 =	vld [tilespmem:$0x1E4F0];
	_ =	sdelay $0x1  }
0x512: {  	v0 =	vsel vm2, $0x189, v0;
	v1 =	vsel vm2, $0x1DB1, v1;
	[tilespmem:$0x1E910] =	vst v28;
	v28 =	vsel vm1, $0x7B72, v52;
	v52 =	vld [tilespmem:$0x1E500]  }
0x513: {  	v2 =	vsel vm2, $0x4FB1, v2;
	v3 =	vsel vm2, $0x199, v3;
	[tilespmem:$0x1E920] =	vst v28;
	v28 =	vsel vm1, $0x2A7, v53;
	v53 =	vld [tilespmem:$0x1E510]  }
0x514: {  	v4 =	vsel vm2, $0x81B1, v4;
	v5 =	vsel vm2, $0x1A9, v5;
	[tilespmem:$0x1E930] =	vst v28;
	v28 =	vsel vm1, $0xAD72, v54;
	v54 =	vld [tilespmem:$0x1E520]  }
0x515: {  	v6 =	vsel vm2, $0xB3B1, v6;
	v7 =	vsel vm2, $0x1B9, v7;
	[tilespmem:$0x1E940] =	vst v28;
	v28 =	vsel vm1, $0x2B7, v55;
	v55 =	vld [tilespmem:$0x1E530]  }
0x516: {  	v8 =	vsel vm2, $0x18A, v8;
	v9 =	vsel vm2, $0x20D1, v9;
	v10 =	vsel vm2, $0x52D1, v10  }
0x517: {  	v11 =	vsel vm2, $0x19A, v11;
	v12 =	vsel vm2, $0x84D1, v12;
	[tilespmem:$0x1E950] =	vst v28;
	v28 =	vsel vm1, $0x288, v52;
	v52 =	vld [tilespmem:$0x1E540]  }
0x518: {  	v13 =	vsel vm2, $0x1AA, v13;
	v14 =	vsel vm2, $0xB6D1, v14;
	[tilespmem:$0x1E960] =	vst v28;
	v28 =	vsel vm1, $0x1A92, v53;
	v53 =	vld [tilespmem:$0x1E550]  }
0x519: {  	v15 =	vsel vm2, $0x1BA, v15;
	v16 =	vsel vm2, $0x18B, v16;
	[tilespmem:$0x1E970] =	vst v28;
	v28 =	vsel vm1, $0x4C92, v54;
	v54 =	vld [tilespmem:$0x1E560]  }
0x51a: {  	v17 =	vsel vm2, $0x23F1, v17;
	v18 =	vsel vm2, $0x55F1, v18;
	[tilespmem:$0x1E980] =	vst v28;
	v28 =	vsel vm1, $0x298, v55;
	v55 =	vld [tilespmem:$0x1E570]  }
0x51b: {  	v19 =	vsel vm2, $0x19B, v19;
	v20 =	vsel vm2, $0x87F1, v20;
	v21 =	vsel vm2, $0x1AB, v21  }
0x51c: {  	v22 =	vsel vm2, $0xB9F1, v22;
	v23 =	vsel vm2, $0x1BB, v23;
	[tilespmem:$0x1E990] =	vst v28;
	v28 =	vsel vm1, $0x7E92, v52;
	v52 =	vld [tilespmem:$0x1E580]  }
0x51d: {  	v24 =	vsel vm2, $0x18C, v24;
	v25 =	vsel vm2, $0x2711, v25;
	[tilespmem:$0x1E9A0] =	vst v28;
	v28 =	vsel vm1, $0x2A8, v53;
	v53 =	vld [tilespmem:$0x1E590]  }
0x51e: {  	v26 =	vsel vm2, $0x5911, v26;
	v27 =	vsel vm2, $0x19C, v27;
	[tilespmem:$0x1E9B0] =	vst v28;
	v28 =	vsel vm1, $0xB092, v54;
	v54 =	vld [tilespmem:$0x1E5A0]  }
0x51f: {  	v29 =	vsel vm2, $0x1AC, v29;
	v33 =	vsel vm2, $0x1BC, v31;
	[tilespmem:$0x1E9C0] =	vst v28;
	v28 =	vsel vm1, $0x2B8, v55;
	v55 =	vld [tilespmem:$0x1E5B0]  }
0x520: {  	v35 =	vsel vm2, $0x2A31, v35;
	v36 =	vsel vm2, $0x5C31, v36;
	v37 =	vsel vm2, $0x19D, v37  }
0x521: {  	v38 =	vsel vm2, $0x8E31, v38;
	v39 =	vsel vm2, $0x1AD, v39;
	[tilespmem:$0x1E9D0] =	vst v28;
	v28 =	vsel vm1, $0x289, v52;
	v52 =	vld [tilespmem:$0x1E5C0]  }
0x522: {  	v40 =	vsel vm2, $0xC031, v40;
	v41 =	vsel vm2, $0x1BD, v41;
	[tilespmem:$0x1E9E0] =	vst v28;
	v28 =	vsel vm1, $0x1DB2, v53;
	v53 =	vld [tilespmem:$0x1E5D0]  }
0x523: {  	v42 =	vsel vm2, $0x18E, v42;
	v43 =	vsel vm2, $0x2D51, v43;
	[tilespmem:$0x1E9F0] =	vst v28;
	v28 =	vsel vm1, $0x4FB2, v54;
	v54 =	vld [tilespmem:$0x1E5E0]  }
0x524: {  	v44 =	vsel vm2, $0x5F51, v44;
	v45 =	vsel vm2, $0x19E, v45;
	[tilespmem:$0x1EA00] =	vst v28;
	v28 =	vsel vm1, $0x299, v55;
	v55 =	vld [tilespmem:$0x1E5F0]  }
0x525: {  	v46 =	vsel vm2, $0x9151, v46;
	v47 =	vsel vm2, $0x1AE, v47;
	v48 =	vsel vm2, $0xC351, v48  }
0x526: {  	v49 =	vsel vm2, $0x1BE, v49;
	v50 =	vsel vm2, $0x18F, v50;
	[tilespmem:$0x1EA10] =	vst v28;
	v28 =	vsel vm1, $0x81B2, v52  }
0x527: {  	v51 =	vsel vm2, $0x3071, v51;
	v34 =	vsel vm2, $0x18D, v34;
	[tilespmem:$0x1EA20] =	vst v28;
	v28 =	vsel vm1, $0x2A9, v53  }
0x528: {  	v51 =	vsel vm1, $0x192, v51;
	vm2 =	vcmask $0x2F2C;
	[tilespmem:$0x1EA30] =	vst v28;
	v28 =	vsel vm1, $0xB3B2, v54  }
0x529: {  	v48 =	vsel vm1, $0xC672, v48;
	[tilespmem:$0x1EA40] =	vst v28;
	v28 =	vsel vm1, $0x2B9, v55;
	v55 =	vsel vm2, $0x4B3, v51;
	v51 =	vld [tilespmem:$0x1E600]  }
0x52a: {  	v52 =	vsel vm2, $0x9793, v48;
	v48 =	vld [tilespmem:$0x1E610]  }
0x52b: {  	v49 =	vsel vm1, $0x2BF, v49  }
0x52c: {  	v50 =	vsel vm1, $0x280, v50;
	v53 =	vsel vm2, $0x3B0, v49;
	v49 =	vld [tilespmem:$0x1E620]  }
0x52d: {  	v26 =	vsel vm1, $0x5C32, v26;
	v54 =	vsel vm2, $0x381, v50;
	v50 =	vld [tilespmem:$0x1E630]  }
0x52e: {  	[tilespmem:$0x1EA50] =	vst v28;
	v28 =	vsel vm2, $0x5F53, v26;
	v26 =	vsel vm2, $0x39D3, v51;
	v51 =	vld [tilespmem:$0x1E640]  }
0x52f: {  	[tilespmem:$0x1EA60] =	vst v26;
	v26 =	vsel vm2, $0x392, v48;
	v48 =	vld [tilespmem:$0x1E650];
	_ =	sdelay $0x1  }
0x530: {  	[tilespmem:$0x1EA70] =	vst v26;
	v26 =	vsel vm2, $0x6BD3, v49;
	v49 =	vld [tilespmem:$0x1E660]  }
0x531: {  	[tilespmem:$0x1EA80] =	vst v26;
	v26 =	vsel vm2, $0x3A2, v50;
	v50 =	vld [tilespmem:$0x1E670]  }
0x532: {  	[tilespmem:$0x1EA90] =	vst v26;
	v26 =	vsel vm2, $0x9DD3, v51;
	v51 =	vld [tilespmem:$0x1E680]  }
0x533: {  	[tilespmem:$0x1EAA0] =	vst v26;
	v26 =	vsel vm2, $0x3B2, v48;
	v48 =	vld [tilespmem:$0x1E690];
	_ =	sdelay $0x1  }
0x534: {  	[tilespmem:$0x1EAB0] =	vst v26;
	v26 =	vsel vm2, $0x383, v49;
	v49 =	vld [tilespmem:$0x1E6A0]  }
0x535: {  	[tilespmem:$0x1EAC0] =	vst v26;
	v26 =	vsel vm2, $0xAF3, v50;
	v50 =	vld [tilespmem:$0x1E6B0]  }
0x536: {  	[tilespmem:$0x1EAD0] =	vst v26;
	v26 =	vsel vm2, $0x3CF3, v51;
	v51 =	vld [tilespmem:$0x1E6C0]  }
0x537: {  	[tilespmem:$0x1EAE0] =	vst v26;
	v26 =	vsel vm2, $0x393, v48;
	v48 =	vld [tilespmem:$0x1E6D0];
	_ =	sdelay $0x1  }
0x538: {  	[tilespmem:$0x1EAF0] =	vst v26;
	v26 =	vsel vm2, $0x6EF3, v49;
	v49 =	vld [tilespmem:$0x1E6E0]  }
0x539: {  	[tilespmem:$0x1EB00] =	vst v26;
	v26 =	vsel vm2, $0x3A3, v50;
	v50 =	vld [tilespmem:$0x1E6F0]  }
0x53a: {  	[tilespmem:$0x1EB10] =	vst v26;
	v26 =	vsel vm2, $0xA0F3, v51;
	v51 =	vld [tilespmem:$0x1E700]  }
0x53b: {  	[tilespmem:$0x1EB20] =	vst v26;
	v26 =	vsel vm2, $0x3B3, v48;
	v48 =	vld [tilespmem:$0x1E710];
	_ =	sdelay $0x1  }
0x53c: {  	[tilespmem:$0x1EB30] =	vst v26;
	v26 =	vsel vm2, $0x384, v49;
	v49 =	vld [tilespmem:$0x1E720]  }
0x53d: {  	[tilespmem:$0x1EB40] =	vst v26;
	v26 =	vsel vm2, $0xE13, v50;
	v50 =	vld [tilespmem:$0x1E730]  }
0x53e: {  	[tilespmem:$0x1EB50] =	vst v26;
	v26 =	vsel vm2, $0x4013, v51;
	v51 =	vld [tilespmem:$0x1E740]  }
0x53f: {  	[tilespmem:$0x1EB60] =	vst v26;
	v26 =	vsel vm2, $0x394, v48;
	v48 =	vld [tilespmem:$0x1E750];
	_ =	sdelay $0x1  }
0x540: {  	[tilespmem:$0x1EB70] =	vst v26;
	v26 =	vsel vm2, $0x7213, v49;
	v49 =	vld [tilespmem:$0x1E760]  }
0x541: {  	[tilespmem:$0x1EB80] =	vst v26;
	v26 =	vsel vm2, $0x3A4, v50;
	v50 =	vld [tilespmem:$0x1E770]  }
0x542: {  	[tilespmem:$0x1EB90] =	vst v26;
	v26 =	vsel vm2, $0xA413, v51;
	v51 =	vld [tilespmem:$0x1E780]  }
0x543: {  	[tilespmem:$0x1EBA0] =	vst v26;
	v26 =	vsel vm2, $0x3B4, v48;
	v48 =	vld [tilespmem:$0x1E790];
	_ =	sdelay $0x1  }
0x544: {  	[tilespmem:$0x1EBB0] =	vst v26;
	v26 =	vsel vm2, $0x385, v49;
	v49 =	vld [tilespmem:$0x1E7A0]  }
0x545: {  	[tilespmem:$0x1EBC0] =	vst v26;
	v26 =	vsel vm2, $0x1133, v50;
	v50 =	vld [tilespmem:$0x1E7B0]  }
0x546: {  	[tilespmem:$0x1EBD0] =	vst v26;
	v26 =	vsel vm2, $0x4333, v51;
	v51 =	vld [tilespmem:$0x1E7C0]  }
0x547: {  	[tilespmem:$0x1EBE0] =	vst v26;
	v26 =	vsel vm2, $0x395, v48;
	v48 =	vld [tilespmem:$0x1E7D0];
	_ =	sdelay $0x1  }
0x548: {  	[tilespmem:$0x1EBF0] =	vst v26;
	v26 =	vsel vm2, $0x7533, v49;
	v49 =	vld [tilespmem:$0x1E7E0]  }
0x549: {  	[tilespmem:$0x1EC00] =	vst v26;
	v26 =	vsel vm2, $0x3A5, v50;
	v50 =	vld [tilespmem:$0x1E7F0]  }
0x54a: {  	[tilespmem:$0x1EC10] =	vst v26;
	v26 =	vsel vm2, $0xA733, v51;
	v51 =	vld [tilespmem:$0x1E800]  }
0x54b: {  	[tilespmem:$0x1EC20] =	vst v26;
	v26 =	vsel vm2, $0x3B5, v48;
	v48 =	vld [tilespmem:$0x1E810];
	_ =	sdelay $0x1  }
0x54c: {  	[tilespmem:$0x1EC30] =	vst v26;
	v26 =	vsel vm2, $0x386, v49;
	v49 =	vld [tilespmem:$0x1E820]  }
0x54d: {  	[tilespmem:$0x1EC40] =	vst v26;
	v26 =	vsel vm2, $0x1453, v50;
	v50 =	vld [tilespmem:$0x1E830]  }
0x54e: {  	[tilespmem:$0x1EC50] =	vst v26;
	v26 =	vsel vm2, $0x4653, v51;
	v51 =	vld [tilespmem:$0x1E840]  }
0x54f: {  	[tilespmem:$0x1EC60] =	vst v26;
	v26 =	vsel vm2, $0x396, v48;
	v48 =	vld [tilespmem:$0x1E850];
	_ =	sdelay $0x1  }
0x550: {  	[tilespmem:$0x1EC70] =	vst v26;
	v26 =	vsel vm2, $0x7853, v49;
	v49 =	vld [tilespmem:$0x1E860]  }
0x551: {  	[tilespmem:$0x1EC80] =	vst v26;
	v26 =	vsel vm2, $0x3A6, v50;
	v50 =	vld [tilespmem:$0x1E870]  }
0x552: {  	[tilespmem:$0x1EC90] =	vst v26;
	v26 =	vsel vm2, $0xAA53, v51;
	v51 =	vld [tilespmem:$0x1E880]  }
0x553: {  	[tilespmem:$0x1ECA0] =	vst v26;
	v26 =	vsel vm2, $0x3B6, v48;
	v48 =	vld [tilespmem:$0x1E890];
	_ =	sdelay $0x1  }
0x554: {  	[tilespmem:$0x1ECB0] =	vst v26;
	v26 =	vsel vm2, $0x387, v49;
	v49 =	vld [tilespmem:$0x1E8A0]  }
0x555: {  	[tilespmem:$0x1ECC0] =	vst v26;
	v26 =	vsel vm2, $0x1773, v50;
	v50 =	vld [tilespmem:$0x1E8B0]  }
0x556: {  	[tilespmem:$0x1ECD0] =	vst v26;
	v26 =	vsel vm2, $0x4973, v51;
	v51 =	vld [tilespmem:$0x1E8C0]  }
0x557: {  	[tilespmem:$0x1ECE0] =	vst v26;
	v26 =	vsel vm2, $0x397, v48;
	v48 =	vld [tilespmem:$0x1E8D0];
	_ =	sdelay $0x1  }
0x558: {  	[tilespmem:$0x1ECF0] =	vst v26;
	v26 =	vsel vm2, $0x7B73, v49;
	v49 =	vld [tilespmem:$0x1E8E0]  }
0x559: {  	[tilespmem:$0x1ED00] =	vst v26;
	v26 =	vsel vm2, $0x3A7, v50;
	v50 =	vld [tilespmem:$0x1E8F0]  }
0x55a: {  	[tilespmem:$0x1ED10] =	vst v26;
	v26 =	vsel vm2, $0xAD73, v51;
	v51 =	vld [tilespmem:$0x1E900]  }
0x55b: {  	[tilespmem:$0x1ED20] =	vst v26;
	v26 =	vsel vm2, $0x3B7, v48;
	v48 =	vld [tilespmem:$0x1E910];
	_ =	sdelay $0x1  }
0x55c: {  	[tilespmem:$0x1ED30] =	vst v26;
	v26 =	vsel vm2, $0x388, v49;
	v49 =	vld [tilespmem:$0x1E920]  }
0x55d: {  	v0 =	vsel vm1, $0x28A, v0;
	v1 =	vsel vm1, $0x20D2, v1;
	[tilespmem:$0x1ED40] =	vst v26;
	v26 =	vsel vm2, $0x1A93, v50;
	v50 =	vld [tilespmem:$0x1E930]  }
0x55e: {  	v2 =	vsel vm1, $0x52D2, v2;
	v3 =	vsel vm1, $0x29A, v3;
	[tilespmem:$0x1ED50] =	vst v26;
	v26 =	vsel vm2, $0x4C93, v51;
	v51 =	vld [tilespmem:$0x1E940]  }
0x55f: {  	v4 =	vsel vm1, $0x84D2, v4;
	v5 =	vsel vm1, $0x2AA, v5;
	[tilespmem:$0x1ED60] =	vst v26;
	v26 =	vsel vm2, $0x398, v48;
	v48 =	vld [tilespmem:$0x1E950]  }
0x560: {  	v6 =	vsel vm1, $0xB6D2, v6;
	v7 =	vsel vm1, $0x2BA, v7;
	v8 =	vsel vm1, $0x28B, v8  }
0x561: {  	v9 =	vsel vm1, $0x23F2, v9;
	v10 =	vsel vm1, $0x55F2, v10;
	[tilespmem:$0x1ED70] =	vst v26;
	v26 =	vsel vm2, $0x7E93, v49;
	v49 =	vld [tilespmem:$0x1E960]  }
0x562: {  	v11 =	vsel vm1, $0x29B, v11;
	v12 =	vsel vm1, $0x87F2, v12;
	[tilespmem:$0x1ED80] =	vst v26;
	v26 =	vsel vm2, $0x3A8, v50;
	v50 =	vld [tilespmem:$0x1E970]  }
0x563: {  	v13 =	vsel vm1, $0x2AB, v13;
	v14 =	vsel vm1, $0xB9F2, v14;
	[tilespmem:$0x1ED90] =	vst v26;
	v26 =	vsel vm2, $0xB093, v51;
	v51 =	vld [tilespmem:$0x1E980]  }
0x564: {  	v15 =	vsel vm1, $0x2BB, v15;
	v16 =	vsel vm1, $0x28C, v16;
	[tilespmem:$0x1EDA0] =	vst v26;
	v26 =	vsel vm2, $0x3B8, v48;
	v48 =	vld [tilespmem:$0x1E990]  }
0x565: {  	v17 =	vsel vm1, $0x2712, v17;
	v18 =	vsel vm1, $0x5912, v18;
	v19 =	vsel vm1, $0x29C, v19  }
0x566: {  	v20 =	vsel vm1, $0x8B12, v20;
	v21 =	vsel vm1, $0x2AC, v21;
	[tilespmem:$0x1EDB0] =	vst v26;
	v26 =	vsel vm2, $0x389, v49;
	v49 =	vld [tilespmem:$0x1E9A0]  }
0x567: {  	v22 =	vsel vm1, $0xBD12, v22;
	v23 =	vsel vm1, $0x2BC, v23;
	[tilespmem:$0x1EDC0] =	vst v26;
	v26 =	vsel vm2, $0x1DB3, v50;
	v50 =	vld [tilespmem:$0x1E9B0]  }
0x568: {  	v24 =	vsel vm1, $0x28D, v24;
	v25 =	vsel vm1, $0x2A32, v25;
	[tilespmem:$0x1EDD0] =	vst v26;
	v26 =	vsel vm2, $0x4FB3, v51;
	v51 =	vld [tilespmem:$0x1E9C0]  }
0x569: {  	v27 =	vsel vm1, $0x29D, v27;
	v31 =	vsel vm1, $0x2AD, v29;
	[tilespmem:$0x1EDE0] =	vst v26;
	v26 =	vsel vm2, $0x399, v48;
	v48 =	vld [tilespmem:$0x1E9D0]  }
0x56a: {  	v33 =	vsel vm1, $0x2BD, v33;
	v34 =	vsel vm1, $0x28E, v34;
	v35 =	vsel vm1, $0x2D52, v35  }
0x56b: {  	v36 =	vsel vm1, $0x5F52, v36;
	v37 =	vsel vm1, $0x29E, v37;
	[tilespmem:$0x1EDF0] =	vst v26;
	v26 =	vsel vm2, $0x81B3, v49;
	v49 =	vld [tilespmem:$0x1E9E0]  }
0x56c: {  	v38 =	vsel vm1, $0x9152, v38;
	v39 =	vsel vm1, $0x2AE, v39;
	[tilespmem:$0x1EE00] =	vst v26;
	v26 =	vsel vm2, $0x3A9, v50;
	v50 =	vld [tilespmem:$0x1E9F0]  }
0x56d: {  	v40 =	vsel vm1, $0xC352, v40;
	v41 =	vsel vm1, $0x2BE, v41;
	[tilespmem:$0x1EE10] =	vst v26;
	v26 =	vsel vm2, $0xB3B3, v51;
	v51 =	vld [tilespmem:$0x1EA00]  }
0x56e: {  	v42 =	vsel vm1, $0x28F, v42;
	v43 =	vsel vm1, $0x3072, v43;
	[tilespmem:$0x1EE20] =	vst v26;
	v26 =	vsel vm2, $0x3B9, v48;
	v48 =	vld [tilespmem:$0x1EA10]  }
0x56f: {  	v44 =	vsel vm1, $0x6272, v44;
	v45 =	vsel vm1, $0x29F, v45;
	v46 =	vsel vm1, $0x9472, v46  }
0x570: {  	v47 =	vsel vm1, $0x2AF, v47;
	v60 =	vsel vm1, $0x9792, v60;
	[tilespmem:$0x1EE30] =	vst v26;
	v26 =	vsel vm2, $0x38A, v49  }
0x571: {  	v61 =	vsel vm1, $0x2B0, v61;
	v62 =	vsel vm1, $0x281, v62;
	[tilespmem:$0x1EE40] =	vst v26;
	v26 =	vsel vm2, $0x20D3, v50  }
0x572: {  	v63 =	vsel vm1, $0x4B2, v63;
	v32 =	vsel vm1, $0xC032, v32;
	[tilespmem:$0x1EE50] =	vst v26;
	v26 =	vsel vm2, $0x52D3, v51  }
0x573: {  	v0 =	vsel vm2, $0x38B, v0;
	vm1 =	vcmask $0x3330;
	[tilespmem:$0x1EE60] =	vst v26;
	v26 =	vsel vm2, $0x39A, v48  }
0x574: {  	v0 =	vsel vm1, $0xCC, v0;
	[tilespmem:$0x1EE70] =	vst v26  }
0x575: {  	[tilespmem:$0x1EEC0] =	vst v0;
	v0 =	vld [tilespmem:$0x1EAC0];
	_ =	sdelay $0x4  }
0x576: {  	v0 =	vsel vm1, $0xC4, v0  }
0x577: {  	[tilespmem:$0x1EED0] =	vst v0;
	v0 =	vld [tilespmem:$0x1EAD0];
	_ =	sdelay $0x4  }
0x578: {  	v0 =	vsel vm1, $0xED8, v0  }
0x579: {  	[tilespmem:$0x1EEE0] =	vst v0;
	v0 =	vld [tilespmem:$0x1EAE0];
	_ =	sdelay $0x4  }
0x57a: {  	v0 =	vsel vm1, $0x40D8, v0  }
0x57b: {  	[tilespmem:$0x1EEF0] =	vst v0;
	v0 =	vld [tilespmem:$0x1EAF0];
	_ =	sdelay $0x4  }
0x57c: {  	v0 =	vsel vm1, $0xD4, v0  }
0x57d: {  	[tilespmem:$0x1EF00] =	vst v0;
	v0 =	vld [tilespmem:$0x1EB00];
	_ =	sdelay $0x4  }
0x57e: {  	v0 =	vsel vm1, $0x72D8, v0  }
0x57f: {  	[tilespmem:$0x1EF10] =	vst v0;
	v0 =	vld [tilespmem:$0x1EB10];
	_ =	sdelay $0x4  }
0x580: {  	v0 =	vsel vm1, $0xE4, v0  }
0x581: {  	[tilespmem:$0x1EF20] =	vst v0;
	v0 =	vld [tilespmem:$0x1EB20];
	_ =	sdelay $0x4  }
0x582: {  	v0 =	vsel vm1, $0xA4D8, v0  }
0x583: {  	[tilespmem:$0x1EF30] =	vst v0;
	v0 =	vld [tilespmem:$0x1EB30];
	_ =	sdelay $0x4  }
0x584: {  	v0 =	vsel vm1, $0xF4, v0  }
0x585: {  	[tilespmem:$0x1EF40] =	vst v0;
	v0 =	vld [tilespmem:$0x1EB40];
	_ =	sdelay $0x4  }
0x586: {  	v0 =	vsel vm1, $0xC5, v0  }
0x587: {  	[tilespmem:$0x1EF50] =	vst v0;
	v0 =	vld [tilespmem:$0x1EB50];
	_ =	sdelay $0x4  }
0x588: {  	v0 =	vsel vm1, $0x11F8, v0  }
0x589: {  	[tilespmem:$0x1EF60] =	vst v0;
	v0 =	vld [tilespmem:$0x1EB60];
	_ =	sdelay $0x4  }
0x58a: {  	v0 =	vsel vm1, $0x43F8, v0  }
0x58b: {  	[tilespmem:$0x1EF70] =	vst v0;
	v0 =	vld [tilespmem:$0x1EB70];
	_ =	sdelay $0x4  }
0x58c: {  	v0 =	vsel vm1, $0xD5, v0  }
0x58d: {  	[tilespmem:$0x1EF80] =	vst v0;
	v0 =	vld [tilespmem:$0x1EB80];
	_ =	sdelay $0x4  }
0x58e: {  	v0 =	vsel vm1, $0x75F8, v0  }
0x58f: {  	[tilespmem:$0x1EF90] =	vst v0;
	v0 =	vld [tilespmem:$0x1EB90];
	_ =	sdelay $0x4  }
0x590: {  	v0 =	vsel vm1, $0xE5, v0  }
0x591: {  	[tilespmem:$0x1EFA0] =	vst v0;
	v0 =	vld [tilespmem:$0x1EBA0];
	_ =	sdelay $0x4  }
0x592: {  	v0 =	vsel vm1, $0xA7F8, v0  }
0x593: {  	[tilespmem:$0x1EFB0] =	vst v0;
	v0 =	vld [tilespmem:$0x1EBB0];
	_ =	sdelay $0x4  }
0x594: {  	v0 =	vsel vm1, $0xF5, v0  }
0x595: {  	[tilespmem:$0x1EFC0] =	vst v0;
	v0 =	vld [tilespmem:$0x1EBC0];
	_ =	sdelay $0x4  }
0x596: {  	v0 =	vsel vm1, $0xC6, v0  }
0x597: {  	[tilespmem:$0x1EFD0] =	vst v0;
	v0 =	vld [tilespmem:$0x1EBD0];
	_ =	sdelay $0x4  }
0x598: {  	v0 =	vsel vm1, $0x1518, v0  }
0x599: {  	[tilespmem:$0x1EFE0] =	vst v0;
	v0 =	vld [tilespmem:$0x1EBE0];
	_ =	sdelay $0x4  }
0x59a: {  	v0 =	vsel vm1, $0x4718, v0  }
0x59b: {  	[tilespmem:$0x1EFF0] =	vst v0;
	v0 =	vld [tilespmem:$0x1EBF0];
	_ =	sdelay $0x4  }
0x59c: {  	v0 =	vsel vm1, $0xD6, v0  }
0x59d: {  	[tilespmem:$0x1F000] =	vst v0;
	v0 =	vld [tilespmem:$0x1EC00];
	_ =	sdelay $0x4  }
0x59e: {  	v0 =	vsel vm1, $0x7918, v0  }
0x59f: {  	[tilespmem:$0x1F010] =	vst v0;
	v0 =	vld [tilespmem:$0x1EC10];
	_ =	sdelay $0x4  }
0x5a0: {  	v0 =	vsel vm1, $0xE6, v0  }
0x5a1: {  	[tilespmem:$0x1F020] =	vst v0;
	v0 =	vld [tilespmem:$0x1EC20];
	_ =	sdelay $0x4  }
0x5a2: {  	v0 =	vsel vm1, $0xAB18, v0  }
0x5a3: {  	[tilespmem:$0x1F030] =	vst v0;
	v0 =	vld [tilespmem:$0x1EC30];
	_ =	sdelay $0x4  }
0x5a4: {  	v0 =	vsel vm1, $0xF6, v0  }
0x5a5: {  	[tilespmem:$0x1F040] =	vst v0;
	v0 =	vld [tilespmem:$0x1EC40];
	_ =	sdelay $0x4  }
0x5a6: {  	v0 =	vsel vm1, $0xC7, v0  }
0x5a7: {  	[tilespmem:$0x1F050] =	vst v0;
	v0 =	vld [tilespmem:$0x1EC50];
	_ =	sdelay $0x4  }
0x5a8: {  	v0 =	vsel vm1, $0x1838, v0  }
0x5a9: {  	[tilespmem:$0x1F060] =	vst v0;
	v0 =	vld [tilespmem:$0x1EC60];
	_ =	sdelay $0x4  }
0x5aa: {  	v0 =	vsel vm1, $0x4A38, v0  }
0x5ab: {  	[tilespmem:$0x1F070] =	vst v0;
	v0 =	vld [tilespmem:$0x1EC70];
	_ =	sdelay $0x4  }
0x5ac: {  	v0 =	vsel vm1, $0xD7, v0  }
0x5ad: {  	[tilespmem:$0x1F080] =	vst v0;
	v0 =	vld [tilespmem:$0x1EC80];
	_ =	sdelay $0x4  }
0x5ae: {  	v0 =	vsel vm1, $0x7C38, v0  }
0x5af: {  	[tilespmem:$0x1F090] =	vst v0;
	v0 =	vld [tilespmem:$0x1EC90];
	_ =	sdelay $0x4  }
0x5b0: {  	v0 =	vsel vm1, $0xE7, v0  }
0x5b1: {  	[tilespmem:$0x1F0A0] =	vst v0;
	v0 =	vld [tilespmem:$0x1ECA0];
	_ =	sdelay $0x4  }
0x5b2: {  	v0 =	vsel vm1, $0xAE38, v0  }
0x5b3: {  	[tilespmem:$0x1F0B0] =	vst v0;
	v0 =	vld [tilespmem:$0x1ECB0];
	_ =	sdelay $0x4  }
0x5b4: {  	v0 =	vsel vm1, $0xF7, v0  }
0x5b5: {  	[tilespmem:$0x1F0C0] =	vst v0;
	v0 =	vld [tilespmem:$0x1ECC0];
	_ =	sdelay $0x4  }
0x5b6: {  	v0 =	vsel vm1, $0xC8, v0  }
0x5b7: {  	[tilespmem:$0x1F0D0] =	vst v0;
	v0 =	vld [tilespmem:$0x1ECD0];
	_ =	sdelay $0x4  }
0x5b8: {  	v0 =	vsel vm1, $0x1B58, v0  }
0x5b9: {  	[tilespmem:$0x1F0E0] =	vst v0;
	v0 =	vld [tilespmem:$0x1ECE0];
	_ =	sdelay $0x4  }
0x5ba: {  	v0 =	vsel vm1, $0x4D58, v0  }
0x5bb: {  	[tilespmem:$0x1F0F0] =	vst v0;
	v0 =	vld [tilespmem:$0x1ECF0];
	_ =	sdelay $0x4  }
0x5bc: {  	v0 =	vsel vm1, $0xD8, v0  }
0x5bd: {  	[tilespmem:$0x1F100] =	vst v0;
	v0 =	vld [tilespmem:$0x1ED00];
	_ =	sdelay $0x4  }
0x5be: {  	v0 =	vsel vm1, $0x7F58, v0  }
0x5bf: {  	[tilespmem:$0x1F110] =	vst v0;
	v0 =	vld [tilespmem:$0x1ED10];
	_ =	sdelay $0x4  }
0x5c0: {  	v0 =	vsel vm1, $0xE8, v0  }
0x5c1: {  	[tilespmem:$0x1F120] =	vst v0;
	v0 =	vld [tilespmem:$0x1ED20];
	_ =	sdelay $0x4  }
0x5c2: {  	v0 =	vsel vm1, $0xB158, v0  }
0x5c3: {  	[tilespmem:$0x1F130] =	vst v0;
	v0 =	vld [tilespmem:$0x1ED30];
	_ =	sdelay $0x4  }
0x5c4: {  	v0 =	vsel vm1, $0xF8, v0  }
0x5c5: {  	[tilespmem:$0x1F140] =	vst v0;
	v0 =	vld [tilespmem:$0x1ED40];
	_ =	sdelay $0x4  }
0x5c6: {  	v0 =	vsel vm1, $0xC9, v0  }
0x5c7: {  	[tilespmem:$0x1F150] =	vst v0;
	v0 =	vld [tilespmem:$0x1ED50];
	_ =	sdelay $0x4  }
0x5c8: {  	v0 =	vsel vm1, $0x1E78, v0  }
0x5c9: {  	[tilespmem:$0x1F160] =	vst v0;
	v0 =	vld [tilespmem:$0x1ED60];
	_ =	sdelay $0x4  }
0x5ca: {  	v0 =	vsel vm1, $0x5078, v0  }
0x5cb: {  	[tilespmem:$0x1F170] =	vst v0;
	v0 =	vld [tilespmem:$0x1ED70];
	_ =	sdelay $0x4  }
0x5cc: {  	v0 =	vsel vm1, $0xD9, v0  }
0x5cd: {  	[tilespmem:$0x1F180] =	vst v0;
	v0 =	vld [tilespmem:$0x1ED80];
	_ =	sdelay $0x4  }
0x5ce: {  	v0 =	vsel vm1, $0x8278, v0  }
0x5cf: {  	[tilespmem:$0x1F190] =	vst v0;
	v0 =	vld [tilespmem:$0x1ED90];
	_ =	sdelay $0x4  }
0x5d0: {  	v0 =	vsel vm1, $0xE9, v0  }
0x5d1: {  	[tilespmem:$0x1F1A0] =	vst v0;
	v0 =	vld [tilespmem:$0x1EDA0];
	_ =	sdelay $0x4  }
0x5d2: {  	v0 =	vsel vm1, $0xB478, v0  }
0x5d3: {  	[tilespmem:$0x1F1B0] =	vst v0;
	v0 =	vld [tilespmem:$0x1EDB0];
	_ =	sdelay $0x4  }
0x5d4: {  	v0 =	vsel vm1, $0xF9, v0  }
0x5d5: {  	[tilespmem:$0x1F1C0] =	vst v0;
	v0 =	vld [tilespmem:$0x1EDC0];
	_ =	sdelay $0x4  }
0x5d6: {  	v0 =	vsel vm1, $0xCA, v0  }
0x5d7: {  	[tilespmem:$0x1F1D0] =	vst v0;
	v0 =	vld [tilespmem:$0x1EDD0];
	_ =	sdelay $0x4  }
0x5d8: {  	v0 =	vsel vm1, $0x2198, v0  }
0x5d9: {  	[tilespmem:$0x1F1E0] =	vst v0;
	v0 =	vld [tilespmem:$0x1EDE0];
	_ =	sdelay $0x4  }
0x5da: {  	v0 =	vsel vm1, $0x5398, v0  }
0x5db: {  	[tilespmem:$0x1F1F0] =	vst v0;
	v0 =	vld [tilespmem:$0x1EDF0];
	_ =	sdelay $0x4  }
0x5dc: {  	v0 =	vsel vm1, $0xDA, v0  }
0x5dd: {  	[tilespmem:$0x1F200] =	vst v0;
	v0 =	vld [tilespmem:$0x1EE00];
	_ =	sdelay $0x4  }
0x5de: {  	v0 =	vsel vm1, $0x8598, v0  }
0x5df: {  	[tilespmem:$0x1F210] =	vst v0;
	v0 =	vld [tilespmem:$0x1EE10];
	_ =	sdelay $0x4  }
0x5e0: {  	v0 =	vsel vm1, $0xEA, v0  }
0x5e1: {  	[tilespmem:$0x1F220] =	vst v0;
	v0 =	vld [tilespmem:$0x1EE20];
	_ =	sdelay $0x4  }
0x5e2: {  	v0 =	vsel vm1, $0xB798, v0  }
0x5e3: {  	[tilespmem:$0x1F230] =	vst v0;
	v0 =	vld [tilespmem:$0x1EE30];
	_ =	sdelay $0x4  }
0x5e4: {  	v0 =	vsel vm1, $0xFA, v0  }
0x5e5: {  	[tilespmem:$0x1F240] =	vst v0;
	v0 =	vld [tilespmem:$0x1EE40];
	_ =	sdelay $0x4  }
0x5e6: {  	v0 =	vsel vm1, $0xCB, v0  }
0x5e7: {  	[tilespmem:$0x1F250] =	vst v0;
	v0 =	vld [tilespmem:$0x1EE50];
	_ =	sdelay $0x2  }
0x5e8: {  	v1 =	vsel vm2, $0x23F3, v1  }
0x5e9: {  	v2 =	vsel vm2, $0x55F3, v2;
	v3 =	vsel vm2, $0x39B, v3;
	v4 =	vsel vm2, $0x87F3, v4  }
0x5ea: {  	v5 =	vsel vm2, $0x3AB, v5;
	v6 =	vsel vm2, $0xB9F3, v6;
	v0 =	vsel vm1, $0x24B8, v0  }
0x5eb: {  	v7 =	vsel vm2, $0x3BB, v7;
	v8 =	vsel vm2, $0x38C, v8;
	v9 =	vsel vm2, $0x2713, v9;
	[tilespmem:$0x1F260] =	vst v0;
	v0 =	vld [tilespmem:$0x1EE60]  }
0x5ec: {  	v10 =	vsel vm2, $0x5913, v10;
	v11 =	vsel vm2, $0x39C, v11;
	v12 =	vsel vm2, $0x8B13, v12  }
0x5ed: {  	v13 =	vsel vm2, $0x3AC, v13;
	v14 =	vsel vm2, $0xBD13, v14;
	v15 =	vsel vm2, $0x3BC, v15  }
0x5ee: {  	v16 =	vsel vm2, $0x38D, v16;
	v17 =	vsel vm2, $0x2A33, v17;
	v18 =	vsel vm2, $0x5C33, v18  }
0x5ef: {  	v19 =	vsel vm2, $0x39D, v19;
	v20 =	vsel vm2, $0x8E33, v20;
	v21 =	vsel vm2, $0x3AD, v21  }
0x5f0: {  	v22 =	vsel vm2, $0xC033, v22;
	v23 =	vsel vm2, $0x3BD, v23;
	v26 =	vld [tilespmem:$0x1EA20];
	v0 =	vsel vm1, $0x56B8, v0  }
0x5f1: {  	v24 =	vsel vm2, $0x38E, v24;
	v25 =	vsel vm2, $0x2D53, v25;
	v29 =	vsel vm2, $0x39E, v27;
	[tilespmem:$0x1F270] =	vst v0;
	v0 =	vld [tilespmem:$0x1EE70]  }
0x5f2: {  	v31 =	vsel vm2, $0x3AE, v31;
	v32 =	vsel vm2, $0xC353, v32;
	v33 =	vsel vm2, $0x3BE, v33  }
0x5f3: {  	v34 =	vsel vm2, $0x38F, v34;
	v35 =	vsel vm2, $0x3073, v35;
	v36 =	vsel vm2, $0x6273, v36  }
0x5f4: {  	v37 =	vsel vm2, $0x39F, v37;
	v38 =	vsel vm2, $0x9473, v38;
	v39 =	vsel vm2, $0x3AF, v39  }
0x5f5: {  	v40 =	vsel vm2, $0xC673, v40;
	v41 =	vsel vm2, $0x3BF, v41;
	v26 =	vsel vm2, $0x84D3, v26  }
0x5f6: {  	v42 =	vsel vm2, $0x380, v42;
	v43 =	vsel vm2, $0x193, v43;
	v49 =	vld [tilespmem:$0x1EA30];
	[tilespmem:$0x1EE80] =	vst v26;
	v0 =	vsel vm1, $0xDB, v0  }
0x5f7: {  	v44 =	vsel vm2, $0x3393, v44;
	v45 =	vsel vm2, $0x390, v45;
	v46 =	vsel vm2, $0x6593, v46;
	[tilespmem:$0x1F280] =	vst v0;
	v0 =	vld [tilespmem:$0x1EE80]  }
0x5f8: {  	v47 =	vsel vm2, $0x3A0, v47;
	v56 =	vsel vm2, $0x36B3, v56;
	v57 =	vsel vm2, $0x391, v57  }
0x5f9: {  	v58 =	vsel vm2, $0x68B3, v58;
	v59 =	vsel vm2, $0x3A1, v59;
	v60 =	vsel vm2, $0x9AB3, v60  }
0x5fa: {  	v61 =	vsel vm2, $0x3B1, v61;
	v62 =	vsel vm2, $0x382, v62;
	v63 =	vsel vm2, $0x7D3, v63  }
0x5fb: {  	v30 =	vsel vm2, $0x9153, v30;
	v1 =	vsel vm1, $0x27D8, v1;
	v26 =	vsel vm2, $0x3AA, v49  }
0x5fc: {  	v2 =	vsel vm1, $0x59D8, v2;
	v3 =	vsel vm1, $0xDC, v3;
	v50 =	vld [tilespmem:$0x1EA40];
	[tilespmem:$0x1EE90] =	vst v26;
	v0 =	vsel vm1, $0x88B8, v0  }
0x5fd: {  	v4 =	vsel vm1, $0x8BD8, v4;
	v5 =	vsel vm1, $0xEC, v5;
	v6 =	vsel vm1, $0xBDD8, v6;
	[tilespmem:$0x1F290] =	vst v0;
	v0 =	vld [tilespmem:$0x1EE90]  }
0x5fe: {  	v7 =	vsel vm1, $0xFC, v7;
	v8 =	vsel vm1, $0xCD, v8;
	v9 =	vsel vm1, $0x2AF8, v9  }
0x5ff: {  	v10 =	vsel vm1, $0x5CF8, v10;
	v11 =	vsel vm1, $0xDD, v11;
	v12 =	vsel vm1, $0x8EF8, v12  }
0x600: {  	v13 =	vsel vm1, $0xED, v13;
	v14 =	vsel vm1, $0xC0F8, v14;
	v15 =	vsel vm1, $0xFD, v15  }
0x601: {  	v16 =	vsel vm1, $0xCE, v16;
	v17 =	vsel vm1, $0x2E18, v17;
	v26 =	vsel vm2, $0xB6D3, v50  }
0x602: {  	v18 =	vsel vm1, $0x6018, v18;
	v19 =	vsel vm1, $0xDE, v19;
	v51 =	vld [tilespmem:$0x1EA50];
	[tilespmem:$0x1EEA0] =	vst v26;
	v0 =	vsel vm1, $0xEB, v0  }
0x603: {  	v20 =	vsel vm1, $0x9218, v20;
	v21 =	vsel vm1, $0xEE, v21;
	v22 =	vsel vm1, $0xC418, v22;
	[tilespmem:$0x1F2A0] =	vst v0;
	v0 =	vld [tilespmem:$0x1EEA0]  }
0x604: {  	v23 =	vsel vm1, $0xFE, v23;
	v27 =	vsel vm1, $0x3138, v25;
	v29 =	vsel vm1, $0xDF, v29  }
0x605: {  	v30 =	vsel vm1, $0x9538, v30;
	v31 =	vsel vm1, $0xEF, v31;
	v32 =	vsel vm1, $0xC738, v32  }
0x606: {  	v33 =	vsel vm1, $0xFF, v33;
	v34 =	vsel vm1, $0xC0, v34;
	v35 =	vsel vm1, $0x258, v35  }
0x607: {  	v36 =	vsel vm1, $0x3458, v36;
	v50 =	vsel vm1, $0x6978, v46;
	v46 =	vld [tilespmem:$0x1EA60];
	v26 =	vsel vm2, $0x3BA, v51  }
0x608: {  	v37 =	vsel vm1, $0xD0, v37;
	v51 =	vsel vm1, $0xE1, v47;
	v47 =	vld [tilespmem:$0x1EA70];
	[tilespmem:$0x1EEB0] =	vst v26;
	v0 =	vsel vm1, $0xBAB8, v0  }
0x609: {  	v38 =	vsel vm1, $0x6658, v38;
	v39 =	vsel vm1, $0xE0, v39;
	v40 =	vsel vm1, $0x9858, v40;
	[tilespmem:$0x1F2B0] =	vst v0;
	v0 =	vld [tilespmem:$0x1EEB0]  }
0x60a: {  	v41 =	vsel vm1, $0xF0, v41;
	v42 =	vsel vm1, $0xC1, v42;
	v43 =	vsel vm1, $0x578, v43  }
0x60b: {  	v52 =	vsel vm1, $0x9B78, v52;
	v53 =	vsel vm1, $0xF1, v53;
	v48 =	vsel vm1, $0x3778, v44;
	v44 =	vld [tilespmem:$0x1EA80]  }
0x60c: {  	v54 =	vsel vm1, $0xC2, v54;
	v55 =	vsel vm1, $0x898, v55;
	v49 =	vsel vm1, $0xD1, v45;
	v45 =	vld [tilespmem:$0x1EA90]  }
0x60d: {  	v56 =	vsel vm1, $0x3A98, v56;
	v26 =	vsel vm1, $0xCF, v24;
	v24 =	vsel vm1, $0x3DB8, v46;
	v46 =	vld [tilespmem:$0x1EAA0]  }
0x60e: {  	v57 =	vsel vm1, $0xD2, v57;
	v25 =	vsel vm1, $0xD3, v47;
	v47 =	vld [tilespmem:$0x1EAB0];
	v0 =	vsel vm1, $0xFB, v0  }
0x60f: {  	v58 =	vsel vm1, $0x6C98, v58;
	v59 =	vsel vm1, $0xE2, v59;
	v60 =	vsel vm1, $0x9E98, v60;
	[tilespmem:$0x1F2C0] =	vst v0;
	v0 =	vld [tilespmem:$0x1EEC0]  }
0x610: {  	v61 =	vsel vm1, $0xF2, v61;
	v62 =	vsel vm1, $0xC3, v62;
	v63 =	vsel vm1, $0xBB8, v63  }
0x611: {  	v28 =	vsel vm1, $0x6338, v28;
	v44 =	vsel vm1, $0x6FB8, v44;
	vm2 =	vcmask $0x3734  }
0x612: {  	v2 =	vsel vm2, $0x5CF9, v2;
	v18 =	vsel vm2, $0x6339, v18;
	v45 =	vsel vm1, $0xE3, v45  }
0x613: {  	v46 =	vsel vm1, $0xA1B8, v46;
	v47 =	vsel vm1, $0xF3, v47;
	vm1 =	vcmask $0x3B38  }
0x614: {  	[tilespmem:$0x1F3E0] =	vst v18;
	v2 =	vsel vm1, $0x601A, v2;
	v0 =	vsel vm2, $0x1CD, v0  }
0x615: {  	v9 =	vsel vm2, $0x2E19, v9;
	[tilespmem:$0x1F2F0] =	vst v2;
	v0 =	vsel vm1, $0x2CE, v0  }
0x616: {  	v10 =	vsel vm2, $0x6019, v10;
	[tilespmem:$0x1F2D0] =	vst v0;
	v0 =	vsel vm1, $0x313A, v9  }
0x617: {  	v15 =	vsel vm2, $0x1FE, v15;
	[tilespmem:$0x1F360] =	vst v0;
	v0 =	vsel vm1, $0x633A, v10  }
0x618: {  	v16 =	vsel vm2, $0x1CF, v16;
	[tilespmem:$0x1F370] =	vst v0;
	v0 =	vsel vm1, $0x2FF, v15  }
0x619: {  	v3 =	vsel vm2, $0x1DD, v3;
	[tilespmem:$0x1F3C0] =	vst v0;
	v0 =	vsel vm1, $0x2C0, v16  }
0x61a: {  	v4 =	vsel vm2, $0x8EF9, v4;
	v2 =	vsel vm1, $0x2DE, v3;
	[tilespmem:$0x1F3D0] =	vst v0;
	v0 =	vimm.s32 $0xCDCCCBCA  }
0x61b: {  	[tilespmem:$0x1F300] =	vst v2;
	v2 =	vsel vm1, $0x921A, v4;
	v4 =	vunpack.c.0.s8.s32 v0;
	v0 =	vld [tilespmem:$0x1F3E0];
	_ =	sdelay $0x3  }
0x61c: {  	v18 =	vsel vm2, $0x1DF, v19  }
0x61d: {  	[tilespmem:$0x1F400] =	vst v18;
	v0 =	vsel vm1, $0x345A, v0  }
0x61e: {  	[tilespmem:$0x1F3F0] =	vst v0;
	v0 =	vld [tilespmem:$0x1F400];
	_ =	sdelay $0x2  }
0x61f: {  	v28 =	vsel vm2, $0x3459, v28  }
0x620: {  	[tilespmem:$0x1F440] =	vst v28  }
0x621: {  	v19 =	vsel vm2, $0x1EF, v21;
	v18 =	vsel vm2, $0x9539, v20;
	[tilespmem:$0x1F310] =	vst v2;
	v0 =	vsel vm1, $0x2D0, v0  }
0x622: {  	v20 =	vsel vm2, $0xC739, v22;
	v22 =	vsel vm2, $0x1C0, v26;
	[tilespmem:$0x1F410] =	vst v0;
	v0 =	vsel vm1, $0x2E0, v19  }
0x623: {  	v5 =	vsel vm2, $0x1ED, v5;
	[tilespmem:$0x1F420] =	vst v0;
	v0 =	vsel vm1, $0x2C1, v22  }
0x624: {  	v6 =	vsel vm2, $0xC0F9, v6;
	v2 =	vsel vm1, $0x2EE, v5;
	[tilespmem:$0x1F430] =	vst v0;
	v0 =	vimm.s32 $0xCECDCCCB  }
0x625: {  	[tilespmem:$0x1F320] =	vst v2;
	v2 =	vsel vm1, $0xC41A, v6;
	v6 =	vunpack.c.0.s8.s32 v0;
	v0 =	vld [tilespmem:$0x1F440];
	_ =	sdelay $0x3  }
0x626: {  	v29 =	vsel vm2, $0x1D0, v29  }
0x627: {  	[tilespmem:$0x1F460] =	vst v29;
	v0 =	vsel vm1, $0x377A, v0  }
0x628: {  	[tilespmem:$0x1F450] =	vst v0;
	v0 =	vld [tilespmem:$0x1F460];
	_ =	sdelay $0x3  }
0x629: {  	v30 =	vsel vm2, $0x6659, v30  }
0x62a: {  	[tilespmem:$0x1F480] =	vst v30;
	v0 =	vsel vm1, $0x2D1, v0  }
0x62b: {  	[tilespmem:$0x1F470] =	vst v0;
	v0 =	vld [tilespmem:$0x1F480];
	_ =	sdelay $0x3  }
0x62c: {  	v31 =	vsel vm2, $0x1E0, v31  }
0x62d: {  	[tilespmem:$0x1F4A0] =	vst v31;
	v0 =	vsel vm1, $0x697A, v0  }
0x62e: {  	[tilespmem:$0x1F490] =	vst v0;
	v0 =	vld [tilespmem:$0x1F4A0];
	_ =	sdelay $0x3  }
0x62f: {  	v32 =	vsel vm2, $0x9859, v32  }
0x630: {  	[tilespmem:$0x1F4C0] =	vst v32;
	v0 =	vsel vm1, $0x2E1, v0  }
0x631: {  	[tilespmem:$0x1F4B0] =	vst v0;
	v0 =	vld [tilespmem:$0x1F4C0];
	_ =	sdelay $0x3  }
0x632: {  	v37 =	vsel vm2, $0x1D1, v37  }
0x633: {  	v29 =	vsel vm2, $0x579, v35;
	[tilespmem:$0x1F4F0] =	vst v37;
	v0 =	vsel vm1, $0x9B7A, v0  }
0x634: {  	[tilespmem:$0x1F4D0] =	vst v0;
	v0 =	vsel vm1, $0x89A, v29  }
0x635: {  	[tilespmem:$0x1F4E0] =	vst v0;
	v0 =	vld [tilespmem:$0x1F4F0];
	_ =	sdelay $0x3  }
0x636: {  	v38 =	vsel vm2, $0x6979, v38  }
0x637: {  	[tilespmem:$0x1F510] =	vst v38;
	v0 =	vsel vm1, $0x2D2, v0  }
0x638: {  	[tilespmem:$0x1F500] =	vst v0;
	v0 =	vld [tilespmem:$0x1F510];
	_ =	sdelay $0x3  }
0x639: {  	v43 =	vsel vm2, $0x899, v43  }
0x63a: {  	v28 =	vsel vm2, $0x1C1, v34;
	v34 =	vsel vm2, $0x9B79, v40;
	[tilespmem:$0x1F540] =	vst v43;
	v0 =	vsel vm1, $0x6C9A, v0  }
0x63b: {  	[tilespmem:$0x1F520] =	vst v0;
	v0 =	vsel vm1, $0x9E9A, v34  }
0x63c: {  	[tilespmem:$0x1F530] =	vst v0;
	v0 =	vld [tilespmem:$0x1F540];
	_ =	sdelay $0x3  }
0x63d: {  	v26 =	vsel vm2, $0x3A99, v48;
	v48 =	vsel vm2, $0xA1B9, v60  }
0x63e: {  	v37 =	vsel vm2, $0x1D2, v49;
	[tilespmem:$0x1F5E0] =	vst v48;
	v0 =	vsel vm1, $0xBBA, v0  }
0x63f: {  	v43 =	vsel vm2, $0x9E99, v52;
	[tilespmem:$0x1F550] =	vst v0;
	v0 =	vsel vm1, $0x2D3, v37  }
0x640: {  	v52 =	vsel vm2, $0x1F2, v53;
	[tilespmem:$0x1F560] =	vst v0;
	v0 =	vsel vm1, $0xA1BA, v43  }
0x641: {  	v35 =	vsel vm2, $0x1C3, v54;
	v54 =	vsel vm2, $0xBB9, v55;
	[tilespmem:$0x1F570] =	vst v0;
	v0 =	vsel vm1, $0x2F3, v52  }
0x642: {  	v31 =	vsel vm2, $0x3DB9, v56;
	[tilespmem:$0x1F580] =	vst v0;
	v0 =	vsel vm1, $0xEDA, v54  }
0x643: {  	v57 =	vsel vm2, $0x1D3, v57;
	[tilespmem:$0x1F590] =	vst v0;
	v0 =	vsel vm1, $0x40DA, v31  }
0x644: {  	v49 =	vsel vm2, $0x1E2, v51;
	v51 =	vsel vm2, $0x6FB9, v58;
	[tilespmem:$0x1F5A0] =	vst v0;
	v0 =	vsel vm1, $0x2D4, v57  }
0x645: {  	v59 =	vsel vm2, $0x1E3, v59;
	[tilespmem:$0x1F5B0] =	vst v0;
	v0 =	vsel vm1, $0x72DA, v51  }
0x646: {  	[tilespmem:$0x1F5C0] =	vst v0;
	v0 =	vsel vm1, $0x2E4, v59  }
0x647: {  	[tilespmem:$0x1F5D0] =	vst v0;
	v0 =	vld [tilespmem:$0x1F5E0];
	_ =	sdelay $0x2  }
0x648: {  	v40 =	vsel vm2, $0x1F1, v41;
	v41 =	vsel vm2, $0x6C99, v50;
	v50 =	vsel vm2, $0xED9, v63  }
0x649: {  	[tilespmem:$0x1F600] =	vst v50  }
0x64a: {  	v43 =	vsel vm1, $0xA4DA, v0;
	v0 =	vld [tilespmem:$0x1F600];
	_ =	sdelay $0x2  }
0x64b: {  	v60 =	vsel vm2, $0x1C4, v62;
	v62 =	vld [tilespmem:$0x1EED0];
	v24 =	vsel vm2, $0x40D9, v24  }
0x64c: {  	v30 =	vsel vm2, $0x3779, v36;
	v36 =	vld [tilespmem:$0x1EEE0];
	[tilespmem:$0x1F620] =	vst v24;
	v3 =	vsel vm1, $0x2C5, v60  }
0x64d: {  	[tilespmem:$0x1F5F0] =	vst v3;
	v3 =	vsel vm1, $0x11FA, v0;
	v0 =	vld [tilespmem:$0x1F620]  }
0x64e: {  	v21 =	vsel vm2, $0x1FF, v23;
	v23 =	vsel vm2, $0x259, v27;
	v38 =	vld [tilespmem:$0x1EEF0]  }
0x64f: {  	v27 =	vsel vm2, $0x1F0, v33;
	v33 =	vsel vm2, $0x1E1, v39;
	v53 =	vsel vm2, $0x72D9, v44;
	v39 =	vld [tilespmem:$0x1EF00]  }
0x650: {  	v32 =	vsel vm2, $0x1C2, v42;
	[tilespmem:$0x1F650] =	vst v53;
	v55 =	vsel vm2, $0x1E4, v45;
	v42 =	vld [tilespmem:$0x1EF10]  }
0x651: {  	[tilespmem:$0x1F670] =	vst v55;
	v44 =	vld [tilespmem:$0x1EF20]  }
0x652: {  	v24 =	vsel vm2, $0x1C5, v62;
	[tilespmem:$0x1F610] =	vst v3;
	v3 =	vsel vm1, $0x43FA, v0;
	v0 =	vld [tilespmem:$0x1F650]  }
0x653: {  	[tilespmem:$0x1F6D0] =	vst v24;
	v56 =	vsel vm2, $0xA4D9, v46;
	v45 =	vld [tilespmem:$0x1EF30]  }
0x654: {  	v24 =	vsel vm2, $0x11F9, v36;
	[tilespmem:$0x1F690] =	vst v56;
	v46 =	vld [tilespmem:$0x1EF40]  }
0x655: {  	v63 =	vsel vm2, $0x1D4, v25;
	v58 =	vsel vm2, $0x1F4, v47;
	[tilespmem:$0x1F6E0] =	vst v24;
	v47 =	vld [tilespmem:$0x1EF50]  }
0x656: {  	v48 =	vld [tilespmem:$0x1EF60];
	[tilespmem:$0x1F630] =	vst v3;
	v3 =	vsel vm1, $0x2D5, v63  }
0x657: {  	[tilespmem:$0x1F640] =	vst v3;
	v3 =	vsel vm1, $0x75FA, v0;
	v0 =	vld [tilespmem:$0x1F670]  }
0x658: {  	[tilespmem:$0x1F6B0] =	vst v58;
	v24 =	vsel vm2, $0x43F9, v38;
	v50 =	vld [tilespmem:$0x1EF70]  }
0x659: {  	[tilespmem:$0x1F700] =	vst v24;
	v24 =	vsel vm2, $0x1D5, v39;
	v53 =	vld [tilespmem:$0x1EF80]  }
0x65a: {  	[tilespmem:$0x1F720] =	vst v24;
	v24 =	vsel vm2, $0x75F9, v42;
	v55 =	vld [tilespmem:$0x1EF90]  }
0x65b: {  	[tilespmem:$0x1F740] =	vst v24;
	v56 =	vld [tilespmem:$0x1EFA0]  }
0x65c: {  	v24 =	vsel vm2, $0x1E5, v44;
	[tilespmem:$0x1F660] =	vst v3;
	v3 =	vsel vm1, $0x2E5, v0;
	v0 =	vld [tilespmem:$0x1F690]  }
0x65d: {  	[tilespmem:$0x1F760] =	vst v24;
	v24 =	vsel vm2, $0xA7F9, v45;
	v58 =	vld [tilespmem:$0x1EFB0]  }
0x65e: {  	[tilespmem:$0x1F780] =	vst v24;
	v24 =	vsel vm2, $0x1F5, v46;
	v62 =	vld [tilespmem:$0x1EFC0]  }
0x65f: {  	[tilespmem:$0x1F7A0] =	vst v24;
	v24 =	vsel vm2, $0x1C6, v47;
	v36 =	vld [tilespmem:$0x1EFD0]  }
0x660: {  	[tilespmem:$0x1F7C0] =	vst v24;
	v38 =	vld [tilespmem:$0x1EFE0]  }
0x661: {  	v24 =	vsel vm2, $0x1519, v48;
	[tilespmem:$0x1F680] =	vst v3;
	v3 =	vsel vm1, $0xA7FA, v0;
	v0 =	vld [tilespmem:$0x1F6B0]  }
0x662: {  	[tilespmem:$0x1F7D0] =	vst v24;
	v24 =	vsel vm2, $0x4719, v50;
	v39 =	vld [tilespmem:$0x1EFF0]  }
0x663: {  	[tilespmem:$0x1F7E0] =	vst v24;
	v24 =	vsel vm2, $0x1D6, v53;
	v42 =	vld [tilespmem:$0x1F000]  }
0x664: {  	[tilespmem:$0x1F7F0] =	vst v24;
	v24 =	vsel vm2, $0x7919, v55;
	v44 =	vld [tilespmem:$0x1F010]  }
0x665: {  	[tilespmem:$0x1F800] =	vst v24;
	v45 =	vld [tilespmem:$0x1F020]  }
0x666: {  	v24 =	vsel vm2, $0x1E6, v56;
	[tilespmem:$0x1F6A0] =	vst v3;
	v3 =	vsel vm1, $0x2F5, v0;
	v0 =	vld [tilespmem:$0x1F6D0]  }
0x667: {  	[tilespmem:$0x1F810] =	vst v24;
	v24 =	vsel vm2, $0xAB19, v58;
	v46 =	vld [tilespmem:$0x1F030]  }
0x668: {  	[tilespmem:$0x1F830] =	vst v24;
	v24 =	vsel vm2, $0x1F6, v62;
	v47 =	vld [tilespmem:$0x1F040]  }
0x669: {  	[tilespmem:$0x1F840] =	vst v24;
	v24 =	vsel vm2, $0x1C7, v36;
	v48 =	vld [tilespmem:$0x1F050]  }
0x66a: {  	[tilespmem:$0x1F850] =	vst v24;
	v24 =	vsel vm2, $0x1839, v38;
	v50 =	vld [tilespmem:$0x1F060]  }
0x66b: {  	[tilespmem:$0x1F860] =	vst v24;
	v24 =	vsel vm2, $0x4A39, v39;
	v31 =	vsel vm1, $0x2C6, v0;
	v0 =	vld [tilespmem:$0x1F6E0]  }
0x66c: {  	[tilespmem:$0x1F870] =	vst v24;
	v24 =	vsel vm2, $0x1D7, v42;
	v53 =	vld [tilespmem:$0x1F070]  }
0x66d: {  	[tilespmem:$0x1F880] =	vst v24;
	v24 =	vsel vm2, $0x7C39, v44;
	v55 =	vld [tilespmem:$0x1F080]  }
0x66e: {  	[tilespmem:$0x1F890] =	vst v24;
	v24 =	vsel vm2, $0x1E7, v45;
	v56 =	vld [tilespmem:$0x1F090]  }
0x66f: {  	[tilespmem:$0x1F8B0] =	vst v24;
	v58 =	vld [tilespmem:$0x1F0A0]  }
0x670: {  	v24 =	vsel vm2, $0xAE39, v46;
	[tilespmem:$0x1F6C0] =	vst v3;
	v3 =	vsel vm1, $0x151A, v0;
	v0 =	vld [tilespmem:$0x1F700]  }
0x671: {  	[tilespmem:$0x1F8D0] =	vst v24;
	v24 =	vsel vm2, $0x1F7, v47;
	v62 =	vld [tilespmem:$0x1F0B0]  }
0x672: {  	[tilespmem:$0x1F8F0] =	vst v24;
	v24 =	vsel vm2, $0x1C8, v48;
	v36 =	vld [tilespmem:$0x1F0C0]  }
0x673: {  	[tilespmem:$0x1F910] =	vst v24;
	v24 =	vsel vm2, $0x1B59, v50;
	v38 =	vld [tilespmem:$0x1F0D0]  }
0x674: {  	[tilespmem:$0x1F920] =	vst v24;
	v39 =	vld [tilespmem:$0x1F0E0]  }
0x675: {  	v24 =	vsel vm2, $0x1D8, v55;
	[tilespmem:$0x1F6F0] =	vst v3;
	v3 =	vsel vm1, $0x471A, v0;
	v0 =	vld [tilespmem:$0x1F720]  }
0x676: {  	[tilespmem:$0x1F930] =	vst v24;
	v24 =	vsel vm2, $0x7F59, v56;
	v42 =	vld [tilespmem:$0x1F0F0]  }
0x677: {  	[tilespmem:$0x1F940] =	vst v24;
	v24 =	vsel vm2, $0x1F8, v36;
	v45 =	vld [tilespmem:$0x1F100]  }
0x678: {  	[tilespmem:$0x1F950] =	vst v24;
	v24 =	vsel vm2, $0x1C9, v38;
	v48 =	vld [tilespmem:$0x1F110]  }
0x679: {  	[tilespmem:$0x1F960] =	vst v24;
	v50 =	vld [tilespmem:$0x1F120]  }
0x67a: {  	v24 =	vsel vm2, $0x1E79, v39;
	[tilespmem:$0x1F710] =	vst v3;
	v3 =	vsel vm1, $0x2D6, v0;
	v0 =	vld [tilespmem:$0x1F740]  }
0x67b: {  	v44 =	vsel vm2, $0x4D59, v53;
	[tilespmem:$0x1F980] =	vst v24;
	v24 =	vsel vm2, $0x5079, v42;
	v53 =	vld [tilespmem:$0x1F130]  }
0x67c: {  	[tilespmem:$0x1F9A0] =	vst v24;
	v24 =	vsel vm2, $0x1D9, v45;
	v55 =	vld [tilespmem:$0x1F140]  }
0x67d: {  	[tilespmem:$0x1F9C0] =	vst v24;
	v24 =	vsel vm2, $0x8279, v48;
	v56 =	vld [tilespmem:$0x1F150]  }
0x67e: {  	v46 =	vsel vm2, $0x1E8, v58;
	[tilespmem:$0x1F9E0] =	vst v24;
	v58 =	vld [tilespmem:$0x1F160]  }
0x67f: {  	v24 =	vsel vm2, $0x1E9, v50;
	[tilespmem:$0x1F730] =	vst v3;
	v3 =	vsel vm1, $0x791A, v0;
	v0 =	vld [tilespmem:$0x1F760]  }
0x680: {  	v47 =	vsel vm2, $0xB159, v62;
	[tilespmem:$0x1FA00] =	vst v24;
	v24 =	vsel vm2, $0xB479, v53;
	v62 =	vld [tilespmem:$0x1F170]  }
0x681: {  	[tilespmem:$0x1FA20] =	vst v24;
	v24 =	vsel vm2, $0x1F9, v55;
	v36 =	vld [tilespmem:$0x1F180]  }
0x682: {  	[tilespmem:$0x1FA40] =	vst v24;
	v24 =	vsel vm2, $0x1CA, v56;
	v38 =	vld [tilespmem:$0x1F190]  }
0x683: {  	[tilespmem:$0x1FA60] =	vst v24;
	v39 =	vld [tilespmem:$0x1F1A0]  }
0x684: {  	v24 =	vsel vm2, $0x2199, v58;
	[tilespmem:$0x1F750] =	vst v3;
	v3 =	vsel vm1, $0x2E6, v0;
	v0 =	vld [tilespmem:$0x1F780]  }
0x685: {  	[tilespmem:$0x1FA80] =	vst v24;
	v24 =	vsel vm2, $0x5399, v62;
	v42 =	vld [tilespmem:$0x1F1B0]  }
0x686: {  	[tilespmem:$0x1FAA0] =	vst v24;
	v24 =	vsel vm2, $0x1DA, v36;
	v45 =	vld [tilespmem:$0x1F1C0]  }
0x687: {  	[tilespmem:$0x1FAC0] =	vst v24;
	v24 =	vsel vm2, $0x8599, v38;
	v48 =	vld [tilespmem:$0x1F1D0]  }
0x688: {  	[tilespmem:$0x1FAE0] =	vst v24;
	v24 =	vsel vm2, $0x1EA, v39;
	v50 =	vld [tilespmem:$0x1F1E0]  }
0x689: {  	[tilespmem:$0x1FB00] =	vst v24;
	v0 =	vsel vm1, $0xAB1A, v0  }
0x68a: {  	v24 =	vsel vm2, $0xB799, v42;
	[tilespmem:$0x1F790] =	vst v0;
	v0 =	vld [tilespmem:$0x1F7A0]  }
0x68b: {  	[tilespmem:$0x1FB20] =	vst v24;
	v24 =	vsel vm2, $0x1FA, v45  }
0x68c: {  	[tilespmem:$0x1FB40] =	vst v24;
	v24 =	vsel vm2, $0x1CB, v48  }
0x68d: {  	[tilespmem:$0x1FB60] =	vst v24;
	v24 =	vsel vm2, $0x24B9, v50  }
0x68e: {  	[tilespmem:$0x1FB80] =	vst v24  }
0x68f: {  	v7 =	vsel vm2, $0x1FD, v7;
	v55 =	vld [tilespmem:$0x1F200];
	[tilespmem:$0x1F330] =	vst v2;
	v0 =	vsel vm1, $0x2F6, v0  }
0x690: {  	v8 =	vsel vm2, $0x1CE, v8;
	v2 =	vsel vm1, $0x2FE, v7;
	[tilespmem:$0x1F7B0] =	vst v0;
	v0 =	vld [tilespmem:$0x1F7C0]  }
0x691: {  	v11 =	vsel vm2, $0x1DE, v11;
	v56 =	vld [tilespmem:$0x1F210];
	[tilespmem:$0x1F340] =	vst v2;
	v2 =	vsel vm1, $0x2CF, v8  }
0x692: {  	v12 =	vsel vm2, $0x9219, v12;
	v36 =	vld [tilespmem:$0x1F230];
	[tilespmem:$0x1F350] =	vst v2;
	v2 =	vsel vm1, $0x2DF, v11  }
0x693: {  	v13 =	vsel vm2, $0x1EE, v13;
	v38 =	vld [tilespmem:$0x1F240];
	[tilespmem:$0x1F380] =	vst v2;
	v2 =	vsel vm1, $0x953A, v12  }
0x694: {  	v14 =	vsel vm2, $0xC419, v14;
	v39 =	vld [tilespmem:$0x1F250];
	[tilespmem:$0x1F390] =	vst v2;
	v2 =	vsel vm1, $0x2EF, v13  }
0x695: {  	v24 =	vsel vm2, $0x1DB, v55;
	[tilespmem:$0x1F3A0] =	vst v2;
	v2 =	vsel vm1, $0xC73A, v14;
	v14 =	vsel vm1, $0x2C7, v0;
	v0 =	vld [tilespmem:$0x1F7D0]  }
0x696: {  	[tilespmem:$0x1FB90] =	vst v24;
	v24 =	vsel vm2, $0x88B9, v56  }
0x697: {  	v53 =	vld [tilespmem:$0x1F1F0];
	[tilespmem:$0x1FBA0] =	vst v24;
	v24 =	vsel vm2, $0xBAB9, v36  }
0x698: {  	[tilespmem:$0x1FBB0] =	vst v24;
	v24 =	vsel vm2, $0x1FB, v38;
	v42 =	vld [tilespmem:$0x1F260]  }
0x699: {  	[tilespmem:$0x1FBC0] =	vst v24;
	v24 =	vsel vm2, $0x1CC, v39;
	v45 =	vld [tilespmem:$0x1F270]  }
0x69a: {  	v39 =	vsel vm1, $0x2F0, v21;
	v21 =	vsel vm1, $0x6FBA, v41;
	v41 =	vsel vm1, $0x183A, v0;
	v0 =	vld [tilespmem:$0x1F7E0]  }
0x69b: {  	v50 =	vld [tilespmem:$0x1F290]  }
0x69c: {  	v58 =	vsel vm2, $0x56B9, v53;
	v53 =	vld [tilespmem:$0x1F2A0]  }
0x69d: {  	v55 =	vld [tilespmem:$0x1F2B0]  }
0x69e: {  	[tilespmem:$0x1FBD0] =	vst v24;
	v24 =	vsel vm2, $0x27D9, v42;
	v56 =	vld [tilespmem:$0x1F2C0]  }
0x69f: {  	[tilespmem:$0x1FBE0] =	vst v24;
	v24 =	vsel vm2, $0x59D9, v45;
	v15 =	vsel vm1, $0x4A3A, v0;
	v0 =	vld [tilespmem:$0x1F7F0]  }
0x6a0: {  	[tilespmem:$0x1FBF0] =	vst v24;
	v24 =	vsel vm2, $0x8BD9, v50  }
0x6a1: {  	[tilespmem:$0x1FC00] =	vst v24;
	v24 =	vsel vm2, $0x1EC, v53  }
0x6a2: {  	[tilespmem:$0x1FC10] =	vst v24;
	v24 =	vsel vm2, $0xBDD9, v55  }
0x6a3: {  	v17 =	vsel vm2, $0x3139, v17;
	[tilespmem:$0x1FC20] =	vst v24;
	v24 =	vsel vm2, $0x1FC, v56  }
0x6a4: {  	[tilespmem:$0x1FC40] =	vst v24;
	v24 =	vsel vm1, $0x25A, v17;
	v17 =	vsel vm1, $0x2D7, v0;
	v0 =	vld [tilespmem:$0x1F800];
	_ =	sdelay $0x4  }
0x6a5: {  	v16 =	vsel vm1, $0x7C3A, v0;
	v0 =	vld [tilespmem:$0x1F810];
	_ =	sdelay $0x4  }
0x6a6: {  	[tilespmem:$0x1F770] =	vst v3;
	v3 =	vsel vm1, $0x2E7, v0;
	v0 =	vld [tilespmem:$0x1F830];
	_ =	sdelay $0x4  }
0x6a7: {  	v36 =	vsel vm1, $0x665A, v18;
	v18 =	vsel vm1, $0xAE3A, v0;
	v0 =	vld [tilespmem:$0x1F840];
	_ =	sdelay $0x4  }
0x6a8: {  	v38 =	vsel vm1, $0x985A, v20;
	v20 =	vsel vm1, $0x2F7, v0;
	v0 =	vld [tilespmem:$0x1F850];
	_ =	sdelay $0x2  }
0x6a9: {  	v62 =	vld [tilespmem:$0x1F220]  }
0x6aa: {  	v48 =	vld [tilespmem:$0x1F280]  }
0x6ab: {  	v55 =	vsel vm1, $0x2F2, v40;
	v40 =	vsel vm1, $0x3DBA, v26;
	v26 =	vsel vm1, $0x2C8, v0;
	v0 =	vld [tilespmem:$0x1F860];
	_ =	sdelay $0x3  }
0x6ac: {  	v25 =	vsel vm2, $0x1EB, v62  }
0x6ad: {  	v62 =	vsel vm2, $0x1DC, v48;
	v48 =	vsel vm1, $0x2C2, v28;
	v28 =	vsel vm1, $0x1B5A, v0;
	v0 =	vld [tilespmem:$0x1F870];
	_ =	sdelay $0x4  }
0x6ae: {  	v45 =	vsel vm1, $0x2F1, v27;
	v27 =	vsel vm1, $0x4D5A, v0;
	v0 =	vld [tilespmem:$0x1F880];
	_ =	sdelay $0x4  }
0x6af: {  	v29 =	vsel vm1, $0x2D8, v0;
	v0 =	vld [tilespmem:$0x1F890];
	_ =	sdelay $0x4  }
0x6b0: {  	[tilespmem:$0x1F820] =	vst v3;
	v3 =	vsel vm1, $0x7F5A, v0;
	v0 =	vld [tilespmem:$0x1F8B0];
	_ =	sdelay $0x4  }
0x6b1: {  	[tilespmem:$0x1F8A0] =	vst v3;
	v3 =	vsel vm1, $0x2E8, v0;
	v0 =	vld [tilespmem:$0x1F8D0];
	_ =	sdelay $0x4  }
0x6b2: {  	[tilespmem:$0x1F3B0] =	vst v2;
	v2 =	vsel vm1, $0xB15A, v0;
	v0 =	vld [tilespmem:$0x1F8F0];
	_ =	sdelay $0x4  }
0x6b3: {  	[tilespmem:$0x1F8E0] =	vst v2;
	v2 =	vsel vm1, $0x2F8, v0;
	v0 =	vld [tilespmem:$0x1F910];
	_ =	sdelay $0x4  }
0x6b4: {  	v53 =	vsel vm1, $0x2E2, v33;
	v33 =	vsel vm1, $0x2C9, v0;
	v0 =	vld [tilespmem:$0x1F920];
	_ =	sdelay $0x2  }
0x6b5: {  	s0 =	srdreg.scid;
	s2 =	stileid.u32  }
0x6b6: {  	s7 =	sand.u32 $0x1, s0;
	s26 =	sshll.u32 s2, $0x1;
	s28 =	sshrl.u32 s2, $0x2  }
0x6b7: {  	s0 =	sor.u32 s7, s26;
	s2 =	smul.u32 $0xFFFD8F00, s28;
	v34 =	vsel vm1, $0x1E7A, v0;
	v0 =	vld [tilespmem:$0x1F930]  }
0x6b8: {  	s1 =	smul.u32 $0x4E20, s0;
	_ =	sdelay $0x1  }
0x6b9: {  	s3 =	sadd.s32 s2, s1  }
0x6ba: {  	s1 =	smulhi.u32 $0x51EB851F, s3;
	s2 =	sshra.s32 s3, $0x1F  }
0x6bb: {  	s2 =	smul.u32 $0x51EB851F, s2;
	v37 =	vsel vm1, $0x2D9, v0;
	v0 =	vld [tilespmem:$0x1F940];
	_ =	sdelay $0x1  }
0x6bc: {  	s2 =	sadd.s32 s2, s1  }
0x6bd: {  	s4 =	sshrl.u32 s2, $0x1F;
	s5 =	sshra.s32 s2, $0x8;
	v1 =	vsel vm2, $0x2AF9, v1  }
0x6be: {  	s9 =	sadd.s32 s4, s5;
	s5 =	simm.s32 $0x0;
	v1 =	vsel vm1, $0x2E1A, v1  }
0x6bf: {  	[smem:$0x7FF] =	sst s5;
	v19 =	vsel vm1, $0x2C4, v35;
	v35 =	vsel vm1, $0x507A, v44;
	v44 =	vsel vm1, $0x827A, v0;
	v0 =	vld [tilespmem:$0x1F950]  }
0x6c0: {  	s8 =	rddreg [dreg:$0x0];
	[tilespmem:$0x1F2E0] =	vst v1  }
0x6c1: {  	s1 =	rddreg [dreg:$0x1];
	[tilespmem:$0x1F8C0] =	vst v3  }
0x6c2: {  	s2 =	rddreg [dreg:$0x2];
	v1 =	vimm.s32 $0xC9C8CFCE;
	[tilespmem:$0x1F900] =	vst v2  }
0x6c3: {  	s4 =	rddreg [dreg:$0x3];
	v5 =	vunpack.c.0.s8.s32 v1;
	v1 =	vimm.s32 $0xCAC9C8CF;
	_ =	strace $0x8000004A  }
0x6c4: {  	v7 =	vunpack.c.0.s8.s32 v1;
	v1 =	vsel vm1, $0xB47A, v47;
	v47 =	vsel vm1, $0x2F9, v0;
	v0 =	vld [tilespmem:$0x1F960];
	_ =	sdelay $0x4  }
0x6c5: {  	v0 =	vsel vm1, $0x2CA, v0  }
0x6c6: {  	[tilespmem:$0x1F970] =	vst v0;
	v0 =	vld [tilespmem:$0x1F980];
	_ =	sdelay $0x4  }
0x6c7: {  	v0 =	vsel vm1, $0x219A, v0  }
0x6c8: {  	[tilespmem:$0x1F990] =	vst v0;
	v0 =	vld [tilespmem:$0x1F9A0];
	_ =	sdelay $0x4  }
0x6c9: {  	v0 =	vsel vm1, $0x539A, v0  }
0x6ca: {  	[tilespmem:$0x1F9B0] =	vst v0;
	v0 =	vld [tilespmem:$0x1F9C0];
	_ =	sdelay $0x4  }
0x6cb: {  	v0 =	vsel vm1, $0x2DA, v0  }
0x6cc: {  	[tilespmem:$0x1F9D0] =	vst v0;
	v0 =	vld [tilespmem:$0x1F9E0];
	_ =	sdelay $0x4  }
0x6cd: {  	v0 =	vsel vm1, $0x859A, v0  }
0x6ce: {  	[tilespmem:$0x1F9F0] =	vst v0;
	v0 =	vld [tilespmem:$0x1FA00];
	_ =	sdelay $0x4  }
0x6cf: {  	v0 =	vsel vm1, $0x2EA, v0  }
0x6d0: {  	[tilespmem:$0x1FA10] =	vst v0;
	v0 =	vld [tilespmem:$0x1FA20];
	_ =	sdelay $0x4  }
0x6d1: {  	v0 =	vsel vm1, $0xB79A, v0  }
0x6d2: {  	[tilespmem:$0x1FA30] =	vst v0;
	v0 =	vld [tilespmem:$0x1FA40];
	_ =	sdelay $0x4  }
0x6d3: {  	v0 =	vsel vm1, $0x2FA, v0  }
0x6d4: {  	[tilespmem:$0x1FA50] =	vst v0;
	v0 =	vld [tilespmem:$0x1FA60];
	_ =	sdelay $0x4  }
0x6d5: {  	v0 =	vsel vm1, $0x2CB, v0  }
0x6d6: {  	[tilespmem:$0x1FA70] =	vst v0;
	v0 =	vld [tilespmem:$0x1FA80];
	_ =	sdelay $0x4  }
0x6d7: {  	v3 =	vsel vm1, $0x24BA, v0;
	v0 =	vld [tilespmem:$0x1FAA0];
	_ =	sdelay $0x4  }
0x6d8: {  	[tilespmem:$0x1FA90] =	vst v3;
	v3 =	vsel vm1, $0x56BA, v0;
	v0 =	vld [tilespmem:$0x1FAC0];
	_ =	sdelay $0x4  }
0x6d9: {  	[tilespmem:$0x1FAB0] =	vst v3;
	v3 =	vsel vm1, $0x2DB, v0;
	v0 =	vld [tilespmem:$0x1FAE0];
	_ =	sdelay $0x4  }
0x6da: {  	[tilespmem:$0x1FAD0] =	vst v3;
	v3 =	vsel vm1, $0x88BA, v0;
	v0 =	vld [tilespmem:$0x1FB00];
	_ =	sdelay $0x4  }
0x6db: {  	[tilespmem:$0x1FAF0] =	vst v3;
	v3 =	vsel vm1, $0x2EB, v0;
	v0 =	vld [tilespmem:$0x1FB20];
	_ =	sdelay $0x4  }
0x6dc: {  	[tilespmem:$0x1FB10] =	vst v3;
	v3 =	vsel vm1, $0xBABA, v0;
	v0 =	vld [tilespmem:$0x1FB40];
	_ =	sdelay $0x1  }
0x6dd: {  	[tilespmem:$0x1FC80] =	vst v4  }
0x6de: {  	[tilespmem:$0x1FC90] =	vst v5  }
0x6df: {  	[tilespmem:$0x1FCA0] =	vst v6  }
0x6e0: {  	v61 =	vsel vm2, $0x1F3, v61;
	[tilespmem:$0x1FB30] =	vst v3;
	v3 =	vsel vm1, $0x2FB, v0;
	v0 =	vld [tilespmem:$0x1FB60]  }
0x6e1: {  	v51 =	vsel vm1, $0x2F4, v61;
	[tilespmem:$0x1FCB0] =	vst v7  }
0x6e2: {  	[tilespmem:$0x1FCE0] =	vst v51  }
0x6e3: {  	[tilespmem:$0x1FCF0] =	vst v31  }
0x6e4: {  	[tilespmem:$0x1FD00] =	vst v14  }
0x6e5: {  	[tilespmem:$0x1FB50] =	vst v3;
	v3 =	vsel vm1, $0x2CC, v0;
	v0 =	vld [tilespmem:$0x1FB80]  }
0x6e6: {  	[tilespmem:$0x1FD10] =	vst v41  }
0x6e7: {  	[tilespmem:$0x1FD20] =	vst v15  }
0x6e8: {  	[tilespmem:$0x1FD30] =	vst v17  }
0x6e9: {  	[tilespmem:$0x1FD40] =	vst v16  }
0x6ea: {  	[tilespmem:$0x1FD50] =	vst v18;
	v9 =	vsel vm1, $0x27DA, v0;
	v0 =	vld [tilespmem:$0x1FB90]  }
0x6eb: {  	[tilespmem:$0x1FD60] =	vst v20  }
0x6ec: {  	[tilespmem:$0x1FD70] =	vst v26  }
0x6ed: {  	[tilespmem:$0x1FD80] =	vst v43  }
0x6ee: {  	[tilespmem:$0x1FD90] =	vst v28  }
0x6ef: {  	[tilespmem:$0x1FDA0] =	vst v27;
	v10 =	vsel vm1, $0x2DC, v0;
	v0 =	vld [tilespmem:$0x1FBA0]  }
0x6f0: {  	[tilespmem:$0x1FDB0] =	vst v29  }
0x6f1: {  	[tilespmem:$0x1FDC0] =	vst v33  }
0x6f2: {  	[tilespmem:$0x1FDD0] =	vst v34  }
0x6f3: {  	[tilespmem:$0x1FDE0] =	vst v35  }
0x6f4: {  	v46 =	vsel vm1, $0x2E9, v46;
	[tilespmem:$0x1FDF0] =	vst v37;
	v59 =	vsel vm1, $0x8BDA, v0;
	v0 =	vld [tilespmem:$0x1FBB0]  }
0x6f5: {  	[tilespmem:$0x1FE10] =	vst v46  }
0x6f6: {  	v12 =	vsel vm1, $0x59DA, v58;
	[tilespmem:$0x1FE20] =	vst v1  }
0x6f7: {  	v11 =	vsel vm1, $0x2EC, v25;
	[tilespmem:$0x1FE50] =	vst v12  }
0x6f8: {  	v52 =	vsel vm1, $0x2DD, v62;
	[tilespmem:$0x1FE80] =	vst v11  }
0x6f9: {  	[tilespmem:$0x1FEE0] =	vst v52;
	v61 =	vsel vm1, $0xBDDA, v0;
	v0 =	vld [tilespmem:$0x1FBC0]  }
0x6fa: {  	v42 =	vsel vm1, $0x57A, v23;
	[tilespmem:$0x1FF10] =	vst v19  }
0x6fb: {  	[tilespmem:$0x1FF20] =	vst v42  }
0x6fc: {  	[tilespmem:$0x1FF30] =	vst v45  }
0x6fd: {  	[tilespmem:$0x1FF40] =	vst v48  }
0x6fe: {  	v50 =	vsel vm1, $0x3A9A, v30;
	[tilespmem:$0x1FF50] =	vst v53;
	v25 =	vsel vm1, $0x2FC, v0;
	v0 =	vld [tilespmem:$0x1FBD0]  }
0x6ff: {  	[tilespmem:$0x1FF60] =	vst v50  }
0x700: {  	v56 =	vsel vm1, $0x2C3, v32;
	[tilespmem:$0x1FF70] =	vst v55  }
0x701: {  	v32 =	vsel vm1, $0x2E3, v49;
	[tilespmem:$0x1FF80] =	vst v56  }
0x702: {  	[tilespmem:$0x1FF90] =	vst v32;
	v2 =	vld [tilespmem:$0x1FC20]  }
0x703: {  	[tilespmem:$0x1FFA0] =	vst v40;
	v22 =	vsel vm1, $0x2CD, v0;
	v0 =	vld [tilespmem:$0x1FBE0]  }
0x704: {  	[tilespmem:$0x1FFB0] =	vst v21  }
0x705: {  	[tilespmem:$0x1FFC0] =	vst v38  }
0x706: {  	[tilespmem:$0x1FFD0] =	vst v36  }
0x707: {  	[tilespmem:$0x1FB70] =	vst v3;
	v3 =	vsel vm1, $0xC0FA, v2;
	v2 =	vld [tilespmem:$0x1FC40]  }
0x708: {  	[tilespmem:$0x1FFE0] =	vst v39;
	v30 =	vsel vm1, $0x2AFA, v0;
	v0 =	vld [tilespmem:$0x1FBF0]  }
0x709: {  	[tilespmem:$0x1FFF0] =	vst v24  }
0x70a: {  	[tilespmem:$0x1FE00] =	vst v44  }
0x70b: {  	[tilespmem:$0x1FE30] =	vst v47  }
0x70c: {  	s19 =	smul.u32 $0x10800, s28;
	[tilespmem:$0x1FC30] =	vst v3  }
0x70d: {  	v3 =	vsel vm1, $0x2FD, v2;
	[tilespmem:$0x1FE40] =	vst v9;
	v49 =	vsel vm1, $0x5CFA, v0;
	v0 =	vld [tilespmem:$0x1FC00]  }
0x70e: {  	s11 =	simm.s32 $0x1;
	s21 =	simm.s32 $0x80;
	s29 =	simm.s32 $0x10;
	[tilespmem:$0x1FC50] =	vst v3;
	v3 =	vmov s19  }
0x70f: {  	s20 =	simm.s32 $0xD480;
	s22 =	simm.s32 $0x0;
	s6 =	smul.u32 $0xFFFFFCE0, s9;
	[tilespmem:$0x1FC60] =	vst v3  }
0x710: {  	s30 =	ssub.s32 $0x2, s7;
	s17 =	smul.u32 $0x9C4000, s28;
	s10 =	ssub.s32 $0x0, s3;
	v4 =	vsel vm0, v5, v4;
	v5 =	vsel vm0, v7, v6;
	v7 =	vld [tilespmem:$0x1FCC0];
	[tilespmem:$0x1FE60] =	vst v10  }
0x711: {  	s31 =	sshrl.u32 s30, $0x1;
	p0 =	slt.s32 s3, $0x1;
	p1 =	sne.s32 s6, s10;
	v8 =	vld [tilespmem:$0x1FCD0];
	[tilespmem:$0x1FE70] =	vst v59  }
0x712: {  	s0 =	simm.s32 $0x4B0;
	s18 =	ssub.s32 s30, s31;
	p0 =	por !p0, !p1;
	[tilespmem:$0x1FE90] =	vst v61;
	v62 =	vsel vm1, $0x8EFA, v0;
	v0 =	vld [tilespmem:$0x1FC10]  }
0x713: {  	s18 =	smax.u32 s18, $0x1;
	s12 =	sshrl.u32 s3, $0x3;
	p0 =	por !p0, !p0;
	v3 =	vld [tilespmem:$0x1FC70];
	[tilespmem:$0x1FEA0] =	vst v25  }
0x714: {  	s13 =	sadd.s32 $0x190, s3;
	s16 =	sadd.s32 $0x320, s3;
	s11 =	simm.s32 @!p0 $0x0;
	[tilespmem:$0x1FEB0] =	vst v22  }
0x715: {  	s15 =	sshrl.u32 s13, $0x3;
	s9 =	ssub.s32 s9, s11;
	s6 =	sadd.s32 $0x800, s8;
	[tilespmem:$0x1FEC0] =	vst v30  }
0x716: {  	s7 =	sadd.s32 $0x210800, s8;
	s8 =	simm.s32 $0x1;
	s10 =	sadd.s32 s1, s12;
	v6 =	vlaneseq.u32;
	v4 =	vcombine.low v4, v4;
	[tilespmem:$0x1FED0] =	vst v49  }
0x717: {  	s11 =	sadd.s32 s2, s12;
	s12 =	sadd.s32 s4, s12;
	s13 =	sadd.s32 s1, s15;
	v5 =	vcombine.low v5, v5;
	v7 =	vcombine.low v7, v7;
	[tilespmem:$0x1FEF0] =	vst v62;
	v0 =	vsel vm1, $0x2ED, v0  }
0x718: {  	s14 =	sadd.s32 s2, s15;
	s15 =	sadd.s32 s4, s15;
	v6 =	vor.u32 $0xFFFFFFC8, v6;
	v8 =	vcombine.low v8, v8;
	s19 =	simm.s32 $0x7D0;
	v3 =	vcombine.low v3, v3;
	[tilespmem:$0x1FF00] =	vst v0  }
.LBB2_1:
0x719: {  	[tilespmem:s5], [sflag:$0x1] =	stream.linear.gather [hbm4b:s10+s5], $0x190, $0x38;
	[tilespmem:$0x19C80] =	vst v63  }
0x71a: {  	s3 =	simm.s32 $0x320  }
0x71b: {  	[tilespmem:s3], [sflag:$0x1] =	stream.linear.gather [hbm4b:s11+s5], $0x190, $0x38;
	[tilespmem:$0x19C80] =	vst v63  }
0x71c: {  	s31 =	simm.s32 $0x640  }
0x71d: {  	[tilespmem:s31], [sflag:$0x1] =	stream.linear.gather [hbm4b:s12+s5], $0x190, $0x38;
	[tilespmem:$0x19C80] =	vst v63  }
0x71e: {  	_ =	swait.ge [sflag:s8], $0x190  }
0x71f: {  	[sflag:s8] =	ssyncset.done $0x0  }
0x720: {  	[sflag:s8] =	ssyncadd.s32 $0xFFFFFE70  }
0x721: {  	_ =	swait.ge [sflag:s8], $0x190  }
0x722: {  	[sflag:s8] =	ssyncset.done $0x0  }
0x723: {  	[sflag:s8] =	ssyncadd.s32 $0xFFFFFE70  }
0x724: {  	_ =	swait.ge [sflag:s8], $0x190  }
0x725: {  	[sflag:s8] =	ssyncset.done $0x0  }
0x726: {  	s23 =	simm.s32 $0x0;
	[sflag:s8] =	ssyncadd.s32 $0xFFFFFE70  }
0x727: {  	v10 =	vld [tilespmem:s23+$0x0]  }
0x728: {  	v11 =	vld [tilespmem:s23+$0x640]  }
0x729: {  	v0 =	vld [tilespmem:$0x1FC60];
	_ =	sdelay $0x1  }
0x72a: {  	s24 =	simm.s32 $0x40;
	v9 =	vld [tilespmem:s23+$0x320]  }
.LBB2_2:
0x72b: {  	s25 =	sshra.s32 s24, $0x2;
	p0 =	sne.s32 s24, $0x600;
	s24 =	sadd.s32 $0x40, s24;
	v12 =	vmul.u32 $0x2C00, v10  }
.Ltmp0:
0x72c: {  	v10 =	vld [tilespmem:s25+$0x0];
	v13 =	vmul.u32 $0xB0, v11;
	(pc) =	sbr.rel @p0 .LBB2_2-.Ltmp0, $4  }
0x72d: {  	v11 =	vld [tilespmem:s25+$0x640];
	v12 =	vadd.s32 v0, v12  }
0x72e: {  	v12 =	vadd.s32 v13, v12  }
0x72f: {  	v12 =	vadd.s32 v9, v12  }
0x730: {  	v9 =	vld [tilespmem:s25+$0x320];
	[tilespmem:s23+$0x960] =	vst v12;
	s23 =	smov.u32 s25  }
0x731: {  	v10 =	vmul.u32 $0x2C00, v10  }
0x732: {  	v11 =	vmul.u32 $0xB0, v11  }
0x733: {  	v10 =	vadd.s32 v0, v10  }
0x734: {  	v10 =	vadd.s32 v11, v10  }
0x735: {  	v9 =	vadd.s32 v9, v10  }
0x736: {  	s3 =	simm.s32 $0x960;
	s31 =	simm.s32 $0xC80;
	[tilespmem:s23+$0x960] =	vst v9  }
0x737: {  	[tilespmem:s31], [sflag:$0x3] =	stream.indirect.gather [hbm4b:s6+s21], $0x40, s3, s21, $0xb8;
	[tilespmem:$0x19C80] =	vst v63  }
0x738: {  	s24 =	simm.s32 $0x2C80;
	s23 =	simm.s32 $0x9E0  }
0x739: {  	[tilespmem:s24], [sflag:$0x3] =	stream.indirect.gather [hbm4b:s6+s21], $0x40, s23, s21, $0xb8;
	[tilespmem:$0x19C80] =	vst v63  }
0x73a: {  	s25 =	simm.s32 $0xA60;
	s26 =	simm.s32 $0x4C80  }
0x73b: {  	[tilespmem:s26], [sflag:$0x3] =	stream.indirect.gather [hbm4b:s6+s21], $0x40, s25, s21, $0xb8;
	[tilespmem:$0x19C80] =	vst v63  }
0x73c: {  	s28 =	simm.s32 $0xAE0;
	s30 =	simm.s32 $0x6C80  }
0x73d: {  	[tilespmem:s30], [sflag:$0x3] =	stream.indirect.gather [hbm4b:s6+s29], $0x40, s28, s29, $0xb8;
	[tilespmem:$0x19C80] =	vst v63  }
0x73e: {  	s31 =	simm.s32 $0x190;
	s23 =	simm.s32 $0x0  }
0x73f: {  	[tilespmem:s31], [sflag:$0x2] =	stream.linear.gather [hbm4b:s13+s23], $0x190, $0x38;
	[tilespmem:$0x19C80] =	vst v63  }
0x740: {  	_ = 	snop  }
0x741: {  	[tilespmem:s0], [sflag:$0x2] =	stream.linear.gather [hbm4b:s14+s23], $0x190, $0x38;
	[tilespmem:$0x19C80] =	vst v63  }
0x742: {  	p0 =	por $0x1, $0x1;
	p1 =	por $0x0, $0x0  }
0x743: {  	v2 =	vld [tilespmem:$0x1F530];
	[tilespmem:s19], [sflag:$0x2] =	stream.linear.gather [hbm4b:s15+s23], $0x190, $0x38  }
.LBB2_4:
0x744: {  	v63 =	vld [tilespmem:$0x1F580]  }
0x745: {  	v41 =	vld [tilespmem:$0x1F570]  }
0x746: {  	v59 =	vld [tilespmem:$0x1F560]  }
0x747: {  	v1 =	vld [tilespmem:$0x1F550]  }
0x748: {  	v52 =	vld [tilespmem:$0x1F520]  }
0x749: {  	v51 =	vld [tilespmem:$0x1F500]  }
0x74a: {  	v49 =	vld [tilespmem:$0x1F4E0]  }
0x74b: {  	v46 =	vld [tilespmem:$0x1F4D0]  }
0x74c: {  	v37 =	vld [tilespmem:$0x1F420]  }
0x74d: {  	v24 =	vld [tilespmem:$0x1FFF0]  }
0x74e: {  	v34 =	vld [tilespmem:$0x1F3D0]  }
0x74f: {  	v26 =	vld [tilespmem:$0x1F370]  }
0x750: {  	v25 =	vld [tilespmem:$0x1F360]  }
0x751: {  	v17 =	vld [tilespmem:$0x1F300]  }
0x752: {  	v19 =	vld [tilespmem:$0x1F320]  }
0x753: {  	v23 =	vld [tilespmem:$0x1F340]  }
0x754: {  	v0 =	vld [tilespmem:$0x1F3A0]  }
0x755: {  	v27 =	vld [tilespmem:$0x1F3C0]  }
0x756: {  	p2 =	seq.s32 s23, $0x31;
	v22 =	vld [tilespmem:$0x1F470]  }
.Ltmp1:
0x757: {  	v47 =	vld [tilespmem:$0x1F730];
	(pc) =	sbr.rel @p2 .LBB2_8-.Ltmp1, $4  }
0x758: {  	v58 =	vld [tilespmem:$0x1F2D0]  }
0x759: {  	v62 =	vld [tilespmem:$0x1F2E0]  }
0x75a: {  	v31 =	vld [tilespmem:$0x1F900]  }
0x75b: {  	v61 =	vmov v32;
	s24 =	sand.u32 $0x1, s23;
	v35 =	vld [tilespmem:$0x1F410]  }
0x75c: {  	s25 =	sxor.u32 $0x1, s24  }
0x75d: {  	s28 =	simm.s32 $0x1;
	s26 =	sadd.s32 $0x1, s25  }
0x75e: {  	s28 =	simm.s32 @!p0 $0x0;
	_ =	swait.ge [sflag:s26], $0x190  }
0x75f: {  	s28 =	smul.u32 $0x640, s28;
	[sflag:s26] =	ssyncset.done $0x0  }
0x760: {  	[sflag:s26] =	ssyncadd.s32 $0xFFFFFE70  }
0x761: {  	s28 =	sshrl.u32 s28, $0x2;
	_ =	swait.ge [sflag:s26], $0x190  }
0x762: {  	s30 =	sadd.s32 $0x640, s28;
	v10 =	vmov s28;
	[sflag:s26] =	ssyncset.done $0x0  }
0x763: {  	v11 =	vmov s30;
	[sflag:s26] =	ssyncadd.s32 $0xFFFFFE70  }
0x764: {  	_ =	swait.ge [sflag:s26], $0x190  }
0x765: {  	s31 =	sadd.s32 $0x320, s28;
	s3 =	sadd.s32 $0x960, s28;
	[sflag:s26] =	ssyncset.done $0x0  }
0x766: {  	s28 =	simm.s32 $0x40;
	v12 =	vmov s31;
	v9 =	vmov s3;
	v18 =	vld [tilespmem:$0x1FC60];
	[sflag:s26] =	ssyncadd.s32 $0xFFFFFE70;
	s26 =	simm.s32 $0x0  }
.LBB2_6:
0x767: {  	p2 =	sne.s32 s28, $0x600;
	v13 =	vld.idx.msk [tilespmem:v10+s26+$0x0 ss:$0x1], $0xffff  }
0x768: {  	v14 =	vld.idx.msk [tilespmem:v11+s26+$0x0 ss:$0x1], $0xffff;
	_ =	sdelay $0x2  }
0x769: {  	v15 =	vld.idx.msk [tilespmem:v12+s26+$0x0 ss:$0x1], $0xffff;
	_ =	sdelay $0x1  }
0x76a: {  	v13 =	vmul.u32 $0x2C00, v13  }
.Ltmp2:
0x76b: {  	v14 =	vmul.u32 $0xB0, v14;
	(pc) =	sbr.rel @p2 .LBB2_6-.Ltmp2, $4  }
0x76c: {  	v13 =	vadd.s32 v18, v13  }
0x76d: {  	v13 =	vadd.s32 v14, v13  }
0x76e: {  	v13 =	vadd.s32 v15, v13  }
0x76f: {  	[tilespmem:v9+s26+$0x0 ss:$0x1] =	vst.idx.msk $0xffff, v13;
	s26 =	sshra.s32 s28, $0x2;
	s28 =	sadd.s32 $0x40, s28  }
0x770: {  	_ =	sdelay $0x3  }
0x771: {  	v10 =	vld.idx.msk [tilespmem:v10+s26+$0x0 ss:$0x1], $0xffff  }
0x772: {  	v11 =	vld.idx.msk [tilespmem:v11+s26+$0x0 ss:$0x1], $0xffff;
	_ =	sdelay $0x2  }
0x773: {  	v12 =	vld.idx.msk [tilespmem:v12+s26+$0x0 ss:$0x1], $0xffff  }
0x774: {  	v10 =	vmul.u32 $0x2C00, v10  }
0x775: {  	s3 =	smul.u32 $0x19000, s25;
	v11 =	vmul.u32 $0xB0, v11  }
0x776: {  	s28 =	smul.u32 $0x640, s25;
	v10 =	vadd.s32 v18, v10  }
0x777: {  	v10 =	vadd.s32 v11, v10  }
0x778: {  	s3 =	sshrl.u32 s3, $0x2;
	s28 =	sshrl.u32 s28, $0x2;
	v10 =	vadd.s32 v12, v10  }
0x779: {  	s25 =	sadd.s32 $0x3, s25;
	s31 =	sadd.s32 $0xC80, s3;
	s30 =	sadd.s32 $0x960, s28;
	[tilespmem:v9+s26+$0x0 ss:$0x1] =	vst.idx.msk $0xffff, v10  }
0x77a: {  	[tilespmem:s31], [sflag:s25] =	stream.indirect.gather [hbm4b:s6+s21], $0x40, s30, s21, $0xb8;
	[tilespmem:$0x19C80] =	vst v63  }
0x77b: {  	s26 =	sadd.s32 $0x2C80, s3;
	s31 =	sadd.s32 $0x9E0, s28  }
0x77c: {  	[tilespmem:s26], [sflag:s25] =	stream.indirect.gather [hbm4b:s6+s21], $0x40, s31, s21, $0xb8;
	[tilespmem:$0x19C80] =	vst v63  }
0x77d: {  	p2 =	sgt.u32 s23, $0x2F;
	s26 =	sadd.s32 $0x4C80, s3;
	s31 =	sadd.s32 $0xA60, s28  }
0x77e: {  	[tilespmem:s26], [sflag:s25] =	stream.indirect.gather [hbm4b:s6+s21], $0x40, s31, s21, $0xb8;
	[tilespmem:$0x19C80] =	vst v63  }
0x77f: {  	s3 =	sadd.s32 $0x6C80, s3;
	s31 =	sadd.s32 $0xAE0, s28;
	s28 =	smul.u32 @!p2 $0x190, s23  }
0x780: {  	[tilespmem:s3], [sflag:s25] =	stream.indirect.gather [hbm4b:s6+s29], $0x40, s31, s29, $0xb8;
	[tilespmem:$0x19C80] =	vst v63  }
0x781: {  	s3 =	sadd.s32 @!p2 s28, s16  }
0x782: {  	s25 =	smul.u32 @!p2 $0x190, s24;
	s3 =	sshrl.u32 @!p2 s3, $0x3  }
0x783: {  	s30 =	simm.s32 @!p2 $0x0;
	s26 =	sadd.s32 @!p2 $0x1, s24;
	s28 =	sadd.s32 @!p2 s1, s3  }
0x784: {  	[tilespmem:s25], [sflag:s26] =	stream.linear.gather @!p2 [hbm4b:s28+s30], $0x190, $0x38;
	[tilespmem:$0x19C80] =	vst v63  }
0x785: {  	s31 =	sadd.s32 @!p2 s2, s3;
	s28 =	sadd.s32 @!p2 $0x320, s25  }
0x786: {  	[tilespmem:s28], [sflag:s26] =	stream.linear.gather @!p2 [hbm4b:s31+s30], $0x190, $0x38;
	[tilespmem:$0x19C80] =	vst v63  }
0x787: {  	v58 =	vld [tilespmem:$0x1F2D0];
	s3 =	sadd.s32 @!p2 s4, s3;
	s25 =	sadd.s32 @!p2 $0x640, s25  }
0x788: {  	v62 =	vld [tilespmem:$0x1F2E0];
	[tilespmem:s25], [sflag:s26] =	stream.linear.gather @!p2 [hbm4b:s3+s30], $0x190, $0x38  }
.LBB2_8:
0x789: {  	s3 =	sadd.s32 $0x3, s24  }
0x78a: {  	_ =	swait.ge [sflag:s3], $0x2000  }
0x78b: {  	[sflag:s3] =	ssyncset.done $0x0  }
0x78c: {  	[sflag:s3] =	ssyncadd.s32 $0xFFFFE000  }
0x78d: {  	_ =	swait.ge [sflag:s3], $0x2000  }
0x78e: {  	[sflag:s3] =	ssyncset.done $0x0  }
0x78f: {  	s26 =	simm.s32 $0x0;
	[sflag:s3] =	ssyncadd.s32 $0xFFFFE000  }
0x790: {  	v9 =	vor.u32 s26, v58;
	_ =	swait.ge [sflag:s3], $0x2000  }
0x791: {  	v9 =	vand.u32 v6, v9;
	[sflag:s3] =	ssyncset.done $0x0  }
0x792: {  	s25 =	simm.s32 $0x1;
	s30 =	smul.u32 $0x19000, s24;
	[sflag:s3] =	ssyncadd.s32 $0xFFFFE000  }
0x793: {  	s25 =	simm.s32 @!p1 $0x0;
	_ =	swait.ge [sflag:s3], $0x400  }
0x794: {  	s28 =	smul.u32 $0x64, s25;
	s25 =	sshrl.u32 s30, $0x2;
	[sflag:s3] =	ssyncset.done $0x0  }
0x795: {  	s25 =	sadd.s32 $0xC80, s25;
	[sflag:s3] =	ssyncadd.s32 $0xFFFFFC00  }
0x796: {  	v10 =	vadd.s32 s28, v62;
	v9 =	vld.idx.msk [tilespmem:v9+s25+$0x0], $0xffff;
	_ =	sdelay $0x4  }
0x797: {  	v11 =	vor.u32 s26, v17;
	[tilespmem:v10+s20+$0x0] =	vst.idx.msk $0xffff, v9;
	v10 =	vld [tilespmem:$0x1F2F0];
	_ =	sdelay $0x4  }
0x798: {  	v9 =	vld.idx.msk [tilespmem:v11+s25+$0x0], $0xffff;
	v20 =	vmov v10;
	v10 =	vadd.s32 s28, v10;
	_ =	sdelay $0x4  }
0x799: {  	v11 =	vor.u32 s26, v19;
	[tilespmem:v10+s20+$0x0] =	vst.idx.msk $0xffff, v9;
	v10 =	vld [tilespmem:$0x1F310];
	_ =	sdelay $0x4  }
0x79a: {  	v9 =	vld.idx.msk [tilespmem:v11+s25+$0x0], $0xffff;
	v19 =	vmov v10;
	v10 =	vadd.s32 s28, v10  }
0x79b: {  	v11 =	vor.u32 s26, v23;
	_ =	sdelay $0x3  }
0x79c: {  	[tilespmem:v10+s20+$0x0] =	vst.idx.msk $0xffff, v9;
	v10 =	vld [tilespmem:$0x1F330]  }
0x79d: {  	v9 =	vld.idx.msk [tilespmem:v11+s25+$0x0], $0xffff  }
0x79e: {  	v11 =	vld [tilespmem:$0x1F350];
	_ =	sdelay $0x4  }
0x79f: {  	v16 =	vmovc v10;
	v10 =	vadd.s32 s28, v10;
	v17 =	vmov v11;
	v11 =	vor.u32 s26, v11  }
0x7a0: {  	v11 =	vand.u32 v3, v11;
	_ =	sdelay $0x3  }
0x7a1: {  	[tilespmem:v10+s20+$0x0] =	vst.idx.msk $0xffff, v9  }
0x7a2: {  	v9 =	vld.idx.msk [tilespmem:v11+s25+$0x0], $0xffff  }
0x7a3: {  	v11 =	vld [tilespmem:$0x1F380];
	_ =	sdelay $0x3  }
0x7a4: {  	v10 =	vadd.s32 s28, v25  }
0x7a5: {  	v14 =	vmov v11;
	v11 =	vor.u32 s26, v11;
	_ =	sdelay $0x3  }
0x7a6: {  	[tilespmem:v10+s20+$0x0] =	vst.idx.msk $0xffff, v9  }
0x7a7: {  	v10 =	vadd.s32 s28, v26;
	v9 =	vld.idx.msk [tilespmem:v11+s25+$0x0], $0xffff;
	_ =	sdelay $0x4  }
0x7a8: {  	v11 =	vor.u32 s26, v0;
	[tilespmem:v10+s20+$0x0] =	vst.idx.msk $0xffff, v9;
	v10 =	vld [tilespmem:$0x1F390];
	_ =	sdelay $0x4  }
0x7a9: {  	v9 =	vld.idx.msk [tilespmem:v11+s25+$0x0], $0xffff;
	v0 =	vmov v10;
	v10 =	vadd.s32 s28, v10;
	_ =	sdelay $0x4  }
0x7aa: {  	v11 =	vor.u32 s26, v27;
	[tilespmem:v10+s20+$0x0] =	vst.idx.msk $0xffff, v9;
	v10 =	vld [tilespmem:$0x1F3B0];
	_ =	sdelay $0x4  }
0x7ab: {  	v9 =	vld.idx.msk [tilespmem:v11+s25+$0x0], $0xffff;
	v11 =	vor.u32 s26, v34;
	v10 =	vadd.s32 s28, v10  }
0x7ac: {  	v11 =	vand.u32 v4, v11;
	_ =	sdelay $0x3  }
0x7ad: {  	[tilespmem:v10+s20+$0x0] =	vst.idx.msk $0xffff, v9  }
0x7ae: {  	v10 =	vadd.s32 s28, v24;
	v9 =	vld.idx.msk [tilespmem:v11+s25+$0x0], $0xffff;
	_ =	sdelay $0x4  }
0x7af: {  	v11 =	vor.u32 s26, v35;
	[tilespmem:v10+s20+$0x0] =	vst.idx.msk $0xffff, v9;
	v10 =	vld [tilespmem:$0x1F3F0];
	_ =	sdelay $0x4  }
0x7b0: {  	v9 =	vld.idx.msk [tilespmem:v11+s25+$0x0], $0xffff;
	v10 =	vadd.s32 s28, v10  }
0x7b1: {  	v11 =	vor.u32 s26, v37;
	_ =	sdelay $0x3  }
0x7b2: {  	[tilespmem:v10+s20+$0x0] =	vst.idx.msk $0xffff, v9  }
0x7b3: {  	v10 =	vadd.s32 s28, v36;
	v9 =	vld.idx.msk [tilespmem:v11+s25+$0x0], $0xffff  }
0x7b4: {  	v11 =	vor.u32 s26, v39;
	_ =	sdelay $0x3  }
0x7b5: {  	[tilespmem:v10+s20+$0x0] =	vst.idx.msk $0xffff, v9  }
0x7b6: {  	v9 =	vld.idx.msk [tilespmem:v11+s25+$0x0], $0xffff  }
0x7b7: {  	v11 =	vld [tilespmem:$0x1F430];
	_ =	sdelay $0x4  }
0x7b8: {  	v10 =	vadd.s32 s28, v38;
	v11 =	vor.u32 s26, v11  }
0x7b9: {  	v11 =	vand.u32 v5, v11;
	_ =	sdelay $0x3  }
0x7ba: {  	[tilespmem:v10+s20+$0x0] =	vst.idx.msk $0xffff, v9  }
0x7bb: {  	v10 =	vadd.s32 s28, v42;
	v9 =	vld.idx.msk [tilespmem:v11+s25+$0x0], $0xffff;
	_ =	sdelay $0x4  }
0x7bc: {  	v11 =	vor.u32 s26, v22;
	[tilespmem:v10+s20+$0x0] =	vst.idx.msk $0xffff, v9;
	v10 =	vld [tilespmem:$0x1F450];
	_ =	sdelay $0x3  }
0x7bd: {  	v12 =	vld [tilespmem:$0x1F4B0]  }
0x7be: {  	v9 =	vld.idx.msk [tilespmem:v11+s25+$0x0], $0xffff;
	v10 =	vadd.s32 s28, v10;
	_ =	sdelay $0x4  }
0x7bf: {  	v11 =	vor.u32 s26, v12;
	[tilespmem:v10+s20+$0x0] =	vst.idx.msk $0xffff, v9;
	v10 =	vld [tilespmem:$0x1F490];
	_ =	sdelay $0x4  }
0x7c0: {  	v9 =	vld.idx.msk [tilespmem:v11+s25+$0x0], $0xffff;
	v10 =	vadd.s32 s28, v10  }
0x7c1: {  	v11 =	vor.u32 s26, v45;
	_ =	sdelay $0x3  }
0x7c2: {  	[tilespmem:v10+s20+$0x0] =	vst.idx.msk $0xffff, v9  }
0x7c3: {  	v10 =	vadd.s32 s28, v46;
	v9 =	vld.idx.msk [tilespmem:v11+s25+$0x0], $0xffff;
	v11 =	vor.u32 s26, v48  }
0x7c4: {  	v11 =	vand.u32 v7, v11;
	_ =	sdelay $0x3  }
0x7c5: {  	[tilespmem:v10+s20+$0x0] =	vst.idx.msk $0xffff, v9  }
0x7c6: {  	v10 =	vadd.s32 s28, v49;
	v9 =	vld.idx.msk [tilespmem:v11+s25+$0x0], $0xffff  }
0x7c7: {  	v11 =	vor.u32 s26, v51;
	_ =	sdelay $0x3  }
0x7c8: {  	[tilespmem:v10+s20+$0x0] =	vst.idx.msk $0xffff, v9  }
0x7c9: {  	v10 =	vadd.s32 s28, v50;
	v9 =	vld.idx.msk [tilespmem:v11+s25+$0x0], $0xffff  }
0x7ca: {  	v11 =	vor.u32 s26, v53;
	_ =	sdelay $0x3  }
0x7cb: {  	[tilespmem:v10+s20+$0x0] =	vst.idx.msk $0xffff, v9  }
0x7cc: {  	v10 =	vadd.s32 s28, v52;
	v9 =	vld.idx.msk [tilespmem:v11+s25+$0x0], $0xffff  }
0x7cd: {  	v11 =	vor.u32 s26, v55;
	_ =	sdelay $0x3  }
0x7ce: {  	[tilespmem:v10+s20+$0x0] =	vst.idx.msk $0xffff, v9  }
0x7cf: {  	v10 =	vadd.s32 s28, v2;
	v9 =	vld.idx.msk [tilespmem:v11+s25+$0x0], $0xffff;
	v11 =	vor.u32 s26, v56  }
0x7d0: {  	v11 =	vand.u32 v8, v11;
	_ =	sdelay $0x3  }
0x7d1: {  	[tilespmem:v10+s20+$0x0] =	vst.idx.msk $0xffff, v9  }
0x7d2: {  	v10 =	vadd.s32 s28, v1;
	v9 =	vld.idx.msk [tilespmem:v11+s25+$0x0], $0xffff  }
0x7d3: {  	v11 =	vor.u32 s26, v59;
	_ =	sdelay $0x3  }
0x7d4: {  	[tilespmem:v10+s20+$0x0] =	vst.idx.msk $0xffff, v9  }
0x7d5: {  	v10 =	vadd.s32 s28, v40;
	v9 =	vld.idx.msk [tilespmem:v11+s25+$0x0], $0xffff  }
0x7d6: {  	v11 =	vor.u32 s26, v61;
	_ =	sdelay $0x1  }
0x7d7: {  	v13 =	vld [tilespmem:$0x1FC90]  }
0x7d8: {  	v12 =	vld [tilespmem:$0x1FC80]  }
0x7d9: {  	v1 =	vld [tilespmem:$0x1FF10];
	[tilespmem:v10+s20+$0x0] =	vst.idx.msk $0xffff, v9  }
0x7da: {  	v10 =	vadd.s32 s28, v21;
	v9 =	vld.idx.msk [tilespmem:v11+s25+$0x0], $0xffff  }
0x7db: {  	v11 =	vor.u32 s26, v63;
	_ =	sdelay $0x2  }
0x7dc: {  	v12 =	vsel vm0, v12, v13  }
0x7dd: {  	[tilespmem:v10+s20+$0x0] =	vst.idx.msk $0xffff, v9;
	v9 =	vcombine.low v12, v12;
	v12 =	vor.u32 s26, v1;
	v1 =	vld [tilespmem:$0x1F590]  }
0x7de: {  	v10 =	vld.idx.msk [tilespmem:v11+s25+$0x0], $0xffff;
	v11 =	vadd.s32 s28, v41;
	_ =	sdelay $0x3  }
0x7df: {  	v12 =	vand.u32 v9, v12  }
0x7e0: {  	[tilespmem:v11+s20+$0x0] =	vst.idx.msk $0xffff, v10;
	v11 =	vadd.s32 s28, v1;
	v1 =	vld [tilespmem:$0x1F5B0];
	_ =	sdelay $0x3  }
0x7e1: {  	v10 =	vld.idx.msk [tilespmem:v12+s25+$0x0], $0xffff  }
0x7e2: {  	v12 =	vor.u32 s26, v1;
	v1 =	vld [tilespmem:$0x1F5A0];
	_ =	sdelay $0x4  }
0x7e3: {  	[tilespmem:v11+s20+$0x0] =	vst.idx.msk $0xffff, v10;
	v11 =	vadd.s32 s28, v1;
	v1 =	vld [tilespmem:$0x1F5D0];
	_ =	sdelay $0x3  }
0x7e4: {  	v10 =	vld.idx.msk [tilespmem:v12+s25+$0x0], $0xffff  }
0x7e5: {  	v12 =	vor.u32 s26, v1;
	v1 =	vld [tilespmem:$0x1F5C0];
	_ =	sdelay $0x4  }
0x7e6: {  	[tilespmem:v11+s20+$0x0] =	vst.idx.msk $0xffff, v10;
	v11 =	vadd.s32 s28, v1;
	v1 =	vld [tilespmem:$0x1FCE0]  }
0x7e7: {  	v25 =	vld [tilespmem:$0x1F5F0]  }
0x7e8: {  	v13 =	vld [tilespmem:$0x1FCA0]  }
0x7e9: {  	v10 =	vld [tilespmem:$0x1FCB0]  }
0x7ea: {  	v2 =	vld.idx.msk [tilespmem:v12+s25+$0x0], $0xffff  }
0x7eb: {  	v12 =	vor.u32 s26, v1;
	v1 =	vld [tilespmem:$0x1FD80];
	_ =	sdelay $0x2  }
0x7ec: {  	v13 =	vsel vm0, v13, v10  }
0x7ed: {  	v10 =	vcombine.low v13, v13;
	[tilespmem:v11+s20+$0x0] =	vst.idx.msk $0xffff, v2  }
0x7ee: {  	v13 =	vor.u32 s26, v25;
	v11 =	vld.idx.msk [tilespmem:v12+s25+$0x0], $0xffff;
	v12 =	vadd.s32 s28, v1  }
0x7ef: {  	v26 =	vld [tilespmem:$0x1F610];
	v13 =	vand.u32 v10, v13  }
0x7f0: {  	v63 =	vld [tilespmem:$0x1F640];
	_ =	sdelay $0x2  }
0x7f1: {  	[tilespmem:v12+s20+$0x0] =	vst.idx.msk $0xffff, v11  }
0x7f2: {  	v12 =	vadd.s32 s28, v26;
	v11 =	vld.idx.msk [tilespmem:v13+s25+$0x0], $0xffff  }
0x7f3: {  	v34 =	vld [tilespmem:$0x1F630];
	v13 =	vor.u32 s26, v63  }
0x7f4: {  	v37 =	vld [tilespmem:$0x1F680];
	_ =	sdelay $0x2  }
0x7f5: {  	[tilespmem:v12+s20+$0x0] =	vst.idx.msk $0xffff, v11  }
0x7f6: {  	v12 =	vadd.s32 s28, v34;
	v11 =	vld.idx.msk [tilespmem:v13+s25+$0x0], $0xffff  }
0x7f7: {  	v15 =	vld [tilespmem:$0x1F660];
	v13 =	vor.u32 s26, v37  }
0x7f8: {  	v36 =	vld [tilespmem:$0x1F6C0];
	_ =	sdelay $0x2  }
0x7f9: {  	v39 =	vld [tilespmem:$0x1F6A0];
	[tilespmem:v12+s20+$0x0] =	vst.idx.msk $0xffff, v11  }
0x7fa: {  	v12 =	vadd.s32 s28, v15;
	v11 =	vld.idx.msk [tilespmem:v13+s25+$0x0], $0xffff  }
0x7fb: {  	v44 =	vmov v1;
	v1 =	vld [tilespmem:$0x1FCF0];
	v13 =	vor.u32 s26, v36;
	_ =	sdelay $0x3  }
0x7fc: {  	[tilespmem:v12+s20+$0x0] =	vst.idx.msk $0xffff, v11  }
0x7fd: {  	v12 =	vadd.s32 s28, v39;
	v11 =	vld.idx.msk [tilespmem:v13+s25+$0x0], $0xffff;
	v13 =	vor.u32 s26, v1  }
0x7fe: {  	v41 =	vld [tilespmem:$0x1F6F0];
	v13 =	vand.u32 v6, v13;
	_ =	sdelay $0x3  }
0x7ff: {  	[tilespmem:v12+s20+$0x0] =	vst.idx.msk $0xffff, v11  }
0x800: {  	v12 =	vadd.s32 s28, v41;
	v11 =	vld.idx.msk [tilespmem:v13+s25+$0x0], $0xffff  }
0x801: {  	v45 =	vld [tilespmem:$0x1F710];
	v13 =	vor.u32 s26, v47  }
0x802: {  	v48 =	vld [tilespmem:$0x1F770];
	_ =	sdelay $0x2  }
0x803: {  	[tilespmem:v12+s20+$0x0] =	vst.idx.msk $0xffff, v11  }
0x804: {  	v12 =	vadd.s32 s28, v45;
	v11 =	vld.idx.msk [tilespmem:v13+s25+$0x0], $0xffff  }
0x805: {  	v46 =	vld [tilespmem:$0x1F750];
	v13 =	vor.u32 s26, v48  }
0x806: {  	v1 =	vld [tilespmem:$0x1F7B0];
	_ =	sdelay $0x2  }
0x807: {  	[tilespmem:v12+s20+$0x0] =	vst.idx.msk $0xffff, v11  }
0x808: {  	v11 =	vld.idx.msk [tilespmem:v13+s25+$0x0], $0xffff  }
0x809: {  	v12 =	vadd.s32 s28, v46;
	v13 =	vor.u32 s26, v1;
	v1 =	vld [tilespmem:$0x1F790];
	_ =	sdelay $0x4  }
0x80a: {  	[tilespmem:v12+s20+$0x0] =	vst.idx.msk $0xffff, v11;
	v12 =	vadd.s32 s28, v1;
	v1 =	vld [tilespmem:$0x1FD00];
	_ =	sdelay $0x3  }
0x80b: {  	v11 =	vld.idx.msk [tilespmem:v13+s25+$0x0], $0xffff  }
0x80c: {  	v13 =	vor.u32 s26, v1;
	v1 =	vld [tilespmem:$0x1FD10];
	_ =	sdelay $0x3  }
0x80d: {  	v13 =	vand.u32 v3, v13  }
0x80e: {  	[tilespmem:v12+s20+$0x0] =	vst.idx.msk $0xffff, v11;
	v24 =	vmov v1;
	v12 =	vadd.s32 s28, v1;
	v1 =	vld [tilespmem:$0x1FD30];
	_ =	sdelay $0x3  }
0x80f: {  	v11 =	vld.idx.msk [tilespmem:v13+s25+$0x0], $0xffff  }
0x810: {  	v13 =	vor.u32 s26, v1  }
0x811: {  	v27 =	vmov v1;
	v1 =	vld [tilespmem:$0x1FD20];
	_ =	sdelay $0x2  }
0x812: {  	v56 =	vld [tilespmem:$0x1F820];
	[tilespmem:v12+s20+$0x0] =	vst.idx.msk $0xffff, v11  }
0x813: {  	v11 =	vld.idx.msk [tilespmem:v13+s25+$0x0], $0xffff  }
0x814: {  	v28 =	vmov v1;
	v12 =	vadd.s32 s28, v1;
	v1 =	vld [tilespmem:$0x1FD40];
	_ =	sdelay $0x3  }
0x815: {  	v13 =	vor.u32 s26, v56  }
0x816: {  	[tilespmem:v12+s20+$0x0] =	vst.idx.msk $0xffff, v11;
	v30 =	vmov v1;
	v12 =	vadd.s32 s28, v1;
	v1 =	vld [tilespmem:$0x1FD60];
	_ =	sdelay $0x3  }
0x817: {  	v11 =	vld.idx.msk [tilespmem:v13+s25+$0x0], $0xffff  }
0x818: {  	v18 =	vmov v58;
	v58 =	vmov v1;
	v13 =	vor.u32 s26, v1;
	v1 =	vld [tilespmem:$0x1FD50];
	_ =	sdelay $0x4  }
0x819: {  	[tilespmem:v12+s20+$0x0] =	vst.idx.msk $0xffff, v11;
	v12 =	vadd.s32 s28, v1;
	v1 =	vld [tilespmem:$0x1FD70];
	_ =	sdelay $0x3  }
0x81a: {  	v11 =	vld.idx.msk [tilespmem:v13+s25+$0x0], $0xffff  }
0x81b: {  	v54 =	vmov v1;
	v13 =	vor.u32 s26, v1;
	v1 =	vld [tilespmem:$0x1FD90];
	_ =	sdelay $0x3  }
0x81c: {  	v13 =	vand.u32 v4, v13  }
0x81d: {  	[tilespmem:v12+s20+$0x0] =	vst.idx.msk $0xffff, v11;
	v57 =	vmov v1;
	v12 =	vadd.s32 s28, v1;
	v1 =	vld [tilespmem:$0x1FDB0];
	_ =	sdelay $0x3  }
0x81e: {  	v11 =	vld.idx.msk [tilespmem:v13+s25+$0x0], $0xffff  }
0x81f: {  	v22 =	vmov v1;
	v13 =	vor.u32 s26, v1;
	v1 =	vld [tilespmem:$0x1FDA0]  }
0x820: {  	v21 =	vld [tilespmem:$0x1F8C0];
	_ =	sdelay $0x2  }
0x821: {  	[tilespmem:v12+s20+$0x0] =	vst.idx.msk $0xffff, v11  }
0x822: {  	v11 =	vld.idx.msk [tilespmem:v13+s25+$0x0], $0xffff;
	v12 =	vadd.s32 s28, v1  }
0x823: {  	v13 =	vor.u32 s26, v21;
	v1 =	vld [tilespmem:$0x1F8A0];
	_ =	sdelay $0x3  }
0x824: {  	[tilespmem:v12+s20+$0x0] =	vst.idx.msk $0xffff, v11  }
0x825: {  	v12 =	vadd.s32 s28, v1;
	v11 =	vld.idx.msk [tilespmem:v13+s25+$0x0], $0xffff  }
0x826: {  	v13 =	vor.u32 s26, v31;
	_ =	sdelay $0x3  }
0x827: {  	v2 =	vmov v31;
	v31 =	vld [tilespmem:$0x1F8E0];
	[tilespmem:v12+s20+$0x0] =	vst.idx.msk $0xffff, v11  }
0x828: {  	v11 =	vld.idx.msk [tilespmem:v13+s25+$0x0], $0xffff  }
0x829: {  	v13 =	vld [tilespmem:$0x1FDC0];
	_ =	sdelay $0x4  }
0x82a: {  	v12 =	vadd.s32 s28, v31;
	v13 =	vor.u32 s26, v13  }
0x82b: {  	v13 =	vand.u32 v5, v13;
	_ =	sdelay $0x3  }
0x82c: {  	[tilespmem:v12+s20+$0x0] =	vst.idx.msk $0xffff, v11;
	v12 =	vld [tilespmem:$0x1FDD0]  }
0x82d: {  	v11 =	vld.idx.msk [tilespmem:v13+s25+$0x0], $0xffff  }
0x82e: {  	v13 =	vld [tilespmem:$0x1FDF0];
	_ =	sdelay $0x3  }
0x82f: {  	v23 =	vmov v12;
	v12 =	vadd.s32 s28, v12  }
0x830: {  	v29 =	vmov v13;
	v13 =	vor.u32 s26, v13;
	_ =	sdelay $0x3  }
0x831: {  	[tilespmem:v12+s20+$0x0] =	vst.idx.msk $0xffff, v11;
	v12 =	vld [tilespmem:$0x1FDE0]  }
0x832: {  	v11 =	vld.idx.msk [tilespmem:v13+s25+$0x0], $0xffff  }
0x833: {  	v13 =	vld [tilespmem:$0x1FE10];
	_ =	sdelay $0x3  }
0x834: {  	v60 =	vmov v12;
	v12 =	vadd.s32 s28, v12  }
0x835: {  	v33 =	vmov v13;
	v13 =	vor.u32 s26, v13;
	_ =	sdelay $0x3  }
0x836: {  	[tilespmem:v12+s20+$0x0] =	vst.idx.msk $0xffff, v11;
	v12 =	vld [tilespmem:$0x1FE00]  }
0x837: {  	v11 =	vld.idx.msk [tilespmem:v13+s25+$0x0], $0xffff  }
0x838: {  	v13 =	vld [tilespmem:$0x1FE30];
	_ =	sdelay $0x3  }
0x839: {  	v43 =	vmov v12;
	v12 =	vadd.s32 s28, v12  }
0x83a: {  	v42 =	vmov v13;
	v13 =	vor.u32 s26, v13;
	_ =	sdelay $0x3  }
0x83b: {  	[tilespmem:v12+s20+$0x0] =	vst.idx.msk $0xffff, v11;
	v12 =	vld [tilespmem:$0x1FE20]  }
0x83c: {  	v11 =	vld.idx.msk [tilespmem:v13+s25+$0x0], $0xffff  }
0x83d: {  	v13 =	vld [tilespmem:$0x1F970];
	_ =	sdelay $0x4  }
0x83e: {  	v40 =	vmov v12;
	v12 =	vadd.s32 s28, v12;
	v13 =	vor.u32 s26, v13  }
0x83f: {  	v13 =	vand.u32 v7, v13;
	_ =	sdelay $0x3  }
0x840: {  	[tilespmem:v12+s20+$0x0] =	vst.idx.msk $0xffff, v11;
	v12 =	vld [tilespmem:$0x1F990]  }
0x841: {  	v11 =	vld.idx.msk [tilespmem:v13+s25+$0x0], $0xffff  }
0x842: {  	v13 =	vld [tilespmem:$0x1F9D0];
	_ =	sdelay $0x3  }
0x843: {  	v12 =	vadd.s32 s28, v12  }
0x844: {  	v13 =	vor.u32 s26, v13;
	_ =	sdelay $0x3  }
0x845: {  	[tilespmem:v12+s20+$0x0] =	vst.idx.msk $0xffff, v11;
	v12 =	vld [tilespmem:$0x1F9B0]  }
0x846: {  	v11 =	vld.idx.msk [tilespmem:v13+s25+$0x0], $0xffff  }
0x847: {  	v13 =	vld [tilespmem:$0x1FA10];
	_ =	sdelay $0x3  }
0x848: {  	v12 =	vadd.s32 s28, v12  }
0x849: {  	v13 =	vor.u32 s26, v13;
	_ =	sdelay $0x3  }
0x84a: {  	[tilespmem:v12+s20+$0x0] =	vst.idx.msk $0xffff, v11;
	v12 =	vld [tilespmem:$0x1F9F0]  }
0x84b: {  	v11 =	vld.idx.msk [tilespmem:v13+s25+$0x0], $0xffff  }
0x84c: {  	v13 =	vld [tilespmem:$0x1FA50];
	_ =	sdelay $0x3  }
0x84d: {  	v12 =	vadd.s32 s28, v12  }
0x84e: {  	v13 =	vor.u32 s26, v13;
	_ =	sdelay $0x3  }
0x84f: {  	[tilespmem:v12+s20+$0x0] =	vst.idx.msk $0xffff, v11;
	v12 =	vld [tilespmem:$0x1FA30]  }
0x850: {  	v11 =	vld.idx.msk [tilespmem:v13+s25+$0x0], $0xffff  }
0x851: {  	v13 =	vld [tilespmem:$0x1FA70];
	_ =	sdelay $0x4  }
0x852: {  	v12 =	vadd.s32 s28, v12;
	v13 =	vor.u32 s26, v13  }
0x853: {  	v32 =	vld [tilespmem:$0x1FA90];
	v13 =	vand.u32 v8, v13  }
0x854: {  	v53 =	vld [tilespmem:$0x1FAD0];
	_ =	sdelay $0x2  }
0x855: {  	[tilespmem:v12+s20+$0x0] =	vst.idx.msk $0xffff, v11  }
0x856: {  	v12 =	vadd.s32 s28, v32;
	v11 =	vld.idx.msk [tilespmem:v13+s25+$0x0], $0xffff  }
0x857: {  	v51 =	vld [tilespmem:$0x1FAB0];
	v13 =	vor.u32 s26, v53  }
0x858: {  	v52 =	vld [tilespmem:$0x1FB10];
	_ =	sdelay $0x2  }
0x859: {  	[tilespmem:v12+s20+$0x0] =	vst.idx.msk $0xffff, v11  }
0x85a: {  	v12 =	vadd.s32 s28, v51;
	v11 =	vld.idx.msk [tilespmem:v13+s25+$0x0], $0xffff  }
0x85b: {  	v38 =	vld [tilespmem:$0x1FAF0];
	v13 =	vor.u32 s26, v52  }
0x85c: {  	v50 =	vld [tilespmem:$0x1FB50];
	_ =	sdelay $0x2  }
0x85d: {  	v49 =	vld [tilespmem:$0x1FB30];
	[tilespmem:v12+s20+$0x0] =	vst.idx.msk $0xffff, v11  }
0x85e: {  	v12 =	vadd.s32 s28, v38;
	v11 =	vld.idx.msk [tilespmem:v13+s25+$0x0], $0xffff  }
0x85f: {  	v55 =	vld [tilespmem:$0x1FB70];
	v13 =	vor.u32 s26, v50;
	_ =	sdelay $0x3  }
0x860: {  	[tilespmem:v12+s20+$0x0] =	vst.idx.msk $0xffff, v11  }
0x861: {  	v12 =	vadd.s32 s28, v49;
	v11 =	vld.idx.msk [tilespmem:v13+s25+$0x0], $0xffff;
	v13 =	vor.u32 s26, v55  }
0x862: {  	v13 =	vand.u32 v9, v13;
	_ =	sdelay $0x3  }
0x863: {  	[tilespmem:v12+s20+$0x0] =	vst.idx.msk $0xffff, v11;
	v12 =	vld [tilespmem:$0x1FE40]  }
0x864: {  	v11 =	vld.idx.msk [tilespmem:v13+s25+$0x0], $0xffff  }
0x865: {  	v13 =	vld [tilespmem:$0x1FE60];
	_ =	sdelay $0x3  }
0x866: {  	v12 =	vadd.s32 s28, v12  }
0x867: {  	v13 =	vor.u32 s26, v13;
	_ =	sdelay $0x3  }
0x868: {  	[tilespmem:v12+s20+$0x0] =	vst.idx.msk $0xffff, v11;
	v12 =	vld [tilespmem:$0x1FE50]  }
0x869: {  	v11 =	vld.idx.msk [tilespmem:v13+s25+$0x0], $0xffff  }
0x86a: {  	v13 =	vld [tilespmem:$0x1FE80];
	_ =	sdelay $0x3  }
0x86b: {  	v12 =	vadd.s32 s28, v12  }
0x86c: {  	v13 =	vor.u32 s26, v13;
	_ =	sdelay $0x3  }
0x86d: {  	[tilespmem:v12+s20+$0x0] =	vst.idx.msk $0xffff, v11;
	v12 =	vld [tilespmem:$0x1FE70]  }
0x86e: {  	v11 =	vld.idx.msk [tilespmem:v13+s25+$0x0], $0xffff  }
0x86f: {  	v13 =	vld [tilespmem:$0x1FEA0];
	_ =	sdelay $0x3  }
0x870: {  	v12 =	vadd.s32 s28, v12  }
0x871: {  	v13 =	vor.u32 s26, v13;
	_ =	sdelay $0x3  }
0x872: {  	[tilespmem:v12+s20+$0x0] =	vst.idx.msk $0xffff, v11;
	v12 =	vld [tilespmem:$0x1FE90]  }
0x873: {  	v11 =	vld.idx.msk [tilespmem:v13+s25+$0x0], $0xffff  }
0x874: {  	v13 =	vld [tilespmem:$0x1FEB0];
	_ =	sdelay $0x2  }
0x875: {  	v12 =	vadd.s32 s28, v12;
	_ =	sdelay $0x1  }
0x876: {  	v13 =	vor.u32 s26, v13  }
0x877: {  	v13 =	vand.u32 v10, v13;
	_ =	sdelay $0x1  }
0x878: {  	[tilespmem:v12+s20+$0x0] =	vst.idx.msk $0xffff, v11;
	v12 =	vld [tilespmem:$0x1FEC0];
	_ =	sdelay $0x2  }
0x879: {  	v11 =	vld.idx.msk [tilespmem:v13+s25+$0x0], $0xffff  }
0x87a: {  	v13 =	vld [tilespmem:$0x1FEE0]  }
0x87b: {  	v12 =	vadd.s32 s28, v12;
	_ =	sdelay $0x3  }
0x87c: {  	v13 =	vor.u32 s26, v13  }
0x87d: {  	[tilespmem:v12+s20+$0x0] =	vst.idx.msk $0xffff, v11;
	v12 =	vld [tilespmem:$0x1FED0];
	_ =	sdelay $0x3  }
0x87e: {  	v11 =	vld.idx.msk [tilespmem:v13+s25+$0x0], $0xffff  }
0x87f: {  	v13 =	vld [tilespmem:$0x1FF00];
	v12 =	vadd.s32 s28, v12;
	_ =	sdelay $0x4  }
0x880: {  	v13 =	vor.u32 s26, v13;
	[tilespmem:v12+s20+$0x0] =	vst.idx.msk $0xffff, v11;
	v12 =	vld [tilespmem:$0x1FEF0]  }
0x881: {  	v61 =	vld [tilespmem:$0x1FC50];
	_ =	sdelay $0x3  }
0x882: {  	v11 =	vld.idx.msk [tilespmem:v13+s25+$0x0], $0xffff;
	v12 =	vadd.s32 s28, v12  }
0x883: {  	v59 =	vld [tilespmem:$0x1FC30];
	v13 =	vor.u32 s26, v61;
	_ =	sdelay $0x3  }
0x884: {  	s30 =	simm.s32 $0x400;
	[tilespmem:v12+s20+$0x0] =	vst.idx.msk $0xffff, v11  }
0x885: {  	s31 =	simm.s32 $0x800;
	s26 =	sadd.s32 $0x1, s23;
	v12 =	vadd.s32 s28, v59;
	v11 =	vld.idx.msk [tilespmem:v13+s25+$0x0], $0xffff;
	v13 =	vor.u32 s30, v18  }
.LBB2_9:
0x886: {  	v13 =	vand.u32 v6, v13;
	_ =	sdelay $0x3  }
0x887: {  	[tilespmem:v12+s20+$0x0] =	vst.idx.msk $0xffff, v11  }
0x888: {  	v11 =	vld.idx.msk [tilespmem:v13+s25+$0x0], $0xffff  }
0x889: {  	v13 =	vld [tilespmem:$0x1F300];
	_ =	sdelay $0x2  }
0x88a: {  	s28 =	sadd.s32 $0x4, s28  }
0x88b: {  	v12 =	vadd.s32 s28, v62  }
0x88c: {  	v13 =	vor.u32 s30, v13;
	_ =	sdelay $0x3  }
0x88d: {  	[tilespmem:v12+s20+$0x0] =	vst.idx.msk $0xffff, v11  }
0x88e: {  	v11 =	vld.idx.msk [tilespmem:v13+s25+$0x0], $0xffff  }
0x88f: {  	v13 =	vld [tilespmem:$0x1F320];
	_ =	sdelay $0x3  }
0x890: {  	v12 =	vadd.s32 s28, v20  }
0x891: {  	v13 =	vor.u32 s30, v13;
	_ =	sdelay $0x3  }
0x892: {  	[tilespmem:v12+s20+$0x0] =	vst.idx.msk $0xffff, v11  }
0x893: {  	v11 =	vld.idx.msk [tilespmem:v13+s25+$0x0], $0xffff  }
0x894: {  	v13 =	vld [tilespmem:$0x1F340];
	_ =	sdelay $0x3  }
0x895: {  	v12 =	vadd.s32 s28, v19  }
0x896: {  	v13 =	vor.u32 s30, v13;
	_ =	sdelay $0x3  }
0x897: {  	[tilespmem:v12+s20+$0x0] =	vst.idx.msk $0xffff, v11  }
0x898: {  	v12 =	vadd.s32 s28, v16;
	v11 =	vld.idx.msk [tilespmem:v13+s25+$0x0], $0xffff;
	_ =	sdelay $0x3  }
0x899: {  	v13 =	vor.u32 s30, v17  }
0x89a: {  	v13 =	vand.u32 v3, v13;
	[tilespmem:v12+s20+$0x0] =	vst.idx.msk $0xffff, v11;
	v12 =	vld [tilespmem:$0x1F360];
	_ =	sdelay $0x4  }
0x89b: {  	v11 =	vld.idx.msk [tilespmem:v13+s25+$0x0], $0xffff;
	v12 =	vadd.s32 s28, v12  }
0x89c: {  	v13 =	vor.u32 s30, v14;
	_ =	sdelay $0x3  }
0x89d: {  	[tilespmem:v12+s20+$0x0] =	vst.idx.msk $0xffff, v11;
	v12 =	vld [tilespmem:$0x1F370]  }
0x89e: {  	v11 =	vld.idx.msk [tilespmem:v13+s25+$0x0], $0xffff  }
0x89f: {  	v13 =	vld [tilespmem:$0x1F3A0];
	_ =	sdelay $0x3  }
0x8a0: {  	v12 =	vadd.s32 s28, v12  }
0x8a1: {  	v13 =	vor.u32 s30, v13;
	_ =	sdelay $0x3  }
0x8a2: {  	[tilespmem:v12+s20+$0x0] =	vst.idx.msk $0xffff, v11  }
0x8a3: {  	v11 =	vld.idx.msk [tilespmem:v13+s25+$0x0], $0xffff  }
0x8a4: {  	v13 =	vld [tilespmem:$0x1F3C0];
	_ =	sdelay $0x1  }
0x8a5: {  	v12 =	vadd.s32 s28, v0;
	_ =	sdelay $0x2  }
0x8a6: {  	v13 =	vor.u32 s30, v13;
	_ =	sdelay $0x1  }
0x8a7: {  	[tilespmem:v12+s20+$0x0] =	vst.idx.msk $0xffff, v11;
	v12 =	vld [tilespmem:$0x1F3B0];
	_ =	sdelay $0x2  }
0x8a8: {  	v11 =	vld.idx.msk [tilespmem:v13+s25+$0x0], $0xffff  }
0x8a9: {  	v13 =	vld [tilespmem:$0x1F3D0]  }
0x8aa: {  	v12 =	vadd.s32 s28, v12;
	_ =	sdelay $0x3  }
0x8ab: {  	v13 =	vor.u32 s30, v13  }
0x8ac: {  	[tilespmem:v12+s20+$0x0] =	vst.idx.msk $0xffff, v11;
	v12 =	vld [tilespmem:$0x1FFF0];
	v13 =	vand.u32 v4, v13;
	_ =	sdelay $0x4  }
0x8ad: {  	v12 =	vadd.s32 s28, v12;
	v11 =	vld.idx.msk [tilespmem:v13+s25+$0x0], $0xffff  }
0x8ae: {  	v13 =	vor.u32 s30, v35;
	_ =	sdelay $0x3  }
0x8af: {  	[tilespmem:v12+s20+$0x0] =	vst.idx.msk $0xffff, v11;
	v12 =	vld [tilespmem:$0x1F3F0]  }
0x8b0: {  	v11 =	vld.idx.msk [tilespmem:v13+s25+$0x0], $0xffff  }
0x8b1: {  	v13 =	vld [tilespmem:$0x1F420];
	_ =	sdelay $0x3  }
0x8b2: {  	v12 =	vadd.s32 s28, v12  }
0x8b3: {  	v13 =	vor.u32 s30, v13;
	_ =	sdelay $0x3  }
0x8b4: {  	[tilespmem:v12+s20+$0x0] =	vst.idx.msk $0xffff, v11;
	v12 =	vld [tilespmem:$0x1FFD0]  }
0x8b5: {  	v11 =	vld.idx.msk [tilespmem:v13+s25+$0x0], $0xffff  }
0x8b6: {  	v13 =	vld [tilespmem:$0x1FFE0];
	_ =	sdelay $0x3  }
0x8b7: {  	v12 =	vadd.s32 s28, v12  }
0x8b8: {  	v13 =	vor.u32 s30, v13;
	_ =	sdelay $0x3  }
0x8b9: {  	[tilespmem:v12+s20+$0x0] =	vst.idx.msk $0xffff, v11;
	v12 =	vld [tilespmem:$0x1FFC0]  }
0x8ba: {  	v11 =	vld.idx.msk [tilespmem:v13+s25+$0x0], $0xffff  }
0x8bb: {  	v13 =	vld [tilespmem:$0x1F430];
	_ =	sdelay $0x4  }
0x8bc: {  	v12 =	vadd.s32 s28, v12;
	v13 =	vor.u32 s30, v13  }
0x8bd: {  	v13 =	vand.u32 v5, v13;
	_ =	sdelay $0x3  }
0x8be: {  	[tilespmem:v12+s20+$0x0] =	vst.idx.msk $0xffff, v11;
	v12 =	vld [tilespmem:$0x1FF20]  }
0x8bf: {  	v11 =	vld.idx.msk [tilespmem:v13+s25+$0x0], $0xffff  }
0x8c0: {  	v13 =	vld [tilespmem:$0x1F470];
	_ =	sdelay $0x3  }
0x8c1: {  	v12 =	vadd.s32 s28, v12  }
0x8c2: {  	v13 =	vor.u32 s30, v13;
	_ =	sdelay $0x3  }
0x8c3: {  	[tilespmem:v12+s20+$0x0] =	vst.idx.msk $0xffff, v11;
	v12 =	vld [tilespmem:$0x1F450]  }
0x8c4: {  	v11 =	vld.idx.msk [tilespmem:v13+s25+$0x0], $0xffff  }
0x8c5: {  	v13 =	vld [tilespmem:$0x1F4B0];
	_ =	sdelay $0x3  }
0x8c6: {  	v12 =	vadd.s32 s28, v12  }
0x8c7: {  	v13 =	vor.u32 s30, v13;
	_ =	sdelay $0x3  }
0x8c8: {  	[tilespmem:v12+s20+$0x0] =	vst.idx.msk $0xffff, v11;
	v12 =	vld [tilespmem:$0x1F490]  }
0x8c9: {  	v11 =	vld.idx.msk [tilespmem:v13+s25+$0x0], $0xffff  }
0x8ca: {  	v13 =	vld [tilespmem:$0x1FF30];
	_ =	sdelay $0x3  }
0x8cb: {  	v12 =	vadd.s32 s28, v12  }
0x8cc: {  	v13 =	vor.u32 s30, v13;
	_ =	sdelay $0x3  }
0x8cd: {  	[tilespmem:v12+s20+$0x0] =	vst.idx.msk $0xffff, v11;
	v12 =	vld [tilespmem:$0x1F4D0]  }
0x8ce: {  	v11 =	vld.idx.msk [tilespmem:v13+s25+$0x0], $0xffff  }
0x8cf: {  	v13 =	vld [tilespmem:$0x1FF40];
	_ =	sdelay $0x4  }
0x8d0: {  	v12 =	vadd.s32 s28, v12;
	v13 =	vor.u32 s30, v13  }
0x8d1: {  	v13 =	vand.u32 v7, v13;
	_ =	sdelay $0x3  }
0x8d2: {  	[tilespmem:v12+s20+$0x0] =	vst.idx.msk $0xffff, v11;
	v12 =	vld [tilespmem:$0x1F4E0]  }
0x8d3: {  	v11 =	vld.idx.msk [tilespmem:v13+s25+$0x0], $0xffff  }
0x8d4: {  	v13 =	vld [tilespmem:$0x1F500];
	_ =	sdelay $0x3  }
0x8d5: {  	v12 =	vadd.s32 s28, v12  }
0x8d6: {  	v13 =	vor.u32 s30, v13;
	_ =	sdelay $0x3  }
0x8d7: {  	[tilespmem:v12+s20+$0x0] =	vst.idx.msk $0xffff, v11;
	v12 =	vld [tilespmem:$0x1FF60]  }
0x8d8: {  	v11 =	vld.idx.msk [tilespmem:v13+s25+$0x0], $0xffff  }
0x8d9: {  	v13 =	vld [tilespmem:$0x1FF50];
	_ =	sdelay $0x3  }
0x8da: {  	v12 =	vadd.s32 s28, v12  }
0x8db: {  	v13 =	vor.u32 s30, v13;
	_ =	sdelay $0x3  }
0x8dc: {  	[tilespmem:v12+s20+$0x0] =	vst.idx.msk $0xffff, v11;
	v12 =	vld [tilespmem:$0x1F520]  }
0x8dd: {  	v11 =	vld.idx.msk [tilespmem:v13+s25+$0x0], $0xffff  }
0x8de: {  	v13 =	vld [tilespmem:$0x1FF70];
	_ =	sdelay $0x3  }
0x8df: {  	v12 =	vadd.s32 s28, v12  }
0x8e0: {  	v13 =	vor.u32 s30, v13;
	_ =	sdelay $0x3  }
0x8e1: {  	[tilespmem:v12+s20+$0x0] =	vst.idx.msk $0xffff, v11;
	v12 =	vld [tilespmem:$0x1F530]  }
0x8e2: {  	v11 =	vld.idx.msk [tilespmem:v13+s25+$0x0], $0xffff  }
0x8e3: {  	v13 =	vld [tilespmem:$0x1FF80];
	_ =	sdelay $0x4  }
0x8e4: {  	v12 =	vadd.s32 s28, v12;
	v13 =	vor.u32 s30, v13  }
0x8e5: {  	v13 =	vand.u32 v8, v13;
	_ =	sdelay $0x3  }
0x8e6: {  	[tilespmem:v12+s20+$0x0] =	vst.idx.msk $0xffff, v11;
	v12 =	vld [tilespmem:$0x1F550]  }
0x8e7: {  	v11 =	vld.idx.msk [tilespmem:v13+s25+$0x0], $0xffff  }
0x8e8: {  	v13 =	vld [tilespmem:$0x1F560];
	_ =	sdelay $0x3  }
0x8e9: {  	v12 =	vadd.s32 s28, v12  }
0x8ea: {  	v13 =	vor.u32 s30, v13;
	_ =	sdelay $0x3  }
0x8eb: {  	[tilespmem:v12+s20+$0x0] =	vst.idx.msk $0xffff, v11;
	v12 =	vld [tilespmem:$0x1FFA0]  }
0x8ec: {  	v11 =	vld.idx.msk [tilespmem:v13+s25+$0x0], $0xffff  }
0x8ed: {  	v13 =	vld [tilespmem:$0x1FF90];
	_ =	sdelay $0x3  }
0x8ee: {  	v12 =	vadd.s32 s28, v12  }
0x8ef: {  	v13 =	vor.u32 s30, v13;
	_ =	sdelay $0x3  }
0x8f0: {  	[tilespmem:v12+s20+$0x0] =	vst.idx.msk $0xffff, v11;
	v12 =	vld [tilespmem:$0x1FFB0]  }
0x8f1: {  	v11 =	vld.idx.msk [tilespmem:v13+s25+$0x0], $0xffff  }
0x8f2: {  	v13 =	vld [tilespmem:$0x1F580];
	_ =	sdelay $0x3  }
0x8f3: {  	v12 =	vadd.s32 s28, v12  }
0x8f4: {  	v13 =	vor.u32 s30, v13;
	_ =	sdelay $0x3  }
0x8f5: {  	[tilespmem:v12+s20+$0x0] =	vst.idx.msk $0xffff, v11;
	v12 =	vld [tilespmem:$0x1F570]  }
0x8f6: {  	v11 =	vld.idx.msk [tilespmem:v13+s25+$0x0], $0xffff  }
0x8f7: {  	v13 =	vld [tilespmem:$0x1FF10];
	_ =	sdelay $0x4  }
0x8f8: {  	v12 =	vadd.s32 s28, v12;
	v13 =	vor.u32 s30, v13  }
0x8f9: {  	v13 =	vand.u32 v9, v13;
	_ =	sdelay $0x3  }
0x8fa: {  	[tilespmem:v12+s20+$0x0] =	vst.idx.msk $0xffff, v11;
	v12 =	vld [tilespmem:$0x1F590]  }
0x8fb: {  	v11 =	vld.idx.msk [tilespmem:v13+s25+$0x0], $0xffff  }
0x8fc: {  	v13 =	vld [tilespmem:$0x1F5B0];
	_ =	sdelay $0x3  }
0x8fd: {  	v12 =	vadd.s32 s28, v12  }
0x8fe: {  	v13 =	vor.u32 s30, v13;
	_ =	sdelay $0x3  }
0x8ff: {  	[tilespmem:v12+s20+$0x0] =	vst.idx.msk $0xffff, v11;
	v12 =	vld [tilespmem:$0x1F5A0]  }
0x900: {  	v11 =	vld.idx.msk [tilespmem:v13+s25+$0x0], $0xffff  }
0x901: {  	v13 =	vld [tilespmem:$0x1F5D0];
	_ =	sdelay $0x3  }
0x902: {  	v12 =	vadd.s32 s28, v12  }
0x903: {  	v13 =	vor.u32 s30, v13;
	_ =	sdelay $0x3  }
0x904: {  	[tilespmem:v12+s20+$0x0] =	vst.idx.msk $0xffff, v11;
	v12 =	vld [tilespmem:$0x1F5C0]  }
0x905: {  	v11 =	vld.idx.msk [tilespmem:v13+s25+$0x0], $0xffff  }
0x906: {  	v13 =	vld [tilespmem:$0x1FCE0];
	_ =	sdelay $0x3  }
0x907: {  	v12 =	vadd.s32 s28, v12  }
0x908: {  	v13 =	vor.u32 s30, v13;
	_ =	sdelay $0x3  }
0x909: {  	[tilespmem:v12+s20+$0x0] =	vst.idx.msk $0xffff, v11  }
0x90a: {  	v12 =	vadd.s32 s28, v44;
	v11 =	vld.idx.msk [tilespmem:v13+s25+$0x0], $0xffff;
	v13 =	vor.u32 s30, v25  }
0x90b: {  	v13 =	vand.u32 v10, v13;
	_ =	sdelay $0x3  }
0x90c: {  	[tilespmem:v12+s20+$0x0] =	vst.idx.msk $0xffff, v11  }
0x90d: {  	v12 =	vadd.s32 s28, v26;
	v11 =	vld.idx.msk [tilespmem:v13+s25+$0x0], $0xffff  }
0x90e: {  	v13 =	vor.u32 s30, v63;
	_ =	sdelay $0x3  }
0x90f: {  	[tilespmem:v12+s20+$0x0] =	vst.idx.msk $0xffff, v11  }
0x910: {  	v12 =	vadd.s32 s28, v34;
	v11 =	vld.idx.msk [tilespmem:v13+s25+$0x0], $0xffff  }
0x911: {  	v13 =	vor.u32 s30, v37;
	_ =	sdelay $0x3  }
0x912: {  	[tilespmem:v12+s20+$0x0] =	vst.idx.msk $0xffff, v11  }
0x913: {  	v12 =	vadd.s32 s28, v15;
	v11 =	vld.idx.msk [tilespmem:v13+s25+$0x0], $0xffff  }
0x914: {  	v13 =	vor.u32 s30, v36;
	_ =	sdelay $0x3  }
0x915: {  	[tilespmem:v12+s20+$0x0] =	vst.idx.msk $0xffff, v11  }
0x916: {  	v11 =	vld.idx.msk [tilespmem:v13+s25+$0x0], $0xffff  }
0x917: {  	v13 =	vld [tilespmem:$0x1FCF0];
	_ =	sdelay $0x4  }
0x918: {  	v12 =	vadd.s32 s28, v39;
	v13 =	vor.u32 s30, v13  }
0x919: {  	v13 =	vand.u32 v6, v13;
	_ =	sdelay $0x3  }
0x91a: {  	[tilespmem:v12+s20+$0x0] =	vst.idx.msk $0xffff, v11  }
0x91b: {  	v12 =	vadd.s32 s28, v41;
	v11 =	vld.idx.msk [tilespmem:v13+s25+$0x0], $0xffff  }
0x91c: {  	v13 =	vor.u32 s30, v47;
	_ =	sdelay $0x3  }
0x91d: {  	[tilespmem:v12+s20+$0x0] =	vst.idx.msk $0xffff, v11  }
0x91e: {  	v12 =	vadd.s32 s28, v45;
	v11 =	vld.idx.msk [tilespmem:v13+s25+$0x0], $0xffff  }
0x91f: {  	v13 =	vor.u32 s30, v48;
	_ =	sdelay $0x3  }
0x920: {  	[tilespmem:v12+s20+$0x0] =	vst.idx.msk $0xffff, v11  }
0x921: {  	v11 =	vld.idx.msk [tilespmem:v13+s25+$0x0], $0xffff  }
0x922: {  	v13 =	vld [tilespmem:$0x1F7B0];
	_ =	sdelay $0x3  }
0x923: {  	v12 =	vadd.s32 s28, v46  }
0x924: {  	v13 =	vor.u32 s30, v13;
	_ =	sdelay $0x3  }
0x925: {  	[tilespmem:v12+s20+$0x0] =	vst.idx.msk $0xffff, v11;
	v12 =	vld [tilespmem:$0x1F790]  }
0x926: {  	v11 =	vld.idx.msk [tilespmem:v13+s25+$0x0], $0xffff  }
0x927: {  	v13 =	vld [tilespmem:$0x1FD00];
	_ =	sdelay $0x4  }
0x928: {  	v12 =	vadd.s32 s28, v12;
	v13 =	vor.u32 s30, v13  }
0x929: {  	v13 =	vand.u32 v3, v13;
	_ =	sdelay $0x3  }
0x92a: {  	[tilespmem:v12+s20+$0x0] =	vst.idx.msk $0xffff, v11  }
0x92b: {  	v12 =	vadd.s32 s28, v24;
	v11 =	vld.idx.msk [tilespmem:v13+s25+$0x0], $0xffff  }
0x92c: {  	v13 =	vor.u32 s30, v27;
	_ =	sdelay $0x3  }
0x92d: {  	[tilespmem:v12+s20+$0x0] =	vst.idx.msk $0xffff, v11  }
0x92e: {  	v12 =	vadd.s32 s28, v28;
	v11 =	vld.idx.msk [tilespmem:v13+s25+$0x0], $0xffff  }
0x92f: {  	v13 =	vor.u32 s30, v56;
	_ =	sdelay $0x3  }
0x930: {  	[tilespmem:v12+s20+$0x0] =	vst.idx.msk $0xffff, v11  }
0x931: {  	v12 =	vadd.s32 s28, v30;
	v11 =	vld.idx.msk [tilespmem:v13+s25+$0x0], $0xffff;
	_ =	sdelay $0x4  }
0x932: {  	v13 =	vor.u32 s30, v58;
	[tilespmem:v12+s20+$0x0] =	vst.idx.msk $0xffff, v11;
	v12 =	vld [tilespmem:$0x1FD50];
	_ =	sdelay $0x4  }
0x933: {  	v11 =	vld.idx.msk [tilespmem:v13+s25+$0x0], $0xffff;
	v13 =	vor.u32 s30, v54;
	v12 =	vadd.s32 s28, v12  }
0x934: {  	v13 =	vand.u32 v4, v13;
	_ =	sdelay $0x3  }
0x935: {  	[tilespmem:v12+s20+$0x0] =	vst.idx.msk $0xffff, v11  }
0x936: {  	v12 =	vadd.s32 s28, v57;
	v11 =	vld.idx.msk [tilespmem:v13+s25+$0x0], $0xffff;
	_ =	sdelay $0x4  }
0x937: {  	v13 =	vor.u32 s30, v22;
	[tilespmem:v12+s20+$0x0] =	vst.idx.msk $0xffff, v11;
	v12 =	vld [tilespmem:$0x1FDA0];
	_ =	sdelay $0x4  }
0x938: {  	v11 =	vld.idx.msk [tilespmem:v13+s25+$0x0], $0xffff;
	v12 =	vadd.s32 s28, v12  }
0x939: {  	v13 =	vor.u32 s30, v21;
	_ =	sdelay $0x3  }
0x93a: {  	[tilespmem:v12+s20+$0x0] =	vst.idx.msk $0xffff, v11  }
0x93b: {  	v12 =	vadd.s32 s28, v1;
	v11 =	vld.idx.msk [tilespmem:v13+s25+$0x0], $0xffff  }
0x93c: {  	v13 =	vor.u32 s30, v2;
	_ =	sdelay $0x3  }
0x93d: {  	[tilespmem:v12+s20+$0x0] =	vst.idx.msk $0xffff, v11  }
0x93e: {  	v11 =	vld.idx.msk [tilespmem:v13+s25+$0x0], $0xffff  }
0x93f: {  	v13 =	vld [tilespmem:$0x1FDC0];
	_ =	sdelay $0x4  }
0x940: {  	v12 =	vadd.s32 s28, v31;
	v13 =	vor.u32 s30, v13  }
0x941: {  	v13 =	vand.u32 v5, v13;
	_ =	sdelay $0x3  }
0x942: {  	[tilespmem:v12+s20+$0x0] =	vst.idx.msk $0xffff, v11  }
0x943: {  	v12 =	vadd.s32 s28, v23;
	v11 =	vld.idx.msk [tilespmem:v13+s25+$0x0], $0xffff  }
0x944: {  	v13 =	vor.u32 s30, v29;
	_ =	sdelay $0x3  }
0x945: {  	[tilespmem:v12+s20+$0x0] =	vst.idx.msk $0xffff, v11  }
0x946: {  	v12 =	vadd.s32 s28, v60;
	v11 =	vld.idx.msk [tilespmem:v13+s25+$0x0], $0xffff  }
0x947: {  	v13 =	vor.u32 s30, v33;
	_ =	sdelay $0x3  }
0x948: {  	[tilespmem:v12+s20+$0x0] =	vst.idx.msk $0xffff, v11  }
0x949: {  	v12 =	vadd.s32 s28, v43;
	v11 =	vld.idx.msk [tilespmem:v13+s25+$0x0], $0xffff  }
0x94a: {  	v13 =	vor.u32 s30, v42;
	_ =	sdelay $0x3  }
0x94b: {  	[tilespmem:v12+s20+$0x0] =	vst.idx.msk $0xffff, v11  }
0x94c: {  	v11 =	vld.idx.msk [tilespmem:v13+s25+$0x0], $0xffff  }
0x94d: {  	v13 =	vld [tilespmem:$0x1F970];
	_ =	sdelay $0x4  }
0x94e: {  	v12 =	vadd.s32 s28, v40;
	v13 =	vor.u32 s30, v13  }
0x94f: {  	v13 =	vand.u32 v7, v13;
	_ =	sdelay $0x3  }
0x950: {  	[tilespmem:v12+s20+$0x0] =	vst.idx.msk $0xffff, v11;
	v12 =	vld [tilespmem:$0x1F990]  }
0x951: {  	v11 =	vld.idx.msk [tilespmem:v13+s25+$0x0], $0xffff  }
0x952: {  	v13 =	vld [tilespmem:$0x1F9D0];
	_ =	sdelay $0x3  }
0x953: {  	v12 =	vadd.s32 s28, v12  }
0x954: {  	v13 =	vor.u32 s30, v13;
	_ =	sdelay $0x3  }
0x955: {  	[tilespmem:v12+s20+$0x0] =	vst.idx.msk $0xffff, v11;
	v12 =	vld [tilespmem:$0x1F9B0]  }
0x956: {  	v11 =	vld.idx.msk [tilespmem:v13+s25+$0x0], $0xffff  }
0x957: {  	v13 =	vld [tilespmem:$0x1FA10];
	_ =	sdelay $0x3  }
0x958: {  	v12 =	vadd.s32 s28, v12  }
0x959: {  	v13 =	vor.u32 s30, v13;
	_ =	sdelay $0x3  }
0x95a: {  	[tilespmem:v12+s20+$0x0] =	vst.idx.msk $0xffff, v11;
	v12 =	vld [tilespmem:$0x1F9F0]  }
0x95b: {  	v11 =	vld.idx.msk [tilespmem:v13+s25+$0x0], $0xffff  }
0x95c: {  	v13 =	vld [tilespmem:$0x1FA50];
	_ =	sdelay $0x3  }
0x95d: {  	v12 =	vadd.s32 s28, v12  }
0x95e: {  	v13 =	vor.u32 s30, v13;
	_ =	sdelay $0x3  }
0x95f: {  	[tilespmem:v12+s20+$0x0] =	vst.idx.msk $0xffff, v11;
	v12 =	vld [tilespmem:$0x1FA30]  }
0x960: {  	v11 =	vld.idx.msk [tilespmem:v13+s25+$0x0], $0xffff  }
0x961: {  	v13 =	vld [tilespmem:$0x1FA70];
	_ =	sdelay $0x4  }
0x962: {  	v12 =	vadd.s32 s28, v12;
	v13 =	vor.u32 s30, v13  }
0x963: {  	v13 =	vand.u32 v8, v13;
	_ =	sdelay $0x3  }
0x964: {  	[tilespmem:v12+s20+$0x0] =	vst.idx.msk $0xffff, v11  }
0x965: {  	v12 =	vadd.s32 s28, v32;
	v11 =	vld.idx.msk [tilespmem:v13+s25+$0x0], $0xffff  }
0x966: {  	v13 =	vor.u32 s30, v53;
	_ =	sdelay $0x3  }
0x967: {  	[tilespmem:v12+s20+$0x0] =	vst.idx.msk $0xffff, v11  }
0x968: {  	v12 =	vadd.s32 s28, v51;
	v11 =	vld.idx.msk [tilespmem:v13+s25+$0x0], $0xffff  }
0x969: {  	v13 =	vor.u32 s30, v52;
	_ =	sdelay $0x3  }
0x96a: {  	[tilespmem:v12+s20+$0x0] =	vst.idx.msk $0xffff, v11  }
0x96b: {  	v12 =	vadd.s32 s28, v38;
	v11 =	vld.idx.msk [tilespmem:v13+s25+$0x0], $0xffff  }
0x96c: {  	v13 =	vor.u32 s30, v50;
	_ =	sdelay $0x3  }
0x96d: {  	[tilespmem:v12+s20+$0x0] =	vst.idx.msk $0xffff, v11  }
0x96e: {  	v12 =	vadd.s32 s28, v49;
	v11 =	vld.idx.msk [tilespmem:v13+s25+$0x0], $0xffff;
	v13 =	vor.u32 s30, v55  }
0x96f: {  	v13 =	vand.u32 v9, v13;
	_ =	sdelay $0x3  }
0x970: {  	[tilespmem:v12+s20+$0x0] =	vst.idx.msk $0xffff, v11;
	v12 =	vld [tilespmem:$0x1FE40]  }
0x971: {  	v11 =	vld.idx.msk [tilespmem:v13+s25+$0x0], $0xffff  }
0x972: {  	v13 =	vld [tilespmem:$0x1FE60];
	_ =	sdelay $0x3  }
0x973: {  	v12 =	vadd.s32 s28, v12  }
0x974: {  	v13 =	vor.u32 s30, v13;
	_ =	sdelay $0x3  }
0x975: {  	[tilespmem:v12+s20+$0x0] =	vst.idx.msk $0xffff, v11;
	v12 =	vld [tilespmem:$0x1FE50]  }
0x976: {  	v11 =	vld.idx.msk [tilespmem:v13+s25+$0x0], $0xffff  }
0x977: {  	v13 =	vld [tilespmem:$0x1FE80];
	_ =	sdelay $0x3  }
0x978: {  	v12 =	vadd.s32 s28, v12  }
0x979: {  	v13 =	vor.u32 s30, v13;
	_ =	sdelay $0x3  }
0x97a: {  	[tilespmem:v12+s20+$0x0] =	vst.idx.msk $0xffff, v11;
	v12 =	vld [tilespmem:$0x1FE70]  }
0x97b: {  	v11 =	vld.idx.msk [tilespmem:v13+s25+$0x0], $0xffff  }
0x97c: {  	v13 =	vld [tilespmem:$0x1FEA0];
	_ =	sdelay $0x3  }
0x97d: {  	v12 =	vadd.s32 s28, v12  }
0x97e: {  	v13 =	vor.u32 s30, v13;
	_ =	sdelay $0x3  }
0x97f: {  	[tilespmem:v12+s20+$0x0] =	vst.idx.msk $0xffff, v11;
	v12 =	vld [tilespmem:$0x1FE90]  }
0x980: {  	v11 =	vld.idx.msk [tilespmem:v13+s25+$0x0], $0xffff  }
0x981: {  	v13 =	vld [tilespmem:$0x1FEB0];
	_ =	sdelay $0x2  }
0x982: {  	v12 =	vadd.s32 s28, v12;
	_ =	sdelay $0x1  }
0x983: {  	v13 =	vor.u32 s30, v13  }
0x984: {  	v13 =	vand.u32 v10, v13;
	_ =	sdelay $0x1  }
0x985: {  	[tilespmem:v12+s20+$0x0] =	vst.idx.msk $0xffff, v11;
	v12 =	vld [tilespmem:$0x1FEC0];
	_ =	sdelay $0x2  }
0x986: {  	v11 =	vld.idx.msk [tilespmem:v13+s25+$0x0], $0xffff  }
0x987: {  	v13 =	vld [tilespmem:$0x1FEE0]  }
0x988: {  	v12 =	vadd.s32 s28, v12;
	_ =	sdelay $0x3  }
0x989: {  	v13 =	vor.u32 s30, v13  }
0x98a: {  	[tilespmem:v12+s20+$0x0] =	vst.idx.msk $0xffff, v11;
	v12 =	vld [tilespmem:$0x1FED0];
	_ =	sdelay $0x3  }
0x98b: {  	v11 =	vld.idx.msk [tilespmem:v13+s25+$0x0], $0xffff  }
0x98c: {  	v13 =	vld [tilespmem:$0x1FF00];
	v12 =	vadd.s32 s28, v12;
	_ =	sdelay $0x4  }
0x98d: {  	v13 =	vor.u32 s30, v13;
	[tilespmem:v12+s20+$0x0] =	vst.idx.msk $0xffff, v11;
	v12 =	vld [tilespmem:$0x1FEF0];
	_ =	sdelay $0x4  }
0x98e: {  	v11 =	vld.idx.msk [tilespmem:v13+s25+$0x0], $0xffff;
	v12 =	vadd.s32 s28, v12  }
0x98f: {  	p2 =	sne.s32 s31, $0x6000;
	v13 =	vor.u32 s30, v61  }
.Ltmp3:
0x990: {  	_ = 	snop;
	(pc) =	sbr.rel @p2 .LBB2_9-.Ltmp3, $3  }
0x991: {  	_ =	sdelay $0x1  }
0x992: {  	s30 =	smov.u32 s31;
	[tilespmem:v12+s20+$0x0] =	vst.idx.msk $0xffff, v11  }
0x993: {  	s31 =	sadd.s32 $0x400, s31;
	v12 =	vadd.s32 s28, v59;
	v11 =	vld.idx.msk [tilespmem:v13+s25+$0x0], $0xffff;
	v13 =	vor.u32 s30, v18  }
0x994: {  	v13 =	vand.u32 v6, v13  }
0x995: {  	v18 =	vld [tilespmem:$0x1F300];
	_ =	sdelay $0x2  }
0x996: {  	s28 =	sadd.s32 $0x4, s28;
	[tilespmem:v12+s20+$0x0] =	vst.idx.msk $0xffff, v11  }
0x997: {  	v62 =	vadd.s32 s28, v62;
	v11 =	vld.idx.msk [tilespmem:v13+s25+$0x0], $0xffff  }
0x998: {  	v13 =	vor.u32 s30, v18  }
0x999: {  	v18 =	vld [tilespmem:$0x1F320];
	_ =	sdelay $0x2  }
0x99a: {  	[tilespmem:v62+s20+$0x0] =	vst.idx.msk $0xffff, v11  }
0x99b: {  	v62 =	vadd.s32 s28, v20;
	v11 =	vld.idx.msk [tilespmem:v13+s25+$0x0], $0xffff  }
0x99c: {  	v13 =	vor.u32 s30, v18  }
0x99d: {  	v18 =	vld [tilespmem:$0x1F340];
	_ =	sdelay $0x2  }
0x99e: {  	[tilespmem:v62+s20+$0x0] =	vst.idx.msk $0xffff, v11  }
0x99f: {  	v62 =	vadd.s32 s28, v19;
	v11 =	vld.idx.msk [tilespmem:v13+s25+$0x0], $0xffff  }
0x9a0: {  	v13 =	vor.u32 s30, v18;
	_ =	sdelay $0x3  }
0x9a1: {  	[tilespmem:v62+s20+$0x0] =	vst.idx.msk $0xffff, v11  }
0x9a2: {  	v19 =	vadd.s32 s28, v16;
	v62 =	vor.u32 s30, v17;
	v11 =	vld.idx.msk [tilespmem:v13+s25+$0x0], $0xffff  }
0x9a3: {  	v16 =	vld [tilespmem:$0x1F360];
	v13 =	vand.u32 v3, v62;
	_ =	sdelay $0x3  }
0x9a4: {  	[tilespmem:v19+s20+$0x0] =	vst.idx.msk $0xffff, v11  }
0x9a5: {  	v12 =	vadd.s32 s28, v16;
	v11 =	vld.idx.msk [tilespmem:v13+s25+$0x0], $0xffff  }
0x9a6: {  	v18 =	vld [tilespmem:$0x1F370];
	v17 =	vor.u32 s30, v14  }
0x9a7: {  	v19 =	vld [tilespmem:$0x1F3A0];
	_ =	sdelay $0x2  }
0x9a8: {  	v62 =	vadd.s32 s28, v0;
	v0 =	vld [tilespmem:$0x1F3C0];
	[tilespmem:v12+s20+$0x0] =	vst.idx.msk $0xffff, v11  }
0x9a9: {  	v12 =	vadd.s32 s28, v18;
	v11 =	vld.idx.msk [tilespmem:v17+s25+$0x0], $0xffff  }
0x9aa: {  	v13 =	vor.u32 s30, v19;
	_ =	sdelay $0x3  }
0x9ab: {  	v16 =	vor.u32 s30, v0;
	v0 =	vld [tilespmem:$0x1F3D0];
	[tilespmem:v12+s20+$0x0] =	vst.idx.msk $0xffff, v11  }
0x9ac: {  	v11 =	vld.idx.msk [tilespmem:v13+s25+$0x0], $0xffff  }
0x9ad: {  	v17 =	vld [tilespmem:$0x1F3B0];
	_ =	sdelay $0x3  }
0x9ae: {  	v18 =	vor.u32 s30, v0;
	v0 =	vld [tilespmem:$0x1FFF0];
	[tilespmem:v62+s20+$0x0] =	vst.idx.msk $0xffff, v11  }
0x9af: {  	v12 =	vadd.s32 s28, v17;
	v11 =	vld.idx.msk [tilespmem:v16+s25+$0x0], $0xffff  }
0x9b0: {  	v13 =	vand.u32 v4, v18;
	_ =	sdelay $0x2  }
0x9b1: {  	v19 =	vadd.s32 s28, v0;
	v0 =	vld [tilespmem:$0x1F420]  }
0x9b2: {  	[tilespmem:v12+s20+$0x0] =	vst.idx.msk $0xffff, v11  }
0x9b3: {  	v11 =	vld.idx.msk [tilespmem:v13+s25+$0x0], $0xffff  }
0x9b4: {  	v35 =	vor.u32 s30, v35;
	v62 =	vld [tilespmem:$0x1F3F0];
	_ =	sdelay $0x1  }
0x9b5: {  	v16 =	vor.u32 s30, v0;
	v0 =	vld [tilespmem:$0x1FFD0];
	_ =	sdelay $0x1  }
0x9b6: {  	[tilespmem:v19+s20+$0x0] =	vst.idx.msk $0xffff, v11  }
0x9b7: {  	v12 =	vadd.s32 s28, v62;
	v11 =	vld.idx.msk [tilespmem:v35+s25+$0x0], $0xffff;
	_ =	sdelay $0x1  }
0x9b8: {  	v17 =	vadd.s32 s28, v0;
	v0 =	vld [tilespmem:$0x1FFE0];
	_ =	sdelay $0x2  }
0x9b9: {  	v14 =	vld [tilespmem:$0x1FFC0];
	[tilespmem:v12+s20+$0x0] =	vst.idx.msk $0xffff, v11  }
0x9ba: {  	v11 =	vld.idx.msk [tilespmem:v16+s25+$0x0], $0xffff  }
0x9bb: {  	v18 =	vor.u32 s30, v0;
	v35 =	vld [tilespmem:$0x1F430];
	_ =	sdelay $0x3  }
0x9bc: {  	v0 =	vld [tilespmem:$0x1FF20];
	[tilespmem:v17+s20+$0x0] =	vst.idx.msk $0xffff, v11  }
0x9bd: {  	v19 =	vadd.s32 s28, v14;
	v13 =	vor.u32 s30, v35;
	v11 =	vld.idx.msk [tilespmem:v18+s25+$0x0], $0xffff  }
0x9be: {  	v13 =	vand.u32 v5, v13  }
0x9bf: {  	v16 =	vld [tilespmem:$0x1F470];
	_ =	sdelay $0x1  }
0x9c0: {  	v62 =	vadd.s32 s28, v0;
	v0 =	vld [tilespmem:$0x1F4B0]  }
0x9c1: {  	v17 =	vld [tilespmem:$0x1F450];
	[tilespmem:v19+s20+$0x0] =	vst.idx.msk $0xffff, v11  }
0x9c2: {  	v11 =	vld.idx.msk [tilespmem:v13+s25+$0x0], $0xffff  }
0x9c3: {  	v13 =	vor.u32 s30, v16;
	_ =	sdelay $0x1  }
0x9c4: {  	v18 =	vor.u32 s30, v0;
	v0 =	vld [tilespmem:$0x1F4D0];
	_ =	sdelay $0x1  }
0x9c5: {  	v12 =	vadd.s32 s28, v17;
	v17 =	vld [tilespmem:$0x1FF30];
	[tilespmem:v62+s20+$0x0] =	vst.idx.msk $0xffff, v11  }
0x9c6: {  	v11 =	vld.idx.msk [tilespmem:v13+s25+$0x0], $0xffff  }
0x9c7: {  	v19 =	vld [tilespmem:$0x1F490]  }
0x9c8: {  	v62 =	vadd.s32 s28, v0;
	v0 =	vld [tilespmem:$0x1F4E0];
	_ =	sdelay $0x2  }
0x9c9: {  	[tilespmem:v12+s20+$0x0] =	vst.idx.msk $0xffff, v11  }
0x9ca: {  	v12 =	vadd.s32 s28, v19;
	v11 =	vld.idx.msk [tilespmem:v18+s25+$0x0], $0xffff  }
0x9cb: {  	v35 =	vor.u32 s30, v17;
	v19 =	vadd.s32 s28, v0;
	v0 =	vld [tilespmem:$0x1F500]  }
0x9cc: {  	v18 =	vld [tilespmem:$0x1FF40];
	_ =	sdelay $0x2  }
0x9cd: {  	[tilespmem:v12+s20+$0x0] =	vst.idx.msk $0xffff, v11  }
0x9ce: {  	v11 =	vld.idx.msk [tilespmem:v35+s25+$0x0], $0xffff  }
0x9cf: {  	v16 =	vor.u32 s30, v18;
	v35 =	vor.u32 s30, v0;
	v0 =	vld [tilespmem:$0x1FF50]  }
0x9d0: {  	v13 =	vand.u32 v7, v16;
	_ =	sdelay $0x3  }
0x9d1: {  	[tilespmem:v62+s20+$0x0] =	vst.idx.msk $0xffff, v11;
	v16 =	vor.u32 s30, v0;
	v0 =	vld [tilespmem:$0x1F520]  }
0x9d2: {  	v11 =	vld.idx.msk [tilespmem:v13+s25+$0x0], $0xffff;
	_ =	sdelay $0x3  }
0x9d3: {  	v20 =	vld [tilespmem:$0x1FF60]  }
0x9d4: {  	[tilespmem:v19+s20+$0x0] =	vst.idx.msk $0xffff, v11;
	v19 =	vadd.s32 s28, v0;
	v0 =	vld [tilespmem:$0x1FF70];
	_ =	sdelay $0x3  }
0x9d5: {  	v11 =	vld.idx.msk [tilespmem:v35+s25+$0x0], $0xffff  }
0x9d6: {  	v62 =	vadd.s32 s28, v20;
	v35 =	vor.u32 s30, v0;
	v0 =	vld [tilespmem:$0x1F530];
	_ =	sdelay $0x4  }
0x9d7: {  	[tilespmem:v62+s20+$0x0] =	vst.idx.msk $0xffff, v11;
	v62 =	vadd.s32 s28, v0;
	v0 =	vld [tilespmem:$0x1FF80];
	_ =	sdelay $0x3  }
0x9d8: {  	v11 =	vld.idx.msk [tilespmem:v16+s25+$0x0], $0xffff  }
0x9d9: {  	v16 =	vor.u32 s30, v0;
	v0 =	vld [tilespmem:$0x1F550];
	_ =	sdelay $0x4  }
0x9da: {  	[tilespmem:v19+s20+$0x0] =	vst.idx.msk $0xffff, v11;
	v19 =	vadd.s32 s28, v0;
	v0 =	vld [tilespmem:$0x1F560];
	_ =	sdelay $0x3  }
0x9db: {  	v11 =	vld.idx.msk [tilespmem:v35+s25+$0x0], $0xffff  }
0x9dc: {  	v35 =	vor.u32 s30, v0;
	v0 =	vld [tilespmem:$0x1FFA0];
	_ =	sdelay $0x3  }
0x9dd: {  	v13 =	vand.u32 v8, v16  }
0x9de: {  	[tilespmem:v62+s20+$0x0] =	vst.idx.msk $0xffff, v11;
	v62 =	vadd.s32 s28, v0;
	v0 =	vld [tilespmem:$0x1FF90];
	_ =	sdelay $0x3  }
0x9df: {  	v11 =	vld.idx.msk [tilespmem:v13+s25+$0x0], $0xffff  }
0x9e0: {  	v16 =	vor.u32 s30, v0;
	v0 =	vld [tilespmem:$0x1FFB0];
	_ =	sdelay $0x4  }
0x9e1: {  	[tilespmem:v19+s20+$0x0] =	vst.idx.msk $0xffff, v11;
	v19 =	vadd.s32 s28, v0;
	v0 =	vld [tilespmem:$0x1F580];
	_ =	sdelay $0x3  }
0x9e2: {  	v11 =	vld.idx.msk [tilespmem:v35+s25+$0x0], $0xffff  }
0x9e3: {  	v35 =	vor.u32 s30, v0;
	v0 =	vld [tilespmem:$0x1F570];
	_ =	sdelay $0x4  }
0x9e4: {  	[tilespmem:v62+s20+$0x0] =	vst.idx.msk $0xffff, v11;
	v62 =	vadd.s32 s28, v0;
	v0 =	vld [tilespmem:$0x1FF10];
	_ =	sdelay $0x3  }
0x9e5: {  	v11 =	vld.idx.msk [tilespmem:v16+s25+$0x0], $0xffff  }
0x9e6: {  	v16 =	vor.u32 s30, v0;
	v0 =	vld [tilespmem:$0x1F590];
	_ =	sdelay $0x4  }
0x9e7: {  	[tilespmem:v19+s20+$0x0] =	vst.idx.msk $0xffff, v11;
	v19 =	vadd.s32 s28, v0;
	v0 =	vld [tilespmem:$0x1F5B0];
	_ =	sdelay $0x3  }
0x9e8: {  	v11 =	vld.idx.msk [tilespmem:v35+s25+$0x0], $0xffff  }
0x9e9: {  	v35 =	vor.u32 s30, v0;
	v0 =	vld [tilespmem:$0x1F5A0];
	_ =	sdelay $0x1  }
0x9ea: {  	v13 =	vand.u32 v9, v16;
	_ =	sdelay $0x2  }
0x9eb: {  	[tilespmem:v62+s20+$0x0] =	vst.idx.msk $0xffff, v11;
	v62 =	vadd.s32 s28, v0;
	v0 =	vld [tilespmem:$0x1F5D0];
	_ =	sdelay $0x1  }
0x9ec: {  	v11 =	vld.idx.msk [tilespmem:v13+s25+$0x0], $0xffff;
	_ =	sdelay $0x2  }
0x9ed: {  	v16 =	vor.u32 s30, v0;
	v0 =	vld [tilespmem:$0x1F5C0];
	_ =	sdelay $0x1  }
0x9ee: {  	[tilespmem:v19+s20+$0x0] =	vst.idx.msk $0xffff, v11  }
0x9ef: {  	v11 =	vld.idx.msk [tilespmem:v35+s25+$0x0], $0xffff;
	_ =	sdelay $0x1  }
0x9f0: {  	v19 =	vadd.s32 s28, v0;
	v0 =	vld [tilespmem:$0x1FCE0];
	_ =	sdelay $0x2  }
0x9f1: {  	[tilespmem:v62+s20+$0x0] =	vst.idx.msk $0xffff, v11  }
0x9f2: {  	v11 =	vld.idx.msk [tilespmem:v16+s25+$0x0], $0xffff  }
0x9f3: {  	v35 =	vor.u32 s30, v0;
	_ =	sdelay $0x3  }
0x9f4: {  	[tilespmem:v19+s20+$0x0] =	vst.idx.msk $0xffff, v11  }
0x9f5: {  	v44 =	vadd.s32 s28, v44;
	v62 =	vor.u32 s30, v25;
	v11 =	vld.idx.msk [tilespmem:v35+s25+$0x0], $0xffff  }
0x9f6: {  	v13 =	vand.u32 v10, v62;
	_ =	sdelay $0x3  }
0x9f7: {  	[tilespmem:v44+s20+$0x0] =	vst.idx.msk $0xffff, v11  }
0x9f8: {  	v16 =	vadd.s32 s28, v26;
	v11 =	vld.idx.msk [tilespmem:v13+s25+$0x0], $0xffff  }
0x9f9: {  	v19 =	vor.u32 s30, v63;
	_ =	sdelay $0x3  }
0x9fa: {  	[tilespmem:v16+s20+$0x0] =	vst.idx.msk $0xffff, v11  }
0x9fb: {  	v25 =	vadd.s32 s28, v34;
	v11 =	vld.idx.msk [tilespmem:v19+s25+$0x0], $0xffff  }
0x9fc: {  	v26 =	vor.u32 s30, v37;
	_ =	sdelay $0x3  }
0x9fd: {  	[tilespmem:v25+s20+$0x0] =	vst.idx.msk $0xffff, v11  }
0x9fe: {  	v34 =	vadd.s32 s28, v15;
	v11 =	vld.idx.msk [tilespmem:v26+s25+$0x0], $0xffff  }
0x9ff: {  	v37 =	vld [tilespmem:$0x1FCF0];
	v35 =	vor.u32 s30, v36;
	_ =	sdelay $0x3  }
0xa00: {  	[tilespmem:v34+s20+$0x0] =	vst.idx.msk $0xffff, v11  }
0xa01: {  	v36 =	vadd.s32 s28, v39;
	v39 =	vor.u32 s30, v37;
	v11 =	vld.idx.msk [tilespmem:v35+s25+$0x0], $0xffff  }
0xa02: {  	v13 =	vand.u32 v6, v39;
	_ =	sdelay $0x3  }
0xa03: {  	[tilespmem:v36+s20+$0x0] =	vst.idx.msk $0xffff, v11  }
0xa04: {  	v41 =	vadd.s32 s28, v41;
	v11 =	vld.idx.msk [tilespmem:v13+s25+$0x0], $0xffff  }
0xa05: {  	v44 =	vor.u32 s30, v47;
	_ =	sdelay $0x3  }
0xa06: {  	[tilespmem:v41+s20+$0x0] =	vst.idx.msk $0xffff, v11  }
0xa07: {  	v45 =	vadd.s32 s28, v45;
	v11 =	vld.idx.msk [tilespmem:v44+s25+$0x0], $0xffff  }
0xa08: {  	v47 =	vor.u32 s30, v48  }
0xa09: {  	v0 =	vld [tilespmem:$0x1F7B0];
	_ =	sdelay $0x2  }
0xa0a: {  	v15 =	vld [tilespmem:$0x1FD00];
	[tilespmem:v45+s20+$0x0] =	vst.idx.msk $0xffff, v11  }
0xa0b: {  	v48 =	vadd.s32 s28, v46;
	v11 =	vld.idx.msk [tilespmem:v47+s25+$0x0], $0xffff  }
0xa0c: {  	v62 =	vor.u32 s30, v0;
	v0 =	vld [tilespmem:$0x1F790];
	_ =	sdelay $0x3  }
0xa0d: {  	[tilespmem:v48+s20+$0x0] =	vst.idx.msk $0xffff, v11  }
0xa0e: {  	v63 =	vadd.s32 s28, v0;
	v16 =	vor.u32 s30, v15;
	v11 =	vld.idx.msk [tilespmem:v62+s25+$0x0], $0xffff  }
0xa0f: {  	v13 =	vand.u32 v3, v16;
	_ =	sdelay $0x3  }
0xa10: {  	[tilespmem:v63+s20+$0x0] =	vst.idx.msk $0xffff, v11  }
0xa11: {  	v19 =	vadd.s32 s28, v24;
	v11 =	vld.idx.msk [tilespmem:v13+s25+$0x0], $0xffff  }
0xa12: {  	v24 =	vor.u32 s30, v27;
	_ =	sdelay $0x3  }
0xa13: {  	[tilespmem:v19+s20+$0x0] =	vst.idx.msk $0xffff, v11  }
0xa14: {  	v25 =	vadd.s32 s28, v28;
	v11 =	vld.idx.msk [tilespmem:v24+s25+$0x0], $0xffff  }
0xa15: {  	v26 =	vor.u32 s30, v56;
	_ =	sdelay $0x3  }
0xa16: {  	[tilespmem:v25+s20+$0x0] =	vst.idx.msk $0xffff, v11  }
0xa17: {  	v27 =	vadd.s32 s28, v30;
	v11 =	vld.idx.msk [tilespmem:v26+s25+$0x0], $0xffff  }
0xa18: {  	v30 =	vld [tilespmem:$0x1FD50];
	v28 =	vor.u32 s30, v58;
	_ =	sdelay $0x3  }
0xa19: {  	[tilespmem:v27+s20+$0x0] =	vst.idx.msk $0xffff, v11  }
0xa1a: {  	v34 =	vadd.s32 s28, v30;
	v35 =	vor.u32 s30, v54;
	v11 =	vld.idx.msk [tilespmem:v28+s25+$0x0], $0xffff  }
0xa1b: {  	v13 =	vand.u32 v4, v35;
	_ =	sdelay $0x3  }
0xa1c: {  	[tilespmem:v34+s20+$0x0] =	vst.idx.msk $0xffff, v11  }
0xa1d: {  	v36 =	vadd.s32 s28, v57;
	v11 =	vld.idx.msk [tilespmem:v13+s25+$0x0], $0xffff  }
0xa1e: {  	v37 =	vor.u32 s30, v22;
	v39 =	vld [tilespmem:$0x1FDA0];
	_ =	sdelay $0x3  }
0xa1f: {  	[tilespmem:v36+s20+$0x0] =	vst.idx.msk $0xffff, v11  }
0xa20: {  	v41 =	vadd.s32 s28, v39;
	v11 =	vld.idx.msk [tilespmem:v37+s25+$0x0], $0xffff  }
0xa21: {  	v44 =	vor.u32 s30, v21;
	_ =	sdelay $0x3  }
0xa22: {  	[tilespmem:v41+s20+$0x0] =	vst.idx.msk $0xffff, v11  }
0xa23: {  	v45 =	vadd.s32 s28, v1;
	v11 =	vld.idx.msk [tilespmem:v44+s25+$0x0], $0xffff  }
0xa24: {  	v46 =	vor.u32 s30, v2;
	v0 =	vld [tilespmem:$0x1FDC0];
	_ =	sdelay $0x3  }
0xa25: {  	[tilespmem:v45+s20+$0x0] =	vst.idx.msk $0xffff, v11  }
0xa26: {  	v47 =	vadd.s32 s28, v31;
	v48 =	vor.u32 s30, v0;
	v11 =	vld.idx.msk [tilespmem:v46+s25+$0x0], $0xffff  }
0xa27: {  	v13 =	vand.u32 v5, v48;
	_ =	sdelay $0x3  }
0xa28: {  	v0 =	vld [tilespmem:$0x1F970];
	[tilespmem:v47+s20+$0x0] =	vst.idx.msk $0xffff, v11  }
0xa29: {  	v54 =	vadd.s32 s28, v23;
	v11 =	vld.idx.msk [tilespmem:v13+s25+$0x0], $0xffff  }
0xa2a: {  	v56 =	vor.u32 s30, v29;
	_ =	sdelay $0x3  }
0xa2b: {  	v16 =	vor.u32 s30, v0;
	v0 =	vld [tilespmem:$0x1F9D0];
	[tilespmem:v54+s20+$0x0] =	vst.idx.msk $0xffff, v11  }
0xa2c: {  	v57 =	vadd.s32 s28, v60;
	v11 =	vld.idx.msk [tilespmem:v56+s25+$0x0], $0xffff  }
0xa2d: {  	v58 =	vor.u32 s30, v33;
	_ =	sdelay $0x3  }
0xa2e: {  	v25 =	vor.u32 s30, v0;
	v0 =	vld [tilespmem:$0x1F9B0];
	[tilespmem:v57+s20+$0x0] =	vst.idx.msk $0xffff, v11  }
0xa2f: {  	v60 =	vadd.s32 s28, v43;
	v11 =	vld.idx.msk [tilespmem:v58+s25+$0x0], $0xffff  }
0xa30: {  	v62 =	vor.u32 s30, v42;
	_ =	sdelay $0x3  }
0xa31: {  	v26 =	vadd.s32 s28, v0;
	v0 =	vld [tilespmem:$0x1FA10];
	[tilespmem:v60+s20+$0x0] =	vst.idx.msk $0xffff, v11  }
0xa32: {  	v63 =	vadd.s32 s28, v40;
	v11 =	vld.idx.msk [tilespmem:v62+s25+$0x0], $0xffff  }
0xa33: {  	v19 =	vld [tilespmem:$0x1F990];
	v13 =	vand.u32 v7, v16;
	_ =	sdelay $0x2  }
0xa34: {  	v27 =	vor.u32 s30, v0;
	v0 =	vld [tilespmem:$0x1F9F0]  }
0xa35: {  	[tilespmem:v63+s20+$0x0] =	vst.idx.msk $0xffff, v11  }
0xa36: {  	v24 =	vadd.s32 s28, v19;
	v11 =	vld.idx.msk [tilespmem:v13+s25+$0x0], $0xffff;
	_ =	sdelay $0x2  }
0xa37: {  	v28 =	vadd.s32 s28, v0;
	v0 =	vld [tilespmem:$0x1FA50];
	_ =	sdelay $0x1  }
0xa38: {  	[tilespmem:v24+s20+$0x0] =	vst.idx.msk $0xffff, v11  }
0xa39: {  	v11 =	vld.idx.msk [tilespmem:v25+s25+$0x0], $0xffff;
	_ =	sdelay $0x1  }
0xa3a: {  	v29 =	vor.u32 s30, v0;
	v0 =	vld [tilespmem:$0x1FA30];
	_ =	sdelay $0x2  }
0xa3b: {  	[tilespmem:v26+s20+$0x0] =	vst.idx.msk $0xffff, v11  }
0xa3c: {  	v11 =	vld.idx.msk [tilespmem:v27+s25+$0x0], $0xffff  }
0xa3d: {  	v30 =	vadd.s32 s28, v0;
	v0 =	vld [tilespmem:$0x1FA70];
	_ =	sdelay $0x3  }
0xa3e: {  	[tilespmem:v28+s20+$0x0] =	vst.idx.msk $0xffff, v11  }
0xa3f: {  	v31 =	vor.u32 s30, v0;
	v11 =	vld.idx.msk [tilespmem:v29+s25+$0x0], $0xffff  }
0xa40: {  	v13 =	vand.u32 v8, v31;
	_ =	sdelay $0x3  }
0xa41: {  	[tilespmem:v30+s20+$0x0] =	vst.idx.msk $0xffff, v11  }
0xa42: {  	v33 =	vadd.s32 s28, v32;
	v11 =	vld.idx.msk [tilespmem:v13+s25+$0x0], $0xffff  }
0xa43: {  	v34 =	vor.u32 s30, v53;
	_ =	sdelay $0x3  }
0xa44: {  	[tilespmem:v33+s20+$0x0] =	vst.idx.msk $0xffff, v11  }
0xa45: {  	v35 =	vadd.s32 s28, v51;
	v11 =	vld.idx.msk [tilespmem:v34+s25+$0x0], $0xffff  }
0xa46: {  	v36 =	vor.u32 s30, v52;
	_ =	sdelay $0x3  }
0xa47: {  	[tilespmem:v35+s20+$0x0] =	vst.idx.msk $0xffff, v11  }
0xa48: {  	v37 =	vadd.s32 s28, v38;
	v11 =	vld.idx.msk [tilespmem:v36+s25+$0x0], $0xffff  }
0xa49: {  	v38 =	vor.u32 s30, v50;
	_ =	sdelay $0x3  }
0xa4a: {  	[tilespmem:v37+s20+$0x0] =	vst.idx.msk $0xffff, v11  }
0xa4b: {  	v39 =	vadd.s32 s28, v49;
	v40 =	vor.u32 s30, v55;
	v11 =	vld.idx.msk [tilespmem:v38+s25+$0x0], $0xffff  }
0xa4c: {  	v9 =	vand.u32 v9, v40;
	v41 =	vld [tilespmem:$0x1FE40]  }
0xa4d: {  	v0 =	vld [tilespmem:$0x1FE60];
	_ =	sdelay $0x2  }
0xa4e: {  	[tilespmem:v39+s20+$0x0] =	vst.idx.msk $0xffff, v11  }
0xa4f: {  	v11 =	vadd.s32 s28, v41;
	v9 =	vld.idx.msk [tilespmem:v9+s25+$0x0], $0xffff  }
0xa50: {  	v43 =	vld [tilespmem:$0x1FE50];
	v42 =	vor.u32 s30, v0  }
0xa51: {  	v44 =	vld [tilespmem:$0x1FE80];
	_ =	sdelay $0x2  }
0xa52: {  	[tilespmem:v11+s20+$0x0] =	vst.idx.msk $0xffff, v9  }
0xa53: {  	v11 =	vadd.s32 s28, v43;
	v9 =	vld.idx.msk [tilespmem:v42+s25+$0x0], $0xffff  }
0xa54: {  	v45 =	vor.u32 s30, v44;
	v46 =	vld [tilespmem:$0x1FE70]  }
0xa55: {  	v47 =	vld [tilespmem:$0x1FEA0];
	_ =	sdelay $0x2  }
0xa56: {  	v22 =	vld [tilespmem:$0x1FEB0];
	[tilespmem:v11+s20+$0x0] =	vst.idx.msk $0xffff, v9  }
0xa57: {  	v11 =	vadd.s32 s28, v46;
	v9 =	vld.idx.msk [tilespmem:v45+s25+$0x0], $0xffff  }
0xa58: {  	v49 =	vld [tilespmem:$0x1FE90];
	v48 =	vor.u32 s30, v47;
	_ =	sdelay $0x3  }
0xa59: {  	[tilespmem:v11+s20+$0x0] =	vst.idx.msk $0xffff, v9  }
0xa5a: {  	v50 =	vor.u32 s30, v22;
	v11 =	vadd.s32 s28, v49;
	v9 =	vld.idx.msk [tilespmem:v48+s25+$0x0], $0xffff  }
0xa5b: {  	v51 =	vld [tilespmem:$0x1FEC0];
	v10 =	vand.u32 v10, v50  }
0xa5c: {  	v57 =	vld [tilespmem:$0x1FEE0];
	_ =	sdelay $0x2  }
0xa5d: {  	[tilespmem:v11+s20+$0x0] =	vst.idx.msk $0xffff, v9  }
0xa5e: {  	v9 =	vld.idx.msk [tilespmem:v10+s25+$0x0], $0xffff;
	v10 =	vadd.s32 s28, v51  }
0xa5f: {  	v58 =	vld [tilespmem:$0x1FED0];
	v11 =	vor.u32 s30, v57  }
0xa60: {  	v0 =	vld [tilespmem:$0x1FF00];
	_ =	sdelay $0x2  }
0xa61: {  	[tilespmem:v10+s20+$0x0] =	vst.idx.msk $0xffff, v9  }
0xa62: {  	v10 =	vadd.s32 s28, v58;
	v9 =	vld.idx.msk [tilespmem:v11+s25+$0x0], $0xffff  }
0xa63: {  	v63 =	vld [tilespmem:$0x1FEF0];
	v11 =	vor.u32 s30, v0;
	_ =	sdelay $0x3  }
0xa64: {  	[tilespmem:v10+s20+$0x0] =	vst.idx.msk $0xffff, v9  }
0xa65: {  	v10 =	vadd.s32 s28, v63;
	v9 =	vld.idx.msk [tilespmem:v11+s25+$0x0], $0xffff  }
0xa66: {  	v11 =	vor.u32 s30, v61;
	_ =	sdelay $0x2  }
0xa67: {  	p2 =	seq.s32 s24, $0x0  }
0xa68: {  	s3 =	sshrl.u32 @!p2 s23, $0x1;
	[tilespmem:v10+s20+$0x0] =	vst.idx.msk $0xffff, v9  }
0xa69: {  	s3 =	sadd.s32 @!p2 s3, s9;
	v10 =	vadd.s32 s28, v59;
	v9 =	vld.idx.msk [tilespmem:v11+s25+$0x0], $0xffff  }
0xa6a: {  	s3 =	smul.u32 @!p2 $0x320, s3;
	_ =	sdelay $0x1  }
0xa6b: {  	s3 =	sadd.s32 @!p2 s17, s3  }
0xa6c: {  	s23 =	simm.s32 @!p2 $0x320;
	s3 =	sshrl.u32 @!p2 s3, $0x3  }
0xa6d: {  	s24 =	simm.s32 @!p2 $0x27100;
	s3 =	sadd.s32 @!p2 s7, s3;
	s25 =	simm.s32 @!p2 $0xD480;
	[tilespmem:v10+s20+$0x0] =	vst.idx.msk $0xffff, v9  }
0xa6e: {  	[hbm4b:s3+s23] =	stream.strided.scatter @!p2 [tilespmem:s25], [sflag:$0x5], $0xC800, s24, s23, $0x38;
	[tilespmem:$0x19C80] =	vst v63  }
0xa6f: {  	s3 =	simm.s32 @!p2 $0x5  }
0xa70: {  	_ =	swait.ge @!p2 [sflag:s3], $0xC800  }
0xa71: {  	v36 =	vld [tilespmem:$0x1FFD0]  }
0xa72: {  	v39 =	vld [tilespmem:$0x1FFE0]  }
0xa73: {  	v42 =	vld [tilespmem:$0x1FF20]  }
0xa74: {  	v53 =	vld [tilespmem:$0x1FF50]  }
0xa75: {  	p3 =	sne.s32 s26, $0x32;
	v2 =	vld [tilespmem:$0x1F530]  }
.Ltmp4:
0xa76: {  	v55 =	vld [tilespmem:$0x1FF70];
	(pc) =	sbr.rel @p3 .LBB2_4-.Ltmp4, $4  }
0xa77: {  	v56 =	vld [tilespmem:$0x1FF80]  }
0xa78: {  	v40 =	vld [tilespmem:$0x1FFA0]  }
0xa79: {  	p0 =	por !p0, !p0;
	[sflag:s3] =	ssyncset.done @!p2 $0x0;
	v21 =	vld [tilespmem:$0x1FFB0]  }
0xa7a: {  	p1 =	por !p1, !p1;
	v50 =	vmovc v20;
	v38 =	vmov v14;
	v45 =	vmov v17;
	v48 =	vmov v18;
	s23 =	smov.u32 s26;
	v32 =	vld [tilespmem:$0x1FF90];
	[sflag:s3] =	ssyncadd.s32 @!p2 $0xFFFF3800  }
0xa7b: {  	s22 =	sadd.s32 $0x1, s22  }
0xa7c: {  	p0 =	sne.s32 s22, s18  }
.Ltmp5:
0xa7d: {  	_ = 	snop;
	(pc) =	sbr.rel @p0 .LBB2_1-.Ltmp5, $1  }
0xa7e: {  	_ =	sdelay $0x3  }
0xa7f: {  	_ =	sfence.sel $0x180000  }
0xa80: {  	[bflag:$0x0] =	sbarrier.arrive $0xFFFF  }
0xa81: {  	_ =	strace $0x9000004A  }
0xa82: {  	s0 =	stileid.u32;
	[bflag:$0x2] =	sbarrier.arrive $0xFFFF  }
0xa83: {  	p0 =	sne.s32 s0, $0x0;
	s0 =	rddreg [dreg:$0x4]  }
0xa84: {  	s0 =	sadd.s32 @!p0 $0x100000, s0  }
0xa85: {  	[sflag:s0] =	ssyncadd.tile.s32 @!p0 $0x1;
	_ =	shalt  }
.Lfunc_end2:
_tile_overlayer_lowered:
.L_overlay_start_2:
0xa86: {  	(tag) =	ssettag $0x2  }
0xa87: {  	s0 =	rddreg [dreg:$0x0];
	s2 =	stileid.u32  }
0xa88: {  	s1 =	rddreg [dreg:$0x1];
	p0 =	sne.s32 s2, $0x0  }
0xa89: {  	s3 =	rddreg [dreg:$0x2];
	[bflag:$0x3] =	sbarrier.arrive $0xFFFF;
	s2 =	simm.s32 @!p0 $0x1C05  }
0xa8a: {  	[timem:s3], [sflag:s2] =	dma.local @!p0 [hbm:s0], s1  }
0xa8b: {  	s0 =	simm.s32 @!p0 $0x5  }
0xa8c: {  	_ =	swait.ge @!p0 [sflag:s0], s1  }
0xa8d: {  	s1 =	ssub.s32 @!p0 $0x0, s1;
	[sflag:s0] =	ssyncset.done @!p0 $0x0  }
0xa8e: {  	[sflag:s0] =	ssyncadd.s32 @!p0 s1  }
0xa8f: {  	[bflag:$0x3] =	sbarrier.arrive $0xFFFF  }
0xa90: {  	_ =	shalt  }

// kernel: sparse-core-data-format-call.cloned.1.call-start
scs
called_computation_lowered:
.L_overlay_start_0:
0x0: {  	s2 =	sld [smem:$0x3FD9]  }
0x1: {  	s3 =	sld [smem:$0x3FFE];
	_ =	sdelay $0x1  }
0x2: {  	s1 =	srdreg.scid  }
0x3: {  	s0 =	sand.u32 $0x1, s1  }
0x4: {  	s19 =	sshll.u32 s0, $0xA;
	s2 =	sadd.s32 s3, s2  }
0x5: {  	s2 =	sadd.s32 s2, s19  }
0x6: {  	[smem:$0x3FC4] =	sst s2  }
0x7: {  	_ = 	snop  }
0x8: {  	s2 =	sld [smem:$0x3FC9]  }
0x9: {  	s20 =	sld [smem:$0x3FD0];
	(tm) =	ssettm $0x1  }
0xa: {  	s4 =	sld [smem:$0x3FFB];
	_ =	sdelay $0x3  }
0xb: {  	_ =	strace s4  }
0xc: {  	s4 =	sld [smem:$0x3FFC];
	_ =	sdelay $0x3  }
0xd: {  	_ =	strace s4  }
0xe: {  	s4 =	sld [smem:$0x3FFD];
	_ =	sdelay $0x3  }
0xf: {  	_ =	strace s4  }
0x10: {  	_ =	strace $0x8FFFFFFF  }
0x11: {  	s21 =	sld [smem:$0x3FDB];
	_ =	sdelay $0x1  }
0x12: {  	s5 =	simm.s32 $_scs_section_size  }
0x13: {  	s6 =	simm.s32 $_size__tile_overlayer_lowered;
	s7 =	simm.s32 $_tile_overlayer_lowered  }
0x14: {  	s24 =	simm.s32 $0x1BFF;
	s23 =	sshll.u32 s7, $0x1;
	s4 =	sadd.s32 s5, s21  }
0x15: {  	s8 =	simm.s32 $0x0;
	s22 =	sshll.u32 s6, $0x1;
	s6 =	sadd.s32 s23, s4  }
0x16: {  	[timem:s8], [sflag:s24] =	dma.local [hbm:s6], s22  }
0x17: {  	_ =	swait.ge [sflag:s24], s22  }
0x18: {  	s5 =	ssub.s32 $0x0, s22;
	[sflag:s24] =	ssyncset.done $0x0  }
0x19: {  	[sflag:s24] =	ssyncadd.s32 s5;
	_ =	sdelay $0x1  }
0x1a: {  	s25 =	simm.s32 $0x1B8B  }
0x1b: {  	_ =	swait.ge [sflag:s25], $0x1  }
0x1c: {  	[sflag:s25] =	ssyncset.done $0x0  }
0x1d: {  	s26 =	simm.s32 $0x1B8E;
	[sflag:s25] =	ssyncadd.s32 $0xFFFFFFFF  }
0x1e: {  	s27 =	simm.s32 $execute0_lowered;
	[smem:$0x3FD2] =	sst s26  }
0x1f: {  	s5 =	sshll.u32 s27, $0x1;
	_ =	strace $0x80000046;
	[dreg:$0x1] =	wrdreg $0xFFFFFFFF  }
0x20: {  	s28 =	simm.s32 $_size_execute0_lowered;
	s4 =	sadd.s32 s4, s5;
	[dreg:$0x0] =	wrdreg $0x0  }
0x21: {  	s5 =	sshll.u32 s28, $0x1;
	[dreg:$0x2] =	wrdreg s4  }
0x22: {  	[dreg:$0x3] =	wrdreg s5  }
0x23: {  	[dreg:$0x4] =	wrdreg $0xC0  }
0x24: {  	_ =	task [dreg:s8], $0x5FFFF  }
0x25: {  	[dreg:$0x1] =	wrdreg $0xFFFFFFFF  }
0x26: {  	[dreg:$0x0] =	wrdreg $0x60  }
0x27: {  	[dreg:$0x2] =	wrdreg s2  }
0x28: {  	[dreg:$0x3] =	wrdreg s20  }
0x29: {  	[dreg:$0x4] =	wrdreg $0x9  }
0x2a: {  	_ =	task.clear_ibuf [dreg:s8], $0x5FFFF;
	_ =	strace $0x90000046  }
0x2b: {  	s29 =	simm.s32 $0x9;
	_ =	strace $0x80000048  }
0x2c: {  	_ =	swait.ge [sflag:s29], $0x1  }
0x2d: {  	[sflag:s29] =	ssyncadd.s32 $0xFFFFFFFF  }
0x2e: {  	_ =	strace $0x90000048  }
0x2f: {  	_ =	sfence  }
0x30: {  	s30 =	sld [smem:$0x0];
	_ =	sdelay $0x2  }
0x31: {  	s31 =	sshll.u32 s1, $0xD;
	s1 =	sshrl.u32 s1, $0x2  }
0x32: {  	s3 =	sand.u32 $0x4000, s31;
	s1 =	sadd.s32 s1, s30  }
0x33: {  	s0 =	sor.u32 s3, s0;
	s1 =	sshll.u32 s1, $0x11  }
0x34: {  	s0 =	sor.u32 s1, s0  }
0x35: {  	s0 =	sadd.s32 $0x8F2B, s0  }
0x36: {  	[sflag:s0] =	ssyncadd.remote.s32 $0x1  }
0x37: {  	_ =	sfence.sel $0xFFFF  }
0x38: {  	[dreg:$0x0] =	wrdreg $0xFFFFFFFF;
	(pc) =	sbr.abs _section_cstart, $3  }
0x39: {  	[dreg:$0x1] =	wrdreg $0xFFFFFFFF  }
0x3a: {  	_ =	task.clear_ibuf [dreg:s8], $0x2FFFF;
	_ =	strace $0x9FFFFFFF  }
0x3b: {  	(tm) =	ssettm $0x7FFFFFFF  }
tec
execute0_lowered:
.L_overlay_start_1:
0x0: {  	(tag) =	ssettag $0x1  }
0x1: {  	s2 =	rddreg [dreg:$0x0]  }
0x2: {  	s0 =	srdreg.scid;
	s3 =	rddreg [dreg:$0x1]  }
0x3: {  	s31 =	stileid.u32;
	_ =	strace $0x80000047;
	s7 =	simm.s32 $0x2  }
0x4: {  	s19 =	simm.s32 $0x0;
	p0 =	por $0x0, $0x0;
	s21 =	simm.s32 $0x0  }
0x5: {  	s20 =	simm.s32 $0x0;
	s22 =	simm.s32 $0x0;
	s23 =	simm.s32 $0x0  }
0x6: {  	s8 =	simm.s32 $0x0;
	s9 =	simm.s32 $0x0;
	s10 =	simm.s32 $0x0  }
0x7: {  	s12 =	simm.s32 $0x0;
	s14 =	simm.s32 $0x0;
	s16 =	simm.s32 $0x0  }
.Ltmp0:
0x8: {  	s17 =	simm.s32 $0x0;
	s4 =	sshll.u32 s0, $0x4;
	(pc) =	sbr.rel .LBB1_1-.Ltmp0, $4  }
0x9: {  	s11 =	simm.s32 $0x0;
	s5 =	sand.u32 $0x3, s31;
	s4 =	sand.u32 $0x10, s4  }
0xa: {  	s0 =	simm.s32 $0x0;
	s6 =	sor.u32 s31, s4;
	s4 =	simm.s32 $0x1  }
0xb: {  	s18 =	smov.u32 s5;
	[sflag:s4] =	ssyncpa.u1 $0x0;
	s6 =	sshrl.u32 s6, $0x2  }
0xc: {  	[sflag:s7] =	ssyncpa.u1 $0x0;
	s7 =	simm.s32 $0x80;
	s15 =	smov.u32 s6  }
.LBB1_5:
0xd: {  	p1 =	slt.u32 s11, $0x2;
	s1 =	smov.u32 s23  }
0xe: {  	s25 =	smov.u32 s15;
	s26 =	smov.u32 s16;
	s27 =	smov.u32 s18  }
0xf: {  	s11 =	sadd.s32 $0x1, s11;
	p0 =	por !p0, !p0;
	p2 =	sgt.s32 @!p1 s23, $0x3  }
0x10: {  	s13 =	sshra.s32 @!p1 s23, $0x1F;
	p3 =	sgt.s32 @!p1 s22, $0x5;
	p2 =	por !p2, p1  }
0x11: {  	s24 =	sshra.s32 @!p1 s21, $0x1F;
	s13 =	sand.u32 @!p1 s13, s23;
	s1 =	simm.s32 @p2 $0x3  }
0x12: {  	s28 =	simm.s32 @!p1 $0x2;
	p3 =	por !p3, p1;
	s1 =	ssub.s32 @!p1 s1, s13  }
0x13: {  	s23 =	sshra.s32 @!p1 s22, $0x1F;
	s13 =	sadd.s32 @!p1 $0xFFFFFFFD, s1;
	s1 =	ssub.s32 @!p1 $0x4, s1  }
0x14: {  	p2 =	sgt.s32 @!p1 s13, $0x0;
	s13 =	smov.u32 s22;
	s22 =	sand.u32 @!p1 s23, s22  }
0x15: {  	s23 =	smov.u32 s21;
	p2 =	por !p2, p1;
	s13 =	simm.s32 @p3 $0x5  }
0x16: {  	s1 =	simm.s32 @!p2 $0x0;
	s13 =	ssub.s32 @!p1 s13, s22;
	p2 =	sgt.s32 @!p1 s21, $0x3F  }
0x17: {  	s21 =	sand.u32 @!p1 s24, s21;
	s22 =	sadd.s32 @!p1 $0xFFFFFFFB, s13;
	p2 =	por !p2, p1  }
0x18: {  	s24 =	sshra.s32 @!p1 s20, $0x1F;
	p3 =	sgt.s32 @!p1 s22, $0x0;
	s23 =	simm.s32 @p2 $0x3F  }
0x19: {  	s13 =	ssub.s32 @!p1 $0x6, s13;
	p2 =	por !p3, p1;
	s21 =	ssub.s32 @!p1 s23, s21  }
0x1a: {  	s23 =	smov.u32 s20;
	s13 =	simm.s32 @!p2 $0x0;
	s22 =	sadd.s32 @!p1 $0xFFFFFFC1, s21  }
0x1b: {  	p2 =	sgt.s32 @!p1 s19, $0x30;
	s21 =	ssub.s32 @!p1 $0x40, s21;
	s1 =	smul.u32 @!p1 s1, s13  }
0x1c: {  	p3 =	sgt.s32 @!p1 s22, $0x0;
	p2 =	por !p2, p1;
	s13 =	smov.u32 s19  }
0x1d: {  	s22 =	sshra.s32 @!p1 s19, $0x1F;
	s13 =	simm.s32 @p2 $0x30;
	p2 =	sgt.s32 @!p1 s20, $0x40  }
0x1e: {  	s19 =	sand.u32 @!p1 s22, s19;
	s20 =	sand.u32 @!p1 s24, s20;
	p2 =	por !p2, p1  }
0x1f: {  	s24 =	sadd.s32 $0x80, s14;
	s23 =	simm.s32 @p2 $0x40;
	p2 =	por !p3, p1  }
0x20: {  	s13 =	ssub.s32 @!p1 s13, s19;
	s19 =	ssub.s32 @!p1 s23, s20;
	s21 =	simm.s32 @!p2 $0x0  }
0x21: {  	s20 =	sadd.s32 @!p1 $0xFFFFFFD0, s13;
	s13 =	ssub.s32 @!p1 $0xB0, s13;
	s22 =	sadd.s32 @!p1 $0xFFFFFFC0, s19  }
0x22: {  	s23 =	smov.u32 s0;
	s19 =	ssub.s32 @!p1 $0x80, s19;
	p2 =	sgt.s32 @!p1 s22, $0x3F  }
0x23: {  	s22 =	sadd.s32 $0x8, s15;
	p3 =	por !p2, p1;
	p2 =	sgt.s32 s24, $0xAF  }
0x24: {  	p4 =	sgt.s32 @!p1 s20, $0x7F;
	s19 =	simm.s32 @!p3 $0x0;
	s25 =	smov.u32 @p2 s22  }
0x25: {  	s1 =	smul.u32 @!p1 s19, s1;
	p3 =	sgt.s32 s25, $0x3F;
	s19 =	sadd.s32 $0x40, s16  }
0x26: {  	s0 =	smov.u32 s18;
	p4 =	por !p4, p1;
	s26 =	smov.u32 @p3 s19  }
0x27: {  	s19 =	simm.s32 $0x1;
	s1 =	smul.u32 @!p1 s21, s1;
	p5 =	sgt.s32 s26, $0x3F  }
0x28: {  	s20 =	smov.u32 s10;
	s13 =	simm.s32 @!p4 $0x0;
	s19 =	simm.s32 @!p5 $0x0  }
0x29: {  	s10 =	smov.u32 s16;
	s1 =	smul.u32 @!p1 s13, s1;
	s13 =	sadd.s32 s19, s17  }
0x2a: {  	s24 =	simm.s32 @p2 $0x0;
	s19 =	sadd.s32 $0x4, s18;
	p2 =	sgt.s32 s13, $0x5  }
0x2b: {  	s22 =	smov.u32 s12;
	s12 =	smov.u32 s17;
	s27 =	smov.u32 @p2 s19  }
0x2c: {  	s25 =	smov.u32 @p3 s6;
	s13 =	simm.s32 @p2 $0x0;
	p2 =	sgt.s32 s27, $0x3  }
0x2d: {  	s21 =	smov.u32 s9;
	s27 =	smov.u32 @p2 s5;
	p2 =	sne.s32 s11, $0x62  }
.Ltmp1:
0x2e: {  	s9 =	smov.u32 s15;
	s26 =	simm.s32 @p5 $0x0;
	(pc) =	sbr.rel @!p2 .LBB1_6-.Ltmp1, $4  }
0x2f: {  	s15 =	smov.u32 s25;
	s16 =	smov.u32 s26;
	s1 =	sand.u32 @!p1 $0x3FFFFFFF, s1  }
0x30: {  	s19 =	smov.u32 s8;
	s8 =	smov.u32 s14;
	_ =	swait.ge @!p1 [sflag:s28], s1  }
0x31: {  	s14 =	smov.u32 s24;
	s1 =	ssub.s32 @!p1 $0x0, s1;
	[sflag:s28] =	ssyncset.done @!p1 $0x0  }
0x32: {  	s17 =	smov.u32 s13;
	[sflag:s28] =	ssyncadd.s32 @!p1 s1;
	s18 =	smov.u32 s27  }
.LBB1_1:
0x33: {  	p1 =	sgt.u32 s11, $0x5F  }
0x34: {  	s24 =	sxor.u32 @!p1 $0xFFFFFFFF, s11;
	s25 =	sshll.u32 @!p1 s15, $0x8  }
0x35: {  	s26 =	sshll.u32 @!p1 s14, $0x3;
	s27 =	sshll.u32 @!p1 s15, $0x7;
	s28 =	smul.u32 @!p1 $0xC0000, s18  }
0x36: {  	s29 =	sand.u32 @!p1 $0x78, s14;
	s25 =	sand.u32 @!p1 $0x3800, s25;
	s26 =	sand.u32 @!p1 $0x3C00, s26  }
0x37: {  	s24 =	sshll.u32 @!p1 s24, $0xD;
	s25 =	sadd.s32 @!p1 s25, s26;
	s26 =	sand.u32 @!p1 $0x300, s27  }
0x38: {  	s24 =	sand.u32 @!p1 $0x2000, s24;
	s25 =	sor.u32 @!p1 s26, s25;
	s26 =	sand.u32 @!p1 $0x80, s27  }
0x39: {  	s28 =	sadd.s32 @!p1 s2, s28;
	s27 =	sshll.u32 @!p1 s17, $0x11;
	s26 =	sor.u32 @!p1 s29, s26  }
0x3a: {  	s25 =	sshrl.u32 @!p1 s25, $0x3;
	s29 =	sshll.u32 @!p1 s16, $0xB;
	s27 =	sadd.s32 @!p1 s27, s28  }
0x3b: {  	s28 =	sand.u32 @!p1 $0x7, s14;
	s26 =	sshrl.u32 @!p1 s26, $0x3;
	s27 =	sadd.s32 @!p1 s29, s27  }
0x3c: {  	s25 =	sand.u32 @!p1 $0x7E0, s25;
	s26 =	sadd.s32 @!p1 s26, s27;
	s27 =	sshll.u32 @!p1 s28, $0x12  }
0x3d: {  	s25 =	sadd.s32 @!p1 s25, s26;
	s26 =	sor.u32 @!p1 $0x80, s27;
	s27 =	simm.s32 @!p1 $0x4000  }
0x3e: {  	[tilespmem:s24], [sflag:$0x1] =	stream.strided.gather @!p1 [hbm4b:s25+s26], $0x2000, s27, s26, $0x38;
	[tilespmem:$0x8100] =	vst v63  }
0x3f: {  	p1 =	seq.s32 s11, $0x0  }
0x40: {  	p2 =	seq.s32 @!p1 s11, $0x61  }
0x41: {  	p1 =	por p1, p2  }
.Ltmp2:
0x42: {  	_ = 	snop;
	(pc) =	sbr.rel @p1 .LBB1_5-.Ltmp2, $1  }
0x43: {  	_ =	sdelay $0x3  }
0x44: {  	s24 =	simm.s32 $0x1  }
0x45: {  	_ =	swait.ge [sflag:s4], $0x2000;
	s24 =	simm.s32 @!p0 $0x0  }
0x46: {  	[sflag:s4] =	ssyncset.done $0x0;
	s25 =	sshll.u32 s24, $0xD  }
0x47: {  	[sflag:s4] =	ssyncadd.s32 $0xFFFFE000;
	s25 =	sor.u32 $0x40, s25  }
0x48: {  	s24 =	smul.u32 $0x8200, s24;
	v0 =	vld [tilespmem:s25+$0x30]  }
0x49: {  	v1 =	vld [tilespmem:s25+$0xFFFFFFD0]  }
0x4a: {  	s24 =	sshrl.u32 s24, $0x2;
	v5 =	vld [tilespmem:s25+$0xFFFFFFE0]  }
0x4b: {  	v6 =	vld [tilespmem:s25+$0xFFFFFFF0];
	s27 =	sor.u32 $0x4000, s24  }
0x4c: {  	s31 =	sand.u32 $0x1, s11;
	v4 =	vld [tilespmem:s25+$0x0];
	s26 =	sadd.s32 $0x0, s27  }
0x4d: {  	v3 =	vld [tilespmem:s25+$0x10];
	s24 =	smul.u32 $0x8200, s31;
	[tilespmem:s26+$0x1C70 ss:$0x41] =	vst.msk $0xffff, v0  }
0x4e: {  	v2 =	vld [tilespmem:s25+$0x20];
	[tilespmem:s26+$0x410 ss:$0x41] =	vst.msk $0xffff, v1  }
0x4f: {  	s24 =	sshrl.u32 s24, $0x2;
	v1 =	vld [tilespmem:s25+$0xFFFFFFC0];
	[tilespmem:s26+$0x820 ss:$0x41] =	vst.msk $0xffff, v5;
	s25 =	sadd.s32 $0x80, s25  }
0x50: {  	s28 =	simm.s32 $0x4;
	s29 =	simm.s32 $0x8;
	s24 =	sor.u32 $0x4000, s24;
	[tilespmem:s26+$0xC30 ss:$0x41] =	vst.msk $0xffff, v6;
	v0 =	vld [tilespmem:s25+$0x30]  }
.LBB1_3:
0x51: {  	p1 =	sne.s32 s29, $0xFC;
	v5 =	vld [tilespmem:s25+$0xFFFFFFD0];
	[tilespmem:s26+$0x1040 ss:$0x41] =	vst.msk $0xffff, v4  }
0x52: {  	v6 =	vld [tilespmem:s25+$0xFFFFFFE0];
	[tilespmem:s26+$0x1450 ss:$0x41] =	vst.msk $0xffff, v3  }
0x53: {  	s30 =	sshra.s32 s28, $0x2;
	s28 =	smov.u32 s29;
	v7 =	vld [tilespmem:s25+$0xFFFFFFF0];
	[tilespmem:s26+$0x1860 ss:$0x41] =	vst.msk $0xffff, v2  }
.Ltmp3:
0x54: {  	v4 =	vld [tilespmem:s25+$0x0];
	[tilespmem:s26+$0x0 ss:$0x41] =	vst.msk $0xffff, v1;
	s26 =	sadd.s32 s30, s27;
	(pc) =	sbr.rel @p1 .LBB1_3-.Ltmp3, $4  }
0x55: {  	v3 =	vld [tilespmem:s25+$0x10];
	[tilespmem:s26+$0x1C70 ss:$0x41] =	vst.msk $0xffff, v0  }
0x56: {  	[tilespmem:s26+$0x410 ss:$0x41] =	vst.msk $0xffff, v5;
	v2 =	vld [tilespmem:s25+$0x20]  }
0x57: {  	v1 =	vld [tilespmem:s25+$0xFFFFFFC0];
	[tilespmem:s26+$0x820 ss:$0x41] =	vst.msk $0xffff, v6;
	s25 =	sadd.s32 $0x80, s25  }
0x58: {  	s29 =	sadd.s32 $0x4, s29;
	v0 =	vld [tilespmem:s25+$0x30];
	[tilespmem:s26+$0xC30 ss:$0x41] =	vst.msk $0xffff, v7  }
0x59: {  	s29 =	sshll.u32 s8, $0x7;
	s31 =	sshll.u32 s10, $0x3  }
0x5a: {  	p1 =	sgt.s32 s0, $0x3;
	s13 =	smov.u32 s0;
	s1 =	sshra.s32 s0, $0x1F  }
0x5b: {  	s28 =	sshra.s32 s28, $0x2;
	s30 =	sand.u32 $0xFFFFFC00, s29;
	s31 =	sand.u32 $0xFFFFFC00, s31  }
0x5c: {  	s13 =	simm.s32 @!p1 $0x3;
	s1 =	sand.u32 s1, s0;
	p1 =	sgt.s32 s12, $0x5  }
0x5d: {  	s29 =	sand.u32 $0x380, s29;
	s1 =	ssub.s32 s13, s1;
	s13 =	smov.u32 s12  }
0x5e: {  	s30 =	sadd.s32 s31, s30;
	s31 =	sshra.s32 s12, $0x1F;
	s13 =	simm.s32 @!p1 $0x5  }
0x5f: {  	s31 =	sand.u32 s31, s12;
	s29 =	sor.u32 s29, s30;
	s30 =	sadd.s32 $0xFFFFFFFD, s1  }
0x60: {  	s1 =	ssub.s32 $0x4, s1;
	s13 =	ssub.s32 s13, s31;
	p1 =	sgt.s32 s30, $0x0  }
0x61: {  	s30 =	smov.u32 s9;
	s31 =	sadd.s32 $0xFFFFFFFB, s13;
	s1 =	simm.s32 @p1 $0x0  }
0x62: {  	s13 =	ssub.s32 $0x6, s13;
	p1 =	sgt.s32 s31, $0x0;
	s31 =	sshra.s32 s9, $0x1F  }
0x63: {  	s13 =	simm.s32 @p1 $0x0;
	p1 =	sgt.s32 s9, $0x3F;
	s31 =	sand.u32 s31, s9  }
0x64: {  	s1 =	smul.u32 s1, s13;
	s30 =	simm.s32 @!p1 $0x3F;
	p1 =	sgt.s32 s10, $0x40  }
0x65: {  	s13 =	ssub.s32 s30, s31;
	s30 =	smov.u32 s10;
	s31 =	sshra.s32 s10, $0x1F  }
0x66: {  	s27 =	sadd.s32 s28, s27;
	s30 =	simm.s32 @!p1 $0x40;
	s31 =	sand.u32 s31, s10  }
0x67: {  	s29 =	sshrl.u32 s29, $0x7;
	s30 =	ssub.s32 s30, s31;
	s31 =	sadd.s32 $0xFFFFFFC1, s13  }
0x68: {  	s13 =	ssub.s32 $0x40, s13;
	p1 =	sgt.s32 s31, $0x0;
	s31 =	sadd.s32 $0xFFFFFFC0, s30  }
0x69: {  	v5 =	vld [tilespmem:s25+$0xFFFFFFD0];
	[tilespmem:s26+$0x1040 ss:$0x41] =	vst.msk $0xffff, v4;
	s30 =	ssub.s32 $0x80, s30;
	s13 =	simm.s32 @p1 $0x0;
	p1 =	sgt.s32 s31, $0x3F  }
0x6a: {  	v58 =	vld [tilespmem:s25+$0xFFFFFFE0];
	[tilespmem:s26+$0x1450 ss:$0x41] =	vst.msk $0xffff, v3;
	s28 =	smulhi.u32 $0x1745D18, s29;
	s31 =	smov.u32 s8;
	s30 =	simm.s32 @p1 $0x0  }
0x6b: {  	v59 =	vld [tilespmem:s25+$0xFFFFFFF0];
	[tilespmem:s26+$0x1860 ss:$0x41] =	vst.msk $0xffff, v2;
	p1 =	sgt.s32 s8, $0x30;
	s1 =	smul.u32 s30, s1;
	s30 =	sshra.s32 s8, $0x1F  }
0x6c: {  	v60 =	vld [tilespmem:s25+$0x0];
	[tilespmem:s26+$0x0 ss:$0x41] =	vst.msk $0xffff, v1;
	s26 =	smul.u32 $0xB0, s28;
	s31 =	simm.s32 @!p1 $0x30;
	s30 =	sand.u32 s30, s8  }
0x6d: {  	v61 =	vld [tilespmem:s25+$0x10];
	s28 =	ssub.s32 s31, s30;
	s1 =	smul.u32 s13, s1  }
0x6e: {  	v62 =	vld [tilespmem:s25+$0x20];
	[tilespmem:s27+$0x1C70 ss:$0x41] =	vst.msk $0xffff, v0;
	s30 =	smul.u32 $0x108000, s0;
	s31 =	sadd.s32 $0xFFFFFFD0, s28  }
0x6f: {  	v63 =	vld [tilespmem:s25+$0xFFFFFFC0];
	[tilespmem:s27+$0x410 ss:$0x41] =	vst.msk $0xffff, v5;
	s25 =	ssub.s32 $0xB0, s28;
	s28 =	smul.u32 $0xB00, s9;
	p1 =	sgt.s32 s31, $0x7F  }
0x70: {  	[tilespmem:s27+$0x820 ss:$0x41] =	vst.msk $0xffff, v58;
	s31 =	smul.u32 $0x2C000, s12;
	s25 =	simm.s32 @p1 $0x0  }
0x71: {  	[tilespmem:s27+$0xC30 ss:$0x41] =	vst.msk $0xffff, v59;
	s13 =	ssub.s32 s29, s26;
	s29 =	sadd.s32 s3, s30;
	s1 =	smul.u32 s25, s1  }
.Ltmp4:
0x72: {  	[tilespmem:s27+$0x1040 ss:$0x41] =	vst.msk $0xffff, v60;
	s30 =	sadd.s32 s31, s29;
	s31 =	sshrl.u32 s10, $0x3;
	(pc) =	sbr.rel .LBB1_5-.Ltmp4, $4  }
0x73: {  	[tilespmem:s27+$0x1450 ss:$0x41] =	vst.msk $0xffff, v61;
	s29 =	sand.u32 $0x7, s10;
	s26 =	sand.u32 $0xF, s31;
	s25 =	sadd.s32 s28, s30  }
0x74: {  	[tilespmem:s27+$0x1860 ss:$0x41] =	vst.msk $0xffff, v62;
	s13 =	sshll.u32 s13, $0x4;
	s30 =	sshll.u32 s29, $0x12;
	s25 =	sadd.s32 s26, s25  }
0x75: {  	[tilespmem:s27+$0x0 ss:$0x41] =	vst.msk $0xffff, v63;
	s1 =	sand.u32 $0x3FFFFFFF, s1;
	s31 =	sor.u32 $0x40, s30;
	s13 =	sadd.s32 s13, s25  }
0x76: {  	[hbm4b:s13+s31] =	stream.strided.scatter [tilespmem:s24], [sflag:$0x2], s1, s7, s31, $0x18;
	[tilespmem:$0x8100] =	vst v63  }
.LBB1_6:
0x77: {  	_ =	sfence.sel $0x180000  }
0x78: {  	s0 =	simm.s32 $0x1;
	[bflag:$0x0] =	sbarrier.arrive $0xFFFF  }
0x79: {  	s30 =	simm.s32 $0x2;
	[sflag:s0] =	ssyncpa.u1 $0x1  }
0x7a: {  	[sflag:s30] =	ssyncpa.u1 $0x1  }
0x7b: {  	_ =	strace $0x90000047  }
0x7c: {  	s31 =	stileid.u32;
	[bflag:$0x2] =	sbarrier.arrive $0xFFFF  }
0x7d: {  	p0 =	sne.s32 s31, $0x0;
	s0 =	rddreg [dreg:$0x2]  }
0x7e: {  	s0 =	sadd.s32 @!p0 $0x100000, s0  }
0x7f: {  	[sflag:s0] =	ssyncadd.tile.s32 @!p0 $0x1;
	_ =	shalt  }
.Lfunc_end1:
_tile_overlayer_lowered:
.L_overlay_start_2:
0x80: {  	(tag) =	ssettag $0x2  }
0x81: {  	s0 =	rddreg [dreg:$0x0];
	s2 =	stileid.u32  }
0x82: {  	s1 =	rddreg [dreg:$0x1];
	p0 =	sne.s32 s2, $0x0  }
0x83: {  	s3 =	rddreg [dreg:$0x2];
	[bflag:$0x3] =	sbarrier.arrive $0xFFFF;
	s2 =	simm.s32 @!p0 $0x1C01  }
0x84: {  	[timem:s3], [sflag:s2] =	dma.local @!p0 [hbm:s0], s1  }
0x85: {  	s0 =	simm.s32 @!p0 $0x1  }
0x86: {  	_ =	swait.ge @!p0 [sflag:s0], s1  }
0x87: {  	s1 =	ssub.s32 @!p0 $0x0, s1;
	[sflag:s0] =	ssyncset.done @!p0 $0x0  }
0x88: {  	[sflag:s0] =	ssyncadd.s32 @!p0 s1  }
0x89: {  	[bflag:$0x3] =	sbarrier.arrive $0xFFFF  }
0x8a: {  	_ =	shalt  }

</sc_bundles>
